<compile_context>
chip_gen: v7x
topology: tpu7x:2x2x1
jax: 0.10.2.dev20260603
libtpu: 0.0.44.dev20260713+nightly
codegen_flags: <defaults>
</compile_context>

<pallas_src>
import functools
import jax
import jax.numpy as jnp
from jax import lax
from jax.experimental import pallas as pl
from jax.experimental.pallas import tpu as pltpu
from jax.experimental.pallas import tpu_sc as plsc

NC, NS = 2, 16
NW = NC * NS
NBUF = 2
LANES = 16


def kernel(x, pos_table):
    B, S, D = x.shape
    seq_per_w = S // NW
    vregs_per_row = D // LANES
    mesh = plsc.VectorSubcoreMesh(core_axis_name="c", subcore_axis_name="s")

    @functools.partial(
        pl.kernel,
        out_type=jax.ShapeDtypeStruct((B, S, D), jnp.float32),
        mesh=mesh,
        scratch_types=[
            pltpu.VMEM((seq_per_w, D), jnp.float32),
            pltpu.VMEM((NBUF, seq_per_w, D), jnp.float32),
            pltpu.SemaphoreType.DMA,
            pltpu.SemaphoreType.DMA((NBUF,)),
            pltpu.SemaphoreType.DMA((NBUF,)),
        ],
    )
    def sc_add(x_hbm, pos_hbm, out_hbm, pos_v, bufs, sem_p, sem_in, sem_out):
        wid = lax.axis_index("s") * NC + lax.axis_index("c")
        s0 = wid * seq_per_w
        pos_desc = pltpu.async_copy(pos_hbm.at[pl.ds(s0, seq_per_w)], pos_v, sem_p)

        def in_copy(c):
            b = c % NBUF
            return pltpu.async_copy(
                x_hbm.at[c, pl.ds(s0, seq_per_w)], bufs.at[b], sem_in.at[b])

        def out_copy(c):
            b = c % NBUF
            return pltpu.async_copy(
                bufs.at[b], out_hbm.at[c, pl.ds(s0, seq_per_w)], sem_out.at[b])

        descs = {("in", 0): in_copy(0)}
        pos_desc.wait()
        rows_per_it = 8
        for c in range(B):
            b = c % NBUF
            if c + 1 < B:
                if c >= 1:
                    descs[("out", c - 1)].wait()
                descs[("in", c + 1)] = in_copy(c + 1)
            descs[("in", c)].wait()

            def add_rows(g, _, b=b):
                r0 = g * rows_per_it
                for dr in range(rows_per_it):
                    for k in range(vregs_per_row):
                        plsc.addupdate(
                            bufs.at[b, r0 + dr, pl.ds(k * LANES, LANES)],
                            pos_v[r0 + dr, pl.ds(k * LANES, LANES)])
                return 0
            lax.fori_loop(0, seq_per_w // rows_per_it, add_rows, 0)

            descs[("out", c)] = out_copy(c)
        descs[("out", B - 2)].wait()
        descs[("out", B - 1)].wait()

    return sc_add(x, pos_table)

# --- scband reference (transcript-rebuilt; emitter-appended) ---
"""Pipeline reference for scband-position-embedding-20315195310818 (READ-ONLY COPY).

The authoritative reference and input builder live on the scoring server;
editing this copy changes nothing except your own understanding.
"""

import jax, jax.numpy as jnp
import numpy as np

MAXLEN = 8192
EMBED_DIM = 128

def setup_inputs(seed: int = 0) -> dict:
    key = jax.random.key(seed)
    k_x, k_tab = jax.random.split(key)
    x = jax.random.normal(k_x, (4, 8192, 128), dtype=jnp.float32)
    # learned position embedding table, sized per init_kwargs (maxlen, embed_dim)
    pos_table = jax.random.normal(k_tab, (MAXLEN, EMBED_DIM), dtype=jnp.float32) * 0.02
    return {"x": x, "pos_table": pos_table}

def reference(x, pos_table):
    # maxlen = tf.shape(x)[-2]
    seqlen = x.shape[-2]
    positions = jnp.arange(0, seqlen, 1)
    # embedding lookup: gather rows of the table
    pos = jnp.take(pos_table, positions, axis=0)
    return x + pos

if __name__ == "__main__":
    import jax
    _d = setup_inputs()
    print(jax.jit(kernel)(*tuple(_d.values())))

</pallas_src>

<mosaic_0001>
#map = affine_map<(d0, d1) -> (0, 0, 0)>
#map1 = affine_map<(d0, d1) -> (0, 0)>
module attributes {stable_mosaic.version = 14 : i64} {
  func.func @sc_add(%arg0: i32, %arg1: i32, %arg2: memref<4x8192x128xf32, #tpu.memory_space<hbm>>, %arg3: memref<8192x128xf32, #tpu.memory_space<hbm>>, %arg4: memref<4x8192x128xf32, #tpu.memory_space<hbm>>, %arg5: memref<256x128xf32, #tpu.memory_space<vmem>>, %arg6: memref<2x256x128xf32, #tpu.memory_space<vmem>>, %arg7: memref<!tpu.dma_semaphore, #tpu.memory_space<semaphore_mem>>, %arg8: memref<2x!tpu.dma_semaphore, #tpu.memory_space<semaphore_mem>>, %arg9: memref<2x!tpu.dma_semaphore, #tpu.memory_space<semaphore_mem>>) attributes {dimension_semantics = [#tpu.dimension_semantics<core_parallel>, #tpu.dimension_semantics<subcore_parallel>], iteration_bounds = array<i64: 2, 16>, scalar_prefetch = 0 : i64, scratch_operands = 5 : i64, tpu.core_type = #tpu.core_type<sc_vector_subcore>, window_params = [{transform_indices = #map}, {transform_indices = #map1}, {transform_indices = #map}]} {
    %mul3A = arith.constant 2 : i32
    %mul3A_0 = arith.muli %arg1, %mul3A : i32
    %add3A = arith.addi %mul3A_0, %arg0 : i32
    %mul3A_1 = arith.constant 256 : i32
    %mul3A_2 = arith.muli %add3A, %mul3A_1 : i32
    %dma_start3A = arith.constant 0 : i32
    %dma_start3A_3 = tpu.memref_slice %arg3[%mul3A_2, %dma_start3A] : memref<8192x128xf32, #tpu.memory_space<hbm>> -> memref<256x128xf32, #tpu.memory_space<hbm>>
    %dma_start3A_4 = arith.constant 0 : i32
    %dma_start3A_5 = tpu.memref_slice %arg3[%mul3A_2, %dma_start3A_4] : memref<8192x128xf32, #tpu.memory_space<hbm>> -> memref<256x128xf32, #tpu.memory_space<hbm>>
    tpu.enqueue_dma source(%dma_start3A_5 : memref<256x128xf32, #tpu.memory_space<hbm>>) target(%arg5 : memref<256x128xf32, #tpu.memory_space<vmem>>) target_semaphore(%arg7 : memref<!tpu.dma_semaphore, #tpu.memory_space<semaphore_mem>>)
    %dma_start3A_6 = arith.constant 0 : i32
    %dma_start3A_7 = arith.constant 0 : i32
    %dma_start3A_8 = arith.constant 0 : i32
    %dma_start3A_9 = arith.constant 0 : i32
    %dma_start3A_10 = arith.constant 0 : i32
    %dma_start3A_11 = tpu.memref_slice %arg6[%dma_start3A_7, %dma_start3A_9, %dma_start3A_10] : memref<2x256x128xf32, #tpu.memory_space<vmem>> -> memref<1x256x128xf32, #tpu.memory_space<vmem>>
    %dma_start3A_12 = tpu.memref_squeeze %dma_start3A_11 : memref<1x256x128xf32, #tpu.memory_space<vmem>> -> memref<256x128xf32, #tpu.memory_space<vmem>>
    %dma_start3A_13 = arith.constant 0 : i32
    %dma_start3A_14 = tpu.memref_slice %arg2[%dma_start3A_6, %mul3A_2, %dma_start3A_13] : memref<4x8192x128xf32, #tpu.memory_space<hbm>> -> memref<1x256x128xf32, #tpu.memory_space<hbm>>
    %dma_start3A_15 = tpu.memref_squeeze %dma_start3A_14 : memref<1x256x128xf32, #tpu.memory_space<hbm>> -> memref<256x128xf32, #tpu.memory_space<hbm>>
    %dma_start3A_16 = tpu.memref_slice %arg8[%dma_start3A_8] : memref<2x!tpu.dma_semaphore, #tpu.memory_space<semaphore_mem>> -> memref<1x!tpu.dma_semaphore, #tpu.memory_space<semaphore_mem>>
    %dma_start3A_17 = tpu.memref_squeeze %dma_start3A_16 : memref<1x!tpu.dma_semaphore, #tpu.memory_space<semaphore_mem>> -> memref<!tpu.dma_semaphore, #tpu.memory_space<semaphore_mem>>
    %dma_start3A_18 = arith.constant 0 : i32
    %dma_start3A_19 = arith.constant 0 : i32
    %dma_start3A_20 = tpu.memref_slice %arg6[%dma_start3A_7, %dma_start3A_18, %dma_start3A_19] : memref<2x256x128xf32, #tpu.memory_space<vmem>> -> memref<1x256x128xf32, #tpu.memory_space<vmem>>
    %dma_start3A_21 = tpu.memref_squeeze %dma_start3A_20 : memref<1x256x128xf32, #tpu.memory_space<vmem>> -> memref<256x128xf32, #tpu.memory_space<vmem>>
    %dma_start3A_22 = arith.constant 0 : i32
    %dma_start3A_23 = tpu.memref_slice %arg2[%dma_start3A_6, %mul3A_2, %dma_start3A_22] : memref<4x8192x128xf32, #tpu.memory_space<hbm>> -> memref<1x256x128xf32, #tpu.memory_space<hbm>>
    %dma_start3A_24 = tpu.memref_squeeze %dma_start3A_23 : memref<1x256x128xf32, #tpu.memory_space<hbm>> -> memref<256x128xf32, #tpu.memory_space<hbm>>
    tpu.enqueue_dma source(%dma_start3A_24 : memref<256x128xf32, #tpu.memory_space<hbm>>) target(%dma_start3A_21 : memref<256x128xf32, #tpu.memory_space<vmem>>) target_semaphore(%dma_start3A_17 : memref<!tpu.dma_semaphore, #tpu.memory_space<semaphore_mem>>)
    %dma_wait3A = arith.constant 0 : i32
    %dma_wait3A_25 = tpu.memref_slice %arg3[%mul3A_2, %dma_wait3A] : memref<8192x128xf32, #tpu.memory_space<hbm>> -> memref<256x128xf32, #tpu.memory_space<hbm>>
    %dma_wait3A_26 = arith.constant 0 : i32
    %dma_wait3A_27 = tpu.memref_slice %arg3[%mul3A_2, %dma_wait3A_26] : memref<8192x128xf32, #tpu.memory_space<hbm>> -> memref<256x128xf32, #tpu.memory_space<hbm>>
    tpu.wait_dma2 semaphore(%arg7 : memref<!tpu.dma_semaphore, #tpu.memory_space<semaphore_mem>>) src(%dma_wait3A_27 : memref<256x128xf32, #tpu.memory_space<hbm>>) dst(%arg5 : memref<256x128xf32, #tpu.memory_space<vmem>>)
    %dma_start3A_28 = arith.constant 1 : i32
    %dma_start3A_29 = arith.constant 1 : i32
    %dma_start3A_30 = arith.constant 1 : i32
    %dma_start3A_31 = arith.constant 0 : i32
    %dma_start3A_32 = arith.constant 0 : i32
    %dma_start3A_33 = tpu.memref_slice %arg6[%dma_start3A_29, %dma_start3A_31, %dma_start3A_32] : memref<2x256x128xf32, #tpu.memory_space<vmem>> -> memref<1x256x128xf32, #tpu.memory_space<vmem>>
    %dma_start3A_34 = tpu.memref_squeeze %dma_start3A_33 : memref<1x256x128xf32, #tpu.memory_space<vmem>> -> memref<256x128xf32, #tpu.memory_space<vmem>>
    %dma_start3A_35 = arith.constant 0 : i32
    %dma_start3A_36 = tpu.memref_slice %arg2[%dma_start3A_28, %mul3A_2, %dma_start3A_35] : memref<4x8192x128xf32, #tpu.memory_space<hbm>> -> memref<1x256x128xf32, #tpu.memory_space<hbm>>
    %dma_start3A_37 = tpu.memref_squeeze %dma_start3A_36 : memref<1x256x128xf32, #tpu.memory_space<hbm>> -> memref<256x128xf32, #tpu.memory_space<hbm>>
    %dma_start3A_38 = tpu.memref_slice %arg8[%dma_start3A_30] : memref<2x!tpu.dma_semaphore, #tpu.memory_space<semaphore_mem>> -> memref<1x!tpu.dma_semaphore, #tpu.memory_space<semaphore_mem>>
    %dma_start3A_39 = tpu.memref_squeeze %dma_start3A_38 : memref<1x!tpu.dma_semaphore, #tpu.memory_space<semaphore_mem>> -> memref<!tpu.dma_semaphore, #tpu.memory_space<semaphore_mem>>
    %dma_start3A_40 = arith.constant 0 : i32
    %dma_start3A_41 = arith.constant 0 : i32
    %dma_start3A_42 = tpu.memref_slice %arg6[%dma_start3A_29, %dma_start3A_40, %dma_start3A_41] : memref<2x256x128xf32, #tpu.memory_space<vmem>> -> memref<1x256x128xf32, #tpu.memory_space<vmem>>
    %dma_start3A_43 = tpu.memref_squeeze %dma_start3A_42 : memref<1x256x128xf32, #tpu.memory_space<vmem>> -> memref<256x128xf32, #tpu.memory_space<vmem>>
    %dma_start3A_44 = arith.constant 0 : i32
    %dma_start3A_45 = tpu.memref_slice %arg2[%dma_start3A_28, %mul3A_2, %dma_start3A_44] : memref<4x8192x128xf32, #tpu.memory_space<hbm>> -> memref<1x256x128xf32, #tpu.memory_space<hbm>>
    %dma_start3A_46 = tpu.memref_squeeze %dma_start3A_45 : memref<1x256x128xf32, #tpu.memory_space<hbm>> -> memref<256x128xf32, #tpu.memory_space<hbm>>
    tpu.enqueue_dma source(%dma_start3A_46 : memref<256x128xf32, #tpu.memory_space<hbm>>) target(%dma_start3A_43 : memref<256x128xf32, #tpu.memory_space<vmem>>) target_semaphore(%dma_start3A_39 : memref<!tpu.dma_semaphore, #tpu.memory_space<semaphore_mem>>)
    %dma_wait3A_47 = arith.constant 0 : i32
    %dma_wait3A_48 = arith.constant 0 : i32
    %dma_wait3A_49 = arith.constant 0 : i32
    %dma_wait3A_50 = arith.constant 0 : i32
    %dma_wait3A_51 = arith.constant 0 : i32
    %dma_wait3A_52 = tpu.memref_slice %arg6[%dma_wait3A_48, %dma_wait3A_50, %dma_wait3A_51] : memref<2x256x128xf32, #tpu.memory_space<vmem>> -> memref<1x256x128xf32, #tpu.memory_space<vmem>>
    %dma_wait3A_53 = tpu.memref_squeeze %dma_wait3A_52 : memref<1x256x128xf32, #tpu.memory_space<vmem>> -> memref<256x128xf32, #tpu.memory_space<vmem>>
    %dma_wait3A_54 = arith.constant 0 : i32
    %dma_wait3A_55 = tpu.memref_slice %arg2[%dma_wait3A_47, %mul3A_2, %dma_wait3A_54] : memref<4x8192x128xf32, #tpu.memory_space<hbm>> -> memref<1x256x128xf32, #tpu.memory_space<hbm>>
    %dma_wait3A_56 = tpu.memref_squeeze %dma_wait3A_55 : memref<1x256x128xf32, #tpu.memory_space<hbm>> -> memref<256x128xf32, #tpu.memory_space<hbm>>
    %dma_wait3A_57 = tpu.memref_slice %arg8[%dma_wait3A_49] : memref<2x!tpu.dma_semaphore, #tpu.memory_space<semaphore_mem>> -> memref<1x!tpu.dma_semaphore, #tpu.memory_space<semaphore_mem>>
    %dma_wait3A_58 = tpu.memref_squeeze %dma_wait3A_57 : memref<1x!tpu.dma_semaphore, #tpu.memory_space<semaphore_mem>> -> memref<!tpu.dma_semaphore, #tpu.memory_space<semaphore_mem>>
    %dma_wait3A_59 = arith.constant 0 : i32
    %dma_wait3A_60 = arith.constant 0 : i32
    %dma_wait3A_61 = tpu.memref_slice %arg6[%dma_wait3A_48, %dma_wait3A_59, %dma_wait3A_60] : memref<2x256x128xf32, #tpu.memory_space<vmem>> -> memref<1x256x128xf32, #tpu.memory_space<vmem>>
    %dma_wait3A_62 = tpu.memref_squeeze %dma_wait3A_61 : memref<1x256x128xf32, #tpu.memory_space<vmem>> -> memref<256x128xf32, #tpu.memory_space<vmem>>
    %dma_wait3A_63 = arith.constant 0 : i32
    %dma_wait3A_64 = tpu.memref_slice %arg2[%dma_wait3A_47, %mul3A_2, %dma_wait3A_63] : memref<4x8192x128xf32, #tpu.memory_space<hbm>> -> memref<1x256x128xf32, #tpu.memory_space<hbm>>
    %dma_wait3A_65 = tpu.memref_squeeze %dma_wait3A_64 : memref<1x256x128xf32, #tpu.memory_space<hbm>> -> memref<256x128xf32, #tpu.memory_space<hbm>>
    tpu.wait_dma2 semaphore(%dma_wait3A_58 : memref<!tpu.dma_semaphore, #tpu.memory_space<semaphore_mem>>) src(%dma_wait3A_65 : memref<256x128xf32, #tpu.memory_space<hbm>>) dst(%dma_wait3A_62 : memref<256x128xf32, #tpu.memory_space<vmem>>)
    %scan3A = arith.constant 0 : i32
    %scan3A_66 = arith.constant 0 : i32
    %scan3A_67 = arith.constant 32 : i32
    %scan3A_68 = arith.addi %scan3A_66, %scan3A_67 : i32
    %scan3A_69 = arith.constant 1 : i32
    %scan3A_70 = scf.for %scan3A_340 = %scan3A_66 to %scan3A_68 step %scan3A_69 iter_args(%scan3A_341 = %scan3A) -> (i32)  : i32 {
      %mul3A_342 = arith.constant 8 : i32
      %mul3A_343 = arith.muli %scan3A_340, %mul3A_342 : i32
      %add3A_344 = arith.constant 0 : i32
      %add3A_345 = arith.addi %mul3A_343, %add3A_344 : i32
      %add3A_346 = arith.constant 0 : i32
      %add3A_347 = arith.addi %mul3A_343, %add3A_346 : i32
      %get3A = arith.index_cast %add3A_347 : i32 to index
      %get3A_348 = arith.constant 0 : index
      %get3A_349 = tpu.vector_load %arg5[%get3A, %get3A_348] {strides = array<i32>} : memref<256x128xf32, #tpu.memory_space<vmem>>, vector<1x16xf32>,
      %get3A_350 = vector.shape_cast %get3A_349 : vector<1x16xf32> to vector<16xf32>
      %swap3A = arith.constant 0 : i32
      %swap3A_351 = arith.index_cast %swap3A : i32 to index
      %swap3A_352 = arith.index_cast %add3A_345 : i32 to index
      %swap3A_353 = arith.constant 0 : index
      %swap3A_354 = tpu.vector_load %arg6[%swap3A_351, %swap3A_352, %swap3A_353] {strides = array<i32>} : memref<2x256x128xf32, #tpu.memory_space<vmem>>, vector<1x1x16xf32>,
      %swap3A_355 = vector.shape_cast %swap3A_354 : vector<1x1x16xf32> to vector<16xf32>
      %swap3A_356 = vector.shape_cast %get3A_350 : vector<16xf32> to vector<1x1x16xf32>
      tpu.vector_store %arg6[%swap3A_351, %swap3A_352, %swap3A_353], %swap3A_356 {add = true, strides = array<i32>} : memref<2x256x128xf32, #tpu.memory_space<vmem>>, vector<1x1x16xf32>,
      %add3A_357 = arith.constant 0 : i32
      %add3A_358 = arith.addi %mul3A_343, %add3A_357 : i32
      %add3A_359 = arith.constant 0 : i32
      %add3A_360 = arith.addi %mul3A_343, %add3A_359 : i32
      %get3A_361 = arith.index_cast %add3A_360 : i32 to index
      %get3A_362 = arith.constant 16 : index
      %get3A_363 = tpu.vector_load %arg5[%get3A_361, %get3A_362] {strides = array<i32>} : memref<256x128xf32, #tpu.memory_space<vmem>>, vector<1x16xf32>,
      %get3A_364 = vector.shape_cast %get3A_363 : vector<1x16xf32> to vector<16xf32>
      %swap3A_365 = arith.constant 0 : i32
      %swap3A_366 = arith.index_cast %swap3A_365 : i32 to index
      %swap3A_367 = arith.index_cast %add3A_358 : i32 to index
      %swap3A_368 = arith.constant 16 : index
      %swap3A_369 = tpu.vector_load %arg6[%swap3A_366, %swap3A_367, %swap3A_368] {strides = array<i32>} : memref<2x256x128xf32, #tpu.memory_space<vmem>>, vector<1x1x16xf32>,
      %swap3A_370 = vector.shape_cast %swap3A_369 : vector<1x1x16xf32> to vector<16xf32>
      %swap3A_371 = vector.shape_cast %get3A_364 : vector<16xf32> to vector<1x1x16xf32>
      tpu.vector_store %arg6[%swap3A_366, %swap3A_367, %swap3A_368], %swap3A_371 {add = true, strides = array<i32>} : memref<2x256x128xf32, #tpu.memory_space<vmem>>, vector<1x1x16xf32>,
      %add3A_372 = arith.constant 0 : i32
      %add3A_373 = arith.addi %mul3A_343, %add3A_372 : i32
      %add3A_374 = arith.constant 0 : i32
      %add3A_375 = arith.addi %mul3A_343, %add3A_374 : i32
      %get3A_376 = arith.index_cast %add3A_375 : i32 to index
      %get3A_377 = arith.constant 32 : index
      %get3A_378 = tpu.vector_load %arg5[%get3A_376, %get3A_377] {strides = array<i32>} : memref<256x128xf32, #tpu.memory_space<vmem>>, vector<1x16xf32>,
      %get3A_379 = vector.shape_cast %get3A_378 : vector<1x16xf32> to vector<16xf32>
      %swap3A_380 = arith.constant 0 : i32
      %swap3A_381 = arith.index_cast %swap3A_380 : i32 to index
      %swap3A_382 = arith.index_cast %add3A_373 : i32 to index
      %swap3A_383 = arith.constant 32 : index
      %swap3A_384 = tpu.vector_load %arg6[%swap3A_381, %swap3A_382, %swap3A_383] {strides = array<i32>} : memref<2x256x128xf32, #tpu.memory_space<vmem>>, vector<1x1x16xf32>,
      %swap3A_385 = vector.shape_cast %swap3A_384 : vector<1x1x16xf32> to vector<16xf32>
      %swap3A_386 = vector.shape_cast %get3A_379 : vector<16xf32> to vector<1x1x16xf32>
      tpu.vector_store %arg6[%swap3A_381, %swap3A_382, %swap3A_383], %swap3A_386 {add = true, strides = array<i32>} : memref<2x256x128xf32, #tpu.memory_space<vmem>>, vector<1x1x16xf32>,
      %add3A_387 = arith.constant 0 : i32
      %add3A_388 = arith.addi %mul3A_343, %add3A_387 : i32
      %add3A_389 = arith.constant 0 : i32
      %add3A_390 = arith.addi %mul3A_343, %add3A_389 : i32
      %get3A_391 = arith.index_cast %add3A_390 : i32 to index
      %get3A_392 = arith.constant 48 : index
      %get3A_393 = tpu.vector_load %arg5[%get3A_391, %get3A_392] {strides = array<i32>} : memref<256x128xf32, #tpu.memory_space<vmem>>, vector<1x16xf32>,
      %get3A_394 = vector.shape_cast %get3A_393 : vector<1x16xf32> to vector<16xf32>
      %swap3A_395 = arith.constant 0 : i32
      %swap3A_396 = arith.index_cast %swap3A_395 : i32 to index
      %swap3A_397 = arith.index_cast %add3A_388 : i32 to index
      %swap3A_398 = arith.constant 48 : index
      %swap3A_399 = tpu.vector_load %arg6[%swap3A_396, %swap3A_397, %swap3A_398] {strides = array<i32>} : memref<2x256x128xf32, #tpu.memory_space<vmem>>, vector<1x1x16xf32>,
      %swap3A_400 = vector.shape_cast %swap3A_399 : vector<1x1x16xf32> to vector<16xf32>
      %swap3A_401 = vector.shape_cast %get3A_394 : vector<16xf32> to vector<1x1x16xf32>
      tpu.vector_store %arg6[%swap3A_396, %swap3A_397, %swap3A_398], %swap3A_401 {add = true, strides = array<i32>} : memref<2x256x128xf32, #tpu.memory_space<vmem>>, vector<1x1x16xf32>,
      %add3A_402 = arith.constant 0 : i32
      %add3A_403 = arith.addi %mul3A_343, %add3A_402 : i32
      %add3A_404 = arith.constant 0 : i32
      %add3A_405 = arith.addi %mul3A_343, %add3A_404 : i32
      %get3A_406 = arith.index_cast %add3A_405 : i32 to index
      %get3A_407 = arith.constant 64 : index
      %get3A_408 = tpu.vector_load %arg5[%get3A_406, %get3A_407] {strides = array<i32>} : memref<256x128xf32, #tpu.memory_space<vmem>>, vector<1x16xf32>,
      %get3A_409 = vector.shape_cast %get3A_408 : vector<1x16xf32> to vector<16xf32>
      %swap3A_410 = arith.constant 0 : i32
      %swap3A_411 = arith.index_cast %swap3A_410 : i32 to index
      %swap3A_412 = arith.index_cast %add3A_403 : i32 to index
      %swap3A_413 = arith.constant 64 : index
      %swap3A_414 = tpu.vector_load %arg6[%swap3A_411, %swap3A_412, %swap3A_413] {strides = array<i32>} : memref<2x256x128xf32, #tpu.memory_space<vmem>>, vector<1x1x16xf32>,
      %swap3A_415 = vector.shape_cast %swap3A_414 : vector<1x1x16xf32> to vector<16xf32>
      %swap3A_416 = vector.shape_cast %get3A_409 : vector<16xf32> to vector<1x1x16xf32>
      tpu.vector_store %arg6[%swap3A_411, %swap3A_412, %swap3A_413], %swap3A_416 {add = true, strides = array<i32>} : memref<2x256x128xf32, #tpu.memory_space<vmem>>, vector<1x1x16xf32>,
      %add3A_417 = arith.constant 0 : i32
      %add3A_418 = arith.addi %mul3A_343, %add3A_417 : i32
      %add3A_419 = arith.constant 0 : i32
      %add3A_420 = arith.addi %mul3A_343, %add3A_419 : i32
      %get3A_421 = arith.index_cast %add3A_420 : i32 to index
      %get3A_422 = arith.constant 80 : index
      %get3A_423 = tpu.vector_load %arg5[%get3A_421, %get3A_422] {strides = array<i32>} : memref<256x128xf32, #tpu.memory_space<vmem>>, vector<1x16xf32>,
      %get3A_424 = vector.shape_cast %get3A_423 : vector<1x16xf32> to vector<16xf32>
      %swap3A_425 = arith.constant 0 : i32
      %swap3A_426 = arith.index_cast %swap3A_425 : i32 to index
      %swap3A_427 = arith.index_cast %add3A_418 : i32 to index
      %swap3A_428 = arith.constant 80 : index
      %swap3A_429 = tpu.vector_load %arg6[%swap3A_426, %swap3A_427, %swap3A_428] {strides = array<i32>} : memref<2x256x128xf32, #tpu.memory_space<vmem>>, vector<1x1x16xf32>,
      %swap3A_430 = vector.shape_cast %swap3A_429 : vector<1x1x16xf32> to vector<16xf32>
      %swap3A_431 = vector.shape_cast %get3A_424 : vector<16xf32> to vector<1x1x16xf32>
      tpu.vector_store %arg6[%swap3A_426, %swap3A_427, %swap3A_428], %swap3A_431 {add = true, strides = array<i32>} : memref<2x256x128xf32, #tpu.memory_space<vmem>>, vector<1x1x16xf32>,
      %add3A_432 = arith.constant 0 : i32
      %add3A_433 = arith.addi %mul3A_343, %add3A_432 : i32
      %add3A_434 = arith.constant 0 : i32
      %add3A_435 = arith.addi %mul3A_343, %add3A_434 : i32
      %get3A_436 = arith.index_cast %add3A_435 : i32 to index
      %get3A_437 = arith.constant 96 : index
      %get3A_438 = tpu.vector_load %arg5[%get3A_436, %get3A_437] {strides = array<i32>} : memref<256x128xf32, #tpu.memory_space<vmem>>, vector<1x16xf32>,
      %get3A_439 = vector.shape_cast %get3A_438 : vector<1x16xf32> to vector<16xf32>
      %swap3A_440 = arith.constant 0 : i32
      %swap3A_441 = arith.index_cast %swap3A_440 : i32 to index
      %swap3A_442 = arith.index_cast %add3A_433 : i32 to index
      %swap3A_443 = arith.constant 96 : index
      %swap3A_444 = tpu.vector_load %arg6[%swap3A_441, %swap3A_442, %swap3A_443] {strides = array<i32>} : memref<2x256x128xf32, #tpu.memory_space<vmem>>, vector<1x1x16xf32>,
      %swap3A_445 = vector.shape_cast %swap3A_444 : vector<1x1x16xf32> to vector<16xf32>
      %swap3A_446 = vector.shape_cast %get3A_439 : vector<16xf32> to vector<1x1x16xf32>
      tpu.vector_store %arg6[%swap3A_441, %swap3A_442, %swap3A_443], %swap3A_446 {add = true, strides = array<i32>} : memref<2x256x128xf32, #tpu.memory_space<vmem>>, vector<1x1x16xf32>,
      %add3A_447 = arith.constant 0 : i32
      %add3A_448 = arith.addi %mul3A_343, %add3A_447 : i32
      %add3A_449 = arith.constant 0 : i32
      %add3A_450 = arith.addi %mul3A_343, %add3A_449 : i32
      %get3A_451 = arith.index_cast %add3A_450 : i32 to index
      %get3A_452 = arith.constant 112 : index
      %get3A_453 = tpu.vector_load %arg5[%get3A_451, %get3A_452] {strides = array<i32>} : memref<256x128xf32, #tpu.memory_space<vmem>>, vector<1x16xf32>,
      %get3A_454 = vector.shape_cast %get3A_453 : vector<1x16xf32> to vector<16xf32>
      %swap3A_455 = arith.constant 0 : i32
      %swap3A_456 = arith.index_cast %swap3A_455 : i32 to index
      %swap3A_457 = arith.index_cast %add3A_448 : i32 to index
      %swap3A_458 = arith.constant 112 : index
      %swap3A_459 = tpu.vector_load %arg6[%swap3A_456, %swap3A_457, %swap3A_458] {strides = array<i32>} : memref<2x256x128xf32, #tpu.memory_space<vmem>>, vector<1x1x16xf32>,
      %swap3A_460 = vector.shape_cast %swap3A_459 : vector<1x1x16xf32> to vector<16xf32>
      %swap3A_461 = vector.shape_cast %get3A_454 : vector<16xf32> to vector<1x1x16xf32>
      tpu.vector_store %arg6[%swap3A_456, %swap3A_457, %swap3A_458], %swap3A_461 {add = true, strides = array<i32>} : memref<2x256x128xf32, #tpu.memory_space<vmem>>, vector<1x1x16xf32>,
      %add3A_462 = arith.constant 1 : i32
      %add3A_463 = arith.addi %mul3A_343, %add3A_462 : i32
      %add3A_464 = arith.constant 1 : i32
      %add3A_465 = arith.addi %mul3A_343, %add3A_464 : i32
      %get3A_466 = arith.index_cast %add3A_465 : i32 to index
      %get3A_467 = arith.constant 0 : index
      %get3A_468 = tpu.vector_load %arg5[%get3A_466, %get3A_467] {strides = array<i32>} : memref<256x128xf32, #tpu.memory_space<vmem>>, vector<1x16xf32>,
      %get3A_469 = vector.shape_cast %get3A_468 : vector<1x16xf32> to vector<16xf32>
      %swap3A_470 = arith.constant 0 : i32
      %swap3A_471 = arith.index_cast %swap3A_470 : i32 to index
      %swap3A_472 = arith.index_cast %add3A_463 : i32 to index
      %swap3A_473 = arith.constant 0 : index
      %swap3A_474 = tpu.vector_load %arg6[%swap3A_471, %swap3A_472, %swap3A_473] {strides = array<i32>} : memref<2x256x128xf32, #tpu.memory_space<vmem>>, vector<1x1x16xf32>,
      %swap3A_475 = vector.shape_cast %swap3A_474 : vector<1x1x16xf32> to vector<16xf32>
      %swap3A_476 = vector.shape_cast %get3A_469 : vector<16xf32> to vector<1x1x16xf32>
      tpu.vector_store %arg6[%swap3A_471, %swap3A_472, %swap3A_473], %swap3A_476 {add = true, strides = array<i32>} : memref<2x256x128xf32, #tpu.memory_space<vmem>>, vector<1x1x16xf32>,
      %add3A_477 = arith.constant 1 : i32
      %add3A_478 = arith.addi %mul3A_343, %add3A_477 : i32
      %add3A_479 = arith.constant 1 : i32
      %add3A_480 = arith.addi %mul3A_343, %add3A_479 : i32
      %get3A_481 = arith.index_cast %add3A_480 : i32 to index
      %get3A_482 = arith.constant 16 : index
      %get3A_483 = tpu.vector_load %arg5[%get3A_481, %get3A_482] {strides = array<i32>} : memref<256x128xf32, #tpu.memory_space<vmem>>, vector<1x16xf32>,
      %get3A_484 = vector.shape_cast %get3A_483 : vector<1x16xf32> to vector<16xf32>
      %swap3A_485 = arith.constant 0 : i32
      %swap3A_486 = arith.index_cast %swap3A_485 : i32 to index
      %swap3A_487 = arith.index_cast %add3A_478 : i32 to index
      %swap3A_488 = arith.constant 16 : index
      %swap3A_489 = tpu.vector_load %arg6[%swap3A_486, %swap3A_487, %swap3A_488] {strides = array<i32>} : memref<2x256x128xf32, #tpu.memory_space<vmem>>, vector<1x1x16xf32>,
      %swap3A_490 = vector.shape_cast %swap3A_489 : vector<1x1x16xf32> to vector<16xf32>
      %swap3A_491 = vector.shape_cast %get3A_484 : vector<16xf32> to vector<1x1x16xf32>
      tpu.vector_store %arg6[%swap3A_486, %swap3A_487, %swap3A_488], %swap3A_491 {add = true, strides = array<i32>} : memref<2x256x128xf32, #tpu.memory_space<vmem>>, vector<1x1x16xf32>,
      %add3A_492 = arith.constant 1 : i32
      %add3A_493 = arith.addi %mul3A_343, %add3A_492 : i32
      %add3A_494 = arith.constant 1 : i32
      %add3A_495 = arith.addi %mul3A_343, %add3A_494 : i32
      %get3A_496 = arith.index_cast %add3A_495 : i32 to index
      %get3A_497 = arith.constant 32 : index
      %get3A_498 = tpu.vector_load %arg5[%get3A_496, %get3A_497] {strides = array<i32>} : memref<256x128xf32, #tpu.memory_space<vmem>>, vector<1x16xf32>,
      %get3A_499 = vector.shape_cast %get3A_498 : vector<1x16xf32> to vector<16xf32>
      %swap3A_500 = arith.constant 0 : i32
      %swap3A_501 = arith.index_cast %swap3A_500 : i32 to index
      %swap3A_502 = arith.index_cast %add3A_493 : i32 to index
      %swap3A_503 = arith.constant 32 : index
      %swap3A_504 = tpu.vector_load %arg6[%swap3A_501, %swap3A_502, %swap3A_503] {strides = array<i32>} : memref<2x256x128xf32, #tpu.memory_space<vmem>>, vector<1x1x16xf32>,
      %swap3A_505 = vector.shape_cast %swap3A_504 : vector<1x1x16xf32> to vector<16xf32>
      %swap3A_506 = vector.shape_cast %get3A_499 : vector<16xf32> to vector<1x1x16xf32>
      tpu.vector_store %arg6[%swap3A_501, %swap3A_502, %swap3A_503], %swap3A_506 {add = true, strides = array<i32>} : memref<2x256x128xf32, #tpu.memory_space<vmem>>, vector<1x1x16xf32>,
      %add3A_507 = arith.constant 1 : i32
      %add3A_508 = arith.addi %mul3A_343, %add3A_507 : i32
      %add3A_509 = arith.constant 1 : i32
      %add3A_510 = arith.addi %mul3A_343, %add3A_509 : i32
      %get3A_511 = arith.index_cast %add3A_510 : i32 to index
      %get3A_512 = arith.constant 48 : index
      %get3A_513 = tpu.vector_load %arg5[%get3A_511, %get3A_512] {strides = array<i32>} : memref<256x128xf32, #tpu.memory_space<vmem>>, vector<1x16xf32>,
      %get3A_514 = vector.shape_cast %get3A_513 : vector<1x16xf32> to vector<16xf32>
      %swap3A_515 = arith.constant 0 : i32
      %swap3A_516 = arith.index_cast %swap3A_515 : i32 to index
      %swap3A_517 = arith.index_cast %add3A_508 : i32 to index
      %swap3A_518 = arith.constant 48 : index
      %swap3A_519 = tpu.vector_load %arg6[%swap3A_516, %swap3A_517, %swap3A_518] {strides = array<i32>} : memref<2x256x128xf32, #tpu.memory_space<vmem>>, vector<1x1x16xf32>,
      %swap3A_520 = vector.shape_cast %swap3A_519 : vector<1x1x16xf32> to vector<16xf32>
      %swap3A_521 = vector.shape_cast %get3A_514 : vector<16xf32> to vector<1x1x16xf32>
      tpu.vector_store %arg6[%swap3A_516, %swap3A_517, %swap3A_518], %swap3A_521 {add = true, strides = array<i32>} : memref<2x256x128xf32, #tpu.memory_space<vmem>>, vector<1x1x16xf32>,
      %add3A_522 = arith.constant 1 : i32
      %add3A_523 = arith.addi %mul3A_343, %add3A_522 : i32
      %add3A_524 = arith.constant 1 : i32
      %add3A_525 = arith.addi %mul3A_343, %add3A_524 : i32
      %get3A_526 = arith.index_cast %add3A_525 : i32 to index
      %get3A_527 = arith.constant 64 : index
      %get3A_528 = tpu.vector_load %arg5[%get3A_526, %get3A_527] {strides = array<i32>} : memref<256x128xf32, #tpu.memory_space<vmem>>, vector<1x16xf32>,
      %get3A_529 = vector.shape_cast %get3A_528 : vector<1x16xf32> to vector<16xf32>
      %swap3A_530 = arith.constant 0 : i32
      %swap3A_531 = arith.index_cast %swap3A_530 : i32 to index
      %swap3A_532 = arith.index_cast %add3A_523 : i32 to index
      %swap3A_533 = arith.constant 64 : index
      %swap3A_534 = tpu.vector_load %arg6[%swap3A_531, %swap3A_532, %swap3A_533] {strides = array<i32>} : memref<2x256x128xf32, #tpu.memory_space<vmem>>, vector<1x1x16xf32>,
      %swap3A_535 = vector.shape_cast %swap3A_534 : vector<1x1x16xf32> to vector<16xf32>
      %swap3A_536 = vector.shape_cast %get3A_529 : vector<16xf32> to vector<1x1x16xf32>
      tpu.vector_store %arg6[%swap3A_531, %swap3A_532, %swap3A_533], %swap3A_536 {add = true, strides = array<i32>} : memref<2x256x128xf32, #tpu.memory_space<vmem>>, vector<1x1x16xf32>,
      %add3A_537 = arith.constant 1 : i32
      %add3A_538 = arith.addi %mul3A_343, %add3A_537 : i32
      %add3A_539 = arith.constant 1 : i32
      %add3A_540 = arith.addi %mul3A_343, %add3A_539 : i32
      %get3A_541 = arith.index_cast %add3A_540 : i32 to index
      %get3A_542 = arith.constant 80 : index
      %get3A_543 = tpu.vector_load %arg5[%get3A_541, %get3A_542] {strides = array<i32>} : memref<256x128xf32, #tpu.memory_space<vmem>>, vector<1x16xf32>,
      %get3A_544 = vector.shape_cast %get3A_543 : vector<1x16xf32> to vector<16xf32>
      %swap3A_545 = arith.constant 0 : i32
      %swap3A_546 = arith.index_cast %swap3A_545 : i32 to index
      %swap3A_547 = arith.index_cast %add3A_538 : i32 to index
      %swap3A_548 = arith.constant 80 : index
      %swap3A_549 = tpu.vector_load %arg6[%swap3A_546, %swap3A_547, %swap3A_548] {strides = array<i32>} : memref<2x256x128xf32, #tpu.memory_space<vmem>>, vector<1x1x16xf32>,
      %swap3A_550 = vector.shape_cast %swap3A_549 : vector<1x1x16xf32> to vector<16xf32>
      %swap3A_551 = vector.shape_cast %get3A_544 : vector<16xf32> to vector<1x1x16xf32>
      tpu.vector_store %arg6[%swap3A_546, %swap3A_547, %swap3A_548], %swap3A_551 {add = true, strides = array<i32>} : memref<2x256x128xf32, #tpu.memory_space<vmem>>, vector<1x1x16xf32>,
      %add3A_552 = arith.constant 1 : i32
      %add3A_553 = arith.addi %mul3A_343, %add3A_552 : i32
      %add3A_554 = arith.constant 1 : i32
      %add3A_555 = arith.addi %mul3A_343, %add3A_554 : i32
      %get3A_556 = arith.index_cast %add3A_555 : i32 to index
      %get3A_557 = arith.constant 96 : index
      %get3A_558 = tpu.vector_load %arg5[%get3A_556, %get3A_557] {strides = array<i32>} : memref<256x128xf32, #tpu.memory_space<vmem>>, vector<1x16xf32>,
      %get3A_559 = vector.shape_cast %get3A_558 : vector<1x16xf32> to vector<16xf32>
      %swap3A_560 = arith.constant 0 : i32
      %swap3A_561 = arith.index_cast %swap3A_560 : i32 to index
      %swap3A_562 = arith.index_cast %add3A_553 : i32 to index
      %swap3A_563 = arith.constant 96 : index
      %swap3A_564 = tpu.vector_load %arg6[%swap3A_561, %swap3A_562, %swap3A_563] {strides = array<i32>} : memref<2x256x128xf32, #tpu.memory_space<vmem>>, vector<1x1x16xf32>,
      %swap3A_565 = vector.shape_cast %swap3A_564 : vector<1x1x16xf32> to vector<16xf32>
      %swap3A_566 = vector.shape_cast %get3A_559 : vector<16xf32> to vector<1x1x16xf32>
      tpu.vector_store %arg6[%swap3A_561, %swap3A_562, %swap3A_563], %swap3A_566 {add = true, strides = array<i32>} : memref<2x256x128xf32, #tpu.memory_space<vmem>>, vector<1x1x16xf32>,
      %add3A_567 = arith.constant 1 : i32
      %add3A_568 = arith.addi %mul3A_343, %add3A_567 : i32
      %add3A_569 = arith.constant 1 : i32
      %add3A_570 = arith.addi %mul3A_343, %add3A_569 : i32
      %get3A_571 = arith.index_cast %add3A_570 : i32 to index
      %get3A_572 = arith.constant 112 : index
      %get3A_573 = tpu.vector_load %arg5[%get3A_571, %get3A_572] {strides = array<i32>} : memref<256x128xf32, #tpu.memory_space<vmem>>, vector<1x16xf32>,
      %get3A_574 = vector.shape_cast %get3A_573 : vector<1x16xf32> to vector<16xf32>
      %swap3A_575 = arith.constant 0 : i32
      %swap3A_576 = arith.index_cast %swap3A_575 : i32 to index
      %swap3A_577 = arith.index_cast %add3A_568 : i32 to index
      %swap3A_578 = arith.constant 112 : index
      %swap3A_579 = tpu.vector_load %arg6[%swap3A_576, %swap3A_577, %swap3A_578] {strides = array<i32>} : memref<2x256x128xf32, #tpu.memory_space<vmem>>, vector<1x1x16xf32>,
      %swap3A_580 = vector.shape_cast %swap3A_579 : vector<1x1x16xf32> to vector<16xf32>
      %swap3A_581 = vector.shape_cast %get3A_574 : vector<16xf32> to vector<1x1x16xf32>
      tpu.vector_store %arg6[%swap3A_576, %swap3A_577, %swap3A_578], %swap3A_581 {add = true, strides = array<i32>} : memref<2x256x128xf32, #tpu.memory_space<vmem>>, vector<1x1x16xf32>,
      %add3A_582 = arith.constant 2 : i32
      %add3A_583 = arith.addi %mul3A_343, %add3A_582 : i32
      %add3A_584 = arith.constant 2 : i32
      %add3A_585 = arith.addi %mul3A_343, %add3A_584 : i32
      %get3A_586 = arith.index_cast %add3A_585 : i32 to index
      %get3A_587 = arith.constant 0 : index
      %get3A_588 = tpu.vector_load %arg5[%get3A_586, %get3A_587] {strides = array<i32>} : memref<256x128xf32, #tpu.memory_space<vmem>>, vector<1x16xf32>,
      %get3A_589 = vector.shape_cast %get3A_588 : vector<1x16xf32> to vector<16xf32>
      %swap3A_590 = arith.constant 0 : i32
      %swap3A_591 = arith.index_cast %swap3A_590 : i32 to index
      %swap3A_592 = arith.index_cast %add3A_583 : i32 to index
      %swap3A_593 = arith.constant 0 : index
      %swap3A_594 = tpu.vector_load %arg6[%swap3A_591, %swap3A_592, %swap3A_593] {strides = array<i32>} : memref<2x256x128xf32, #tpu.memory_space<vmem>>, vector<1x1x16xf32>,
      %swap3A_595 = vector.shape_cast %swap3A_594 : vector<1x1x16xf32> to vector<16xf32>
      %swap3A_596 = vector.shape_cast %get3A_589 : vector<16xf32> to vector<1x1x16xf32>
      tpu.vector_store %arg6[%swap3A_591, %swap3A_592, %swap3A_593], %swap3A_596 {add = true, strides = array<i32>} : memref<2x256x128xf32, #tpu.memory_space<vmem>>, vector<1x1x16xf32>,
      %add3A_597 = arith.constant 2 : i32
      %add3A_598 = arith.addi %mul3A_343, %add3A_597 : i32
      %add3A_599 = arith.constant 2 : i32
      %add3A_600 = arith.addi %mul3A_343, %add3A_599 : i32
      %get3A_601 = arith.index_cast %add3A_600 : i32 to index
      %get3A_602 = arith.constant 16 : index
      %get3A_603 = tpu.vector_load %arg5[%get3A_601, %get3A_602] {strides = array<i32>} : memref<256x128xf32, #tpu.memory_space<vmem>>, vector<1x16xf32>,
      %get3A_604 = vector.shape_cast %get3A_603 : vector<1x16xf32> to vector<16xf32>
      %swap3A_605 = arith.constant 0 : i32
      %swap3A_606 = arith.index_cast %swap3A_605 : i32 to index
      %swap3A_607 = arith.index_cast %add3A_598 : i32 to index
      %swap3A_608 = arith.constant 16 : index
      %swap3A_609 = tpu.vector_load %arg6[%swap3A_606, %swap3A_607, %swap3A_608] {strides = array<i32>} : memref<2x256x128xf32, #tpu.memory_space<vmem>>, vector<1x1x16xf32>,
      %swap3A_610 = vector.shape_cast %swap3A_609 : vector<1x1x16xf32> to vector<16xf32>
      %swap3A_611 = vector.shape_cast %get3A_604 : vector<16xf32> to vector<1x1x16xf32>
      tpu.vector_store %arg6[%swap3A_606, %swap3A_607, %swap3A_608], %swap3A_611 {add = true, strides = array<i32>} : memref<2x256x128xf32, #tpu.memory_space<vmem>>, vector<1x1x16xf32>,
      %add3A_612 = arith.constant 2 : i32
      %add3A_613 = arith.addi %mul3A_343, %add3A_612 : i32
      %add3A_614 = arith.constant 2 : i32
      %add3A_615 = arith.addi %mul3A_343, %add3A_614 : i32
      %get3A_616 = arith.index_cast %add3A_615 : i32 to index
      %get3A_617 = arith.constant 32 : index
      %get3A_618 = tpu.vector_load %arg5[%get3A_616, %get3A_617] {strides = array<i32>} : memref<256x128xf32, #tpu.memory_space<vmem>>, vector<1x16xf32>,
      %get3A_619 = vector.shape_cast %get3A_618 : vector<1x16xf32> to vector<16xf32>
      %swap3A_620 = arith.constant 0 : i32
      %swap3A_621 = arith.index_cast %swap3A_620 : i32 to index
      %swap3A_622 = arith.index_cast %add3A_613 : i32 to index
      %swap3A_623 = arith.constant 32 : index
      %swap3A_624 = tpu.vector_load %arg6[%swap3A_621, %swap3A_622, %swap3A_623] {strides = array<i32>} : memref<2x256x128xf32, #tpu.memory_space<vmem>>, vector<1x1x16xf32>,
      %swap3A_625 = vector.shape_cast %swap3A_624 : vector<1x1x16xf32> to vector<16xf32>
      %swap3A_626 = vector.shape_cast %get3A_619 : vector<16xf32> to vector<1x1x16xf32>
      tpu.vector_store %arg6[%swap3A_621, %swap3A_622, %swap3A_623], %swap3A_626 {add = true, strides = array<i32>} : memref<2x256x128xf32, #tpu.memory_space<vmem>>, vector<1x1x16xf32>,
      %add3A_627 = arith.constant 2 : i32
      %add3A_628 = arith.addi %mul3A_343, %add3A_627 : i32
      %add3A_629 = arith.constant 2 : i32
      %add3A_630 = arith.addi %mul3A_343, %add3A_629 : i32
      %get3A_631 = arith.index_cast %add3A_630 : i32 to index
      %get3A_632 = arith.constant 48 : index
      %get3A_633 = tpu.vector_load %arg5[%get3A_631, %get3A_632] {strides = array<i32>} : memref<256x128xf32, #tpu.memory_space<vmem>>, vector<1x16xf32>,
      %get3A_634 = vector.shape_cast %get3A_633 : vector<1x16xf32> to vector<16xf32>
      %swap3A_635 = arith.constant 0 : i32
      %swap3A_636 = arith.index_cast %swap3A_635 : i32 to index
      %swap3A_637 = arith.index_cast %add3A_628 : i32 to index
      %swap3A_638 = arith.constant 48 : index
      %swap3A_639 = tpu.vector_load %arg6[%swap3A_636, %swap3A_637, %swap3A_638] {strides = array<i32>} : memref<2x256x128xf32, #tpu.memory_space<vmem>>, vector<1x1x16xf32>,
      %swap3A_640 = vector.shape_cast %swap3A_639 : vector<1x1x16xf32> to vector<16xf32>
      %swap3A_641 = vector.shape_cast %get3A_634 : vector<16xf32> to vector<1x1x16xf32>
      tpu.vector_store %arg6[%swap3A_636, %swap3A_637, %swap3A_638], %swap3A_641 {add = true, strides = array<i32>} : memref<2x256x128xf32, #tpu.memory_space<vmem>>, vector<1x1x16xf32>,
      %add3A_642 = arith.constant 2 : i32
      %add3A_643 = arith.addi %mul3A_343, %add3A_642 : i32
      %add3A_644 = arith.constant 2 : i32
      %add3A_645 = arith.addi %mul3A_343, %add3A_644 : i32
      %get3A_646 = arith.index_cast %add3A_645 : i32 to index
      %get3A_647 = arith.constant 64 : index
      %get3A_648 = tpu.vector_load %arg5[%get3A_646, %get3A_647] {strides = array<i32>} : memref<256x128xf32, #tpu.memory_space<vmem>>, vector<1x16xf32>,
      %get3A_649 = vector.shape_cast %get3A_648 : vector<1x16xf32> to vector<16xf32>
      %swap3A_650 = arith.constant 0 : i32
      %swap3A_651 = arith.index_cast %swap3A_650 : i32 to index
      %swap3A_652 = arith.index_cast %add3A_643 : i32 to index
      %swap3A_653 = arith.constant 64 : index
      %swap3A_654 = tpu.vector_load %arg6[%swap3A_651, %swap3A_652, %swap3A_653] {strides = array<i32>} : memref<2x256x128xf32, #tpu.memory_space<vmem>>, vector<1x1x16xf32>,
      %swap3A_655 = vector.shape_cast %swap3A_654 : vector<1x1x16xf32> to vector<16xf32>
      %swap3A_656 = vector.shape_cast %get3A_649 : vector<16xf32> to vector<1x1x16xf32>
      tpu.vector_store %arg6[%swap3A_651, %swap3A_652, %swap3A_653], %swap3A_656 {add = true, strides = array<i32>} : memref<2x256x128xf32, #tpu.memory_space<vmem>>, vector<1x1x16xf32>,
      %add3A_657 = arith.constant 2 : i32
      %add3A_658 = arith.addi %mul3A_343, %add3A_657 : i32
      %add3A_659 = arith.constant 2 : i32
      %add3A_660 = arith.addi %mul3A_343, %add3A_659 : i32
      %get3A_661 = arith.index_cast %add3A_660 : i32 to index
      %get3A_662 = arith.constant 80 : index
      %get3A_663 = tpu.vector_load %arg5[%get3A_661, %get3A_662] {strides = array<i32>} : memref<256x128xf32, #tpu.memory_space<vmem>>, vector<1x16xf32>,
      %get3A_664 = vector.shape_cast %get3A_663 : vector<1x16xf32> to vector<16xf32>
      %swap3A_665 = arith.constant 0 : i32
      %swap3A_666 = arith.index_cast %swap3A_665 : i32 to index
      %swap3A_667 = arith.index_cast %add3A_658 : i32 to index
      %swap3A_668 = arith.constant 80 : index
      %swap3A_669 = tpu.vector_load %arg6[%swap3A_666, %swap3A_667, %swap3A_668] {strides = array<i32>} : memref<2x256x128xf32, #tpu.memory_space<vmem>>, vector<1x1x16xf32>,
      %swap3A_670 = vector.shape_cast %swap3A_669 : vector<1x1x16xf32> to vector<16xf32>
      %swap3A_671 = vector.shape_cast %get3A_664 : vector<16xf32> to vector<1x1x16xf32>
      tpu.vector_store %arg6[%swap3A_666, %swap3A_667, %swap3A_668], %swap3A_671 {add = true, strides = array<i32>} : memref<2x256x128xf32, #tpu.memory_space<vmem>>, vector<1x1x16xf32>,
      %add3A_672 = arith.constant 2 : i32
      %add3A_673 = arith.addi %mul3A_343, %add3A_672 : i32
      %add3A_674 = arith.constant 2 : i32
      %add3A_675 = arith.addi %mul3A_343, %add3A_674 : i32
      %get3A_676 = arith.index_cast %add3A_675 : i32 to index
      %get3A_677 = arith.constant 96 : index
      %get3A_678 = tpu.vector_load %arg5[%get3A_676, %get3A_677] {strides = array<i32>} : memref<256x128xf32, #tpu.memory_space<vmem>>, vector<1x16xf32>,
      %get3A_679 = vector.shape_cast %get3A_678 : vector<1x16xf32> to vector<16xf32>
      %swap3A_680 = arith.constant 0 : i32
      %swap3A_681 = arith.index_cast %swap3A_680 : i32 to index
      %swap3A_682 = arith.index_cast %add3A_673 : i32 to index
      %swap3A_683 = arith.constant 96 : index
      %swap3A_684 = tpu.vector_load %arg6[%swap3A_681, %swap3A_682, %swap3A_683] {strides = array<i32>} : memref<2x256x128xf32, #tpu.memory_space<vmem>>, vector<1x1x16xf32>,
      %swap3A_685 = vector.shape_cast %swap3A_684 : vector<1x1x16xf32> to vector<16xf32>
      %swap3A_686 = vector.shape_cast %get3A_679 : vector<16xf32> to vector<1x1x16xf32>
      tpu.vector_store %arg6[%swap3A_681, %swap3A_682, %swap3A_683], %swap3A_686 {add = true, strides = array<i32>} : memref<2x256x128xf32, #tpu.memory_space<vmem>>, vector<1x1x16xf32>,
      %add3A_687 = arith.constant 2 : i32
      %add3A_688 = arith.addi %mul3A_343, %add3A_687 : i32
      %add3A_689 = arith.constant 2 : i32
      %add3A_690 = arith.addi %mul3A_343, %add3A_689 : i32
      %get3A_691 = arith.index_cast %add3A_690 : i32 to index
      %get3A_692 = arith.constant 112 : index
      %get3A_693 = tpu.vector_load %arg5[%get3A_691, %get3A_692] {strides = array<i32>} : memref<256x128xf32, #tpu.memory_space<vmem>>, vector<1x16xf32>,
      %get3A_694 = vector.shape_cast %get3A_693 : vector<1x16xf32> to vector<16xf32>
      %swap3A_695 = arith.constant 0 : i32
      %swap3A_696 = arith.index_cast %swap3A_695 : i32 to index
      %swap3A_697 = arith.index_cast %add3A_688 : i32 to index
      %swap3A_698 = arith.constant 112 : index
      %swap3A_699 = tpu.vector_load %arg6[%swap3A_696, %swap3A_697, %swap3A_698] {strides = array<i32>} : memref<2x256x128xf32, #tpu.memory_space<vmem>>, vector<1x1x16xf32>,
      %swap3A_700 = vector.shape_cast %swap3A_699 : vector<1x1x16xf32> to vector<16xf32>
      %swap3A_701 = vector.shape_cast %get3A_694 : vector<16xf32> to vector<1x1x16xf32>
      tpu.vector_store %arg6[%swap3A_696, %swap3A_697, %swap3A_698], %swap3A_701 {add = true, strides = array<i32>} : memref<2x256x128xf32, #tpu.memory_space<vmem>>, vector<1x1x16xf32>,
      %add3A_702 = arith.constant 3 : i32
      %add3A_703 = arith.addi %mul3A_343, %add3A_702 : i32
      %add3A_704 = arith.constant 3 : i32
      %add3A_705 = arith.addi %mul3A_343, %add3A_704 : i32
      %get3A_706 = arith.index_cast %add3A_705 : i32 to index
      %get3A_707 = arith.constant 0 : index
      %get3A_708 = tpu.vector_load %arg5[%get3A_706, %get3A_707] {strides = array<i32>} : memref<256x128xf32, #tpu.memory_space<vmem>>, vector<1x16xf32>,
      %get3A_709 = vector.shape_cast %get3A_708 : vector<1x16xf32> to vector<16xf32>
      %swap3A_710 = arith.constant 0 : i32
      %swap3A_711 = arith.index_cast %swap3A_710 : i32 to index
      %swap3A_712 = arith.index_cast %add3A_703 : i32 to index
      %swap3A_713 = arith.constant 0 : index
      %swap3A_714 = tpu.vector_load %arg6[%swap3A_711, %swap3A_712, %swap3A_713] {strides = array<i32>} : memref<2x256x128xf32, #tpu.memory_space<vmem>>, vector<1x1x16xf32>,
      %swap3A_715 = vector.shape_cast %swap3A_714 : vector<1x1x16xf32> to vector<16xf32>
      %swap3A_716 = vector.shape_cast %get3A_709 : vector<16xf32> to vector<1x1x16xf32>
      tpu.vector_store %arg6[%swap3A_711, %swap3A_712, %swap3A_713], %swap3A_716 {add = true, strides = array<i32>} : memref<2x256x128xf32, #tpu.memory_space<vmem>>, vector<1x1x16xf32>,
      %add3A_717 = arith.constant 3 : i32
      %add3A_718 = arith.addi %mul3A_343, %add3A_717 : i32
      %add3A_719 = arith.constant 3 : i32
      %add3A_720 = arith.addi %mul3A_343, %add3A_719 : i32
      %get3A_721 = arith.index_cast %add3A_720 : i32 to index
      %get3A_722 = arith.constant 16 : index
      %get3A_723 = tpu.vector_load %arg5[%get3A_721, %get3A_722] {strides = array<i32>} : memref<256x128xf32, #tpu.memory_space<vmem>>, vector<1x16xf32>,
      %get3A_724 = vector.shape_cast %get3A_723 : vector<1x16xf32> to vector<16xf32>
      %swap3A_725 = arith.constant 0 : i32
      %swap3A_726 = arith.index_cast %swap3A_725 : i32 to index
      %swap3A_727 = arith.index_cast %add3A_718 : i32 to index
      %swap3A_728 = arith.constant 16 : index
      %swap3A_729 = tpu.vector_load %arg6[%swap3A_726, %swap3A_727, %swap3A_728] {strides = array<i32>} : memref<2x256x128xf32, #tpu.memory_space<vmem>>, vector<1x1x16xf32>,
      %swap3A_730 = vector.shape_cast %swap3A_729 : vector<1x1x16xf32> to vector<16xf32>
      %swap3A_731 = vector.shape_cast %get3A_724 : vector<16xf32> to vector<1x1x16xf32>
      tpu.vector_store %arg6[%swap3A_726, %swap3A_727, %swap3A_728], %swap3A_731 {add = true, strides = array<i32>} : memref<2x256x128xf32, #tpu.memory_space<vmem>>, vector<1x1x16xf32>,
      %add3A_732 = arith.constant 3 : i32
      %add3A_733 = arith.addi %mul3A_343, %add3A_732 : i32
      %add3A_734 = arith.constant 3 : i32
      %add3A_735 = arith.addi %mul3A_343, %add3A_734 : i32
      %get3A_736 = arith.index_cast %add3A_735 : i32 to index
      %get3A_737 = arith.constant 32 : index
      %get3A_738 = tpu.vector_load %arg5[%get3A_736, %get3A_737] {strides = array<i32>} : memref<256x128xf32, #tpu.memory_space<vmem>>, vector<1x16xf32>,
      %get3A_739 = vector.shape_cast %get3A_738 : vector<1x16xf32> to vector<16xf32>
      %swap3A_740 = arith.constant 0 : i32
      %swap3A_741 = arith.index_cast %swap3A_740 : i32 to index
      %swap3A_742 = arith.index_cast %add3A_733 : i32 to index
      %swap3A_743 = arith.constant 32 : index
      %swap3A_744 = tpu.vector_load %arg6[%swap3A_741, %swap3A_742, %swap3A_743] {strides = array<i32>} : memref<2x256x128xf32, #tpu.memory_space<vmem>>, vector<1x1x16xf32>,
      %swap3A_745 = vector.shape_cast %swap3A_744 : vector<1x1x16xf32> to vector<16xf32>
      %swap3A_746 = vector.shape_cast %get3A_739 : vector<16xf32> to vector<1x1x16xf32>
      tpu.vector_store %arg6[%swap3A_741, %swap3A_742, %swap3A_743], %swap3A_746 {add = true, strides = array<i32>} : memref<2x256x128xf32, #tpu.memory_space<vmem>>, vector<1x1x16xf32>,
      %add3A_747 = arith.constant 3 : i32
      %add3A_748 = arith.addi %mul3A_343, %add3A_747 : i32
      %add3A_749 = arith.constant 3 : i32
      %add3A_750 = arith.addi %mul3A_343, %add3A_749 : i32
      %get3A_751 = arith.index_cast %add3A_750 : i32 to index
      %get3A_752 = arith.constant 48 : index
      %get3A_753 = tpu.vector_load %arg5[%get3A_751, %get3A_752] {strides = array<i32>} : memref<256x128xf32, #tpu.memory_space<vmem>>, vector<1x16xf32>,
      %get3A_754 = vector.shape_cast %get3A_753 : vector<1x16xf32> to vector<16xf32>
      %swap3A_755 = arith.constant 0 : i32
      %swap3A_756 = arith.index_cast %swap3A_755 : i32 to index
      %swap3A_757 = arith.index_cast %add3A_748 : i32 to index
      %swap3A_758 = arith.constant 48 : index
      %swap3A_759 = tpu.vector_load %arg6[%swap3A_756, %swap3A_757, %swap3A_758] {strides = array<i32>} : memref<2x256x128xf32, #tpu.memory_space<vmem>>, vector<1x1x16xf32>,
      %swap3A_760 = vector.shape_cast %swap3A_759 : vector<1x1x16xf32> to vector<16xf32>
      %swap3A_761 = vector.shape_cast %get3A_754 : vector<16xf32> to vector<1x1x16xf32>
      tpu.vector_store %arg6[%swap3A_756, %swap3A_757, %swap3A_758], %swap3A_761 {add = true, strides = array<i32>} : memref<2x256x128xf32, #tpu.memory_space<vmem>>, vector<1x1x16xf32>,
      %add3A_762 = arith.constant 3 : i32
      %add3A_763 = arith.addi %mul3A_343, %add3A_762 : i32
      %add3A_764 = arith.constant 3 : i32
      %add3A_765 = arith.addi %mul3A_343, %add3A_764 : i32
      %get3A_766 = arith.index_cast %add3A_765 : i32 to index
      %get3A_767 = arith.constant 64 : index
      %get3A_768 = tpu.vector_load %arg5[%get3A_766, %get3A_767] {strides = array<i32>} : memref<256x128xf32, #tpu.memory_space<vmem>>, vector<1x16xf32>,
      %get3A_769 = vector.shape_cast %get3A_768 : vector<1x16xf32> to vector<16xf32>
      %swap3A_770 = arith.constant 0 : i32
      %swap3A_771 = arith.index_cast %swap3A_770 : i32 to index
      %swap3A_772 = arith.index_cast %add3A_763 : i32 to index
      %swap3A_773 = arith.constant 64 : index
      %swap3A_774 = tpu.vector_load %arg6[%swap3A_771, %swap3A_772, %swap3A_773] {strides = array<i32>} : memref<2x256x128xf32, #tpu.memory_space<vmem>>, vector<1x1x16xf32>,
      %swap3A_775 = vector.shape_cast %swap3A_774 : vector<1x1x16xf32> to vector<16xf32>
      %swap3A_776 = vector.shape_cast %get3A_769 : vector<16xf32> to vector<1x1x16xf32>
      tpu.vector_store %arg6[%swap3A_771, %swap3A_772, %swap3A_773], %swap3A_776 {add = true, strides = array<i32>} : memref<2x256x128xf32, #tpu.memory_space<vmem>>, vector<1x1x16xf32>,
      %add3A_777 = arith.constant 3 : i32
      %add3A_778 = arith.addi %mul3A_343, %add3A_777 : i32
      %add3A_779 = arith.constant 3 : i32
      %add3A_780 = arith.addi %mul3A_343, %add3A_779 : i32
      %get3A_781 = arith.index_cast %add3A_780 : i32 to index
      %get3A_782 = arith.constant 80 : index
      %get3A_783 = tpu.vector_load %arg5[%get3A_781, %get3A_782] {strides = array<i32>} : memref<256x128xf32, #tpu.memory_space<vmem>>, vector<1x16xf32>,
      %get3A_784 = vector.shape_cast %get3A_783 : vector<1x16xf32> to vector<16xf32>
      %swap3A_785 = arith.constant 0 : i32
      %swap3A_786 = arith.index_cast %swap3A_785 : i32 to index
      %swap3A_787 = arith.index_cast %add3A_778 : i32 to index
      %swap3A_788 = arith.constant 80 : index
      %swap3A_789 = tpu.vector_load %arg6[%swap3A_786, %swap3A_787, %swap3A_788] {strides = array<i32>} : memref<2x256x128xf32, #tpu.memory_space<vmem>>, vector<1x1x16xf32>,
      %swap3A_790 = vector.shape_cast %swap3A_789 : vector<1x1x16xf32> to vector<16xf32>
      %swap3A_791 = vector.shape_cast %get3A_784 : vector<16xf32> to vector<1x1x16xf32>
      tpu.vector_store %arg6[%swap3A_786, %swap3A_787, %swap3A_788], %swap3A_791 {add = true, strides = array<i32>} : memref<2x256x128xf32, #tpu.memory_space<vmem>>, vector<1x1x16xf32>,
      %add3A_792 = arith.constant 3 : i32
      %add3A_793 = arith.addi %mul3A_343, %add3A_792 : i32
      %add3A_794 = arith.constant 3 : i32
      %add3A_795 = arith.addi %mul3A_343, %add3A_794 : i32
      %get3A_796 = arith.index_cast %add3A_795 : i32 to index
      %get3A_797 = arith.constant 96 : index
      %get3A_798 = tpu.vector_load %arg5[%get3A_796, %get3A_797] {strides = array<i32>} : memref<256x128xf32, #tpu.memory_space<vmem>>, vector<1x16xf32>,
      %get3A_799 = vector.shape_cast %get3A_798 : vector<1x16xf32> to vector<16xf32>
      %swap3A_800 = arith.constant 0 : i32
      %swap3A_801 = arith.index_cast %swap3A_800 : i32 to index
      %swap3A_802 = arith.index_cast %add3A_793 : i32 to index
      %swap3A_803 = arith.constant 96 : index
      %swap3A_804 = tpu.vector_load %arg6[%swap3A_801, %swap3A_802, %swap3A_803] {strides = array<i32>} : memref<2x256x128xf32, #tpu.memory_space<vmem>>, vector<1x1x16xf32>,
      %swap3A_805 = vector.shape_cast %swap3A_804 : vector<1x1x16xf32> to vector<16xf32>
      %swap3A_806 = vector.shape_cast %get3A_799 : vector<16xf32> to vector<1x1x16xf32>
      tpu.vector_store %arg6[%swap3A_801, %swap3A_802, %swap3A_803], %swap3A_806 {add = true, strides = array<i32>} : memref<2x256x128xf32, #tpu.memory_space<vmem>>, vector<1x1x16xf32>,
      %add3A_807 = arith.constant 3 : i32
      %add3A_808 = arith.addi %mul3A_343, %add3A_807 : i32
      %add3A_809 = arith.constant 3 : i32
      %add3A_810 = arith.addi %mul3A_343, %add3A_809 : i32
      %get3A_811 = arith.index_cast %add3A_810 : i32 to index
      %get3A_812 = arith.constant 112 : index
      %get3A_813 = tpu.vector_load %arg5[%get3A_811, %get3A_812] {strides = array<i32>} : memref<256x128xf32, #tpu.memory_space<vmem>>, vector<1x16xf32>,
      %get3A_814 = vector.shape_cast %get3A_813 : vector<1x16xf32> to vector<16xf32>
      %swap3A_815 = arith.constant 0 : i32
      %swap3A_816 = arith.index_cast %swap3A_815 : i32 to index
      %swap3A_817 = arith.index_cast %add3A_808 : i32 to index
      %swap3A_818 = arith.constant 112 : index
      %swap3A_819 = tpu.vector_load %arg6[%swap3A_816, %swap3A_817, %swap3A_818] {strides = array<i32>} : memref<2x256x128xf32, #tpu.memory_space<vmem>>, vector<1x1x16xf32>,
      %swap3A_820 = vector.shape_cast %swap3A_819 : vector<1x1x16xf32> to vector<16xf32>
      %swap3A_821 = vector.shape_cast %get3A_814 : vector<16xf32> to vector<1x1x16xf32>
      tpu.vector_store %arg6[%swap3A_816, %swap3A_817, %swap3A_818], %swap3A_821 {add = true, strides = array<i32>} : memref<2x256x128xf32, #tpu.memory_space<vmem>>, vector<1x1x16xf32>,
      %add3A_822 = arith.constant 4 : i32
      %add3A_823 = arith.addi %mul3A_343, %add3A_822 : i32
      %add3A_824 = arith.constant 4 : i32
      %add3A_825 = arith.addi %mul3A_343, %add3A_824 : i32
      %get3A_826 = arith.index_cast %add3A_825 : i32 to index
      %get3A_827 = arith.constant 0 : index
      %get3A_828 = tpu.vector_load %arg5[%get3A_826, %get3A_827] {strides = array<i32>} : memref<256x128xf32, #tpu.memory_space<vmem>>, vector<1x16xf32>,
      %get3A_829 = vector.shape_cast %get3A_828 : vector<1x16xf32> to vector<16xf32>
      %swap3A_830 = arith.constant 0 : i32
      %swap3A_831 = arith.index_cast %swap3A_830 : i32 to index
      %swap3A_832 = arith.index_cast %add3A_823 : i32 to index
      %swap3A_833 = arith.constant 0 : index
      %swap3A_834 = tpu.vector_load %arg6[%swap3A_831, %swap3A_832, %swap3A_833] {strides = array<i32>} : memref<2x256x128xf32, #tpu.memory_space<vmem>>, vector<1x1x16xf32>,
      %swap3A_835 = vector.shape_cast %swap3A_834 : vector<1x1x16xf32> to vector<16xf32>
      %swap3A_836 = vector.shape_cast %get3A_829 : vector<16xf32> to vector<1x1x16xf32>
      tpu.vector_store %arg6[%swap3A_831, %swap3A_832, %swap3A_833], %swap3A_836 {add = true, strides = array<i32>} : memref<2x256x128xf32, #tpu.memory_space<vmem>>, vector<1x1x16xf32>,
      %add3A_837 = arith.constant 4 : i32
      %add3A_838 = arith.addi %mul3A_343, %add3A_837 : i32
      %add3A_839 = arith.constant 4 : i32
      %add3A_840 = arith.addi %mul3A_343, %add3A_839 : i32
      %get3A_841 = arith.index_cast %add3A_840 : i32 to index
      %get3A_842 = arith.constant 16 : index
      %get3A_843 = tpu.vector_load %arg5[%get3A_841, %get3A_842] {strides = array<i32>} : memref<256x128xf32, #tpu.memory_space<vmem>>, vector<1x16xf32>,
      %get3A_844 = vector.shape_cast %get3A_843 : vector<1x16xf32> to vector<16xf32>
      %swap3A_845 = arith.constant 0 : i32
      %swap3A_846 = arith.index_cast %swap3A_845 : i32 to index
      %swap3A_847 = arith.index_cast %add3A_838 : i32 to index
      %swap3A_848 = arith.constant 16 : index
      %swap3A_849 = tpu.vector_load %arg6[%swap3A_846, %swap3A_847, %swap3A_848] {strides = array<i32>} : memref<2x256x128xf32, #tpu.memory_space<vmem>>, vector<1x1x16xf32>,
      %swap3A_850 = vector.shape_cast %swap3A_849 : vector<1x1x16xf32> to vector<16xf32>
      %swap3A_851 = vector.shape_cast %get3A_844 : vector<16xf32> to vector<1x1x16xf32>
      tpu.vector_store %arg6[%swap3A_846, %swap3A_847, %swap3A_848], %swap3A_851 {add = true, strides = array<i32>} : memref<2x256x128xf32, #tpu.memory_space<vmem>>, vector<1x1x16xf32>,
      %add3A_852 = arith.constant 4 : i32
      %add3A_853 = arith.addi %mul3A_343, %add3A_852 : i32
      %add3A_854 = arith.constant 4 : i32
      %add3A_855 = arith.addi %mul3A_343, %add3A_854 : i32
      %get3A_856 = arith.index_cast %add3A_855 : i32 to index
      %get3A_857 = arith.constant 32 : index
      %get3A_858 = tpu.vector_load %arg5[%get3A_856, %get3A_857] {strides = array<i32>} : memref<256x128xf32, #tpu.memory_space<vmem>>, vector<1x16xf32>,
      %get3A_859 = vector.shape_cast %get3A_858 : vector<1x16xf32> to vector<16xf32>
      %swap3A_860 = arith.constant 0 : i32
      %swap3A_861 = arith.index_cast %swap3A_860 : i32 to index
      %swap3A_862 = arith.index_cast %add3A_853 : i32 to index
      %swap3A_863 = arith.constant 32 : index
      %swap3A_864 = tpu.vector_load %arg6[%swap3A_861, %swap3A_862, %swap3A_863] {strides = array<i32>} : memref<2x256x128xf32, #tpu.memory_space<vmem>>, vector<1x1x16xf32>,
      %swap3A_865 = vector.shape_cast %swap3A_864 : vector<1x1x16xf32> to vector<16xf32>
      %swap3A_866 = vector.shape_cast %get3A_859 : vector<16xf32> to vector<1x1x16xf32>
      tpu.vector_store %arg6[%swap3A_861, %swap3A_862, %swap3A_863], %swap3A_866 {add = true, strides = array<i32>} : memref<2x256x128xf32, #tpu.memory_space<vmem>>, vector<1x1x16xf32>,
      %add3A_867 = arith.constant 4 : i32
      %add3A_868 = arith.addi %mul3A_343, %add3A_867 : i32
      %add3A_869 = arith.constant 4 : i32
      %add3A_870 = arith.addi %mul3A_343, %add3A_869 : i32
      %get3A_871 = arith.index_cast %add3A_870 : i32 to index
      %get3A_872 = arith.constant 48 : index
      %get3A_873 = tpu.vector_load %arg5[%get3A_871, %get3A_872] {strides = array<i32>} : memref<256x128xf32, #tpu.memory_space<vmem>>, vector<1x16xf32>,
      %get3A_874 = vector.shape_cast %get3A_873 : vector<1x16xf32> to vector<16xf32>
      %swap3A_875 = arith.constant 0 : i32
      %swap3A_876 = arith.index_cast %swap3A_875 : i32 to index
      %swap3A_877 = arith.index_cast %add3A_868 : i32 to index
      %swap3A_878 = arith.constant 48 : index
      %swap3A_879 = tpu.vector_load %arg6[%swap3A_876, %swap3A_877, %swap3A_878] {strides = array<i32>} : memref<2x256x128xf32, #tpu.memory_space<vmem>>, vector<1x1x16xf32>,
      %swap3A_880 = vector.shape_cast %swap3A_879 : vector<1x1x16xf32> to vector<16xf32>
      %swap3A_881 = vector.shape_cast %get3A_874 : vector<16xf32> to vector<1x1x16xf32>
      tpu.vector_store %arg6[%swap3A_876, %swap3A_877, %swap3A_878], %swap3A_881 {add = true, strides = array<i32>} : memref<2x256x128xf32, #tpu.memory_space<vmem>>, vector<1x1x16xf32>,
      %add3A_882 = arith.constant 4 : i32
      %add3A_883 = arith.addi %mul3A_343, %add3A_882 : i32
      %add3A_884 = arith.constant 4 : i32
      %add3A_885 = arith.addi %mul3A_343, %add3A_884 : i32
      %get3A_886 = arith.index_cast %add3A_885 : i32 to index
      %get3A_887 = arith.constant 64 : index
      %get3A_888 = tpu.vector_load %arg5[%get3A_886, %get3A_887] {strides = array<i32>} : memref<256x128xf32, #tpu.memory_space<vmem>>, vector<1x16xf32>,
      %get3A_889 = vector.shape_cast %get3A_888 : vector<1x16xf32> to vector<16xf32>
      %swap3A_890 = arith.constant 0 : i32
      %swap3A_891 = arith.index_cast %swap3A_890 : i32 to index
      %swap3A_892 = arith.index_cast %add3A_883 : i32 to index
      %swap3A_893 = arith.constant 64 : index
      %swap3A_894 = tpu.vector_load %arg6[%swap3A_891, %swap3A_892, %swap3A_893] {strides = array<i32>} : memref<2x256x128xf32, #tpu.memory_space<vmem>>, vector<1x1x16xf32>,
      %swap3A_895 = vector.shape_cast %swap3A_894 : vector<1x1x16xf32> to vector<16xf32>
      %swap3A_896 = vector.shape_cast %get3A_889 : vector<16xf32> to vector<1x1x16xf32>
      tpu.vector_store %arg6[%swap3A_891, %swap3A_892, %swap3A_893], %swap3A_896 {add = true, strides = array<i32>} : memref<2x256x128xf32, #tpu.memory_space<vmem>>, vector<1x1x16xf32>,
      %add3A_897 = arith.constant 4 : i32
      %add3A_898 = arith.addi %mul3A_343, %add3A_897 : i32
      %add3A_899 = arith.constant 4 : i32
      %add3A_900 = arith.addi %mul3A_343, %add3A_899 : i32
      %get3A_901 = arith.index_cast %add3A_900 : i32 to index
      %get3A_902 = arith.constant 80 : index
      %get3A_903 = tpu.vector_load %arg5[%get3A_901, %get3A_902] {strides = array<i32>} : memref<256x128xf32, #tpu.memory_space<vmem>>, vector<1x16xf32>,
      %get3A_904 = vector.shape_cast %get3A_903 : vector<1x16xf32> to vector<16xf32>
      %swap3A_905 = arith.constant 0 : i32
      %swap3A_906 = arith.index_cast %swap3A_905 : i32 to index
      %swap3A_907 = arith.index_cast %add3A_898 : i32 to index
      %swap3A_908 = arith.constant 80 : index
      %swap3A_909 = tpu.vector_load %arg6[%swap3A_906, %swap3A_907, %swap3A_908] {strides = array<i32>} : memref<2x256x128xf32, #tpu.memory_space<vmem>>, vector<1x1x16xf32>,
      %swap3A_910 = vector.shape_cast %swap3A_909 : vector<1x1x16xf32> to vector<16xf32>
      %swap3A_911 = vector.shape_cast %get3A_904 : vector<16xf32> to vector<1x1x16xf32>
      tpu.vector_store %arg6[%swap3A_906, %swap3A_907, %swap3A_908], %swap3A_911 {add = true, strides = array<i32>} : memref<2x256x128xf32, #tpu.memory_space<vmem>>, vector<1x1x16xf32>,
      %add3A_912 = arith.constant 4 : i32
      %add3A_913 = arith.addi %mul3A_343, %add3A_912 : i32
      %add3A_914 = arith.constant 4 : i32
      %add3A_915 = arith.addi %mul3A_343, %add3A_914 : i32
      %get3A_916 = arith.index_cast %add3A_915 : i32 to index
      %get3A_917 = arith.constant 96 : index
      %get3A_918 = tpu.vector_load %arg5[%get3A_916, %get3A_917] {strides = array<i32>} : memref<256x128xf32, #tpu.memory_space<vmem>>, vector<1x16xf32>,
      %get3A_919 = vector.shape_cast %get3A_918 : vector<1x16xf32> to vector<16xf32>
      %swap3A_920 = arith.constant 0 : i32
      %swap3A_921 = arith.index_cast %swap3A_920 : i32 to index
      %swap3A_922 = arith.index_cast %add3A_913 : i32 to index
      %swap3A_923 = arith.constant 96 : index
      %swap3A_924 = tpu.vector_load %arg6[%swap3A_921, %swap3A_922, %swap3A_923] {strides = array<i32>} : memref<2x256x128xf32, #tpu.memory_space<vmem>>, vector<1x1x16xf32>,
      %swap3A_925 = vector.shape_cast %swap3A_924 : vector<1x1x16xf32> to vector<16xf32>
      %swap3A_926 = vector.shape_cast %get3A_919 : vector<16xf32> to vector<1x1x16xf32>
      tpu.vector_store %arg6[%swap3A_921, %swap3A_922, %swap3A_923], %swap3A_926 {add = true, strides = array<i32>} : memref<2x256x128xf32, #tpu.memory_space<vmem>>, vector<1x1x16xf32>,
      %add3A_927 = arith.constant 4 : i32
      %add3A_928 = arith.addi %mul3A_343, %add3A_927 : i32
      %add3A_929 = arith.constant 4 : i32
      %add3A_930 = arith.addi %mul3A_343, %add3A_929 : i32
      %get3A_931 = arith.index_cast %add3A_930 : i32 to index
      %get3A_932 = arith.constant 112 : index
      %get3A_933 = tpu.vector_load %arg5[%get3A_931, %get3A_932] {strides = array<i32>} : memref<256x128xf32, #tpu.memory_space<vmem>>, vector<1x16xf32>,
      %get3A_934 = vector.shape_cast %get3A_933 : vector<1x16xf32> to vector<16xf32>
      %swap3A_935 = arith.constant 0 : i32
      %swap3A_936 = arith.index_cast %swap3A_935 : i32 to index
      %swap3A_937 = arith.index_cast %add3A_928 : i32 to index
      %swap3A_938 = arith.constant 112 : index
      %swap3A_939 = tpu.vector_load %arg6[%swap3A_936, %swap3A_937, %swap3A_938] {strides = array<i32>} : memref<2x256x128xf32, #tpu.memory_space<vmem>>, vector<1x1x16xf32>,
      %swap3A_940 = vector.shape_cast %swap3A_939 : vector<1x1x16xf32> to vector<16xf32>
      %swap3A_941 = vector.shape_cast %get3A_934 : vector<16xf32> to vector<1x1x16xf32>
      tpu.vector_store %arg6[%swap3A_936, %swap3A_937, %swap3A_938], %swap3A_941 {add = true, strides = array<i32>} : memref<2x256x128xf32, #tpu.memory_space<vmem>>, vector<1x1x16xf32>,
      %add3A_942 = arith.constant 5 : i32
      %add3A_943 = arith.addi %mul3A_343, %add3A_942 : i32
      %add3A_944 = arith.constant 5 : i32
      %add3A_945 = arith.addi %mul3A_343, %add3A_944 : i32
      %get3A_946 = arith.index_cast %add3A_945 : i32 to index
      %get3A_947 = arith.constant 0 : index
      %get3A_948 = tpu.vector_load %arg5[%get3A_946, %get3A_947] {strides = array<i32>} : memref<256x128xf32, #tpu.memory_space<vmem>>, vector<1x16xf32>,
      %get3A_949 = vector.shape_cast %get3A_948 : vector<1x16xf32> to vector<16xf32>
      %swap3A_950 = arith.constant 0 : i32
      %swap3A_951 = arith.index_cast %swap3A_950 : i32 to index
      %swap3A_952 = arith.index_cast %add3A_943 : i32 to index
      %swap3A_953 = arith.constant 0 : index
      %swap3A_954 = tpu.vector_load %arg6[%swap3A_951, %swap3A_952, %swap3A_953] {strides = array<i32>} : memref<2x256x128xf32, #tpu.memory_space<vmem>>, vector<1x1x16xf32>,
      %swap3A_955 = vector.shape_cast %swap3A_954 : vector<1x1x16xf32> to vector<16xf32>
      %swap3A_956 = vector.shape_cast %get3A_949 : vector<16xf32> to vector<1x1x16xf32>
      tpu.vector_store %arg6[%swap3A_951, %swap3A_952, %swap3A_953], %swap3A_956 {add = true, strides = array<i32>} : memref<2x256x128xf32, #tpu.memory_space<vmem>>, vector<1x1x16xf32>,
      %add3A_957 = arith.constant 5 : i32
      %add3A_958 = arith.addi %mul3A_343, %add3A_957 : i32
      %add3A_959 = arith.constant 5 : i32
      %add3A_960 = arith.addi %mul3A_343, %add3A_959 : i32
      %get3A_961 = arith.index_cast %add3A_960 : i32 to index
      %get3A_962 = arith.constant 16 : index
      %get3A_963 = tpu.vector_load %arg5[%get3A_961, %get3A_962] {strides = array<i32>} : memref<256x128xf32, #tpu.memory_space<vmem>>, vector<1x16xf32>,
      %get3A_964 = vector.shape_cast %get3A_963 : vector<1x16xf32> to vector<16xf32>
      %swap3A_965 = arith.constant 0 : i32
      %swap3A_966 = arith.index_cast %swap3A_965 : i32 to index
      %swap3A_967 = arith.index_cast %add3A_958 : i32 to index
      %swap3A_968 = arith.constant 16 : index
      %swap3A_969 = tpu.vector_load %arg6[%swap3A_966, %swap3A_967, %swap3A_968] {strides = array<i32>} : memref<2x256x128xf32, #tpu.memory_space<vmem>>, vector<1x1x16xf32>,
      %swap3A_970 = vector.shape_cast %swap3A_969 : vector<1x1x16xf32> to vector<16xf32>
      %swap3A_971 = vector.shape_cast %get3A_964 : vector<16xf32> to vector<1x1x16xf32>
      tpu.vector_store %arg6[%swap3A_966, %swap3A_967, %swap3A_968], %swap3A_971 {add = true, strides = array<i32>} : memref<2x256x128xf32, #tpu.memory_space<vmem>>, vector<1x1x16xf32>,
      %add3A_972 = arith.constant 5 : i32
      %add3A_973 = arith.addi %mul3A_343, %add3A_972 : i32
      %add3A_974 = arith.constant 5 : i32
      %add3A_975 = arith.addi %mul3A_343, %add3A_974 : i32
      %get3A_976 = arith.index_cast %add3A_975 : i32 to index
      %get3A_977 = arith.constant 32 : index
      %get3A_978 = tpu.vector_load %arg5[%get3A_976, %get3A_977] {strides = array<i32>} : memref<256x128xf32, #tpu.memory_space<vmem>>, vector<1x16xf32>,
      %get3A_979 = vector.shape_cast %get3A_978 : vector<1x16xf32> to vector<16xf32>
      %swap3A_980 = arith.constant 0 : i32
      %swap3A_981 = arith.index_cast %swap3A_980 : i32 to index
      %swap3A_982 = arith.index_cast %add3A_973 : i32 to index
      %swap3A_983 = arith.constant 32 : index
      %swap3A_984 = tpu.vector_load %arg6[%swap3A_981, %swap3A_982, %swap3A_983] {strides = array<i32>} : memref<2x256x128xf32, #tpu.memory_space<vmem>>, vector<1x1x16xf32>,
      %swap3A_985 = vector.shape_cast %swap3A_984 : vector<1x1x16xf32> to vector<16xf32>
      %swap3A_986 = vector.shape_cast %get3A_979 : vector<16xf32> to vector<1x1x16xf32>
      tpu.vector_store %arg6[%swap3A_981, %swap3A_982, %swap3A_983], %swap3A_986 {add = true, strides = array<i32>} : memref<2x256x128xf32, #tpu.memory_space<vmem>>, vector<1x1x16xf32>,
      %add3A_987 = arith.constant 5 : i32
      %add3A_988 = arith.addi %mul3A_343, %add3A_987 : i32
      %add3A_989 = arith.constant 5 : i32
      %add3A_990 = arith.addi %mul3A_343, %add3A_989 : i32
      %get3A_991 = arith.index_cast %add3A_990 : i32 to index
      %get3A_992 = arith.constant 48 : index
      %get3A_993 = tpu.vector_load %arg5[%get3A_991, %get3A_992] {strides = array<i32>} : memref<256x128xf32, #tpu.memory_space<vmem>>, vector<1x16xf32>,
      %get3A_994 = vector.shape_cast %get3A_993 : vector<1x16xf32> to vector<16xf32>
      %swap3A_995 = arith.constant 0 : i32
      %swap3A_996 = arith.index_cast %swap3A_995 : i32 to index
      %swap3A_997 = arith.index_cast %add3A_988 : i32 to index
      %swap3A_998 = arith.constant 48 : index
      %swap3A_999 = tpu.vector_load %arg6[%swap3A_996, %swap3A_997, %swap3A_998] {strides = array<i32>} : memref<2x256x128xf32, #tpu.memory_space<vmem>>, vector<1x1x16xf32>,
      %swap3A_1000 = vector.shape_cast %swap3A_999 : vector<1x1x16xf32> to vector<16xf32>
      %swap3A_1001 = vector.shape_cast %get3A_994 : vector<16xf32> to vector<1x1x16xf32>
      tpu.vector_store %arg6[%swap3A_996, %swap3A_997, %swap3A_998], %swap3A_1001 {add = true, strides = array<i32>} : memref<2x256x128xf32, #tpu.memory_space<vmem>>, vector<1x1x16xf32>,
      %add3A_1002 = arith.constant 5 : i32
      %add3A_1003 = arith.addi %mul3A_343, %add3A_1002 : i32
      %add3A_1004 = arith.constant 5 : i32
      %add3A_1005 = arith.addi %mul3A_343, %add3A_1004 : i32
      %get3A_1006 = arith.index_cast %add3A_1005 : i32 to index
      %get3A_1007 = arith.constant 64 : index
      %get3A_1008 = tpu.vector_load %arg5[%get3A_1006, %get3A_1007] {strides = array<i32>} : memref<256x128xf32, #tpu.memory_space<vmem>>, vector<1x16xf32>,
      %get3A_1009 = vector.shape_cast %get3A_1008 : vector<1x16xf32> to vector<16xf32>
      %swap3A_1010 = arith.constant 0 : i32
      %swap3A_1011 = arith.index_cast %swap3A_1010 : i32 to index
      %swap3A_1012 = arith.index_cast %add3A_1003 : i32 to index
      %swap3A_1013 = arith.constant 64 : index
      %swap3A_1014 = tpu.vector_load %arg6[%swap3A_1011, %swap3A_1012, %swap3A_1013] {strides = array<i32>} : memref<2x256x128xf32, #tpu.memory_space<vmem>>, vector<1x1x16xf32>,
      %swap3A_1015 = vector.shape_cast %swap3A_1014 : vector<1x1x16xf32> to vector<16xf32>
      %swap3A_1016 = vector.shape_cast %get3A_1009 : vector<16xf32> to vector<1x1x16xf32>
      tpu.vector_store %arg6[%swap3A_1011, %swap3A_1012, %swap3A_1013], %swap3A_1016 {add = true, strides = array<i32>} : memref<2x256x128xf32, #tpu.memory_space<vmem>>, vector<1x1x16xf32>,
      %add3A_1017 = arith.constant 5 : i32
      %add3A_1018 = arith.addi %mul3A_343, %add3A_1017 : i32
      %add3A_1019 = arith.constant 5 : i32
      %add3A_1020 = arith.addi %mul3A_343, %add3A_1019 : i32
      %get3A_1021 = arith.index_cast %add3A_1020 : i32 to index
      %get3A_1022 = arith.constant 80 : index
      %get3A_1023 = tpu.vector_load %arg5[%get3A_1021, %get3A_1022] {strides = array<i32>} : memref<256x128xf32, #tpu.memory_space<vmem>>, vector<1x16xf32>,
      %get3A_1024 = vector.shape_cast %get3A_1023 : vector<1x16xf32> to vector<16xf32>
      %swap3A_1025 = arith.constant 0 : i32
      %swap3A_1026 = arith.index_cast %swap3A_1025 : i32 to index
      %swap3A_1027 = arith.index_cast %add3A_1018 : i32 to index
      %swap3A_1028 = arith.constant 80 : index
      %swap3A_1029 = tpu.vector_load %arg6[%swap3A_1026, %swap3A_1027, %swap3A_1028] {strides = array<i32>} : memref<2x256x128xf32, #tpu.memory_space<vmem>>, vector<1x1x16xf32>,
      %swap3A_1030 = vector.shape_cast %swap3A_1029 : vector<1x1x16xf32> to vector<16xf32>
      %swap3A_1031 = vector.shape_cast %get3A_1024 : vector<16xf32> to vector<1x1x16xf32>
      tpu.vector_store %arg6[%swap3A_1026, %swap3A_1027, %swap3A_1028], %swap3A_1031 {add = true, strides = array<i32>} : memref<2x256x128xf32, #tpu.memory_space<vmem>>, vector<1x1x16xf32>,
      %add3A_1032 = arith.constant 5 : i32
      %add3A_1033 = arith.addi %mul3A_343, %add3A_1032 : i32
      %add3A_1034 = arith.constant 5 : i32
      %add3A_1035 = arith.addi %mul3A_343, %add3A_1034 : i32
      %get3A_1036 = arith.index_cast %add3A_1035 : i32 to index
      %get3A_1037 = arith.constant 96 : index
      %get3A_1038 = tpu.vector_load %arg5[%get3A_1036, %get3A_1037] {strides = array<i32>} : memref<256x128xf32, #tpu.memory_space<vmem>>, vector<1x16xf32>,
      %get3A_1039 = vector.shape_cast %get3A_1038 : vector<1x16xf32> to vector<16xf32>
      %swap3A_1040 = arith.constant 0 : i32
      %swap3A_1041 = arith.index_cast %swap3A_1040 : i32 to index
      %swap3A_1042 = arith.index_cast %add3A_1033 : i32 to index
      %swap3A_1043 = arith.constant 96 : index
      %swap3A_1044 = tpu.vector_load %arg6[%swap3A_1041, %swap3A_1042, %swap3A_1043] {strides = array<i32>} : memref<2x256x128xf32, #tpu.memory_space<vmem>>, vector<1x1x16xf32>,
      %swap3A_1045 = vector.shape_cast %swap3A_1044 : vector<1x1x16xf32> to vector<16xf32>
      %swap3A_1046 = vector.shape_cast %get3A_1039 : vector<16xf32> to vector<1x1x16xf32>
      tpu.vector_store %arg6[%swap3A_1041, %swap3A_1042, %swap3A_1043], %swap3A_1046 {add = true, strides = array<i32>} : memref<2x256x128xf32, #tpu.memory_space<vmem>>, vector<1x1x16xf32>,
      %add3A_1047 = arith.constant 5 : i32
      %add3A_1048 = arith.addi %mul3A_343, %add3A_1047 : i32
      %add3A_1049 = arith.constant 5 : i32
      %add3A_1050 = arith.addi %mul3A_343, %add3A_1049 : i32
      %get3A_1051 = arith.index_cast %add3A_1050 : i32 to index
      %get3A_1052 = arith.constant 112 : index
      %get3A_1053 = tpu.vector_load %arg5[%get3A_1051, %get3A_1052] {strides = array<i32>} : memref<256x128xf32, #tpu.memory_space<vmem>>, vector<1x16xf32>,
      %get3A_1054 = vector.shape_cast %get3A_1053 : vector<1x16xf32> to vector<16xf32>
      %swap3A_1055 = arith.constant 0 : i32
      %swap3A_1056 = arith.index_cast %swap3A_1055 : i32 to index
      %swap3A_1057 = arith.index_cast %add3A_1048 : i32 to index
      %swap3A_1058 = arith.constant 112 : index
      %swap3A_1059 = tpu.vector_load %arg6[%swap3A_1056, %swap3A_1057, %swap3A_1058] {strides = array<i32>} : memref<2x256x128xf32, #tpu.memory_space<vmem>>, vector<1x1x16xf32>,
      %swap3A_1060 = vector.shape_cast %swap3A_1059 : vector<1x1x16xf32> to vector<16xf32>
      %swap3A_1061 = vector.shape_cast %get3A_1054 : vector<16xf32> to vector<1x1x16xf32>
      tpu.vector_store %arg6[%swap3A_1056, %swap3A_1057, %swap3A_1058], %swap3A_1061 {add = true, strides = array<i32>} : memref<2x256x128xf32, #tpu.memory_space<vmem>>, vector<1x1x16xf32>,
      %add3A_1062 = arith.constant 6 : i32
      %add3A_1063 = arith.addi %mul3A_343, %add3A_1062 : i32
      %add3A_1064 = arith.constant 6 : i32
      %add3A_1065 = arith.addi %mul3A_343, %add3A_1064 : i32
      %get3A_1066 = arith.index_cast %add3A_1065 : i32 to index
      %get3A_1067 = arith.constant 0 : index
      %get3A_1068 = tpu.vector_load %arg5[%get3A_1066, %get3A_1067] {strides = array<i32>} : memref<256x128xf32, #tpu.memory_space<vmem>>, vector<1x16xf32>,
      %get3A_1069 = vector.shape_cast %get3A_1068 : vector<1x16xf32> to vector<16xf32>
      %swap3A_1070 = arith.constant 0 : i32
      %swap3A_1071 = arith.index_cast %swap3A_1070 : i32 to index
      %swap3A_1072 = arith.index_cast %add3A_1063 : i32 to index
      %swap3A_1073 = arith.constant 0 : index
      %swap3A_1074 = tpu.vector_load %arg6[%swap3A_1071, %swap3A_1072, %swap3A_1073] {strides = array<i32>} : memref<2x256x128xf32, #tpu.memory_space<vmem>>, vector<1x1x16xf32>,
      %swap3A_1075 = vector.shape_cast %swap3A_1074 : vector<1x1x16xf32> to vector<16xf32>
      %swap3A_1076 = vector.shape_cast %get3A_1069 : vector<16xf32> to vector<1x1x16xf32>
      tpu.vector_store %arg6[%swap3A_1071, %swap3A_1072, %swap3A_1073], %swap3A_1076 {add = true, strides = array<i32>} : memref<2x256x128xf32, #tpu.memory_space<vmem>>, vector<1x1x16xf32>,
      %add3A_1077 = arith.constant 6 : i32
      %add3A_1078 = arith.addi %mul3A_343, %add3A_1077 : i32
      %add3A_1079 = arith.constant 6 : i32
      %add3A_1080 = arith.addi %mul3A_343, %add3A_1079 : i32
      %get3A_1081 = arith.index_cast %add3A_1080 : i32 to index
      %get3A_1082 = arith.constant 16 : index
      %get3A_1083 = tpu.vector_load %arg5[%get3A_1081, %get3A_1082] {strides = array<i32>} : memref<256x128xf32, #tpu.memory_space<vmem>>, vector<1x16xf32>,
      %get3A_1084 = vector.shape_cast %get3A_1083 : vector<1x16xf32> to vector<16xf32>
      %swap3A_1085 = arith.constant 0 : i32
      %swap3A_1086 = arith.index_cast %swap3A_1085 : i32 to index
      %swap3A_1087 = arith.index_cast %add3A_1078 : i32 to index
      %swap3A_1088 = arith.constant 16 : index
      %swap3A_1089 = tpu.vector_load %arg6[%swap3A_1086, %swap3A_1087, %swap3A_1088] {strides = array<i32>} : memref<2x256x128xf32, #tpu.memory_space<vmem>>, vector<1x1x16xf32>,
      %swap3A_1090 = vector.shape_cast %swap3A_1089 : vector<1x1x16xf32> to vector<16xf32>
      %swap3A_1091 = vector.shape_cast %get3A_1084 : vector<16xf32> to vector<1x1x16xf32>
      tpu.vector_store %arg6[%swap3A_1086, %swap3A_1087, %swap3A_1088], %swap3A_1091 {add = true, strides = array<i32>} : memref<2x256x128xf32, #tpu.memory_space<vmem>>, vector<1x1x16xf32>,
      %add3A_1092 = arith.constant 6 : i32
      %add3A_1093 = arith.addi %mul3A_343, %add3A_1092 : i32
      %add3A_1094 = arith.constant 6 : i32
      %add3A_1095 = arith.addi %mul3A_343, %add3A_1094 : i32
      %get3A_1096 = arith.index_cast %add3A_1095 : i32 to index
      %get3A_1097 = arith.constant 32 : index
      %get3A_1098 = tpu.vector_load %arg5[%get3A_1096, %get3A_1097] {strides = array<i32>} : memref<256x128xf32, #tpu.memory_space<vmem>>, vector<1x16xf32>,
      %get3A_1099 = vector.shape_cast %get3A_1098 : vector<1x16xf32> to vector<16xf32>
      %swap3A_1100 = arith.constant 0 : i32
      %swap3A_1101 = arith.index_cast %swap3A_1100 : i32 to index
      %swap3A_1102 = arith.index_cast %add3A_1093 : i32 to index
      %swap3A_1103 = arith.constant 32 : index
      %swap3A_1104 = tpu.vector_load %arg6[%swap3A_1101, %swap3A_1102, %swap3A_1103] {strides = array<i32>} : memref<2x256x128xf32, #tpu.memory_space<vmem>>, vector<1x1x16xf32>,
      %swap3A_1105 = vector.shape_cast %swap3A_1104 : vector<1x1x16xf32> to vector<16xf32>
      %swap3A_1106 = vector.shape_cast %get3A_1099 : vector<16xf32> to vector<1x1x16xf32>
      tpu.vector_store %arg6[%swap3A_1101, %swap3A_1102, %swap3A_1103], %swap3A_1106 {add = true, strides = array<i32>} : memref<2x256x128xf32, #tpu.memory_space<vmem>>, vector<1x1x16xf32>,
      %add3A_1107 = arith.constant 6 : i32
      %add3A_1108 = arith.addi %mul3A_343, %add3A_1107 : i32
      %add3A_1109 = arith.constant 6 : i32
      %add3A_1110 = arith.addi %mul3A_343, %add3A_1109 : i32
      %get3A_1111 = arith.index_cast %add3A_1110 : i32 to index
      %get3A_1112 = arith.constant 48 : index
      %get3A_1113 = tpu.vector_load %arg5[%get3A_1111, %get3A_1112] {strides = array<i32>} : memref<256x128xf32, #tpu.memory_space<vmem>>, vector<1x16xf32>,
      %get3A_1114 = vector.shape_cast %get3A_1113 : vector<1x16xf32> to vector<16xf32>
      %swap3A_1115 = arith.constant 0 : i32
      %swap3A_1116 = arith.index_cast %swap3A_1115 : i32 to index
      %swap3A_1117 = arith.index_cast %add3A_1108 : i32 to index
      %swap3A_1118 = arith.constant 48 : index
      %swap3A_1119 = tpu.vector_load %arg6[%swap3A_1116, %swap3A_1117, %swap3A_1118] {strides = array<i32>} : memref<2x256x128xf32, #tpu.memory_space<vmem>>, vector<1x1x16xf32>,
      %swap3A_1120 = vector.shape_cast %swap3A_1119 : vector<1x1x16xf32> to vector<16xf32>
      %swap3A_1121 = vector.shape_cast %get3A_1114 : vector<16xf32> to vector<1x1x16xf32>
      tpu.vector_store %arg6[%swap3A_1116, %swap3A_1117, %swap3A_1118], %swap3A_1121 {add = true, strides = array<i32>} : memref<2x256x128xf32, #tpu.memory_space<vmem>>, vector<1x1x16xf32>,
      %add3A_1122 = arith.constant 6 : i32
      %add3A_1123 = arith.addi %mul3A_343, %add3A_1122 : i32
      %add3A_1124 = arith.constant 6 : i32
      %add3A_1125 = arith.addi %mul3A_343, %add3A_1124 : i32
      %get3A_1126 = arith.index_cast %add3A_1125 : i32 to index
      %get3A_1127 = arith.constant 64 : index
      %get3A_1128 = tpu.vector_load %arg5[%get3A_1126, %get3A_1127] {strides = array<i32>} : memref<256x128xf32, #tpu.memory_space<vmem>>, vector<1x16xf32>,
      %get3A_1129 = vector.shape_cast %get3A_1128 : vector<1x16xf32> to vector<16xf32>
      %swap3A_1130 = arith.constant 0 : i32
      %swap3A_1131 = arith.index_cast %swap3A_1130 : i32 to index
      %swap3A_1132 = arith.index_cast %add3A_1123 : i32 to index
      %swap3A_1133 = arith.constant 64 : index
      %swap3A_1134 = tpu.vector_load %arg6[%swap3A_1131, %swap3A_1132, %swap3A_1133] {strides = array<i32>} : memref<2x256x128xf32, #tpu.memory_space<vmem>>, vector<1x1x16xf32>,
      %swap3A_1135 = vector.shape_cast %swap3A_1134 : vector<1x1x16xf32> to vector<16xf32>
      %swap3A_1136 = vector.shape_cast %get3A_1129 : vector<16xf32> to vector<1x1x16xf32>
      tpu.vector_store %arg6[%swap3A_1131, %swap3A_1132, %swap3A_1133], %swap3A_1136 {add = true, strides = array<i32>} : memref<2x256x128xf32, #tpu.memory_space<vmem>>, vector<1x1x16xf32>,
      %add3A_1137 = arith.constant 6 : i32
      %add3A_1138 = arith.addi %mul3A_343, %add3A_1137 : i32
      %add3A_1139 = arith.constant 6 : i32
      %add3A_1140 = arith.addi %mul3A_343, %add3A_1139 : i32
      %get3A_1141 = arith.index_cast %add3A_1140 : i32 to index
      %get3A_1142 = arith.constant 80 : index
      %get3A_1143 = tpu.vector_load %arg5[%get3A_1141, %get3A_1142] {strides = array<i32>} : memref<256x128xf32, #tpu.memory_space<vmem>>, vector<1x16xf32>,
      %get3A_1144 = vector.shape_cast %get3A_1143 : vector<1x16xf32> to vector<16xf32>
      %swap3A_1145 = arith.constant 0 : i32
      %swap3A_1146 = arith.index_cast %swap3A_1145 : i32 to index
      %swap3A_1147 = arith.index_cast %add3A_1138 : i32 to index
      %swap3A_1148 = arith.constant 80 : index
      %swap3A_1149 = tpu.vector_load %arg6[%swap3A_1146, %swap3A_1147, %swap3A_1148] {strides = array<i32>} : memref<2x256x128xf32, #tpu.memory_space<vmem>>, vector<1x1x16xf32>,
      %swap3A_1150 = vector.shape_cast %swap3A_1149 : vector<1x1x16xf32> to vector<16xf32>
      %swap3A_1151 = vector.shape_cast %get3A_1144 : vector<16xf32> to vector<1x1x16xf32>
      tpu.vector_store %arg6[%swap3A_1146, %swap3A_1147, %swap3A_1148], %swap3A_1151 {add = true, strides = array<i32>} : memref<2x256x128xf32, #tpu.memory_space<vmem>>, vector<1x1x16xf32>,
      %add3A_1152 = arith.constant 6 : i32
      %add3A_1153 = arith.addi %mul3A_343, %add3A_1152 : i32
      %add3A_1154 = arith.constant 6 : i32
      %add3A_1155 = arith.addi %mul3A_343, %add3A_1154 : i32
      %get3A_1156 = arith.index_cast %add3A_1155 : i32 to index
      %get3A_1157 = arith.constant 96 : index
      %get3A_1158 = tpu.vector_load %arg5[%get3A_1156, %get3A_1157] {strides = array<i32>} : memref<256x128xf32, #tpu.memory_space<vmem>>, vector<1x16xf32>,
      %get3A_1159 = vector.shape_cast %get3A_1158 : vector<1x16xf32> to vector<16xf32>
      %swap3A_1160 = arith.constant 0 : i32
      %swap3A_1161 = arith.index_cast %swap3A_1160 : i32 to index
      %swap3A_1162 = arith.index_cast %add3A_1153 : i32 to index
      %swap3A_1163 = arith.constant 96 : index
      %swap3A_1164 = tpu.vector_load %arg6[%swap3A_1161, %swap3A_1162, %swap3A_1163] {strides = array<i32>} : memref<2x256x128xf32, #tpu.memory_space<vmem>>, vector<1x1x16xf32>,
      %swap3A_1165 = vector.shape_cast %swap3A_1164 : vector<1x1x16xf32> to vector<16xf32>
      %swap3A_1166 = vector.shape_cast %get3A_1159 : vector<16xf32> to vector<1x1x16xf32>
      tpu.vector_store %arg6[%swap3A_1161, %swap3A_1162, %swap3A_1163], %swap3A_1166 {add = true, strides = array<i32>} : memref<2x256x128xf32, #tpu.memory_space<vmem>>, vector<1x1x16xf32>,
      %add3A_1167 = arith.constant 6 : i32
      %add3A_1168 = arith.addi %mul3A_343, %add3A_1167 : i32
      %add3A_1169 = arith.constant 6 : i32
      %add3A_1170 = arith.addi %mul3A_343, %add3A_1169 : i32
      %get3A_1171 = arith.index_cast %add3A_1170 : i32 to index
      %get3A_1172 = arith.constant 112 : index
      %get3A_1173 = tpu.vector_load %arg5[%get3A_1171, %get3A_1172] {strides = array<i32>} : memref<256x128xf32, #tpu.memory_space<vmem>>, vector<1x16xf32>,
      %get3A_1174 = vector.shape_cast %get3A_1173 : vector<1x16xf32> to vector<16xf32>
      %swap3A_1175 = arith.constant 0 : i32
      %swap3A_1176 = arith.index_cast %swap3A_1175 : i32 to index
      %swap3A_1177 = arith.index_cast %add3A_1168 : i32 to index
      %swap3A_1178 = arith.constant 112 : index
      %swap3A_1179 = tpu.vector_load %arg6[%swap3A_1176, %swap3A_1177, %swap3A_1178] {strides = array<i32>} : memref<2x256x128xf32, #tpu.memory_space<vmem>>, vector<1x1x16xf32>,
      %swap3A_1180 = vector.shape_cast %swap3A_1179 : vector<1x1x16xf32> to vector<16xf32>
      %swap3A_1181 = vector.shape_cast %get3A_1174 : vector<16xf32> to vector<1x1x16xf32>
      tpu.vector_store %arg6[%swap3A_1176, %swap3A_1177, %swap3A_1178], %swap3A_1181 {add = true, strides = array<i32>} : memref<2x256x128xf32, #tpu.memory_space<vmem>>, vector<1x1x16xf32>,
      %add3A_1182 = arith.constant 7 : i32
      %add3A_1183 = arith.addi %mul3A_343, %add3A_1182 : i32
      %add3A_1184 = arith.constant 7 : i32
      %add3A_1185 = arith.addi %mul3A_343, %add3A_1184 : i32
      %get3A_1186 = arith.index_cast %add3A_1185 : i32 to index
      %get3A_1187 = arith.constant 0 : index
      %get3A_1188 = tpu.vector_load %arg5[%get3A_1186, %get3A_1187] {strides = array<i32>} : memref<256x128xf32, #tpu.memory_space<vmem>>, vector<1x16xf32>,
      %get3A_1189 = vector.shape_cast %get3A_1188 : vector<1x16xf32> to vector<16xf32>
      %swap3A_1190 = arith.constant 0 : i32
      %swap3A_1191 = arith.index_cast %swap3A_1190 : i32 to index
      %swap3A_1192 = arith.index_cast %add3A_1183 : i32 to index
      %swap3A_1193 = arith.constant 0 : index
      %swap3A_1194 = tpu.vector_load %arg6[%swap3A_1191, %swap3A_1192, %swap3A_1193] {strides = array<i32>} : memref<2x256x128xf32, #tpu.memory_space<vmem>>, vector<1x1x16xf32>,
      %swap3A_1195 = vector.shape_cast %swap3A_1194 : vector<1x1x16xf32> to vector<16xf32>
      %swap3A_1196 = vector.shape_cast %get3A_1189 : vector<16xf32> to vector<1x1x16xf32>
      tpu.vector_store %arg6[%swap3A_1191, %swap3A_1192, %swap3A_1193], %swap3A_1196 {add = true, strides = array<i32>} : memref<2x256x128xf32, #tpu.memory_space<vmem>>, vector<1x1x16xf32>,
      %add3A_1197 = arith.constant 7 : i32
      %add3A_1198 = arith.addi %mul3A_343, %add3A_1197 : i32
      %add3A_1199 = arith.constant 7 : i32
      %add3A_1200 = arith.addi %mul3A_343, %add3A_1199 : i32
      %get3A_1201 = arith.index_cast %add3A_1200 : i32 to index
      %get3A_1202 = arith.constant 16 : index
      %get3A_1203 = tpu.vector_load %arg5[%get3A_1201, %get3A_1202] {strides = array<i32>} : memref<256x128xf32, #tpu.memory_space<vmem>>, vector<1x16xf32>,
      %get3A_1204 = vector.shape_cast %get3A_1203 : vector<1x16xf32> to vector<16xf32>
      %swap3A_1205 = arith.constant 0 : i32
      %swap3A_1206 = arith.index_cast %swap3A_1205 : i32 to index
      %swap3A_1207 = arith.index_cast %add3A_1198 : i32 to index
      %swap3A_1208 = arith.constant 16 : index
      %swap3A_1209 = tpu.vector_load %arg6[%swap3A_1206, %swap3A_1207, %swap3A_1208] {strides = array<i32>} : memref<2x256x128xf32, #tpu.memory_space<vmem>>, vector<1x1x16xf32>,
      %swap3A_1210 = vector.shape_cast %swap3A_1209 : vector<1x1x16xf32> to vector<16xf32>
      %swap3A_1211 = vector.shape_cast %get3A_1204 : vector<16xf32> to vector<1x1x16xf32>
      tpu.vector_store %arg6[%swap3A_1206, %swap3A_1207, %swap3A_1208], %swap3A_1211 {add = true, strides = array<i32>} : memref<2x256x128xf32, #tpu.memory_space<vmem>>, vector<1x1x16xf32>,
      %add3A_1212 = arith.constant 7 : i32
      %add3A_1213 = arith.addi %mul3A_343, %add3A_1212 : i32
      %add3A_1214 = arith.constant 7 : i32
      %add3A_1215 = arith.addi %mul3A_343, %add3A_1214 : i32
      %get3A_1216 = arith.index_cast %add3A_1215 : i32 to index
      %get3A_1217 = arith.constant 32 : index
      %get3A_1218 = tpu.vector_load %arg5[%get3A_1216, %get3A_1217] {strides = array<i32>} : memref<256x128xf32, #tpu.memory_space<vmem>>, vector<1x16xf32>,
      %get3A_1219 = vector.shape_cast %get3A_1218 : vector<1x16xf32> to vector<16xf32>
      %swap3A_1220 = arith.constant 0 : i32
      %swap3A_1221 = arith.index_cast %swap3A_1220 : i32 to index
      %swap3A_1222 = arith.index_cast %add3A_1213 : i32 to index
      %swap3A_1223 = arith.constant 32 : index
      %swap3A_1224 = tpu.vector_load %arg6[%swap3A_1221, %swap3A_1222, %swap3A_1223] {strides = array<i32>} : memref<2x256x128xf32, #tpu.memory_space<vmem>>, vector<1x1x16xf32>,
      %swap3A_1225 = vector.shape_cast %swap3A_1224 : vector<1x1x16xf32> to vector<16xf32>
      %swap3A_1226 = vector.shape_cast %get3A_1219 : vector<16xf32> to vector<1x1x16xf32>
      tpu.vector_store %arg6[%swap3A_1221, %swap3A_1222, %swap3A_1223], %swap3A_1226 {add = true, strides = array<i32>} : memref<2x256x128xf32, #tpu.memory_space<vmem>>, vector<1x1x16xf32>,
      %add3A_1227 = arith.constant 7 : i32
      %add3A_1228 = arith.addi %mul3A_343, %add3A_1227 : i32
      %add3A_1229 = arith.constant 7 : i32
      %add3A_1230 = arith.addi %mul3A_343, %add3A_1229 : i32
      %get3A_1231 = arith.index_cast %add3A_1230 : i32 to index
      %get3A_1232 = arith.constant 48 : index
      %get3A_1233 = tpu.vector_load %arg5[%get3A_1231, %get3A_1232] {strides = array<i32>} : memref<256x128xf32, #tpu.memory_space<vmem>>, vector<1x16xf32>,
      %get3A_1234 = vector.shape_cast %get3A_1233 : vector<1x16xf32> to vector<16xf32>
      %swap3A_1235 = arith.constant 0 : i32
      %swap3A_1236 = arith.index_cast %swap3A_1235 : i32 to index
      %swap3A_1237 = arith.index_cast %add3A_1228 : i32 to index
      %swap3A_1238 = arith.constant 48 : index
      %swap3A_1239 = tpu.vector_load %arg6[%swap3A_1236, %swap3A_1237, %swap3A_1238] {strides = array<i32>} : memref<2x256x128xf32, #tpu.memory_space<vmem>>, vector<1x1x16xf32>,
      %swap3A_1240 = vector.shape_cast %swap3A_1239 : vector<1x1x16xf32> to vector<16xf32>
      %swap3A_1241 = vector.shape_cast %get3A_1234 : vector<16xf32> to vector<1x1x16xf32>
      tpu.vector_store %arg6[%swap3A_1236, %swap3A_1237, %swap3A_1238], %swap3A_1241 {add = true, strides = array<i32>} : memref<2x256x128xf32, #tpu.memory_space<vmem>>, vector<1x1x16xf32>,
      %add3A_1242 = arith.constant 7 : i32
      %add3A_1243 = arith.addi %mul3A_343, %add3A_1242 : i32
      %add3A_1244 = arith.constant 7 : i32
      %add3A_1245 = arith.addi %mul3A_343, %add3A_1244 : i32
      %get3A_1246 = arith.index_cast %add3A_1245 : i32 to index
      %get3A_1247 = arith.constant 64 : index
      %get3A_1248 = tpu.vector_load %arg5[%get3A_1246, %get3A_1247] {strides = array<i32>} : memref<256x128xf32, #tpu.memory_space<vmem>>, vector<1x16xf32>,
      %get3A_1249 = vector.shape_cast %get3A_1248 : vector<1x16xf32> to vector<16xf32>
      %swap3A_1250 = arith.constant 0 : i32
      %swap3A_1251 = arith.index_cast %swap3A_1250 : i32 to index
      %swap3A_1252 = arith.index_cast %add3A_1243 : i32 to index
      %swap3A_1253 = arith.constant 64 : index
      %swap3A_1254 = tpu.vector_load %arg6[%swap3A_1251, %swap3A_1252, %swap3A_1253] {strides = array<i32>} : memref<2x256x128xf32, #tpu.memory_space<vmem>>, vector<1x1x16xf32>,
      %swap3A_1255 = vector.shape_cast %swap3A_1254 : vector<1x1x16xf32> to vector<16xf32>
      %swap3A_1256 = vector.shape_cast %get3A_1249 : vector<16xf32> to vector<1x1x16xf32>
      tpu.vector_store %arg6[%swap3A_1251, %swap3A_1252, %swap3A_1253], %swap3A_1256 {add = true, strides = array<i32>} : memref<2x256x128xf32, #tpu.memory_space<vmem>>, vector<1x1x16xf32>,
      %add3A_1257 = arith.constant 7 : i32
      %add3A_1258 = arith.addi %mul3A_343, %add3A_1257 : i32
      %add3A_1259 = arith.constant 7 : i32
      %add3A_1260 = arith.addi %mul3A_343, %add3A_1259 : i32
      %get3A_1261 = arith.index_cast %add3A_1260 : i32 to index
      %get3A_1262 = arith.constant 80 : index
      %get3A_1263 = tpu.vector_load %arg5[%get3A_1261, %get3A_1262] {strides = array<i32>} : memref<256x128xf32, #tpu.memory_space<vmem>>, vector<1x16xf32>,
      %get3A_1264 = vector.shape_cast %get3A_1263 : vector<1x16xf32> to vector<16xf32>
      %swap3A_1265 = arith.constant 0 : i32
      %swap3A_1266 = arith.index_cast %swap3A_1265 : i32 to index
      %swap3A_1267 = arith.index_cast %add3A_1258 : i32 to index
      %swap3A_1268 = arith.constant 80 : index
      %swap3A_1269 = tpu.vector_load %arg6[%swap3A_1266, %swap3A_1267, %swap3A_1268] {strides = array<i32>} : memref<2x256x128xf32, #tpu.memory_space<vmem>>, vector<1x1x16xf32>,
      %swap3A_1270 = vector.shape_cast %swap3A_1269 : vector<1x1x16xf32> to vector<16xf32>
      %swap3A_1271 = vector.shape_cast %get3A_1264 : vector<16xf32> to vector<1x1x16xf32>
      tpu.vector_store %arg6[%swap3A_1266, %swap3A_1267, %swap3A_1268], %swap3A_1271 {add = true, strides = array<i32>} : memref<2x256x128xf32, #tpu.memory_space<vmem>>, vector<1x1x16xf32>,
      %add3A_1272 = arith.constant 7 : i32
      %add3A_1273 = arith.addi %mul3A_343, %add3A_1272 : i32
      %add3A_1274 = arith.constant 7 : i32
      %add3A_1275 = arith.addi %mul3A_343, %add3A_1274 : i32
      %get3A_1276 = arith.index_cast %add3A_1275 : i32 to index
      %get3A_1277 = arith.constant 96 : index
      %get3A_1278 = tpu.vector_load %arg5[%get3A_1276, %get3A_1277] {strides = array<i32>} : memref<256x128xf32, #tpu.memory_space<vmem>>, vector<1x16xf32>,
      %get3A_1279 = vector.shape_cast %get3A_1278 : vector<1x16xf32> to vector<16xf32>
      %swap3A_1280 = arith.constant 0 : i32
      %swap3A_1281 = arith.index_cast %swap3A_1280 : i32 to index
      %swap3A_1282 = arith.index_cast %add3A_1273 : i32 to index
      %swap3A_1283 = arith.constant 96 : index
      %swap3A_1284 = tpu.vector_load %arg6[%swap3A_1281, %swap3A_1282, %swap3A_1283] {strides = array<i32>} : memref<2x256x128xf32, #tpu.memory_space<vmem>>, vector<1x1x16xf32>,
      %swap3A_1285 = vector.shape_cast %swap3A_1284 : vector<1x1x16xf32> to vector<16xf32>
      %swap3A_1286 = vector.shape_cast %get3A_1279 : vector<16xf32> to vector<1x1x16xf32>
      tpu.vector_store %arg6[%swap3A_1281, %swap3A_1282, %swap3A_1283], %swap3A_1286 {add = true, strides = array<i32>} : memref<2x256x128xf32, #tpu.memory_space<vmem>>, vector<1x1x16xf32>,
      %add3A_1287 = arith.constant 7 : i32
      %add3A_1288 = arith.addi %mul3A_343, %add3A_1287 : i32
      %add3A_1289 = arith.constant 7 : i32
      %add3A_1290 = arith.addi %mul3A_343, %add3A_1289 : i32
      %get3A_1291 = arith.index_cast %add3A_1290 : i32 to index
      %get3A_1292 = arith.constant 112 : index
      %get3A_1293 = tpu.vector_load %arg5[%get3A_1291, %get3A_1292] {strides = array<i32>} : memref<256x128xf32, #tpu.memory_space<vmem>>, vector<1x16xf32>,
      %get3A_1294 = vector.shape_cast %get3A_1293 : vector<1x16xf32> to vector<16xf32>
      %swap3A_1295 = arith.constant 0 : i32
      %swap3A_1296 = arith.index_cast %swap3A_1295 : i32 to index
      %swap3A_1297 = arith.index_cast %add3A_1288 : i32 to index
      %swap3A_1298 = arith.constant 112 : index
      %swap3A_1299 = tpu.vector_load %arg6[%swap3A_1296, %swap3A_1297, %swap3A_1298] {strides = array<i32>} : memref<2x256x128xf32, #tpu.memory_space<vmem>>, vector<1x1x16xf32>,
      %swap3A_1300 = vector.shape_cast %swap3A_1299 : vector<1x1x16xf32> to vector<16xf32>
      %swap3A_1301 = vector.shape_cast %get3A_1294 : vector<16xf32> to vector<1x1x16xf32>
      tpu.vector_store %arg6[%swap3A_1296, %swap3A_1297, %swap3A_1298], %swap3A_1301 {add = true, strides = array<i32>} : memref<2x256x128xf32, #tpu.memory_space<vmem>>, vector<1x1x16xf32>,
      %scan3A_1302 = arith.constant 0 : i32
      scf.yield %scan3A_1302 : i32
    }
    %scan3A_71 = arith.constant 32 : i32
    %dma_start3A_72 = arith.constant 0 : i32
    %dma_start3A_73 = arith.constant 0 : i32
    %dma_start3A_74 = arith.constant 0 : i32
    %dma_start3A_75 = arith.constant 0 : i32
    %dma_start3A_76 = arith.constant 0 : i32
    %dma_start3A_77 = tpu.memref_slice %arg6[%dma_start3A_72, %dma_start3A_75, %dma_start3A_76] : memref<2x256x128xf32, #tpu.memory_space<vmem>> -> memref<1x256x128xf32, #tpu.memory_space<vmem>>
    %dma_start3A_78 = tpu.memref_squeeze %dma_start3A_77 : memref<1x256x128xf32, #tpu.memory_space<vmem>> -> memref<256x128xf32, #tpu.memory_space<vmem>>
    %dma_start3A_79 = arith.constant 0 : i32
    %dma_start3A_80 = tpu.memref_slice %arg4[%dma_start3A_73, %mul3A_2, %dma_start3A_79] : memref<4x8192x128xf32, #tpu.memory_space<hbm>> -> memref<1x256x128xf32, #tpu.memory_space<hbm>>
    %dma_start3A_81 = tpu.memref_squeeze %dma_start3A_80 : memref<1x256x128xf32, #tpu.memory_space<hbm>> -> memref<256x128xf32, #tpu.memory_space<hbm>>
    %dma_start3A_82 = tpu.memref_slice %arg9[%dma_start3A_74] : memref<2x!tpu.dma_semaphore, #tpu.memory_space<semaphore_mem>> -> memref<1x!tpu.dma_semaphore, #tpu.memory_space<semaphore_mem>>
    %dma_start3A_83 = tpu.memref_squeeze %dma_start3A_82 : memref<1x!tpu.dma_semaphore, #tpu.memory_space<semaphore_mem>> -> memref<!tpu.dma_semaphore, #tpu.memory_space<semaphore_mem>>
    %dma_start3A_84 = arith.constant 0 : i32
    %dma_start3A_85 = tpu.memref_slice %arg4[%dma_start3A_73, %mul3A_2, %dma_start3A_84] : memref<4x8192x128xf32, #tpu.memory_space<hbm>> -> memref<1x256x128xf32, #tpu.memory_space<hbm>>
    %dma_start3A_86 = tpu.memref_squeeze %dma_start3A_85 : memref<1x256x128xf32, #tpu.memory_space<hbm>> -> memref<256x128xf32, #tpu.memory_space<hbm>>
    %dma_start3A_87 = arith.constant 0 : i32
    %dma_start3A_88 = arith.constant 0 : i32
    %dma_start3A_89 = tpu.memref_slice %arg6[%dma_start3A_72, %dma_start3A_87, %dma_start3A_88] : memref<2x256x128xf32, #tpu.memory_space<vmem>> -> memref<1x256x128xf32, #tpu.memory_space<vmem>>
    %dma_start3A_90 = tpu.memref_squeeze %dma_start3A_89 : memref<1x256x128xf32, #tpu.memory_space<vmem>> -> memref<256x128xf32, #tpu.memory_space<vmem>>
    tpu.enqueue_dma source(%dma_start3A_90 : memref<256x128xf32, #tpu.memory_space<vmem>>) target(%dma_start3A_86 : memref<256x128xf32, #tpu.memory_space<hbm>>) target_semaphore(%dma_start3A_83 : memref<!tpu.dma_semaphore, #tpu.memory_space<semaphore_mem>>)
    %dma_wait3A_91 = arith.constant 0 : i32
    %dma_wait3A_92 = arith.constant 0 : i32
    %dma_wait3A_93 = arith.constant 0 : i32
    %dma_wait3A_94 = arith.constant 0 : i32
    %dma_wait3A_95 = arith.constant 0 : i32
    %dma_wait3A_96 = tpu.memref_slice %arg6[%dma_wait3A_91, %dma_wait3A_94, %dma_wait3A_95] : memref<2x256x128xf32, #tpu.memory_space<vmem>> -> memref<1x256x128xf32, #tpu.memory_space<vmem>>
    %dma_wait3A_97 = tpu.memref_squeeze %dma_wait3A_96 : memref<1x256x128xf32, #tpu.memory_space<vmem>> -> memref<256x128xf32, #tpu.memory_space<vmem>>
    %dma_wait3A_98 = arith.constant 0 : i32
    %dma_wait3A_99 = tpu.memref_slice %arg4[%dma_wait3A_92, %mul3A_2, %dma_wait3A_98] : memref<4x8192x128xf32, #tpu.memory_space<hbm>> -> memref<1x256x128xf32, #tpu.memory_space<hbm>>
    %dma_wait3A_100 = tpu.memref_squeeze %dma_wait3A_99 : memref<1x256x128xf32, #tpu.memory_space<hbm>> -> memref<256x128xf32, #tpu.memory_space<hbm>>
    %dma_wait3A_101 = tpu.memref_slice %arg9[%dma_wait3A_93] : memref<2x!tpu.dma_semaphore, #tpu.memory_space<semaphore_mem>> -> memref<1x!tpu.dma_semaphore, #tpu.memory_space<semaphore_mem>>
    %dma_wait3A_102 = tpu.memref_squeeze %dma_wait3A_101 : memref<1x!tpu.dma_semaphore, #tpu.memory_space<semaphore_mem>> -> memref<!tpu.dma_semaphore, #tpu.memory_space<semaphore_mem>>
    %dma_wait3A_103 = arith.constant 0 : i32
    %dma_wait3A_104 = tpu.memref_slice %arg4[%dma_wait3A_92, %mul3A_2, %dma_wait3A_103] : memref<4x8192x128xf32, #tpu.memory_space<hbm>> -> memref<1x256x128xf32, #tpu.memory_space<hbm>>
    %dma_wait3A_105 = tpu.memref_squeeze %dma_wait3A_104 : memref<1x256x128xf32, #tpu.memory_space<hbm>> -> memref<256x128xf32, #tpu.memory_space<hbm>>
    %dma_wait3A_106 = arith.constant 0 : i32
    %dma_wait3A_107 = arith.constant 0 : i32
    %dma_wait3A_108 = tpu.memref_slice %arg6[%dma_wait3A_91, %dma_wait3A_106, %dma_wait3A_107] : memref<2x256x128xf32, #tpu.memory_space<vmem>> -> memref<1x256x128xf32, #tpu.memory_space<vmem>>
    %dma_wait3A_109 = tpu.memref_squeeze %dma_wait3A_108 : memref<1x256x128xf32, #tpu.memory_space<vmem>> -> memref<256x128xf32, #tpu.memory_space<vmem>>
    tpu.wait_dma2 semaphore(%dma_wait3A_102 : memref<!tpu.dma_semaphore, #tpu.memory_space<semaphore_mem>>) src(%dma_wait3A_109 : memref<256x128xf32, #tpu.memory_space<vmem>>) dst(%dma_wait3A_105 : memref<256x128xf32, #tpu.memory_space<hbm>>)
    %dma_start3A_110 = arith.constant 2 : i32
    %dma_start3A_111 = arith.constant 0 : i32
    %dma_start3A_112 = arith.constant 0 : i32
    %dma_start3A_113 = arith.constant 0 : i32
    %dma_start3A_114 = arith.constant 0 : i32
    %dma_start3A_115 = tpu.memref_slice %arg6[%dma_start3A_111, %dma_start3A_113, %dma_start3A_114] : memref<2x256x128xf32, #tpu.memory_space<vmem>> -> memref<1x256x128xf32, #tpu.memory_space<vmem>>
    %dma_start3A_116 = tpu.memref_squeeze %dma_start3A_115 : memref<1x256x128xf32, #tpu.memory_space<vmem>> -> memref<256x128xf32, #tpu.memory_space<vmem>>
    %dma_start3A_117 = arith.constant 0 : i32
    %dma_start3A_118 = tpu.memref_slice %arg2[%dma_start3A_110, %mul3A_2, %dma_start3A_117] : memref<4x8192x128xf32, #tpu.memory_space<hbm>> -> memref<1x256x128xf32, #tpu.memory_space<hbm>>
    %dma_start3A_119 = tpu.memref_squeeze %dma_start3A_118 : memref<1x256x128xf32, #tpu.memory_space<hbm>> -> memref<256x128xf32, #tpu.memory_space<hbm>>
    %dma_start3A_120 = tpu.memref_slice %arg8[%dma_start3A_112] : memref<2x!tpu.dma_semaphore, #tpu.memory_space<semaphore_mem>> -> memref<1x!tpu.dma_semaphore, #tpu.memory_space<semaphore_mem>>
    %dma_start3A_121 = tpu.memref_squeeze %dma_start3A_120 : memref<1x!tpu.dma_semaphore, #tpu.memory_space<semaphore_mem>> -> memref<!tpu.dma_semaphore, #tpu.memory_space<semaphore_mem>>
    %dma_start3A_122 = arith.constant 0 : i32
    %dma_start3A_123 = arith.constant 0 : i32
    %dma_start3A_124 = tpu.memref_slice %arg6[%dma_start3A_111, %dma_start3A_122, %dma_start3A_123] : memref<2x256x128xf32, #tpu.memory_space<vmem>> -> memref<1x256x128xf32, #tpu.memory_space<vmem>>
    %dma_start3A_125 = tpu.memref_squeeze %dma_start3A_124 : memref<1x256x128xf32, #tpu.memory_space<vmem>> -> memref<256x128xf32, #tpu.memory_space<vmem>>
    %dma_start3A_126 = arith.constant 0 : i32
    %dma_start3A_127 = tpu.memref_slice %arg2[%dma_start3A_110, %mul3A_2, %dma_start3A_126] : memref<4x8192x128xf32, #tpu.memory_space<hbm>> -> memref<1x256x128xf32, #tpu.memory_space<hbm>>
    %dma_start3A_128 = tpu.memref_squeeze %dma_start3A_127 : memref<1x256x128xf32, #tpu.memory_space<hbm>> -> memref<256x128xf32, #tpu.memory_space<hbm>>
    tpu.enqueue_dma source(%dma_start3A_128 : memref<256x128xf32, #tpu.memory_space<hbm>>) target(%dma_start3A_125 : memref<256x128xf32, #tpu.memory_space<vmem>>) target_semaphore(%dma_start3A_121 : memref<!tpu.dma_semaphore, #tpu.memory_space<semaphore_mem>>)
    %dma_wait3A_129 = arith.constant 1 : i32
    %dma_wait3A_130 = arith.constant 1 : i32
    %dma_wait3A_131 = arith.constant 1 : i32
    %dma_wait3A_132 = arith.constant 0 : i32
    %dma_wait3A_133 = arith.constant 0 : i32
    %dma_wait3A_134 = tpu.memref_slice %arg6[%dma_wait3A_130, %dma_wait3A_132, %dma_wait3A_133] : memref<2x256x128xf32, #tpu.memory_space<vmem>> -> memref<1x256x128xf32, #tpu.memory_space<vmem>>
    %dma_wait3A_135 = tpu.memref_squeeze %dma_wait3A_134 : memref<1x256x128xf32, #tpu.memory_space<vmem>> -> memref<256x128xf32, #tpu.memory_space<vmem>>
    %dma_wait3A_136 = arith.constant 0 : i32
    %dma_wait3A_137 = tpu.memref_slice %arg2[%dma_wait3A_129, %mul3A_2, %dma_wait3A_136] : memref<4x8192x128xf32, #tpu.memory_space<hbm>> -> memref<1x256x128xf32, #tpu.memory_space<hbm>>
    %dma_wait3A_138 = tpu.memref_squeeze %dma_wait3A_137 : memref<1x256x128xf32, #tpu.memory_space<hbm>> -> memref<256x128xf32, #tpu.memory_space<hbm>>
    %dma_wait3A_139 = tpu.memref_slice %arg8[%dma_wait3A_131] : memref<2x!tpu.dma_semaphore, #tpu.memory_space<semaphore_mem>> -> memref<1x!tpu.dma_semaphore, #tpu.memory_space<semaphore_mem>>
    %dma_wait3A_140 = tpu.memref_squeeze %dma_wait3A_139 : memref<1x!tpu.dma_semaphore, #tpu.memory_space<semaphore_mem>> -> memref<!tpu.dma_semaphore, #tpu.memory_space<semaphore_mem>>
    %dma_wait3A_141 = arith.constant 0 : i32
    %dma_wait3A_142 = arith.constant 0 : i32
    %dma_wait3A_143 = tpu.memref_slice %arg6[%dma_wait3A_130, %dma_wait3A_141, %dma_wait3A_142] : memref<2x256x128xf32, #tpu.memory_space<vmem>> -> memref<1x256x128xf32, #tpu.memory_space<vmem>>
    %dma_wait3A_144 = tpu.memref_squeeze %dma_wait3A_143 : memref<1x256x128xf32, #tpu.memory_space<vmem>> -> memref<256x128xf32, #tpu.memory_space<vmem>>
    %dma_wait3A_145 = arith.constant 0 : i32
    %dma_wait3A_146 = tpu.memref_slice %arg2[%dma_wait3A_129, %mul3A_2, %dma_wait3A_145] : memref<4x8192x128xf32, #tpu.memory_space<hbm>> -> memref<1x256x128xf32, #tpu.memory_space<hbm>>
    %dma_wait3A_147 = tpu.memref_squeeze %dma_wait3A_146 : memref<1x256x128xf32, #tpu.memory_space<hbm>> -> memref<256x128xf32, #tpu.memory_space<hbm>>
    tpu.wait_dma2 semaphore(%dma_wait3A_140 : memref<!tpu.dma_semaphore, #tpu.memory_space<semaphore_mem>>) src(%dma_wait3A_147 : memref<256x128xf32, #tpu.memory_space<hbm>>) dst(%dma_wait3A_144 : memref<256x128xf32, #tpu.memory_space<vmem>>)
    %scan3A_148 = arith.constant 0 : i32
    %scan3A_149 = arith.constant 0 : i32
    %scan3A_150 = arith.constant 32 : i32
    %scan3A_151 = arith.addi %scan3A_149, %scan3A_150 : i32
    %scan3A_152 = arith.constant 1 : i32
    %scan3A_153 = scf.for %scan3A_340 = %scan3A_149 to %scan3A_151 step %scan3A_152 iter_args(%scan3A_341 = %scan3A_148) -> (i32)  : i32 {
      %mul3A_342 = arith.constant 8 : i32
      %mul3A_343 = arith.muli %scan3A_340, %mul3A_342 : i32
      %add3A_344 = arith.constant 0 : i32
      %add3A_345 = arith.addi %mul3A_343, %add3A_344 : i32
      %add3A_346 = arith.constant 0 : i32
      %add3A_347 = arith.addi %mul3A_343, %add3A_346 : i32
      %get3A = arith.index_cast %add3A_347 : i32 to index
      %get3A_348 = arith.constant 0 : index
      %get3A_349 = tpu.vector_load %arg5[%get3A, %get3A_348] {strides = array<i32>} : memref<256x128xf32, #tpu.memory_space<vmem>>, vector<1x16xf32>,
      %get3A_350 = vector.shape_cast %get3A_349 : vector<1x16xf32> to vector<16xf32>
      %swap3A = arith.constant 1 : i32
      %swap3A_351 = arith.index_cast %swap3A : i32 to index
      %swap3A_352 = arith.index_cast %add3A_345 : i32 to index
      %swap3A_353 = arith.constant 0 : index
      %swap3A_354 = tpu.vector_load %arg6[%swap3A_351, %swap3A_352, %swap3A_353] {strides = array<i32>} : memref<2x256x128xf32, #tpu.memory_space<vmem>>, vector<1x1x16xf32>,
      %swap3A_355 = vector.shape_cast %swap3A_354 : vector<1x1x16xf32> to vector<16xf32>
      %swap3A_356 = vector.shape_cast %get3A_350 : vector<16xf32> to vector<1x1x16xf32>
      tpu.vector_store %arg6[%swap3A_351, %swap3A_352, %swap3A_353], %swap3A_356 {add = true, strides = array<i32>} : memref<2x256x128xf32, #tpu.memory_space<vmem>>, vector<1x1x16xf32>,
      %add3A_357 = arith.constant 0 : i32
      %add3A_358 = arith.addi %mul3A_343, %add3A_357 : i32
      %add3A_359 = arith.constant 0 : i32
      %add3A_360 = arith.addi %mul3A_343, %add3A_359 : i32
      %get3A_361 = arith.index_cast %add3A_360 : i32 to index
      %get3A_362 = arith.constant 16 : index
      %get3A_363 = tpu.vector_load %arg5[%get3A_361, %get3A_362] {strides = array<i32>} : memref<256x128xf32, #tpu.memory_space<vmem>>, vector<1x16xf32>,
      %get3A_364 = vector.shape_cast %get3A_363 : vector<1x16xf32> to vector<16xf32>
      %swap3A_365 = arith.constant 1 : i32
      %swap3A_366 = arith.index_cast %swap3A_365 : i32 to index
      %swap3A_367 = arith.index_cast %add3A_358 : i32 to index
      %swap3A_368 = arith.constant 16 : index
      %swap3A_369 = tpu.vector_load %arg6[%swap3A_366, %swap3A_367, %swap3A_368] {strides = array<i32>} : memref<2x256x128xf32, #tpu.memory_space<vmem>>, vector<1x1x16xf32>,
      %swap3A_370 = vector.shape_cast %swap3A_369 : vector<1x1x16xf32> to vector<16xf32>
      %swap3A_371 = vector.shape_cast %get3A_364 : vector<16xf32> to vector<1x1x16xf32>
      tpu.vector_store %arg6[%swap3A_366, %swap3A_367, %swap3A_368], %swap3A_371 {add = true, strides = array<i32>} : memref<2x256x128xf32, #tpu.memory_space<vmem>>, vector<1x1x16xf32>,
      %add3A_372 = arith.constant 0 : i32
      %add3A_373 = arith.addi %mul3A_343, %add3A_372 : i32
      %add3A_374 = arith.constant 0 : i32
      %add3A_375 = arith.addi %mul3A_343, %add3A_374 : i32
      %get3A_376 = arith.index_cast %add3A_375 : i32 to index
      %get3A_377 = arith.constant 32 : index
      %get3A_378 = tpu.vector_load %arg5[%get3A_376, %get3A_377] {strides = array<i32>} : memref<256x128xf32, #tpu.memory_space<vmem>>, vector<1x16xf32>,
      %get3A_379 = vector.shape_cast %get3A_378 : vector<1x16xf32> to vector<16xf32>
      %swap3A_380 = arith.constant 1 : i32
      %swap3A_381 = arith.index_cast %swap3A_380 : i32 to index
      %swap3A_382 = arith.index_cast %add3A_373 : i32 to index
      %swap3A_383 = arith.constant 32 : index
      %swap3A_384 = tpu.vector_load %arg6[%swap3A_381, %swap3A_382, %swap3A_383] {strides = array<i32>} : memref<2x256x128xf32, #tpu.memory_space<vmem>>, vector<1x1x16xf32>,
      %swap3A_385 = vector.shape_cast %swap3A_384 : vector<1x1x16xf32> to vector<16xf32>
      %swap3A_386 = vector.shape_cast %get3A_379 : vector<16xf32> to vector<1x1x16xf32>
      tpu.vector_store %arg6[%swap3A_381, %swap3A_382, %swap3A_383], %swap3A_386 {add = true, strides = array<i32>} : memref<2x256x128xf32, #tpu.memory_space<vmem>>, vector<1x1x16xf32>,
      %add3A_387 = arith.constant 0 : i32
      %add3A_388 = arith.addi %mul3A_343, %add3A_387 : i32
      %add3A_389 = arith.constant 0 : i32
      %add3A_390 = arith.addi %mul3A_343, %add3A_389 : i32
      %get3A_391 = arith.index_cast %add3A_390 : i32 to index
      %get3A_392 = arith.constant 48 : index
      %get3A_393 = tpu.vector_load %arg5[%get3A_391, %get3A_392] {strides = array<i32>} : memref<256x128xf32, #tpu.memory_space<vmem>>, vector<1x16xf32>,
      %get3A_394 = vector.shape_cast %get3A_393 : vector<1x16xf32> to vector<16xf32>
      %swap3A_395 = arith.constant 1 : i32
      %swap3A_396 = arith.index_cast %swap3A_395 : i32 to index
      %swap3A_397 = arith.index_cast %add3A_388 : i32 to index
      %swap3A_398 = arith.constant 48 : index
      %swap3A_399 = tpu.vector_load %arg6[%swap3A_396, %swap3A_397, %swap3A_398] {strides = array<i32>} : memref<2x256x128xf32, #tpu.memory_space<vmem>>, vector<1x1x16xf32>,
      %swap3A_400 = vector.shape_cast %swap3A_399 : vector<1x1x16xf32> to vector<16xf32>
      %swap3A_401 = vector.shape_cast %get3A_394 : vector<16xf32> to vector<1x1x16xf32>
      tpu.vector_store %arg6[%swap3A_396, %swap3A_397, %swap3A_398], %swap3A_401 {add = true, strides = array<i32>} : memref<2x256x128xf32, #tpu.memory_space<vmem>>, vector<1x1x16xf32>,
      %add3A_402 = arith.constant 0 : i32
      %add3A_403 = arith.addi %mul3A_343, %add3A_402 : i32
      %add3A_404 = arith.constant 0 : i32
      %add3A_405 = arith.addi %mul3A_343, %add3A_404 : i32
      %get3A_406 = arith.index_cast %add3A_405 : i32 to index
      %get3A_407 = arith.constant 64 : index
      %get3A_408 = tpu.vector_load %arg5[%get3A_406, %get3A_407] {strides = array<i32>} : memref<256x128xf32, #tpu.memory_space<vmem>>, vector<1x16xf32>,
      %get3A_409 = vector.shape_cast %get3A_408 : vector<1x16xf32> to vector<16xf32>
      %swap3A_410 = arith.constant 1 : i32
      %swap3A_411 = arith.index_cast %swap3A_410 : i32 to index
      %swap3A_412 = arith.index_cast %add3A_403 : i32 to index
      %swap3A_413 = arith.constant 64 : index
      %swap3A_414 = tpu.vector_load %arg6[%swap3A_411, %swap3A_412, %swap3A_413] {strides = array<i32>} : memref<2x256x128xf32, #tpu.memory_space<vmem>>, vector<1x1x16xf32>,
      %swap3A_415 = vector.shape_cast %swap3A_414 : vector<1x1x16xf32> to vector<16xf32>
      %swap3A_416 = vector.shape_cast %get3A_409 : vector<16xf32> to vector<1x1x16xf32>
      tpu.vector_store %arg6[%swap3A_411, %swap3A_412, %swap3A_413], %swap3A_416 {add = true, strides = array<i32>} : memref<2x256x128xf32, #tpu.memory_space<vmem>>, vector<1x1x16xf32>,
      %add3A_417 = arith.constant 0 : i32
      %add3A_418 = arith.addi %mul3A_343, %add3A_417 : i32
      %add3A_419 = arith.constant 0 : i32
      %add3A_420 = arith.addi %mul3A_343, %add3A_419 : i32
      %get3A_421 = arith.index_cast %add3A_420 : i32 to index
      %get3A_422 = arith.constant 80 : index
      %get3A_423 = tpu.vector_load %arg5[%get3A_421, %get3A_422] {strides = array<i32>} : memref<256x128xf32, #tpu.memory_space<vmem>>, vector<1x16xf32>,
      %get3A_424 = vector.shape_cast %get3A_423 : vector<1x16xf32> to vector<16xf32>
      %swap3A_425 = arith.constant 1 : i32
      %swap3A_426 = arith.index_cast %swap3A_425 : i32 to index
      %swap3A_427 = arith.index_cast %add3A_418 : i32 to index
      %swap3A_428 = arith.constant 80 : index
      %swap3A_429 = tpu.vector_load %arg6[%swap3A_426, %swap3A_427, %swap3A_428] {strides = array<i32>} : memref<2x256x128xf32, #tpu.memory_space<vmem>>, vector<1x1x16xf32>,
      %swap3A_430 = vector.shape_cast %swap3A_429 : vector<1x1x16xf32> to vector<16xf32>
      %swap3A_431 = vector.shape_cast %get3A_424 : vector<16xf32> to vector<1x1x16xf32>
      tpu.vector_store %arg6[%swap3A_426, %swap3A_427, %swap3A_428], %swap3A_431 {add = true, strides = array<i32>} : memref<2x256x128xf32, #tpu.memory_space<vmem>>, vector<1x1x16xf32>,
      %add3A_432 = arith.constant 0 : i32
      %add3A_433 = arith.addi %mul3A_343, %add3A_432 : i32
      %add3A_434 = arith.constant 0 : i32
      %add3A_435 = arith.addi %mul3A_343, %add3A_434 : i32
      %get3A_436 = arith.index_cast %add3A_435 : i32 to index
      %get3A_437 = arith.constant 96 : index
      %get3A_438 = tpu.vector_load %arg5[%get3A_436, %get3A_437] {strides = array<i32>} : memref<256x128xf32, #tpu.memory_space<vmem>>, vector<1x16xf32>,
      %get3A_439 = vector.shape_cast %get3A_438 : vector<1x16xf32> to vector<16xf32>
      %swap3A_440 = arith.constant 1 : i32
      %swap3A_441 = arith.index_cast %swap3A_440 : i32 to index
      %swap3A_442 = arith.index_cast %add3A_433 : i32 to index
      %swap3A_443 = arith.constant 96 : index
      %swap3A_444 = tpu.vector_load %arg6[%swap3A_441, %swap3A_442, %swap3A_443] {strides = array<i32>} : memref<2x256x128xf32, #tpu.memory_space<vmem>>, vector<1x1x16xf32>,
      %swap3A_445 = vector.shape_cast %swap3A_444 : vector<1x1x16xf32> to vector<16xf32>
      %swap3A_446 = vector.shape_cast %get3A_439 : vector<16xf32> to vector<1x1x16xf32>
      tpu.vector_store %arg6[%swap3A_441, %swap3A_442, %swap3A_443], %swap3A_446 {add = true, strides = array<i32>} : memref<2x256x128xf32, #tpu.memory_space<vmem>>, vector<1x1x16xf32>,
      %add3A_447 = arith.constant 0 : i32
      %add3A_448 = arith.addi %mul3A_343, %add3A_447 : i32
      %add3A_449 = arith.constant 0 : i32
      %add3A_450 = arith.addi %mul3A_343, %add3A_449 : i32
      %get3A_451 = arith.index_cast %add3A_450 : i32 to index
      %get3A_452 = arith.constant 112 : index
      %get3A_453 = tpu.vector_load %arg5[%get3A_451, %get3A_452] {strides = array<i32>} : memref<256x128xf32, #tpu.memory_space<vmem>>, vector<1x16xf32>,
      %get3A_454 = vector.shape_cast %get3A_453 : vector<1x16xf32> to vector<16xf32>
      %swap3A_455 = arith.constant 1 : i32
      %swap3A_456 = arith.index_cast %swap3A_455 : i32 to index
      %swap3A_457 = arith.index_cast %add3A_448 : i32 to index
      %swap3A_458 = arith.constant 112 : index
      %swap3A_459 = tpu.vector_load %arg6[%swap3A_456, %swap3A_457, %swap3A_458] {strides = array<i32>} : memref<2x256x128xf32, #tpu.memory_space<vmem>>, vector<1x1x16xf32>,
      %swap3A_460 = vector.shape_cast %swap3A_459 : vector<1x1x16xf32> to vector<16xf32>
      %swap3A_461 = vector.shape_cast %get3A_454 : vector<16xf32> to vector<1x1x16xf32>
      tpu.vector_store %arg6[%swap3A_456, %swap3A_457, %swap3A_458], %swap3A_461 {add = true, strides = array<i32>} : memref<2x256x128xf32, #tpu.memory_space<vmem>>, vector<1x1x16xf32>,
      %add3A_462 = arith.constant 1 : i32
      %add3A_463 = arith.addi %mul3A_343, %add3A_462 : i32
      %add3A_464 = arith.constant 1 : i32
      %add3A_465 = arith.addi %mul3A_343, %add3A_464 : i32
      %get3A_466 = arith.index_cast %add3A_465 : i32 to index
      %get3A_467 = arith.constant 0 : index
      %get3A_468 = tpu.vector_load %arg5[%get3A_466, %get3A_467] {strides = array<i32>} : memref<256x128xf32, #tpu.memory_space<vmem>>, vector<1x16xf32>,
      %get3A_469 = vector.shape_cast %get3A_468 : vector<1x16xf32> to vector<16xf32>
      %swap3A_470 = arith.constant 1 : i32
      %swap3A_471 = arith.index_cast %swap3A_470 : i32 to index
      %swap3A_472 = arith.index_cast %add3A_463 : i32 to index
      %swap3A_473 = arith.constant 0 : index
      %swap3A_474 = tpu.vector_load %arg6[%swap3A_471, %swap3A_472, %swap3A_473] {strides = array<i32>} : memref<2x256x128xf32, #tpu.memory_space<vmem>>, vector<1x1x16xf32>,
      %swap3A_475 = vector.shape_cast %swap3A_474 : vector<1x1x16xf32> to vector<16xf32>
      %swap3A_476 = vector.shape_cast %get3A_469 : vector<16xf32> to vector<1x1x16xf32>
      tpu.vector_store %arg6[%swap3A_471, %swap3A_472, %swap3A_473], %swap3A_476 {add = true, strides = array<i32>} : memref<2x256x128xf32, #tpu.memory_space<vmem>>, vector<1x1x16xf32>,
      %add3A_477 = arith.constant 1 : i32
      %add3A_478 = arith.addi %mul3A_343, %add3A_477 : i32
      %add3A_479 = arith.constant 1 : i32
      %add3A_480 = arith.addi %mul3A_343, %add3A_479 : i32
      %get3A_481 = arith.index_cast %add3A_480 : i32 to index
      %get3A_482 = arith.constant 16 : index
      %get3A_483 = tpu.vector_load %arg5[%get3A_481, %get3A_482] {strides = array<i32>} : memref<256x128xf32, #tpu.memory_space<vmem>>, vector<1x16xf32>,
      %get3A_484 = vector.shape_cast %get3A_483 : vector<1x16xf32> to vector<16xf32>
      %swap3A_485 = arith.constant 1 : i32
      %swap3A_486 = arith.index_cast %swap3A_485 : i32 to index
      %swap3A_487 = arith.index_cast %add3A_478 : i32 to index
      %swap3A_488 = arith.constant 16 : index
      %swap3A_489 = tpu.vector_load %arg6[%swap3A_486, %swap3A_487, %swap3A_488] {strides = array<i32>} : memref<2x256x128xf32, #tpu.memory_space<vmem>>, vector<1x1x16xf32>,
      %swap3A_490 = vector.shape_cast %swap3A_489 : vector<1x1x16xf32> to vector<16xf32>
      %swap3A_491 = vector.shape_cast %get3A_484 : vector<16xf32> to vector<1x1x16xf32>
      tpu.vector_store %arg6[%swap3A_486, %swap3A_487, %swap3A_488], %swap3A_491 {add = true, strides = array<i32>} : memref<2x256x128xf32, #tpu.memory_space<vmem>>, vector<1x1x16xf32>,
      %add3A_492 = arith.constant 1 : i32
      %add3A_493 = arith.addi %mul3A_343, %add3A_492 : i32
      %add3A_494 = arith.constant 1 : i32
      %add3A_495 = arith.addi %mul3A_343, %add3A_494 : i32
      %get3A_496 = arith.index_cast %add3A_495 : i32 to index
      %get3A_497 = arith.constant 32 : index
      %get3A_498 = tpu.vector_load %arg5[%get3A_496, %get3A_497] {strides = array<i32>} : memref<256x128xf32, #tpu.memory_space<vmem>>, vector<1x16xf32>,
      %get3A_499 = vector.shape_cast %get3A_498 : vector<1x16xf32> to vector<16xf32>
      %swap3A_500 = arith.constant 1 : i32
      %swap3A_501 = arith.index_cast %swap3A_500 : i32 to index
      %swap3A_502 = arith.index_cast %add3A_493 : i32 to index
      %swap3A_503 = arith.constant 32 : index
      %swap3A_504 = tpu.vector_load %arg6[%swap3A_501, %swap3A_502, %swap3A_503] {strides = array<i32>} : memref<2x256x128xf32, #tpu.memory_space<vmem>>, vector<1x1x16xf32>,
      %swap3A_505 = vector.shape_cast %swap3A_504 : vector<1x1x16xf32> to vector<16xf32>
      %swap3A_506 = vector.shape_cast %get3A_499 : vector<16xf32> to vector<1x1x16xf32>
      tpu.vector_store %arg6[%swap3A_501, %swap3A_502, %swap3A_503], %swap3A_506 {add = true, strides = array<i32>} : memref<2x256x128xf32, #tpu.memory_space<vmem>>, vector<1x1x16xf32>,
      %add3A_507 = arith.constant 1 : i32
      %add3A_508 = arith.addi %mul3A_343, %add3A_507 : i32
      %add3A_509 = arith.constant 1 : i32
      %add3A_510 = arith.addi %mul3A_343, %add3A_509 : i32
      %get3A_511 = arith.index_cast %add3A_510 : i32 to index
      %get3A_512 = arith.constant 48 : index
      %get3A_513 = tpu.vector_load %arg5[%get3A_511, %get3A_512] {strides = array<i32>} : memref<256x128xf32, #tpu.memory_space<vmem>>, vector<1x16xf32>,
      %get3A_514 = vector.shape_cast %get3A_513 : vector<1x16xf32> to vector<16xf32>
      %swap3A_515 = arith.constant 1 : i32
      %swap3A_516 = arith.index_cast %swap3A_515 : i32 to index
      %swap3A_517 = arith.index_cast %add3A_508 : i32 to index
      %swap3A_518 = arith.constant 48 : index
      %swap3A_519 = tpu.vector_load %arg6[%swap3A_516, %swap3A_517, %swap3A_518] {strides = array<i32>} : memref<2x256x128xf32, #tpu.memory_space<vmem>>, vector<1x1x16xf32>,
      %swap3A_520 = vector.shape_cast %swap3A_519 : vector<1x1x16xf32> to vector<16xf32>
      %swap3A_521 = vector.shape_cast %get3A_514 : vector<16xf32> to vector<1x1x16xf32>
      tpu.vector_store %arg6[%swap3A_516, %swap3A_517, %swap3A_518], %swap3A_521 {add = true, strides = array<i32>} : memref<2x256x128xf32, #tpu.memory_space<vmem>>, vector<1x1x16xf32>,
      %add3A_522 = arith.constant 1 : i32
      %add3A_523 = arith.addi %mul3A_343, %add3A_522 : i32
      %add3A_524 = arith.constant 1 : i32
      %add3A_525 = arith.addi %mul3A_343, %add3A_524 : i32
      %get3A_526 = arith.index_cast %add3A_525 : i32 to index
      %get3A_527 = arith.constant 64 : index
      %get3A_528 = tpu.vector_load %arg5[%get3A_526, %get3A_527] {strides = array<i32>} : memref<256x128xf32, #tpu.memory_space<vmem>>, vector<1x16xf32>,
      %get3A_529 = vector.shape_cast %get3A_528 : vector<1x16xf32> to vector<16xf32>
      %swap3A_530 = arith.constant 1 : i32
      %swap3A_531 = arith.index_cast %swap3A_530 : i32 to index
      %swap3A_532 = arith.index_cast %add3A_523 : i32 to index
      %swap3A_533 = arith.constant 64 : index
      %swap3A_534 = tpu.vector_load %arg6[%swap3A_531, %swap3A_532, %swap3A_533] {strides = array<i32>} : memref<2x256x128xf32, #tpu.memory_space<vmem>>, vector<1x1x16xf32>,
      %swap3A_535 = vector.shape_cast %swap3A_534 : vector<1x1x16xf32> to vector<16xf32>
      %swap3A_536 = vector.shape_cast %get3A_529 : vector<16xf32> to vector<1x1x16xf32>
      tpu.vector_store %arg6[%swap3A_531, %swap3A_532, %swap3A_533], %swap3A_536 {add = true, strides = array<i32>} : memref<2x256x128xf32, #tpu.memory_space<vmem>>, vector<1x1x16xf32>,
      %add3A_537 = arith.constant 1 : i32
      %add3A_538 = arith.addi %mul3A_343, %add3A_537 : i32
      %add3A_539 = arith.constant 1 : i32
      %add3A_540 = arith.addi %mul3A_343, %add3A_539 : i32
      %get3A_541 = arith.index_cast %add3A_540 : i32 to index
      %get3A_542 = arith.constant 80 : index
      %get3A_543 = tpu.vector_load %arg5[%get3A_541, %get3A_542] {strides = array<i32>} : memref<256x128xf32, #tpu.memory_space<vmem>>, vector<1x16xf32>,
      %get3A_544 = vector.shape_cast %get3A_543 : vector<1x16xf32> to vector<16xf32>
      %swap3A_545 = arith.constant 1 : i32
      %swap3A_546 = arith.index_cast %swap3A_545 : i32 to index
      %swap3A_547 = arith.index_cast %add3A_538 : i32 to index
      %swap3A_548 = arith.constant 80 : index
      %swap3A_549 = tpu.vector_load %arg6[%swap3A_546, %swap3A_547, %swap3A_548] {strides = array<i32>} : memref<2x256x128xf32, #tpu.memory_space<vmem>>, vector<1x1x16xf32>,
      %swap3A_550 = vector.shape_cast %swap3A_549 : vector<1x1x16xf32> to vector<16xf32>
      %swap3A_551 = vector.shape_cast %get3A_544 : vector<16xf32> to vector<1x1x16xf32>
      tpu.vector_store %arg6[%swap3A_546, %swap3A_547, %swap3A_548], %swap3A_551 {add = true, strides = array<i32>} : memref<2x256x128xf32, #tpu.memory_space<vmem>>, vector<1x1x16xf32>,
      %add3A_552 = arith.constant 1 : i32
      %add3A_553 = arith.addi %mul3A_343, %add3A_552 : i32
      %add3A_554 = arith.constant 1 : i32
      %add3A_555 = arith.addi %mul3A_343, %add3A_554 : i32
      %get3A_556 = arith.index_cast %add3A_555 : i32 to index
      %get3A_557 = arith.constant 96 : index
      %get3A_558 = tpu.vector_load %arg5[%get3A_556, %get3A_557] {strides = array<i32>} : memref<256x128xf32, #tpu.memory_space<vmem>>, vector<1x16xf32>,
      %get3A_559 = vector.shape_cast %get3A_558 : vector<1x16xf32> to vector<16xf32>
      %swap3A_560 = arith.constant 1 : i32
      %swap3A_561 = arith.index_cast %swap3A_560 : i32 to index
      %swap3A_562 = arith.index_cast %add3A_553 : i32 to index
      %swap3A_563 = arith.constant 96 : index
      %swap3A_564 = tpu.vector_load %arg6[%swap3A_561, %swap3A_562, %swap3A_563] {strides = array<i32>} : memref<2x256x128xf32, #tpu.memory_space<vmem>>, vector<1x1x16xf32>,
      %swap3A_565 = vector.shape_cast %swap3A_564 : vector<1x1x16xf32> to vector<16xf32>
      %swap3A_566 = vector.shape_cast %get3A_559 : vector<16xf32> to vector<1x1x16xf32>
      tpu.vector_store %arg6[%swap3A_561, %swap3A_562, %swap3A_563], %swap3A_566 {add = true, strides = array<i32>} : memref<2x256x128xf32, #tpu.memory_space<vmem>>, vector<1x1x16xf32>,
      %add3A_567 = arith.constant 1 : i32
      %add3A_568 = arith.addi %mul3A_343, %add3A_567 : i32
      %add3A_569 = arith.constant 1 : i32
      %add3A_570 = arith.addi %mul3A_343, %add3A_569 : i32
      %get3A_571 = arith.index_cast %add3A_570 : i32 to index
      %get3A_572 = arith.constant 112 : index
      %get3A_573 = tpu.vector_load %arg5[%get3A_571, %get3A_572] {strides = array<i32>} : memref<256x128xf32, #tpu.memory_space<vmem>>, vector<1x16xf32>,
      %get3A_574 = vector.shape_cast %get3A_573 : vector<1x16xf32> to vector<16xf32>
      %swap3A_575 = arith.constant 1 : i32
      %swap3A_576 = arith.index_cast %swap3A_575 : i32 to index
      %swap3A_577 = arith.index_cast %add3A_568 : i32 to index
      %swap3A_578 = arith.constant 112 : index
      %swap3A_579 = tpu.vector_load %arg6[%swap3A_576, %swap3A_577, %swap3A_578] {strides = array<i32>} : memref<2x256x128xf32, #tpu.memory_space<vmem>>, vector<1x1x16xf32>,
      %swap3A_580 = vector.shape_cast %swap3A_579 : vector<1x1x16xf32> to vector<16xf32>
      %swap3A_581 = vector.shape_cast %get3A_574 : vector<16xf32> to vector<1x1x16xf32>
      tpu.vector_store %arg6[%swap3A_576, %swap3A_577, %swap3A_578], %swap3A_581 {add = true, strides = array<i32>} : memref<2x256x128xf32, #tpu.memory_space<vmem>>, vector<1x1x16xf32>,
      %add3A_582 = arith.constant 2 : i32
      %add3A_583 = arith.addi %mul3A_343, %add3A_582 : i32
      %add3A_584 = arith.constant 2 : i32
      %add3A_585 = arith.addi %mul3A_343, %add3A_584 : i32
      %get3A_586 = arith.index_cast %add3A_585 : i32 to index
      %get3A_587 = arith.constant 0 : index
      %get3A_588 = tpu.vector_load %arg5[%get3A_586, %get3A_587] {strides = array<i32>} : memref<256x128xf32, #tpu.memory_space<vmem>>, vector<1x16xf32>,
      %get3A_589 = vector.shape_cast %get3A_588 : vector<1x16xf32> to vector<16xf32>
      %swap3A_590 = arith.constant 1 : i32
      %swap3A_591 = arith.index_cast %swap3A_590 : i32 to index
      %swap3A_592 = arith.index_cast %add3A_583 : i32 to index
      %swap3A_593 = arith.constant 0 : index
      %swap3A_594 = tpu.vector_load %arg6[%swap3A_591, %swap3A_592, %swap3A_593] {strides = array<i32>} : memref<2x256x128xf32, #tpu.memory_space<vmem>>, vector<1x1x16xf32>,
      %swap3A_595 = vector.shape_cast %swap3A_594 : vector<1x1x16xf32> to vector<16xf32>
      %swap3A_596 = vector.shape_cast %get3A_589 : vector<16xf32> to vector<1x1x16xf32>
      tpu.vector_store %arg6[%swap3A_591, %swap3A_592, %swap3A_593], %swap3A_596 {add = true, strides = array<i32>} : memref<2x256x128xf32, #tpu.memory_space<vmem>>, vector<1x1x16xf32>,
      %add3A_597 = arith.constant 2 : i32
      %add3A_598 = arith.addi %mul3A_343, %add3A_597 : i32
      %add3A_599 = arith.constant 2 : i32
      %add3A_600 = arith.addi %mul3A_343, %add3A_599 : i32
      %get3A_601 = arith.index_cast %add3A_600 : i32 to index
      %get3A_602 = arith.constant 16 : index
      %get3A_603 = tpu.vector_load %arg5[%get3A_601, %get3A_602] {strides = array<i32>} : memref<256x128xf32, #tpu.memory_space<vmem>>, vector<1x16xf32>,
      %get3A_604 = vector.shape_cast %get3A_603 : vector<1x16xf32> to vector<16xf32>
      %swap3A_605 = arith.constant 1 : i32
      %swap3A_606 = arith.index_cast %swap3A_605 : i32 to index
      %swap3A_607 = arith.index_cast %add3A_598 : i32 to index
      %swap3A_608 = arith.constant 16 : index
      %swap3A_609 = tpu.vector_load %arg6[%swap3A_606, %swap3A_607, %swap3A_608] {strides = array<i32>} : memref<2x256x128xf32, #tpu.memory_space<vmem>>, vector<1x1x16xf32>,
      %swap3A_610 = vector.shape_cast %swap3A_609 : vector<1x1x16xf32> to vector<16xf32>
      %swap3A_611 = vector.shape_cast %get3A_604 : vector<16xf32> to vector<1x1x16xf32>
      tpu.vector_store %arg6[%swap3A_606, %swap3A_607, %swap3A_608], %swap3A_611 {add = true, strides = array<i32>} : memref<2x256x128xf32, #tpu.memory_space<vmem>>, vector<1x1x16xf32>,
      %add3A_612 = arith.constant 2 : i32
      %add3A_613 = arith.addi %mul3A_343, %add3A_612 : i32
      %add3A_614 = arith.constant 2 : i32
      %add3A_615 = arith.addi %mul3A_343, %add3A_614 : i32
      %get3A_616 = arith.index_cast %add3A_615 : i32 to index
      %get3A_617 = arith.constant 32 : index
      %get3A_618 = tpu.vector_load %arg5[%get3A_616, %get3A_617] {strides = array<i32>} : memref<256x128xf32, #tpu.memory_space<vmem>>, vector<1x16xf32>,
      %get3A_619 = vector.shape_cast %get3A_618 : vector<1x16xf32> to vector<16xf32>
      %swap3A_620 = arith.constant 1 : i32
      %swap3A_621 = arith.index_cast %swap3A_620 : i32 to index
      %swap3A_622 = arith.index_cast %add3A_613 : i32 to index
      %swap3A_623 = arith.constant 32 : index
      %swap3A_624 = tpu.vector_load %arg6[%swap3A_621, %swap3A_622, %swap3A_623] {strides = array<i32>} : memref<2x256x128xf32, #tpu.memory_space<vmem>>, vector<1x1x16xf32>,
      %swap3A_625 = vector.shape_cast %swap3A_624 : vector<1x1x16xf32> to vector<16xf32>
      %swap3A_626 = vector.shape_cast %get3A_619 : vector<16xf32> to vector<1x1x16xf32>
      tpu.vector_store %arg6[%swap3A_621, %swap3A_622, %swap3A_623], %swap3A_626 {add = true, strides = array<i32>} : memref<2x256x128xf32, #tpu.memory_space<vmem>>, vector<1x1x16xf32>,
      %add3A_627 = arith.constant 2 : i32
      %add3A_628 = arith.addi %mul3A_343, %add3A_627 : i32
      %add3A_629 = arith.constant 2 : i32
      %add3A_630 = arith.addi %mul3A_343, %add3A_629 : i32
      %get3A_631 = arith.index_cast %add3A_630 : i32 to index
      %get3A_632 = arith.constant 48 : index
      %get3A_633 = tpu.vector_load %arg5[%get3A_631, %get3A_632] {strides = array<i32>} : memref<256x128xf32, #tpu.memory_space<vmem>>, vector<1x16xf32>,
      %get3A_634 = vector.shape_cast %get3A_633 : vector<1x16xf32> to vector<16xf32>
      %swap3A_635 = arith.constant 1 : i32
      %swap3A_636 = arith.index_cast %swap3A_635 : i32 to index
      %swap3A_637 = arith.index_cast %add3A_628 : i32 to index
      %swap3A_638 = arith.constant 48 : index
      %swap3A_639 = tpu.vector_load %arg6[%swap3A_636, %swap3A_637, %swap3A_638] {strides = array<i32>} : memref<2x256x128xf32, #tpu.memory_space<vmem>>, vector<1x1x16xf32>,
      %swap3A_640 = vector.shape_cast %swap3A_639 : vector<1x1x16xf32> to vector<16xf32>
      %swap3A_641 = vector.shape_cast %get3A_634 : vector<16xf32> to vector<1x1x16xf32>
      tpu.vector_store %arg6[%swap3A_636, %swap3A_637, %swap3A_638], %swap3A_641 {add = true, strides = array<i32>} : memref<2x256x128xf32, #tpu.memory_space<vmem>>, vector<1x1x16xf32>,
      %add3A_642 = arith.constant 2 : i32
      %add3A_643 = arith.addi %mul3A_343, %add3A_642 : i32
      %add3A_644 = arith.constant 2 : i32
      %add3A_645 = arith.addi %mul3A_343, %add3A_644 : i32
      %get3A_646 = arith.index_cast %add3A_645 : i32 to index
      %get3A_647 = arith.constant 64 : index
      %get3A_648 = tpu.vector_load %arg5[%get3A_646, %get3A_647] {strides = array<i32>} : memref<256x128xf32, #tpu.memory_space<vmem>>, vector<1x16xf32>,
      %get3A_649 = vector.shape_cast %get3A_648 : vector<1x16xf32> to vector<16xf32>
      %swap3A_650 = arith.constant 1 : i32
      %swap3A_651 = arith.index_cast %swap3A_650 : i32 to index
      %swap3A_652 = arith.index_cast %add3A_643 : i32 to index
      %swap3A_653 = arith.constant 64 : index
      %swap3A_654 = tpu.vector_load %arg6[%swap3A_651, %swap3A_652, %swap3A_653] {strides = array<i32>} : memref<2x256x128xf32, #tpu.memory_space<vmem>>, vector<1x1x16xf32>,
      %swap3A_655 = vector.shape_cast %swap3A_654 : vector<1x1x16xf32> to vector<16xf32>
      %swap3A_656 = vector.shape_cast %get3A_649 : vector<16xf32> to vector<1x1x16xf32>
      tpu.vector_store %arg6[%swap3A_651, %swap3A_652, %swap3A_653], %swap3A_656 {add = true, strides = array<i32>} : memref<2x256x128xf32, #tpu.memory_space<vmem>>, vector<1x1x16xf32>,
      %add3A_657 = arith.constant 2 : i32
      %add3A_658 = arith.addi %mul3A_343, %add3A_657 : i32
      %add3A_659 = arith.constant 2 : i32
      %add3A_660 = arith.addi %mul3A_343, %add3A_659 : i32
      %get3A_661 = arith.index_cast %add3A_660 : i32 to index
      %get3A_662 = arith.constant 80 : index
      %get3A_663 = tpu.vector_load %arg5[%get3A_661, %get3A_662] {strides = array<i32>} : memref<256x128xf32, #tpu.memory_space<vmem>>, vector<1x16xf32>,
      %get3A_664 = vector.shape_cast %get3A_663 : vector<1x16xf32> to vector<16xf32>
      %swap3A_665 = arith.constant 1 : i32
      %swap3A_666 = arith.index_cast %swap3A_665 : i32 to index
      %swap3A_667 = arith.index_cast %add3A_658 : i32 to index
      %swap3A_668 = arith.constant 80 : index
      %swap3A_669 = tpu.vector_load %arg6[%swap3A_666, %swap3A_667, %swap3A_668] {strides = array<i32>} : memref<2x256x128xf32, #tpu.memory_space<vmem>>, vector<1x1x16xf32>,
      %swap3A_670 = vector.shape_cast %swap3A_669 : vector<1x1x16xf32> to vector<16xf32>
      %swap3A_671 = vector.shape_cast %get3A_664 : vector<16xf32> to vector<1x1x16xf32>
      tpu.vector_store %arg6[%swap3A_666, %swap3A_667, %swap3A_668], %swap3A_671 {add = true, strides = array<i32>} : memref<2x256x128xf32, #tpu.memory_space<vmem>>, vector<1x1x16xf32>,
      %add3A_672 = arith.constant 2 : i32
      %add3A_673 = arith.addi %mul3A_343, %add3A_672 : i32
      %add3A_674 = arith.constant 2 : i32
      %add3A_675 = arith.addi %mul3A_343, %add3A_674 : i32
      %get3A_676 = arith.index_cast %add3A_675 : i32 to index
      %get3A_677 = arith.constant 96 : index
      %get3A_678 = tpu.vector_load %arg5[%get3A_676, %get3A_677] {strides = array<i32>} : memref<256x128xf32, #tpu.memory_space<vmem>>, vector<1x16xf32>,
      %get3A_679 = vector.shape_cast %get3A_678 : vector<1x16xf32> to vector<16xf32>
      %swap3A_680 = arith.constant 1 : i32
      %swap3A_681 = arith.index_cast %swap3A_680 : i32 to index
      %swap3A_682 = arith.index_cast %add3A_673 : i32 to index
      %swap3A_683 = arith.constant 96 : index
      %swap3A_684 = tpu.vector_load %arg6[%swap3A_681, %swap3A_682, %swap3A_683] {strides = array<i32>} : memref<2x256x128xf32, #tpu.memory_space<vmem>>, vector<1x1x16xf32>,
      %swap3A_685 = vector.shape_cast %swap3A_684 : vector<1x1x16xf32> to vector<16xf32>
      %swap3A_686 = vector.shape_cast %get3A_679 : vector<16xf32> to vector<1x1x16xf32>
      tpu.vector_store %arg6[%swap3A_681, %swap3A_682, %swap3A_683], %swap3A_686 {add = true, strides = array<i32>} : memref<2x256x128xf32, #tpu.memory_space<vmem>>, vector<1x1x16xf32>,
      %add3A_687 = arith.constant 2 : i32
      %add3A_688 = arith.addi %mul3A_343, %add3A_687 : i32
      %add3A_689 = arith.constant 2 : i32
      %add3A_690 = arith.addi %mul3A_343, %add3A_689 : i32
      %get3A_691 = arith.index_cast %add3A_690 : i32 to index
      %get3A_692 = arith.constant 112 : index
      %get3A_693 = tpu.vector_load %arg5[%get3A_691, %get3A_692] {strides = array<i32>} : memref<256x128xf32, #tpu.memory_space<vmem>>, vector<1x16xf32>,
      %get3A_694 = vector.shape_cast %get3A_693 : vector<1x16xf32> to vector<16xf32>
      %swap3A_695 = arith.constant 1 : i32
      %swap3A_696 = arith.index_cast %swap3A_695 : i32 to index
      %swap3A_697 = arith.index_cast %add3A_688 : i32 to index
      %swap3A_698 = arith.constant 112 : index
      %swap3A_699 = tpu.vector_load %arg6[%swap3A_696, %swap3A_697, %swap3A_698] {strides = array<i32>} : memref<2x256x128xf32, #tpu.memory_space<vmem>>, vector<1x1x16xf32>,
      %swap3A_700 = vector.shape_cast %swap3A_699 : vector<1x1x16xf32> to vector<16xf32>
      %swap3A_701 = vector.shape_cast %get3A_694 : vector<16xf32> to vector<1x1x16xf32>
      tpu.vector_store %arg6[%swap3A_696, %swap3A_697, %swap3A_698], %swap3A_701 {add = true, strides = array<i32>} : memref<2x256x128xf32, #tpu.memory_space<vmem>>, vector<1x1x16xf32>,
      %add3A_702 = arith.constant 3 : i32
      %add3A_703 = arith.addi %mul3A_343, %add3A_702 : i32
      %add3A_704 = arith.constant 3 : i32
      %add3A_705 = arith.addi %mul3A_343, %add3A_704 : i32
      %get3A_706 = arith.index_cast %add3A_705 : i32 to index
      %get3A_707 = arith.constant 0 : index
      %get3A_708 = tpu.vector_load %arg5[%get3A_706, %get3A_707] {strides = array<i32>} : memref<256x128xf32, #tpu.memory_space<vmem>>, vector<1x16xf32>,
      %get3A_709 = vector.shape_cast %get3A_708 : vector<1x16xf32> to vector<16xf32>
      %swap3A_710 = arith.constant 1 : i32
      %swap3A_711 = arith.index_cast %swap3A_710 : i32 to index
      %swap3A_712 = arith.index_cast %add3A_703 : i32 to index
      %swap3A_713 = arith.constant 0 : index
      %swap3A_714 = tpu.vector_load %arg6[%swap3A_711, %swap3A_712, %swap3A_713] {strides = array<i32>} : memref<2x256x128xf32, #tpu.memory_space<vmem>>, vector<1x1x16xf32>,
      %swap3A_715 = vector.shape_cast %swap3A_714 : vector<1x1x16xf32> to vector<16xf32>
      %swap3A_716 = vector.shape_cast %get3A_709 : vector<16xf32> to vector<1x1x16xf32>
      tpu.vector_store %arg6[%swap3A_711, %swap3A_712, %swap3A_713], %swap3A_716 {add = true, strides = array<i32>} : memref<2x256x128xf32, #tpu.memory_space<vmem>>, vector<1x1x16xf32>,
      %add3A_717 = arith.constant 3 : i32
      %add3A_718 = arith.addi %mul3A_343, %add3A_717 : i32
      %add3A_719 = arith.constant 3 : i32
      %add3A_720 = arith.addi %mul3A_343, %add3A_719 : i32
      %get3A_721 = arith.index_cast %add3A_720 : i32 to index
      %get3A_722 = arith.constant 16 : index
      %get3A_723 = tpu.vector_load %arg5[%get3A_721, %get3A_722] {strides = array<i32>} : memref<256x128xf32, #tpu.memory_space<vmem>>, vector<1x16xf32>,
      %get3A_724 = vector.shape_cast %get3A_723 : vector<1x16xf32> to vector<16xf32>
      %swap3A_725 = arith.constant 1 : i32
      %swap3A_726 = arith.index_cast %swap3A_725 : i32 to index
      %swap3A_727 = arith.index_cast %add3A_718 : i32 to index
      %swap3A_728 = arith.constant 16 : index
      %swap3A_729 = tpu.vector_load %arg6[%swap3A_726, %swap3A_727, %swap3A_728] {strides = array<i32>} : memref<2x256x128xf32, #tpu.memory_space<vmem>>, vector<1x1x16xf32>,
      %swap3A_730 = vector.shape_cast %swap3A_729 : vector<1x1x16xf32> to vector<16xf32>
      %swap3A_731 = vector.shape_cast %get3A_724 : vector<16xf32> to vector<1x1x16xf32>
      tpu.vector_store %arg6[%swap3A_726, %swap3A_727, %swap3A_728], %swap3A_731 {add = true, strides = array<i32>} : memref<2x256x128xf32, #tpu.memory_space<vmem>>, vector<1x1x16xf32>,
      %add3A_732 = arith.constant 3 : i32
      %add3A_733 = arith.addi %mul3A_343, %add3A_732 : i32
      %add3A_734 = arith.constant 3 : i32
      %add3A_735 = arith.addi %mul3A_343, %add3A_734 : i32
      %get3A_736 = arith.index_cast %add3A_735 : i32 to index
      %get3A_737 = arith.constant 32 : index
      %get3A_738 = tpu.vector_load %arg5[%get3A_736, %get3A_737] {strides = array<i32>} : memref<256x128xf32, #tpu.memory_space<vmem>>, vector<1x16xf32>,
      %get3A_739 = vector.shape_cast %get3A_738 : vector<1x16xf32> to vector<16xf32>
      %swap3A_740 = arith.constant 1 : i32
      %swap3A_741 = arith.index_cast %swap3A_740 : i32 to index
      %swap3A_742 = arith.index_cast %add3A_733 : i32 to index
      %swap3A_743 = arith.constant 32 : index
      %swap3A_744 = tpu.vector_load %arg6[%swap3A_741, %swap3A_742, %swap3A_743] {strides = array<i32>} : memref<2x256x128xf32, #tpu.memory_space<vmem>>, vector<1x1x16xf32>,
      %swap3A_745 = vector.shape_cast %swap3A_744 : vector<1x1x16xf32> to vector<16xf32>
      %swap3A_746 = vector.shape_cast %get3A_739 : vector<16xf32> to vector<1x1x16xf32>
      tpu.vector_store %arg6[%swap3A_741, %swap3A_742, %swap3A_743], %swap3A_746 {add = true, strides = array<i32>} : memref<2x256x128xf32, #tpu.memory_space<vmem>>, vector<1x1x16xf32>,
      %add3A_747 = arith.constant 3 : i32
      %add3A_748 = arith.addi %mul3A_343, %add3A_747 : i32
      %add3A_749 = arith.constant 3 : i32
      %add3A_750 = arith.addi %mul3A_343, %add3A_749 : i32
      %get3A_751 = arith.index_cast %add3A_750 : i32 to index
      %get3A_752 = arith.constant 48 : index
      %get3A_753 = tpu.vector_load %arg5[%get3A_751, %get3A_752] {strides = array<i32>} : memref<256x128xf32, #tpu.memory_space<vmem>>, vector<1x16xf32>,
      %get3A_754 = vector.shape_cast %get3A_753 : vector<1x16xf32> to vector<16xf32>
      %swap3A_755 = arith.constant 1 : i32
      %swap3A_756 = arith.index_cast %swap3A_755 : i32 to index
      %swap3A_757 = arith.index_cast %add3A_748 : i32 to index
      %swap3A_758 = arith.constant 48 : index
      %swap3A_759 = tpu.vector_load %arg6[%swap3A_756, %swap3A_757, %swap3A_758] {strides = array<i32>} : memref<2x256x128xf32, #tpu.memory_space<vmem>>, vector<1x1x16xf32>,
      %swap3A_760 = vector.shape_cast %swap3A_759 : vector<1x1x16xf32> to vector<16xf32>
      %swap3A_761 = vector.shape_cast %get3A_754 : vector<16xf32> to vector<1x1x16xf32>
      tpu.vector_store %arg6[%swap3A_756, %swap3A_757, %swap3A_758], %swap3A_761 {add = true, strides = array<i32>} : memref<2x256x128xf32, #tpu.memory_space<vmem>>, vector<1x1x16xf32>,
      %add3A_762 = arith.constant 3 : i32
      %add3A_763 = arith.addi %mul3A_343, %add3A_762 : i32
      %add3A_764 = arith.constant 3 : i32
      %add3A_765 = arith.addi %mul3A_343, %add3A_764 : i32
      %get3A_766 = arith.index_cast %add3A_765 : i32 to index
      %get3A_767 = arith.constant 64 : index
      %get3A_768 = tpu.vector_load %arg5[%get3A_766, %get3A_767] {strides = array<i32>} : memref<256x128xf32, #tpu.memory_space<vmem>>, vector<1x16xf32>,
      %get3A_769 = vector.shape_cast %get3A_768 : vector<1x16xf32> to vector<16xf32>
      %swap3A_770 = arith.constant 1 : i32
      %swap3A_771 = arith.index_cast %swap3A_770 : i32 to index
      %swap3A_772 = arith.index_cast %add3A_763 : i32 to index
      %swap3A_773 = arith.constant 64 : index
      %swap3A_774 = tpu.vector_load %arg6[%swap3A_771, %swap3A_772, %swap3A_773] {strides = array<i32>} : memref<2x256x128xf32, #tpu.memory_space<vmem>>, vector<1x1x16xf32>,
      %swap3A_775 = vector.shape_cast %swap3A_774 : vector<1x1x16xf32> to vector<16xf32>
      %swap3A_776 = vector.shape_cast %get3A_769 : vector<16xf32> to vector<1x1x16xf32>
      tpu.vector_store %arg6[%swap3A_771, %swap3A_772, %swap3A_773], %swap3A_776 {add = true, strides = array<i32>} : memref<2x256x128xf32, #tpu.memory_space<vmem>>, vector<1x1x16xf32>,
      %add3A_777 = arith.constant 3 : i32
      %add3A_778 = arith.addi %mul3A_343, %add3A_777 : i32
      %add3A_779 = arith.constant 3 : i32
      %add3A_780 = arith.addi %mul3A_343, %add3A_779 : i32
      %get3A_781 = arith.index_cast %add3A_780 : i32 to index
      %get3A_782 = arith.constant 80 : index
      %get3A_783 = tpu.vector_load %arg5[%get3A_781, %get3A_782] {strides = array<i32>} : memref<256x128xf32, #tpu.memory_space<vmem>>, vector<1x16xf32>,
      %get3A_784 = vector.shape_cast %get3A_783 : vector<1x16xf32> to vector<16xf32>
      %swap3A_785 = arith.constant 1 : i32
      %swap3A_786 = arith.index_cast %swap3A_785 : i32 to index
      %swap3A_787 = arith.index_cast %add3A_778 : i32 to index
      %swap3A_788 = arith.constant 80 : index
      %swap3A_789 = tpu.vector_load %arg6[%swap3A_786, %swap3A_787, %swap3A_788] {strides = array<i32>} : memref<2x256x128xf32, #tpu.memory_space<vmem>>, vector<1x1x16xf32>,
      %swap3A_790 = vector.shape_cast %swap3A_789 : vector<1x1x16xf32> to vector<16xf32>
      %swap3A_791 = vector.shape_cast %get3A_784 : vector<16xf32> to vector<1x1x16xf32>
      tpu.vector_store %arg6[%swap3A_786, %swap3A_787, %swap3A_788], %swap3A_791 {add = true, strides = array<i32>} : memref<2x256x128xf32, #tpu.memory_space<vmem>>, vector<1x1x16xf32>,
      %add3A_792 = arith.constant 3 : i32
      %add3A_793 = arith.addi %mul3A_343, %add3A_792 : i32
      %add3A_794 = arith.constant 3 : i32
      %add3A_795 = arith.addi %mul3A_343, %add3A_794 : i32
      %get3A_796 = arith.index_cast %add3A_795 : i32 to index
      %get3A_797 = arith.constant 96 : index
      %get3A_798 = tpu.vector_load %arg5[%get3A_796, %get3A_797] {strides = array<i32>} : memref<256x128xf32, #tpu.memory_space<vmem>>, vector<1x16xf32>,
      %get3A_799 = vector.shape_cast %get3A_798 : vector<1x16xf32> to vector<16xf32>
      %swap3A_800 = arith.constant 1 : i32
      %swap3A_801 = arith.index_cast %swap3A_800 : i32 to index
      %swap3A_802 = arith.index_cast %add3A_793 : i32 to index
      %swap3A_803 = arith.constant 96 : index
      %swap3A_804 = tpu.vector_load %arg6[%swap3A_801, %swap3A_802, %swap3A_803] {strides = array<i32>} : memref<2x256x128xf32, #tpu.memory_space<vmem>>, vector<1x1x16xf32>,
      %swap3A_805 = vector.shape_cast %swap3A_804 : vector<1x1x16xf32> to vector<16xf32>
      %swap3A_806 = vector.shape_cast %get3A_799 : vector<16xf32> to vector<1x1x16xf32>
      tpu.vector_store %arg6[%swap3A_801, %swap3A_802, %swap3A_803], %swap3A_806 {add = true, strides = array<i32>} : memref<2x256x128xf32, #tpu.memory_space<vmem>>, vector<1x1x16xf32>,
      %add3A_807 = arith.constant 3 : i32
      %add3A_808 = arith.addi %mul3A_343, %add3A_807 : i32
      %add3A_809 = arith.constant 3 : i32
      %add3A_810 = arith.addi %mul3A_343, %add3A_809 : i32
      %get3A_811 = arith.index_cast %add3A_810 : i32 to index
      %get3A_812 = arith.constant 112 : index
      %get3A_813 = tpu.vector_load %arg5[%get3A_811, %get3A_812] {strides = array<i32>} : memref<256x128xf32, #tpu.memory_space<vmem>>, vector<1x16xf32>,
      %get3A_814 = vector.shape_cast %get3A_813 : vector<1x16xf32> to vector<16xf32>
      %swap3A_815 = arith.constant 1 : i32
      %swap3A_816 = arith.index_cast %swap3A_815 : i32 to index
      %swap3A_817 = arith.index_cast %add3A_808 : i32 to index
      %swap3A_818 = arith.constant 112 : index
      %swap3A_819 = tpu.vector_load %arg6[%swap3A_816, %swap3A_817, %swap3A_818] {strides = array<i32>} : memref<2x256x128xf32, #tpu.memory_space<vmem>>, vector<1x1x16xf32>,
      %swap3A_820 = vector.shape_cast %swap3A_819 : vector<1x1x16xf32> to vector<16xf32>
      %swap3A_821 = vector.shape_cast %get3A_814 : vector<16xf32> to vector<1x1x16xf32>
      tpu.vector_store %arg6[%swap3A_816, %swap3A_817, %swap3A_818], %swap3A_821 {add = true, strides = array<i32>} : memref<2x256x128xf32, #tpu.memory_space<vmem>>, vector<1x1x16xf32>,
      %add3A_822 = arith.constant 4 : i32
      %add3A_823 = arith.addi %mul3A_343, %add3A_822 : i32
      %add3A_824 = arith.constant 4 : i32
      %add3A_825 = arith.addi %mul3A_343, %add3A_824 : i32
      %get3A_826 = arith.index_cast %add3A_825 : i32 to index
      %get3A_827 = arith.constant 0 : index
      %get3A_828 = tpu.vector_load %arg5[%get3A_826, %get3A_827] {strides = array<i32>} : memref<256x128xf32, #tpu.memory_space<vmem>>, vector<1x16xf32>,
      %get3A_829 = vector.shape_cast %get3A_828 : vector<1x16xf32> to vector<16xf32>
      %swap3A_830 = arith.constant 1 : i32
      %swap3A_831 = arith.index_cast %swap3A_830 : i32 to index
      %swap3A_832 = arith.index_cast %add3A_823 : i32 to index
      %swap3A_833 = arith.constant 0 : index
      %swap3A_834 = tpu.vector_load %arg6[%swap3A_831, %swap3A_832, %swap3A_833] {strides = array<i32>} : memref<2x256x128xf32, #tpu.memory_space<vmem>>, vector<1x1x16xf32>,
      %swap3A_835 = vector.shape_cast %swap3A_834 : vector<1x1x16xf32> to vector<16xf32>
      %swap3A_836 = vector.shape_cast %get3A_829 : vector<16xf32> to vector<1x1x16xf32>
      tpu.vector_store %arg6[%swap3A_831, %swap3A_832, %swap3A_833], %swap3A_836 {add = true, strides = array<i32>} : memref<2x256x128xf32, #tpu.memory_space<vmem>>, vector<1x1x16xf32>,
      %add3A_837 = arith.constant 4 : i32
      %add3A_838 = arith.addi %mul3A_343, %add3A_837 : i32
      %add3A_839 = arith.constant 4 : i32
      %add3A_840 = arith.addi %mul3A_343, %add3A_839 : i32
      %get3A_841 = arith.index_cast %add3A_840 : i32 to index
      %get3A_842 = arith.constant 16 : index
      %get3A_843 = tpu.vector_load %arg5[%get3A_841, %get3A_842] {strides = array<i32>} : memref<256x128xf32, #tpu.memory_space<vmem>>, vector<1x16xf32>,
      %get3A_844 = vector.shape_cast %get3A_843 : vector<1x16xf32> to vector<16xf32>
      %swap3A_845 = arith.constant 1 : i32
      %swap3A_846 = arith.index_cast %swap3A_845 : i32 to index
      %swap3A_847 = arith.index_cast %add3A_838 : i32 to index
      %swap3A_848 = arith.constant 16 : index
      %swap3A_849 = tpu.vector_load %arg6[%swap3A_846, %swap3A_847, %swap3A_848] {strides = array<i32>} : memref<2x256x128xf32, #tpu.memory_space<vmem>>, vector<1x1x16xf32>,
      %swap3A_850 = vector.shape_cast %swap3A_849 : vector<1x1x16xf32> to vector<16xf32>
      %swap3A_851 = vector.shape_cast %get3A_844 : vector<16xf32> to vector<1x1x16xf32>
      tpu.vector_store %arg6[%swap3A_846, %swap3A_847, %swap3A_848], %swap3A_851 {add = true, strides = array<i32>} : memref<2x256x128xf32, #tpu.memory_space<vmem>>, vector<1x1x16xf32>,
      %add3A_852 = arith.constant 4 : i32
      %add3A_853 = arith.addi %mul3A_343, %add3A_852 : i32
      %add3A_854 = arith.constant 4 : i32
      %add3A_855 = arith.addi %mul3A_343, %add3A_854 : i32
      %get3A_856 = arith.index_cast %add3A_855 : i32 to index
      %get3A_857 = arith.constant 32 : index
      %get3A_858 = tpu.vector_load %arg5[%get3A_856, %get3A_857] {strides = array<i32>} : memref<256x128xf32, #tpu.memory_space<vmem>>, vector<1x16xf32>,
      %get3A_859 = vector.shape_cast %get3A_858 : vector<1x16xf32> to vector<16xf32>
      %swap3A_860 = arith.constant 1 : i32
      %swap3A_861 = arith.index_cast %swap3A_860 : i32 to index
      %swap3A_862 = arith.index_cast %add3A_853 : i32 to index
      %swap3A_863 = arith.constant 32 : index
      %swap3A_864 = tpu.vector_load %arg6[%swap3A_861, %swap3A_862, %swap3A_863] {strides = array<i32>} : memref<2x256x128xf32, #tpu.memory_space<vmem>>, vector<1x1x16xf32>,
      %swap3A_865 = vector.shape_cast %swap3A_864 : vector<1x1x16xf32> to vector<16xf32>
      %swap3A_866 = vector.shape_cast %get3A_859 : vector<16xf32> to vector<1x1x16xf32>
      tpu.vector_store %arg6[%swap3A_861, %swap3A_862, %swap3A_863], %swap3A_866 {add = true, strides = array<i32>} : memref<2x256x128xf32, #tpu.memory_space<vmem>>, vector<1x1x16xf32>,
      %add3A_867 = arith.constant 4 : i32
      %add3A_868 = arith.addi %mul3A_343, %add3A_867 : i32
      %add3A_869 = arith.constant 4 : i32
      %add3A_870 = arith.addi %mul3A_343, %add3A_869 : i32
      %get3A_871 = arith.index_cast %add3A_870 : i32 to index
      %get3A_872 = arith.constant 48 : index
      %get3A_873 = tpu.vector_load %arg5[%get3A_871, %get3A_872] {strides = array<i32>} : memref<256x128xf32, #tpu.memory_space<vmem>>, vector<1x16xf32>,
      %get3A_874 = vector.shape_cast %get3A_873 : vector<1x16xf32> to vector<16xf32>
      %swap3A_875 = arith.constant 1 : i32
      %swap3A_876 = arith.index_cast %swap3A_875 : i32 to index
      %swap3A_877 = arith.index_cast %add3A_868 : i32 to index
      %swap3A_878 = arith.constant 48 : index
      %swap3A_879 = tpu.vector_load %arg6[%swap3A_876, %swap3A_877, %swap3A_878] {strides = array<i32>} : memref<2x256x128xf32, #tpu.memory_space<vmem>>, vector<1x1x16xf32>,
      %swap3A_880 = vector.shape_cast %swap3A_879 : vector<1x1x16xf32> to vector<16xf32>
      %swap3A_881 = vector.shape_cast %get3A_874 : vector<16xf32> to vector<1x1x16xf32>
      tpu.vector_store %arg6[%swap3A_876, %swap3A_877, %swap3A_878], %swap3A_881 {add = true, strides = array<i32>} : memref<2x256x128xf32, #tpu.memory_space<vmem>>, vector<1x1x16xf32>,
      %add3A_882 = arith.constant 4 : i32
      %add3A_883 = arith.addi %mul3A_343, %add3A_882 : i32
      %add3A_884 = arith.constant 4 : i32
      %add3A_885 = arith.addi %mul3A_343, %add3A_884 : i32
      %get3A_886 = arith.index_cast %add3A_885 : i32 to index
      %get3A_887 = arith.constant 64 : index
      %get3A_888 = tpu.vector_load %arg5[%get3A_886, %get3A_887] {strides = array<i32>} : memref<256x128xf32, #tpu.memory_space<vmem>>, vector<1x16xf32>,
      %get3A_889 = vector.shape_cast %get3A_888 : vector<1x16xf32> to vector<16xf32>
      %swap3A_890 = arith.constant 1 : i32
      %swap3A_891 = arith.index_cast %swap3A_890 : i32 to index
      %swap3A_892 = arith.index_cast %add3A_883 : i32 to index
      %swap3A_893 = arith.constant 64 : index
      %swap3A_894 = tpu.vector_load %arg6[%swap3A_891, %swap3A_892, %swap3A_893] {strides = array<i32>} : memref<2x256x128xf32, #tpu.memory_space<vmem>>, vector<1x1x16xf32>,
      %swap3A_895 = vector.shape_cast %swap3A_894 : vector<1x1x16xf32> to vector<16xf32>
      %swap3A_896 = vector.shape_cast %get3A_889 : vector<16xf32> to vector<1x1x16xf32>
      tpu.vector_store %arg6[%swap3A_891, %swap3A_892, %swap3A_893], %swap3A_896 {add = true, strides = array<i32>} : memref<2x256x128xf32, #tpu.memory_space<vmem>>, vector<1x1x16xf32>,
      %add3A_897 = arith.constant 4 : i32
      %add3A_898 = arith.addi %mul3A_343, %add3A_897 : i32
      %add3A_899 = arith.constant 4 : i32
      %add3A_900 = arith.addi %mul3A_343, %add3A_899 : i32
      %get3A_901 = arith.index_cast %add3A_900 : i32 to index
      %get3A_902 = arith.constant 80 : index
      %get3A_903 = tpu.vector_load %arg5[%get3A_901, %get3A_902] {strides = array<i32>} : memref<256x128xf32, #tpu.memory_space<vmem>>, vector<1x16xf32>,
      %get3A_904 = vector.shape_cast %get3A_903 : vector<1x16xf32> to vector<16xf32>
      %swap3A_905 = arith.constant 1 : i32
      %swap3A_906 = arith.index_cast %swap3A_905 : i32 to index
      %swap3A_907 = arith.index_cast %add3A_898 : i32 to index
      %swap3A_908 = arith.constant 80 : index
      %swap3A_909 = tpu.vector_load %arg6[%swap3A_906, %swap3A_907, %swap3A_908] {strides = array<i32>} : memref<2x256x128xf32, #tpu.memory_space<vmem>>, vector<1x1x16xf32>,
      %swap3A_910 = vector.shape_cast %swap3A_909 : vector<1x1x16xf32> to vector<16xf32>
      %swap3A_911 = vector.shape_cast %get3A_904 : vector<16xf32> to vector<1x1x16xf32>
      tpu.vector_store %arg6[%swap3A_906, %swap3A_907, %swap3A_908], %swap3A_911 {add = true, strides = array<i32>} : memref<2x256x128xf32, #tpu.memory_space<vmem>>, vector<1x1x16xf32>,
      %add3A_912 = arith.constant 4 : i32
      %add3A_913 = arith.addi %mul3A_343, %add3A_912 : i32
      %add3A_914 = arith.constant 4 : i32
      %add3A_915 = arith.addi %mul3A_343, %add3A_914 : i32
      %get3A_916 = arith.index_cast %add3A_915 : i32 to index
      %get3A_917 = arith.constant 96 : index
      %get3A_918 = tpu.vector_load %arg5[%get3A_916, %get3A_917] {strides = array<i32>} : memref<256x128xf32, #tpu.memory_space<vmem>>, vector<1x16xf32>,
      %get3A_919 = vector.shape_cast %get3A_918 : vector<1x16xf32> to vector<16xf32>
      %swap3A_920 = arith.constant 1 : i32
      %swap3A_921 = arith.index_cast %swap3A_920 : i32 to index
      %swap3A_922 = arith.index_cast %add3A_913 : i32 to index
      %swap3A_923 = arith.constant 96 : index
      %swap3A_924 = tpu.vector_load %arg6[%swap3A_921, %swap3A_922, %swap3A_923] {strides = array<i32>} : memref<2x256x128xf32, #tpu.memory_space<vmem>>, vector<1x1x16xf32>,
      %swap3A_925 = vector.shape_cast %swap3A_924 : vector<1x1x16xf32> to vector<16xf32>
      %swap3A_926 = vector.shape_cast %get3A_919 : vector<16xf32> to vector<1x1x16xf32>
      tpu.vector_store %arg6[%swap3A_921, %swap3A_922, %swap3A_923], %swap3A_926 {add = true, strides = array<i32>} : memref<2x256x128xf32, #tpu.memory_space<vmem>>, vector<1x1x16xf32>,
      %add3A_927 = arith.constant 4 : i32
      %add3A_928 = arith.addi %mul3A_343, %add3A_927 : i32
      %add3A_929 = arith.constant 4 : i32
      %add3A_930 = arith.addi %mul3A_343, %add3A_929 : i32
      %get3A_931 = arith.index_cast %add3A_930 : i32 to index
      %get3A_932 = arith.constant 112 : index
      %get3A_933 = tpu.vector_load %arg5[%get3A_931, %get3A_932] {strides = array<i32>} : memref<256x128xf32, #tpu.memory_space<vmem>>, vector<1x16xf32>,
      %get3A_934 = vector.shape_cast %get3A_933 : vector<1x16xf32> to vector<16xf32>
      %swap3A_935 = arith.constant 1 : i32
      %swap3A_936 = arith.index_cast %swap3A_935 : i32 to index
      %swap3A_937 = arith.index_cast %add3A_928 : i32 to index
      %swap3A_938 = arith.constant 112 : index
      %swap3A_939 = tpu.vector_load %arg6[%swap3A_936, %swap3A_937, %swap3A_938] {strides = array<i32>} : memref<2x256x128xf32, #tpu.memory_space<vmem>>, vector<1x1x16xf32>,
      %swap3A_940 = vector.shape_cast %swap3A_939 : vector<1x1x16xf32> to vector<16xf32>
      %swap3A_941 = vector.shape_cast %get3A_934 : vector<16xf32> to vector<1x1x16xf32>
      tpu.vector_store %arg6[%swap3A_936, %swap3A_937, %swap3A_938], %swap3A_941 {add = true, strides = array<i32>} : memref<2x256x128xf32, #tpu.memory_space<vmem>>, vector<1x1x16xf32>,
      %add3A_942 = arith.constant 5 : i32
      %add3A_943 = arith.addi %mul3A_343, %add3A_942 : i32
      %add3A_944 = arith.constant 5 : i32
      %add3A_945 = arith.addi %mul3A_343, %add3A_944 : i32
      %get3A_946 = arith.index_cast %add3A_945 : i32 to index
      %get3A_947 = arith.constant 0 : index
      %get3A_948 = tpu.vector_load %arg5[%get3A_946, %get3A_947] {strides = array<i32>} : memref<256x128xf32, #tpu.memory_space<vmem>>, vector<1x16xf32>,
      %get3A_949 = vector.shape_cast %get3A_948 : vector<1x16xf32> to vector<16xf32>
      %swap3A_950 = arith.constant 1 : i32
      %swap3A_951 = arith.index_cast %swap3A_950 : i32 to index
      %swap3A_952 = arith.index_cast %add3A_943 : i32 to index
      %swap3A_953 = arith.constant 0 : index
      %swap3A_954 = tpu.vector_load %arg6[%swap3A_951, %swap3A_952, %swap3A_953] {strides = array<i32>} : memref<2x256x128xf32, #tpu.memory_space<vmem>>, vector<1x1x16xf32>,
      %swap3A_955 = vector.shape_cast %swap3A_954 : vector<1x1x16xf32> to vector<16xf32>
      %swap3A_956 = vector.shape_cast %get3A_949 : vector<16xf32> to vector<1x1x16xf32>
      tpu.vector_store %arg6[%swap3A_951, %swap3A_952, %swap3A_953], %swap3A_956 {add = true, strides = array<i32>} : memref<2x256x128xf32, #tpu.memory_space<vmem>>, vector<1x1x16xf32>,
      %add3A_957 = arith.constant 5 : i32
      %add3A_958 = arith.addi %mul3A_343, %add3A_957 : i32
      %add3A_959 = arith.constant 5 : i32
      %add3A_960 = arith.addi %mul3A_343, %add3A_959 : i32
      %get3A_961 = arith.index_cast %add3A_960 : i32 to index
      %get3A_962 = arith.constant 16 : index
      %get3A_963 = tpu.vector_load %arg5[%get3A_961, %get3A_962] {strides = array<i32>} : memref<256x128xf32, #tpu.memory_space<vmem>>, vector<1x16xf32>,
      %get3A_964 = vector.shape_cast %get3A_963 : vector<1x16xf32> to vector<16xf32>
      %swap3A_965 = arith.constant 1 : i32
      %swap3A_966 = arith.index_cast %swap3A_965 : i32 to index
      %swap3A_967 = arith.index_cast %add3A_958 : i32 to index
      %swap3A_968 = arith.constant 16 : index
      %swap3A_969 = tpu.vector_load %arg6[%swap3A_966, %swap3A_967, %swap3A_968] {strides = array<i32>} : memref<2x256x128xf32, #tpu.memory_space<vmem>>, vector<1x1x16xf32>,
      %swap3A_970 = vector.shape_cast %swap3A_969 : vector<1x1x16xf32> to vector<16xf32>
      %swap3A_971 = vector.shape_cast %get3A_964 : vector<16xf32> to vector<1x1x16xf32>
      tpu.vector_store %arg6[%swap3A_966, %swap3A_967, %swap3A_968], %swap3A_971 {add = true, strides = array<i32>} : memref<2x256x128xf32, #tpu.memory_space<vmem>>, vector<1x1x16xf32>,
      %add3A_972 = arith.constant 5 : i32
      %add3A_973 = arith.addi %mul3A_343, %add3A_972 : i32
      %add3A_974 = arith.constant 5 : i32
      %add3A_975 = arith.addi %mul3A_343, %add3A_974 : i32
      %get3A_976 = arith.index_cast %add3A_975 : i32 to index
      %get3A_977 = arith.constant 32 : index
      %get3A_978 = tpu.vector_load %arg5[%get3A_976, %get3A_977] {strides = array<i32>} : memref<256x128xf32, #tpu.memory_space<vmem>>, vector<1x16xf32>,
      %get3A_979 = vector.shape_cast %get3A_978 : vector<1x16xf32> to vector<16xf32>
      %swap3A_980 = arith.constant 1 : i32
      %swap3A_981 = arith.index_cast %swap3A_980 : i32 to index
      %swap3A_982 = arith.index_cast %add3A_973 : i32 to index
      %swap3A_983 = arith.constant 32 : index
      %swap3A_984 = tpu.vector_load %arg6[%swap3A_981, %swap3A_982, %swap3A_983] {strides = array<i32>} : memref<2x256x128xf32, #tpu.memory_space<vmem>>, vector<1x1x16xf32>,
      %swap3A_985 = vector.shape_cast %swap3A_984 : vector<1x1x16xf32> to vector<16xf32>
      %swap3A_986 = vector.shape_cast %get3A_979 : vector<16xf32> to vector<1x1x16xf32>
      tpu.vector_store %arg6[%swap3A_981, %swap3A_982, %swap3A_983], %swap3A_986 {add = true, strides = array<i32>} : memref<2x256x128xf32, #tpu.memory_space<vmem>>, vector<1x1x16xf32>,
      %add3A_987 = arith.constant 5 : i32
      %add3A_988 = arith.addi %mul3A_343, %add3A_987 : i32
      %add3A_989 = arith.constant 5 : i32
      %add3A_990 = arith.addi %mul3A_343, %add3A_989 : i32
      %get3A_991 = arith.index_cast %add3A_990 : i32 to index
      %get3A_992 = arith.constant 48 : index
      %get3A_993 = tpu.vector_load %arg5[%get3A_991, %get3A_992] {strides = array<i32>} : memref<256x128xf32, #tpu.memory_space<vmem>>, vector<1x16xf32>,
      %get3A_994 = vector.shape_cast %get3A_993 : vector<1x16xf32> to vector<16xf32>
      %swap3A_995 = arith.constant 1 : i32
      %swap3A_996 = arith.index_cast %swap3A_995 : i32 to index
      %swap3A_997 = arith.index_cast %add3A_988 : i32 to index
      %swap3A_998 = arith.constant 48 : index
      %swap3A_999 = tpu.vector_load %arg6[%swap3A_996, %swap3A_997, %swap3A_998] {strides = array<i32>} : memref<2x256x128xf32, #tpu.memory_space<vmem>>, vector<1x1x16xf32>,
      %swap3A_1000 = vector.shape_cast %swap3A_999 : vector<1x1x16xf32> to vector<16xf32>
      %swap3A_1001 = vector.shape_cast %get3A_994 : vector<16xf32> to vector<1x1x16xf32>
      tpu.vector_store %arg6[%swap3A_996, %swap3A_997, %swap3A_998], %swap3A_1001 {add = true, strides = array<i32>} : memref<2x256x128xf32, #tpu.memory_space<vmem>>, vector<1x1x16xf32>,
      %add3A_1002 = arith.constant 5 : i32
      %add3A_1003 = arith.addi %mul3A_343, %add3A_1002 : i32
      %add3A_1004 = arith.constant 5 : i32
      %add3A_1005 = arith.addi %mul3A_343, %add3A_1004 : i32
      %get3A_1006 = arith.index_cast %add3A_1005 : i32 to index
      %get3A_1007 = arith.constant 64 : index
      %get3A_1008 = tpu.vector_load %arg5[%get3A_1006, %get3A_1007] {strides = array<i32>} : memref<256x128xf32, #tpu.memory_space<vmem>>, vector<1x16xf32>,
      %get3A_1009 = vector.shape_cast %get3A_1008 : vector<1x16xf32> to vector<16xf32>
      %swap3A_1010 = arith.constant 1 : i32
      %swap3A_1011 = arith.index_cast %swap3A_1010 : i32 to index
      %swap3A_1012 = arith.index_cast %add3A_1003 : i32 to index
      %swap3A_1013 = arith.constant 64 : index
      %swap3A_1014 = tpu.vector_load %arg6[%swap3A_1011, %swap3A_1012, %swap3A_1013] {strides = array<i32>} : memref<2x256x128xf32, #tpu.memory_space<vmem>>, vector<1x1x16xf32>,
      %swap3A_1015 = vector.shape_cast %swap3A_1014 : vector<1x1x16xf32> to vector<16xf32>
      %swap3A_1016 = vector.shape_cast %get3A_1009 : vector<16xf32> to vector<1x1x16xf32>
      tpu.vector_store %arg6[%swap3A_1011, %swap3A_1012, %swap3A_1013], %swap3A_1016 {add = true, strides = array<i32>} : memref<2x256x128xf32, #tpu.memory_space<vmem>>, vector<1x1x16xf32>,
      %add3A_1017 = arith.constant 5 : i32
      %add3A_1018 = arith.addi %mul3A_343, %add3A_1017 : i32
      %add3A_1019 = arith.constant 5 : i32
      %add3A_1020 = arith.addi %mul3A_343, %add3A_1019 : i32
      %get3A_1021 = arith.index_cast %add3A_1020 : i32 to index
      %get3A_1022 = arith.constant 80 : index
      %get3A_1023 = tpu.vector_load %arg5[%get3A_1021, %get3A_1022] {strides = array<i32>} : memref<256x128xf32, #tpu.memory_space<vmem>>, vector<1x16xf32>,
      %get3A_1024 = vector.shape_cast %get3A_1023 : vector<1x16xf32> to vector<16xf32>
      %swap3A_1025 = arith.constant 1 : i32
      %swap3A_1026 = arith.index_cast %swap3A_1025 : i32 to index
      %swap3A_1027 = arith.index_cast %add3A_1018 : i32 to index
      %swap3A_1028 = arith.constant 80 : index
      %swap3A_1029 = tpu.vector_load %arg6[%swap3A_1026, %swap3A_1027, %swap3A_1028] {strides = array<i32>} : memref<2x256x128xf32, #tpu.memory_space<vmem>>, vector<1x1x16xf32>,
      %swap3A_1030 = vector.shape_cast %swap3A_1029 : vector<1x1x16xf32> to vector<16xf32>
      %swap3A_1031 = vector.shape_cast %get3A_1024 : vector<16xf32> to vector<1x1x16xf32>
      tpu.vector_store %arg6[%swap3A_1026, %swap3A_1027, %swap3A_1028], %swap3A_1031 {add = true, strides = array<i32>} : memref<2x256x128xf32, #tpu.memory_space<vmem>>, vector<1x1x16xf32>,
      %add3A_1032 = arith.constant 5 : i32
      %add3A_1033 = arith.addi %mul3A_343, %add3A_1032 : i32
      %add3A_1034 = arith.constant 5 : i32
      %add3A_1035 = arith.addi %mul3A_343, %add3A_1034 : i32
      %get3A_1036 = arith.index_cast %add3A_1035 : i32 to index
      %get3A_1037 = arith.constant 96 : index
      %get3A_1038 = tpu.vector_load %arg5[%get3A_1036, %get3A_1037] {strides = array<i32>} : memref<256x128xf32, #tpu.memory_space<vmem>>, vector<1x16xf32>,
      %get3A_1039 = vector.shape_cast %get3A_1038 : vector<1x16xf32> to vector<16xf32>
      %swap3A_1040 = arith.constant 1 : i32
      %swap3A_1041 = arith.index_cast %swap3A_1040 : i32 to index
      %swap3A_1042 = arith.index_cast %add3A_1033 : i32 to index
      %swap3A_1043 = arith.constant 96 : index
      %swap3A_1044 = tpu.vector_load %arg6[%swap3A_1041, %swap3A_1042, %swap3A_1043] {strides = array<i32>} : memref<2x256x128xf32, #tpu.memory_space<vmem>>, vector<1x1x16xf32>,
      %swap3A_1045 = vector.shape_cast %swap3A_1044 : vector<1x1x16xf32> to vector<16xf32>
      %swap3A_1046 = vector.shape_cast %get3A_1039 : vector<16xf32> to vector<1x1x16xf32>
      tpu.vector_store %arg6[%swap3A_1041, %swap3A_1042, %swap3A_1043], %swap3A_1046 {add = true, strides = array<i32>} : memref<2x256x128xf32, #tpu.memory_space<vmem>>, vector<1x1x16xf32>,
      %add3A_1047 = arith.constant 5 : i32
      %add3A_1048 = arith.addi %mul3A_343, %add3A_1047 : i32
      %add3A_1049 = arith.constant 5 : i32
      %add3A_1050 = arith.addi %mul3A_343, %add3A_1049 : i32
      %get3A_1051 = arith.index_cast %add3A_1050 : i32 to index
      %get3A_1052 = arith.constant 112 : index
      %get3A_1053 = tpu.vector_load %arg5[%get3A_1051, %get3A_1052] {strides = array<i32>} : memref<256x128xf32, #tpu.memory_space<vmem>>, vector<1x16xf32>,
      %get3A_1054 = vector.shape_cast %get3A_1053 : vector<1x16xf32> to vector<16xf32>
      %swap3A_1055 = arith.constant 1 : i32
      %swap3A_1056 = arith.index_cast %swap3A_1055 : i32 to index
      %swap3A_1057 = arith.index_cast %add3A_1048 : i32 to index
      %swap3A_1058 = arith.constant 112 : index
      %swap3A_1059 = tpu.vector_load %arg6[%swap3A_1056, %swap3A_1057, %swap3A_1058] {strides = array<i32>} : memref<2x256x128xf32, #tpu.memory_space<vmem>>, vector<1x1x16xf32>,
      %swap3A_1060 = vector.shape_cast %swap3A_1059 : vector<1x1x16xf32> to vector<16xf32>
      %swap3A_1061 = vector.shape_cast %get3A_1054 : vector<16xf32> to vector<1x1x16xf32>
      tpu.vector_store %arg6[%swap3A_1056, %swap3A_1057, %swap3A_1058], %swap3A_1061 {add = true, strides = array<i32>} : memref<2x256x128xf32, #tpu.memory_space<vmem>>, vector<1x1x16xf32>,
      %add3A_1062 = arith.constant 6 : i32
      %add3A_1063 = arith.addi %mul3A_343, %add3A_1062 : i32
      %add3A_1064 = arith.constant 6 : i32
      %add3A_1065 = arith.addi %mul3A_343, %add3A_1064 : i32
      %get3A_1066 = arith.index_cast %add3A_1065 : i32 to index
      %get3A_1067 = arith.constant 0 : index
      %get3A_1068 = tpu.vector_load %arg5[%get3A_1066, %get3A_1067] {strides = array<i32>} : memref<256x128xf32, #tpu.memory_space<vmem>>, vector<1x16xf32>,
      %get3A_1069 = vector.shape_cast %get3A_1068 : vector<1x16xf32> to vector<16xf32>
      %swap3A_1070 = arith.constant 1 : i32
      %swap3A_1071 = arith.index_cast %swap3A_1070 : i32 to index
      %swap3A_1072 = arith.index_cast %add3A_1063 : i32 to index
      %swap3A_1073 = arith.constant 0 : index
      %swap3A_1074 = tpu.vector_load %arg6[%swap3A_1071, %swap3A_1072, %swap3A_1073] {strides = array<i32>} : memref<2x256x128xf32, #tpu.memory_space<vmem>>, vector<1x1x16xf32>,
      %swap3A_1075 = vector.shape_cast %swap3A_1074 : vector<1x1x16xf32> to vector<16xf32>
      %swap3A_1076 = vector.shape_cast %get3A_1069 : vector<16xf32> to vector<1x1x16xf32>
      tpu.vector_store %arg6[%swap3A_1071, %swap3A_1072, %swap3A_1073], %swap3A_1076 {add = true, strides = array<i32>} : memref<2x256x128xf32, #tpu.memory_space<vmem>>, vector<1x1x16xf32>,
      %add3A_1077 = arith.constant 6 : i32
      %add3A_1078 = arith.addi %mul3A_343, %add3A_1077 : i32
      %add3A_1079 = arith.constant 6 : i32
      %add3A_1080 = arith.addi %mul3A_343, %add3A_1079 : i32
      %get3A_1081 = arith.index_cast %add3A_1080 : i32 to index
      %get3A_1082 = arith.constant 16 : index
      %get3A_1083 = tpu.vector_load %arg5[%get3A_1081, %get3A_1082] {strides = array<i32>} : memref<256x128xf32, #tpu.memory_space<vmem>>, vector<1x16xf32>,
      %get3A_1084 = vector.shape_cast %get3A_1083 : vector<1x16xf32> to vector<16xf32>
      %swap3A_1085 = arith.constant 1 : i32
      %swap3A_1086 = arith.index_cast %swap3A_1085 : i32 to index
      %swap3A_1087 = arith.index_cast %add3A_1078 : i32 to index
      %swap3A_1088 = arith.constant 16 : index
      %swap3A_1089 = tpu.vector_load %arg6[%swap3A_1086, %swap3A_1087, %swap3A_1088] {strides = array<i32>} : memref<2x256x128xf32, #tpu.memory_space<vmem>>, vector<1x1x16xf32>,
      %swap3A_1090 = vector.shape_cast %swap3A_1089 : vector<1x1x16xf32> to vector<16xf32>
      %swap3A_1091 = vector.shape_cast %get3A_1084 : vector<16xf32> to vector<1x1x16xf32>
      tpu.vector_store %arg6[%swap3A_1086, %swap3A_1087, %swap3A_1088], %swap3A_1091 {add = true, strides = array<i32>} : memref<2x256x128xf32, #tpu.memory_space<vmem>>, vector<1x1x16xf32>,
      %add3A_1092 = arith.constant 6 : i32
      %add3A_1093 = arith.addi %mul3A_343, %add3A_1092 : i32
      %add3A_1094 = arith.constant 6 : i32
      %add3A_1095 = arith.addi %mul3A_343, %add3A_1094 : i32
      %get3A_1096 = arith.index_cast %add3A_1095 : i32 to index
      %get3A_1097 = arith.constant 32 : index
      %get3A_1098 = tpu.vector_load %arg5[%get3A_1096, %get3A_1097] {strides = array<i32>} : memref<256x128xf32, #tpu.memory_space<vmem>>, vector<1x16xf32>,
      %get3A_1099 = vector.shape_cast %get3A_1098 : vector<1x16xf32> to vector<16xf32>
      %swap3A_1100 = arith.constant 1 : i32
      %swap3A_1101 = arith.index_cast %swap3A_1100 : i32 to index
      %swap3A_1102 = arith.index_cast %add3A_1093 : i32 to index
      %swap3A_1103 = arith.constant 32 : index
      %swap3A_1104 = tpu.vector_load %arg6[%swap3A_1101, %swap3A_1102, %swap3A_1103] {strides = array<i32>} : memref<2x256x128xf32, #tpu.memory_space<vmem>>, vector<1x1x16xf32>,
      %swap3A_1105 = vector.shape_cast %swap3A_1104 : vector<1x1x16xf32> to vector<16xf32>
      %swap3A_1106 = vector.shape_cast %get3A_1099 : vector<16xf32> to vector<1x1x16xf32>
      tpu.vector_store %arg6[%swap3A_1101, %swap3A_1102, %swap3A_1103], %swap3A_1106 {add = true, strides = array<i32>} : memref<2x256x128xf32, #tpu.memory_space<vmem>>, vector<1x1x16xf32>,
      %add3A_1107 = arith.constant 6 : i32
      %add3A_1108 = arith.addi %mul3A_343, %add3A_1107 : i32
      %add3A_1109 = arith.constant 6 : i32
      %add3A_1110 = arith.addi %mul3A_343, %add3A_1109 : i32
      %get3A_1111 = arith.index_cast %add3A_1110 : i32 to index
      %get3A_1112 = arith.constant 48 : index
      %get3A_1113 = tpu.vector_load %arg5[%get3A_1111, %get3A_1112] {strides = array<i32>} : memref<256x128xf32, #tpu.memory_space<vmem>>, vector<1x16xf32>,
      %get3A_1114 = vector.shape_cast %get3A_1113 : vector<1x16xf32> to vector<16xf32>
      %swap3A_1115 = arith.constant 1 : i32
      %swap3A_1116 = arith.index_cast %swap3A_1115 : i32 to index
      %swap3A_1117 = arith.index_cast %add3A_1108 : i32 to index
      %swap3A_1118 = arith.constant 48 : index
      %swap3A_1119 = tpu.vector_load %arg6[%swap3A_1116, %swap3A_1117, %swap3A_1118] {strides = array<i32>} : memref<2x256x128xf32, #tpu.memory_space<vmem>>, vector<1x1x16xf32>,
      %swap3A_1120 = vector.shape_cast %swap3A_1119 : vector<1x1x16xf32> to vector<16xf32>
      %swap3A_1121 = vector.shape_cast %get3A_1114 : vector<16xf32> to vector<1x1x16xf32>
      tpu.vector_store %arg6[%swap3A_1116, %swap3A_1117, %swap3A_1118], %swap3A_1121 {add = true, strides = array<i32>} : memref<2x256x128xf32, #tpu.memory_space<vmem>>, vector<1x1x16xf32>,
      %add3A_1122 = arith.constant 6 : i32
      %add3A_1123 = arith.addi %mul3A_343, %add3A_1122 : i32
      %add3A_1124 = arith.constant 6 : i32
      %add3A_1125 = arith.addi %mul3A_343, %add3A_1124 : i32
      %get3A_1126 = arith.index_cast %add3A_1125 : i32 to index
      %get3A_1127 = arith.constant 64 : index
      %get3A_1128 = tpu.vector_load %arg5[%get3A_1126, %get3A_1127] {strides = array<i32>} : memref<256x128xf32, #tpu.memory_space<vmem>>, vector<1x16xf32>,
      %get3A_1129 = vector.shape_cast %get3A_1128 : vector<1x16xf32> to vector<16xf32>
      %swap3A_1130 = arith.constant 1 : i32
      %swap3A_1131 = arith.index_cast %swap3A_1130 : i32 to index
      %swap3A_1132 = arith.index_cast %add3A_1123 : i32 to index
      %swap3A_1133 = arith.constant 64 : index
      %swap3A_1134 = tpu.vector_load %arg6[%swap3A_1131, %swap3A_1132, %swap3A_1133] {strides = array<i32>} : memref<2x256x128xf32, #tpu.memory_space<vmem>>, vector<1x1x16xf32>,
      %swap3A_1135 = vector.shape_cast %swap3A_1134 : vector<1x1x16xf32> to vector<16xf32>
      %swap3A_1136 = vector.shape_cast %get3A_1129 : vector<16xf32> to vector<1x1x16xf32>
      tpu.vector_store %arg6[%swap3A_1131, %swap3A_1132, %swap3A_1133], %swap3A_1136 {add = true, strides = array<i32>} : memref<2x256x128xf32, #tpu.memory_space<vmem>>, vector<1x1x16xf32>,
      %add3A_1137 = arith.constant 6 : i32
      %add3A_1138 = arith.addi %mul3A_343, %add3A_1137 : i32
      %add3A_1139 = arith.constant 6 : i32
      %add3A_1140 = arith.addi %mul3A_343, %add3A_1139 : i32
      %get3A_1141 = arith.index_cast %add3A_1140 : i32 to index
      %get3A_1142 = arith.constant 80 : index
      %get3A_1143 = tpu.vector_load %arg5[%get3A_1141, %get3A_1142] {strides = array<i32>} : memref<256x128xf32, #tpu.memory_space<vmem>>, vector<1x16xf32>,
      %get3A_1144 = vector.shape_cast %get3A_1143 : vector<1x16xf32> to vector<16xf32>
      %swap3A_1145 = arith.constant 1 : i32
      %swap3A_1146 = arith.index_cast %swap3A_1145 : i32 to index
      %swap3A_1147 = arith.index_cast %add3A_1138 : i32 to index
      %swap3A_1148 = arith.constant 80 : index
      %swap3A_1149 = tpu.vector_load %arg6[%swap3A_1146, %swap3A_1147, %swap3A_1148] {strides = array<i32>} : memref<2x256x128xf32, #tpu.memory_space<vmem>>, vector<1x1x16xf32>,
      %swap3A_1150 = vector.shape_cast %swap3A_1149 : vector<1x1x16xf32> to vector<16xf32>
      %swap3A_1151 = vector.shape_cast %get3A_1144 : vector<16xf32> to vector<1x1x16xf32>
      tpu.vector_store %arg6[%swap3A_1146, %swap3A_1147, %swap3A_1148], %swap3A_1151 {add = true, strides = array<i32>} : memref<2x256x128xf32, #tpu.memory_space<vmem>>, vector<1x1x16xf32>,
      %add3A_1152 = arith.constant 6 : i32
      %add3A_1153 = arith.addi %mul3A_343, %add3A_1152 : i32
      %add3A_1154 = arith.constant 6 : i32
      %add3A_1155 = arith.addi %mul3A_343, %add3A_1154 : i32
      %get3A_1156 = arith.index_cast %add3A_1155 : i32 to index
      %get3A_1157 = arith.constant 96 : index
      %get3A_1158 = tpu.vector_load %arg5[%get3A_1156, %get3A_1157] {strides = array<i32>} : memref<256x128xf32, #tpu.memory_space<vmem>>, vector<1x16xf32>,
      %get3A_1159 = vector.shape_cast %get3A_1158 : vector<1x16xf32> to vector<16xf32>
      %swap3A_1160 = arith.constant 1 : i32
      %swap3A_1161 = arith.index_cast %swap3A_1160 : i32 to index
      %swap3A_1162 = arith.index_cast %add3A_1153 : i32 to index
      %swap3A_1163 = arith.constant 96 : index
      %swap3A_1164 = tpu.vector_load %arg6[%swap3A_1161, %swap3A_1162, %swap3A_1163] {strides = array<i32>} : memref<2x256x128xf32, #tpu.memory_space<vmem>>, vector<1x1x16xf32>,
      %swap3A_1165 = vector.shape_cast %swap3A_1164 : vector<1x1x16xf32> to vector<16xf32>
      %swap3A_1166 = vector.shape_cast %get3A_1159 : vector<16xf32> to vector<1x1x16xf32>
      tpu.vector_store %arg6[%swap3A_1161, %swap3A_1162, %swap3A_1163], %swap3A_1166 {add = true, strides = array<i32>} : memref<2x256x128xf32, #tpu.memory_space<vmem>>, vector<1x1x16xf32>,
      %add3A_1167 = arith.constant 6 : i32
      %add3A_1168 = arith.addi %mul3A_343, %add3A_1167 : i32
      %add3A_1169 = arith.constant 6 : i32
      %add3A_1170 = arith.addi %mul3A_343, %add3A_1169 : i32
      %get3A_1171 = arith.index_cast %add3A_1170 : i32 to index
      %get3A_1172 = arith.constant 112 : index
      %get3A_1173 = tpu.vector_load %arg5[%get3A_1171, %get3A_1172] {strides = array<i32>} : memref<256x128xf32, #tpu.memory_space<vmem>>, vector<1x16xf32>,
      %get3A_1174 = vector.shape_cast %get3A_1173 : vector<1x16xf32> to vector<16xf32>
      %swap3A_1175 = arith.constant 1 : i32
      %swap3A_1176 = arith.index_cast %swap3A_1175 : i32 to index
      %swap3A_1177 = arith.index_cast %add3A_1168 : i32 to index
      %swap3A_1178 = arith.constant 112 : index
      %swap3A_1179 = tpu.vector_load %arg6[%swap3A_1176, %swap3A_1177, %swap3A_1178] {strides = array<i32>} : memref<2x256x128xf32, #tpu.memory_space<vmem>>, vector<1x1x16xf32>,
      %swap3A_1180 = vector.shape_cast %swap3A_1179 : vector<1x1x16xf32> to vector<16xf32>
      %swap3A_1181 = vector.shape_cast %get3A_1174 : vector<16xf32> to vector<1x1x16xf32>
      tpu.vector_store %arg6[%swap3A_1176, %swap3A_1177, %swap3A_1178], %swap3A_1181 {add = true, strides = array<i32>} : memref<2x256x128xf32, #tpu.memory_space<vmem>>, vector<1x1x16xf32>,
      %add3A_1182 = arith.constant 7 : i32
      %add3A_1183 = arith.addi %mul3A_343, %add3A_1182 : i32
      %add3A_1184 = arith.constant 7 : i32
      %add3A_1185 = arith.addi %mul3A_343, %add3A_1184 : i32
      %get3A_1186 = arith.index_cast %add3A_1185 : i32 to index
      %get3A_1187 = arith.constant 0 : index
      %get3A_1188 = tpu.vector_load %arg5[%get3A_1186, %get3A_1187] {strides = array<i32>} : memref<256x128xf32, #tpu.memory_space<vmem>>, vector<1x16xf32>,
      %get3A_1189 = vector.shape_cast %get3A_1188 : vector<1x16xf32> to vector<16xf32>
      %swap3A_1190 = arith.constant 1 : i32
      %swap3A_1191 = arith.index_cast %swap3A_1190 : i32 to index
      %swap3A_1192 = arith.index_cast %add3A_1183 : i32 to index
      %swap3A_1193 = arith.constant 0 : index
      %swap3A_1194 = tpu.vector_load %arg6[%swap3A_1191, %swap3A_1192, %swap3A_1193] {strides = array<i32>} : memref<2x256x128xf32, #tpu.memory_space<vmem>>, vector<1x1x16xf32>,
      %swap3A_1195 = vector.shape_cast %swap3A_1194 : vector<1x1x16xf32> to vector<16xf32>
      %swap3A_1196 = vector.shape_cast %get3A_1189 : vector<16xf32> to vector<1x1x16xf32>
      tpu.vector_store %arg6[%swap3A_1191, %swap3A_1192, %swap3A_1193], %swap3A_1196 {add = true, strides = array<i32>} : memref<2x256x128xf32, #tpu.memory_space<vmem>>, vector<1x1x16xf32>,
      %add3A_1197 = arith.constant 7 : i32
      %add3A_1198 = arith.addi %mul3A_343, %add3A_1197 : i32
      %add3A_1199 = arith.constant 7 : i32
      %add3A_1200 = arith.addi %mul3A_343, %add3A_1199 : i32
      %get3A_1201 = arith.index_cast %add3A_1200 : i32 to index
      %get3A_1202 = arith.constant 16 : index
      %get3A_1203 = tpu.vector_load %arg5[%get3A_1201, %get3A_1202] {strides = array<i32>} : memref<256x128xf32, #tpu.memory_space<vmem>>, vector<1x16xf32>,
      %get3A_1204 = vector.shape_cast %get3A_1203 : vector<1x16xf32> to vector<16xf32>
      %swap3A_1205 = arith.constant 1 : i32
      %swap3A_1206 = arith.index_cast %swap3A_1205 : i32 to index
      %swap3A_1207 = arith.index_cast %add3A_1198 : i32 to index
      %swap3A_1208 = arith.constant 16 : index
      %swap3A_1209 = tpu.vector_load %arg6[%swap3A_1206, %swap3A_1207, %swap3A_1208] {strides = array<i32>} : memref<2x256x128xf32, #tpu.memory_space<vmem>>, vector<1x1x16xf32>,
      %swap3A_1210 = vector.shape_cast %swap3A_1209 : vector<1x1x16xf32> to vector<16xf32>
      %swap3A_1211 = vector.shape_cast %get3A_1204 : vector<16xf32> to vector<1x1x16xf32>
      tpu.vector_store %arg6[%swap3A_1206, %swap3A_1207, %swap3A_1208], %swap3A_1211 {add = true, strides = array<i32>} : memref<2x256x128xf32, #tpu.memory_space<vmem>>, vector<1x1x16xf32>,
      %add3A_1212 = arith.constant 7 : i32
      %add3A_1213 = arith.addi %mul3A_343, %add3A_1212 : i32
      %add3A_1214 = arith.constant 7 : i32
      %add3A_1215 = arith.addi %mul3A_343, %add3A_1214 : i32
      %get3A_1216 = arith.index_cast %add3A_1215 : i32 to index
      %get3A_1217 = arith.constant 32 : index
      %get3A_1218 = tpu.vector_load %arg5[%get3A_1216, %get3A_1217] {strides = array<i32>} : memref<256x128xf32, #tpu.memory_space<vmem>>, vector<1x16xf32>,
      %get3A_1219 = vector.shape_cast %get3A_1218 : vector<1x16xf32> to vector<16xf32>
      %swap3A_1220 = arith.constant 1 : i32
      %swap3A_1221 = arith.index_cast %swap3A_1220 : i32 to index
      %swap3A_1222 = arith.index_cast %add3A_1213 : i32 to index
      %swap3A_1223 = arith.constant 32 : index
      %swap3A_1224 = tpu.vector_load %arg6[%swap3A_1221, %swap3A_1222, %swap3A_1223] {strides = array<i32>} : memref<2x256x128xf32, #tpu.memory_space<vmem>>, vector<1x1x16xf32>,
      %swap3A_1225 = vector.shape_cast %swap3A_1224 : vector<1x1x16xf32> to vector<16xf32>
      %swap3A_1226 = vector.shape_cast %get3A_1219 : vector<16xf32> to vector<1x1x16xf32>
      tpu.vector_store %arg6[%swap3A_1221, %swap3A_1222, %swap3A_1223], %swap3A_1226 {add = true, strides = array<i32>} : memref<2x256x128xf32, #tpu.memory_space<vmem>>, vector<1x1x16xf32>,
      %add3A_1227 = arith.constant 7 : i32
      %add3A_1228 = arith.addi %mul3A_343, %add3A_1227 : i32
      %add3A_1229 = arith.constant 7 : i32
      %add3A_1230 = arith.addi %mul3A_343, %add3A_1229 : i32
      %get3A_1231 = arith.index_cast %add3A_1230 : i32 to index
      %get3A_1232 = arith.constant 48 : index
      %get3A_1233 = tpu.vector_load %arg5[%get3A_1231, %get3A_1232] {strides = array<i32>} : memref<256x128xf32, #tpu.memory_space<vmem>>, vector<1x16xf32>,
      %get3A_1234 = vector.shape_cast %get3A_1233 : vector<1x16xf32> to vector<16xf32>
      %swap3A_1235 = arith.constant 1 : i32
      %swap3A_1236 = arith.index_cast %swap3A_1235 : i32 to index
      %swap3A_1237 = arith.index_cast %add3A_1228 : i32 to index
      %swap3A_1238 = arith.constant 48 : index
      %swap3A_1239 = tpu.vector_load %arg6[%swap3A_1236, %swap3A_1237, %swap3A_1238] {strides = array<i32>} : memref<2x256x128xf32, #tpu.memory_space<vmem>>, vector<1x1x16xf32>,
      %swap3A_1240 = vector.shape_cast %swap3A_1239 : vector<1x1x16xf32> to vector<16xf32>
      %swap3A_1241 = vector.shape_cast %get3A_1234 : vector<16xf32> to vector<1x1x16xf32>
      tpu.vector_store %arg6[%swap3A_1236, %swap3A_1237, %swap3A_1238], %swap3A_1241 {add = true, strides = array<i32>} : memref<2x256x128xf32, #tpu.memory_space<vmem>>, vector<1x1x16xf32>,
      %add3A_1242 = arith.constant 7 : i32
      %add3A_1243 = arith.addi %mul3A_343, %add3A_1242 : i32
      %add3A_1244 = arith.constant 7 : i32
      %add3A_1245 = arith.addi %mul3A_343, %add3A_1244 : i32
      %get3A_1246 = arith.index_cast %add3A_1245 : i32 to index
      %get3A_1247 = arith.constant 64 : index
      %get3A_1248 = tpu.vector_load %arg5[%get3A_1246, %get3A_1247] {strides = array<i32>} : memref<256x128xf32, #tpu.memory_space<vmem>>, vector<1x16xf32>,
      %get3A_1249 = vector.shape_cast %get3A_1248 : vector<1x16xf32> to vector<16xf32>
      %swap3A_1250 = arith.constant 1 : i32
      %swap3A_1251 = arith.index_cast %swap3A_1250 : i32 to index
      %swap3A_1252 = arith.index_cast %add3A_1243 : i32 to index
      %swap3A_1253 = arith.constant 64 : index
      %swap3A_1254 = tpu.vector_load %arg6[%swap3A_1251, %swap3A_1252, %swap3A_1253] {strides = array<i32>} : memref<2x256x128xf32, #tpu.memory_space<vmem>>, vector<1x1x16xf32>,
      %swap3A_1255 = vector.shape_cast %swap3A_1254 : vector<1x1x16xf32> to vector<16xf32>
      %swap3A_1256 = vector.shape_cast %get3A_1249 : vector<16xf32> to vector<1x1x16xf32>
      tpu.vector_store %arg6[%swap3A_1251, %swap3A_1252, %swap3A_1253], %swap3A_1256 {add = true, strides = array<i32>} : memref<2x256x128xf32, #tpu.memory_space<vmem>>, vector<1x1x16xf32>,
      %add3A_1257 = arith.constant 7 : i32
      %add3A_1258 = arith.addi %mul3A_343, %add3A_1257 : i32
      %add3A_1259 = arith.constant 7 : i32
      %add3A_1260 = arith.addi %mul3A_343, %add3A_1259 : i32
      %get3A_1261 = arith.index_cast %add3A_1260 : i32 to index
      %get3A_1262 = arith.constant 80 : index
      %get3A_1263 = tpu.vector_load %arg5[%get3A_1261, %get3A_1262] {strides = array<i32>} : memref<256x128xf32, #tpu.memory_space<vmem>>, vector<1x16xf32>,
      %get3A_1264 = vector.shape_cast %get3A_1263 : vector<1x16xf32> to vector<16xf32>
      %swap3A_1265 = arith.constant 1 : i32
      %swap3A_1266 = arith.index_cast %swap3A_1265 : i32 to index
      %swap3A_1267 = arith.index_cast %add3A_1258 : i32 to index
      %swap3A_1268 = arith.constant 80 : index
      %swap3A_1269 = tpu.vector_load %arg6[%swap3A_1266, %swap3A_1267, %swap3A_1268] {strides = array<i32>} : memref<2x256x128xf32, #tpu.memory_space<vmem>>, vector<1x1x16xf32>,
      %swap3A_1270 = vector.shape_cast %swap3A_1269 : vector<1x1x16xf32> to vector<16xf32>
      %swap3A_1271 = vector.shape_cast %get3A_1264 : vector<16xf32> to vector<1x1x16xf32>
      tpu.vector_store %arg6[%swap3A_1266, %swap3A_1267, %swap3A_1268], %swap3A_1271 {add = true, strides = array<i32>} : memref<2x256x128xf32, #tpu.memory_space<vmem>>, vector<1x1x16xf32>,
      %add3A_1272 = arith.constant 7 : i32
      %add3A_1273 = arith.addi %mul3A_343, %add3A_1272 : i32
      %add3A_1274 = arith.constant 7 : i32
      %add3A_1275 = arith.addi %mul3A_343, %add3A_1274 : i32
      %get3A_1276 = arith.index_cast %add3A_1275 : i32 to index
      %get3A_1277 = arith.constant 96 : index
      %get3A_1278 = tpu.vector_load %arg5[%get3A_1276, %get3A_1277] {strides = array<i32>} : memref<256x128xf32, #tpu.memory_space<vmem>>, vector<1x16xf32>,
      %get3A_1279 = vector.shape_cast %get3A_1278 : vector<1x16xf32> to vector<16xf32>
      %swap3A_1280 = arith.constant 1 : i32
      %swap3A_1281 = arith.index_cast %swap3A_1280 : i32 to index
      %swap3A_1282 = arith.index_cast %add3A_1273 : i32 to index
      %swap3A_1283 = arith.constant 96 : index
      %swap3A_1284 = tpu.vector_load %arg6[%swap3A_1281, %swap3A_1282, %swap3A_1283] {strides = array<i32>} : memref<2x256x128xf32, #tpu.memory_space<vmem>>, vector<1x1x16xf32>,
      %swap3A_1285 = vector.shape_cast %swap3A_1284 : vector<1x1x16xf32> to vector<16xf32>
      %swap3A_1286 = vector.shape_cast %get3A_1279 : vector<16xf32> to vector<1x1x16xf32>
      tpu.vector_store %arg6[%swap3A_1281, %swap3A_1282, %swap3A_1283], %swap3A_1286 {add = true, strides = array<i32>} : memref<2x256x128xf32, #tpu.memory_space<vmem>>, vector<1x1x16xf32>,
      %add3A_1287 = arith.constant 7 : i32
      %add3A_1288 = arith.addi %mul3A_343, %add3A_1287 : i32
      %add3A_1289 = arith.constant 7 : i32
      %add3A_1290 = arith.addi %mul3A_343, %add3A_1289 : i32
      %get3A_1291 = arith.index_cast %add3A_1290 : i32 to index
      %get3A_1292 = arith.constant 112 : index
      %get3A_1293 = tpu.vector_load %arg5[%get3A_1291, %get3A_1292] {strides = array<i32>} : memref<256x128xf32, #tpu.memory_space<vmem>>, vector<1x16xf32>,
      %get3A_1294 = vector.shape_cast %get3A_1293 : vector<1x16xf32> to vector<16xf32>
      %swap3A_1295 = arith.constant 1 : i32
      %swap3A_1296 = arith.index_cast %swap3A_1295 : i32 to index
      %swap3A_1297 = arith.index_cast %add3A_1288 : i32 to index
      %swap3A_1298 = arith.constant 112 : index
      %swap3A_1299 = tpu.vector_load %arg6[%swap3A_1296, %swap3A_1297, %swap3A_1298] {strides = array<i32>} : memref<2x256x128xf32, #tpu.memory_space<vmem>>, vector<1x1x16xf32>,
      %swap3A_1300 = vector.shape_cast %swap3A_1299 : vector<1x1x16xf32> to vector<16xf32>
      %swap3A_1301 = vector.shape_cast %get3A_1294 : vector<16xf32> to vector<1x1x16xf32>
      tpu.vector_store %arg6[%swap3A_1296, %swap3A_1297, %swap3A_1298], %swap3A_1301 {add = true, strides = array<i32>} : memref<2x256x128xf32, #tpu.memory_space<vmem>>, vector<1x1x16xf32>,
      %scan3A_1302 = arith.constant 0 : i32
      scf.yield %scan3A_1302 : i32
    }
    %scan3A_154 = arith.constant 32 : i32
    %dma_start3A_155 = arith.constant 1 : i32
    %dma_start3A_156 = arith.constant 1 : i32
    %dma_start3A_157 = arith.constant 1 : i32
    %dma_start3A_158 = arith.constant 0 : i32
    %dma_start3A_159 = arith.constant 0 : i32
    %dma_start3A_160 = tpu.memref_slice %arg6[%dma_start3A_155, %dma_start3A_158, %dma_start3A_159] : memref<2x256x128xf32, #tpu.memory_space<vmem>> -> memref<1x256x128xf32, #tpu.memory_space<vmem>>
    %dma_start3A_161 = tpu.memref_squeeze %dma_start3A_160 : memref<1x256x128xf32, #tpu.memory_space<vmem>> -> memref<256x128xf32, #tpu.memory_space<vmem>>
    %dma_start3A_162 = arith.constant 0 : i32
    %dma_start3A_163 = tpu.memref_slice %arg4[%dma_start3A_156, %mul3A_2, %dma_start3A_162] : memref<4x8192x128xf32, #tpu.memory_space<hbm>> -> memref<1x256x128xf32, #tpu.memory_space<hbm>>
    %dma_start3A_164 = tpu.memref_squeeze %dma_start3A_163 : memref<1x256x128xf32, #tpu.memory_space<hbm>> -> memref<256x128xf32, #tpu.memory_space<hbm>>
    %dma_start3A_165 = tpu.memref_slice %arg9[%dma_start3A_157] : memref<2x!tpu.dma_semaphore, #tpu.memory_space<semaphore_mem>> -> memref<1x!tpu.dma_semaphore, #tpu.memory_space<semaphore_mem>>
    %dma_start3A_166 = tpu.memref_squeeze %dma_start3A_165 : memref<1x!tpu.dma_semaphore, #tpu.memory_space<semaphore_mem>> -> memref<!tpu.dma_semaphore, #tpu.memory_space<semaphore_mem>>
    %dma_start3A_167 = arith.constant 0 : i32
    %dma_start3A_168 = tpu.memref_slice %arg4[%dma_start3A_156, %mul3A_2, %dma_start3A_167] : memref<4x8192x128xf32, #tpu.memory_space<hbm>> -> memref<1x256x128xf32, #tpu.memory_space<hbm>>
    %dma_start3A_169 = tpu.memref_squeeze %dma_start3A_168 : memref<1x256x128xf32, #tpu.memory_space<hbm>> -> memref<256x128xf32, #tpu.memory_space<hbm>>
    %dma_start3A_170 = arith.constant 0 : i32
    %dma_start3A_171 = arith.constant 0 : i32
    %dma_start3A_172 = tpu.memref_slice %arg6[%dma_start3A_155, %dma_start3A_170, %dma_start3A_171] : memref<2x256x128xf32, #tpu.memory_space<vmem>> -> memref<1x256x128xf32, #tpu.memory_space<vmem>>
    %dma_start3A_173 = tpu.memref_squeeze %dma_start3A_172 : memref<1x256x128xf32, #tpu.memory_space<vmem>> -> memref<256x128xf32, #tpu.memory_space<vmem>>
    tpu.enqueue_dma source(%dma_start3A_173 : memref<256x128xf32, #tpu.memory_space<vmem>>) target(%dma_start3A_169 : memref<256x128xf32, #tpu.memory_space<hbm>>) target_semaphore(%dma_start3A_166 : memref<!tpu.dma_semaphore, #tpu.memory_space<semaphore_mem>>)
    %dma_wait3A_174 = arith.constant 1 : i32
    %dma_wait3A_175 = arith.constant 1 : i32
    %dma_wait3A_176 = arith.constant 1 : i32
    %dma_wait3A_177 = arith.constant 0 : i32
    %dma_wait3A_178 = arith.constant 0 : i32
    %dma_wait3A_179 = tpu.memref_slice %arg6[%dma_wait3A_174, %dma_wait3A_177, %dma_wait3A_178] : memref<2x256x128xf32, #tpu.memory_space<vmem>> -> memref<1x256x128xf32, #tpu.memory_space<vmem>>
    %dma_wait3A_180 = tpu.memref_squeeze %dma_wait3A_179 : memref<1x256x128xf32, #tpu.memory_space<vmem>> -> memref<256x128xf32, #tpu.memory_space<vmem>>
    %dma_wait3A_181 = arith.constant 0 : i32
    %dma_wait3A_182 = tpu.memref_slice %arg4[%dma_wait3A_175, %mul3A_2, %dma_wait3A_181] : memref<4x8192x128xf32, #tpu.memory_space<hbm>> -> memref<1x256x128xf32, #tpu.memory_space<hbm>>
    %dma_wait3A_183 = tpu.memref_squeeze %dma_wait3A_182 : memref<1x256x128xf32, #tpu.memory_space<hbm>> -> memref<256x128xf32, #tpu.memory_space<hbm>>
    %dma_wait3A_184 = tpu.memref_slice %arg9[%dma_wait3A_176] : memref<2x!tpu.dma_semaphore, #tpu.memory_space<semaphore_mem>> -> memref<1x!tpu.dma_semaphore, #tpu.memory_space<semaphore_mem>>
    %dma_wait3A_185 = tpu.memref_squeeze %dma_wait3A_184 : memref<1x!tpu.dma_semaphore, #tpu.memory_space<semaphore_mem>> -> memref<!tpu.dma_semaphore, #tpu.memory_space<semaphore_mem>>
    %dma_wait3A_186 = arith.constant 0 : i32
    %dma_wait3A_187 = tpu.memref_slice %arg4[%dma_wait3A_175, %mul3A_2, %dma_wait3A_186] : memref<4x8192x128xf32, #tpu.memory_space<hbm>> -> memref<1x256x128xf32, #tpu.memory_space<hbm>>
    %dma_wait3A_188 = tpu.memref_squeeze %dma_wait3A_187 : memref<1x256x128xf32, #tpu.memory_space<hbm>> -> memref<256x128xf32, #tpu.memory_space<hbm>>
    %dma_wait3A_189 = arith.constant 0 : i32
    %dma_wait3A_190 = arith.constant 0 : i32
    %dma_wait3A_191 = tpu.memref_slice %arg6[%dma_wait3A_174, %dma_wait3A_189, %dma_wait3A_190] : memref<2x256x128xf32, #tpu.memory_space<vmem>> -> memref<1x256x128xf32, #tpu.memory_space<vmem>>
    %dma_wait3A_192 = tpu.memref_squeeze %dma_wait3A_191 : memref<1x256x128xf32, #tpu.memory_space<vmem>> -> memref<256x128xf32, #tpu.memory_space<vmem>>
    tpu.wait_dma2 semaphore(%dma_wait3A_185 : memref<!tpu.dma_semaphore, #tpu.memory_space<semaphore_mem>>) src(%dma_wait3A_192 : memref<256x128xf32, #tpu.memory_space<vmem>>) dst(%dma_wait3A_188 : memref<256x128xf32, #tpu.memory_space<hbm>>)
    %dma_start3A_193 = arith.constant 3 : i32
    %dma_start3A_194 = arith.constant 1 : i32
    %dma_start3A_195 = arith.constant 1 : i32
    %dma_start3A_196 = arith.constant 0 : i32
    %dma_start3A_197 = arith.constant 0 : i32
    %dma_start3A_198 = tpu.memref_slice %arg6[%dma_start3A_194, %dma_start3A_196, %dma_start3A_197] : memref<2x256x128xf32, #tpu.memory_space<vmem>> -> memref<1x256x128xf32, #tpu.memory_space<vmem>>
    %dma_start3A_199 = tpu.memref_squeeze %dma_start3A_198 : memref<1x256x128xf32, #tpu.memory_space<vmem>> -> memref<256x128xf32, #tpu.memory_space<vmem>>
    %dma_start3A_200 = arith.constant 0 : i32
    %dma_start3A_201 = tpu.memref_slice %arg2[%dma_start3A_193, %mul3A_2, %dma_start3A_200] : memref<4x8192x128xf32, #tpu.memory_space<hbm>> -> memref<1x256x128xf32, #tpu.memory_space<hbm>>
    %dma_start3A_202 = tpu.memref_squeeze %dma_start3A_201 : memref<1x256x128xf32, #tpu.memory_space<hbm>> -> memref<256x128xf32, #tpu.memory_space<hbm>>
    %dma_start3A_203 = tpu.memref_slice %arg8[%dma_start3A_195] : memref<2x!tpu.dma_semaphore, #tpu.memory_space<semaphore_mem>> -> memref<1x!tpu.dma_semaphore, #tpu.memory_space<semaphore_mem>>
    %dma_start3A_204 = tpu.memref_squeeze %dma_start3A_203 : memref<1x!tpu.dma_semaphore, #tpu.memory_space<semaphore_mem>> -> memref<!tpu.dma_semaphore, #tpu.memory_space<semaphore_mem>>
    %dma_start3A_205 = arith.constant 0 : i32
    %dma_start3A_206 = arith.constant 0 : i32
    %dma_start3A_207 = tpu.memref_slice %arg6[%dma_start3A_194, %dma_start3A_205, %dma_start3A_206] : memref<2x256x128xf32, #tpu.memory_space<vmem>> -> memref<1x256x128xf32, #tpu.memory_space<vmem>>
    %dma_start3A_208 = tpu.memref_squeeze %dma_start3A_207 : memref<1x256x128xf32, #tpu.memory_space<vmem>> -> memref<256x128xf32, #tpu.memory_space<vmem>>
    %dma_start3A_209 = arith.constant 0 : i32
    %dma_start3A_210 = tpu.memref_slice %arg2[%dma_start3A_193, %mul3A_2, %dma_start3A_209] : memref<4x8192x128xf32, #tpu.memory_space<hbm>> -> memref<1x256x128xf32, #tpu.memory_space<hbm>>
    %dma_start3A_211 = tpu.memref_squeeze %dma_start3A_210 : memref<1x256x128xf32, #tpu.memory_space<hbm>> -> memref<256x128xf32, #tpu.memory_space<hbm>>
    tpu.enqueue_dma source(%dma_start3A_211 : memref<256x128xf32, #tpu.memory_space<hbm>>) target(%dma_start3A_208 : memref<256x128xf32, #tpu.memory_space<vmem>>) target_semaphore(%dma_start3A_204 : memref<!tpu.dma_semaphore, #tpu.memory_space<semaphore_mem>>)
    %dma_wait3A_212 = arith.constant 2 : i32
    %dma_wait3A_213 = arith.constant 0 : i32
    %dma_wait3A_214 = arith.constant 0 : i32
    %dma_wait3A_215 = arith.constant 0 : i32
    %dma_wait3A_216 = arith.constant 0 : i32
    %dma_wait3A_217 = tpu.memref_slice %arg6[%dma_wait3A_213, %dma_wait3A_215, %dma_wait3A_216] : memref<2x256x128xf32, #tpu.memory_space<vmem>> -> memref<1x256x128xf32, #tpu.memory_space<vmem>>
    %dma_wait3A_218 = tpu.memref_squeeze %dma_wait3A_217 : memref<1x256x128xf32, #tpu.memory_space<vmem>> -> memref<256x128xf32, #tpu.memory_space<vmem>>
    %dma_wait3A_219 = arith.constant 0 : i32
    %dma_wait3A_220 = tpu.memref_slice %arg2[%dma_wait3A_212, %mul3A_2, %dma_wait3A_219] : memref<4x8192x128xf32, #tpu.memory_space<hbm>> -> memref<1x256x128xf32, #tpu.memory_space<hbm>>
    %dma_wait3A_221 = tpu.memref_squeeze %dma_wait3A_220 : memref<1x256x128xf32, #tpu.memory_space<hbm>> -> memref<256x128xf32, #tpu.memory_space<hbm>>
    %dma_wait3A_222 = tpu.memref_slice %arg8[%dma_wait3A_214] : memref<2x!tpu.dma_semaphore, #tpu.memory_space<semaphore_mem>> -> memref<1x!tpu.dma_semaphore, #tpu.memory_space<semaphore_mem>>
    %dma_wait3A_223 = tpu.memref_squeeze %dma_wait3A_222 : memref<1x!tpu.dma_semaphore, #tpu.memory_space<semaphore_mem>> -> memref<!tpu.dma_semaphore, #tpu.memory_space<semaphore_mem>>
    %dma_wait3A_224 = arith.constant 0 : i32
    %dma_wait3A_225 = arith.constant 0 : i32
    %dma_wait3A_226 = tpu.memref_slice %arg6[%dma_wait3A_213, %dma_wait3A_224, %dma_wait3A_225] : memref<2x256x128xf32, #tpu.memory_space<vmem>> -> memref<1x256x128xf32, #tpu.memory_space<vmem>>
    %dma_wait3A_227 = tpu.memref_squeeze %dma_wait3A_226 : memref<1x256x128xf32, #tpu.memory_space<vmem>> -> memref<256x128xf32, #tpu.memory_space<vmem>>
    %dma_wait3A_228 = arith.constant 0 : i32
    %dma_wait3A_229 = tpu.memref_slice %arg2[%dma_wait3A_212, %mul3A_2, %dma_wait3A_228] : memref<4x8192x128xf32, #tpu.memory_space<hbm>> -> memref<1x256x128xf32, #tpu.memory_space<hbm>>
    %dma_wait3A_230 = tpu.memref_squeeze %dma_wait3A_229 : memref<1x256x128xf32, #tpu.memory_space<hbm>> -> memref<256x128xf32, #tpu.memory_space<hbm>>
    tpu.wait_dma2 semaphore(%dma_wait3A_223 : memref<!tpu.dma_semaphore, #tpu.memory_space<semaphore_mem>>) src(%dma_wait3A_230 : memref<256x128xf32, #tpu.memory_space<hbm>>) dst(%dma_wait3A_227 : memref<256x128xf32, #tpu.memory_space<vmem>>)
    %scan3A_231 = arith.constant 0 : i32
    %scan3A_232 = arith.constant 0 : i32
    %scan3A_233 = arith.constant 32 : i32
    %scan3A_234 = arith.addi %scan3A_232, %scan3A_233 : i32
    %scan3A_235 = arith.constant 1 : i32
    %scan3A_236 = scf.for %scan3A_340 = %scan3A_232 to %scan3A_234 step %scan3A_235 iter_args(%scan3A_341 = %scan3A_231) -> (i32)  : i32 {
      %mul3A_342 = arith.constant 8 : i32
      %mul3A_343 = arith.muli %scan3A_340, %mul3A_342 : i32
      %add3A_344 = arith.constant 0 : i32
      %add3A_345 = arith.addi %mul3A_343, %add3A_344 : i32
      %add3A_346 = arith.constant 0 : i32
      %add3A_347 = arith.addi %mul3A_343, %add3A_346 : i32
      %get3A = arith.index_cast %add3A_347 : i32 to index
      %get3A_348 = arith.constant 0 : index
      %get3A_349 = tpu.vector_load %arg5[%get3A, %get3A_348] {strides = array<i32>} : memref<256x128xf32, #tpu.memory_space<vmem>>, vector<1x16xf32>,
      %get3A_350 = vector.shape_cast %get3A_349 : vector<1x16xf32> to vector<16xf32>
      %swap3A = arith.constant 0 : i32
      %swap3A_351 = arith.index_cast %swap3A : i32 to index
      %swap3A_352 = arith.index_cast %add3A_345 : i32 to index
      %swap3A_353 = arith.constant 0 : index
      %swap3A_354 = tpu.vector_load %arg6[%swap3A_351, %swap3A_352, %swap3A_353] {strides = array<i32>} : memref<2x256x128xf32, #tpu.memory_space<vmem>>, vector<1x1x16xf32>,
      %swap3A_355 = vector.shape_cast %swap3A_354 : vector<1x1x16xf32> to vector<16xf32>
      %swap3A_356 = vector.shape_cast %get3A_350 : vector<16xf32> to vector<1x1x16xf32>
      tpu.vector_store %arg6[%swap3A_351, %swap3A_352, %swap3A_353], %swap3A_356 {add = true, strides = array<i32>} : memref<2x256x128xf32, #tpu.memory_space<vmem>>, vector<1x1x16xf32>,
      %add3A_357 = arith.constant 0 : i32
      %add3A_358 = arith.addi %mul3A_343, %add3A_357 : i32
      %add3A_359 = arith.constant 0 : i32
      %add3A_360 = arith.addi %mul3A_343, %add3A_359 : i32
      %get3A_361 = arith.index_cast %add3A_360 : i32 to index
      %get3A_362 = arith.constant 16 : index
      %get3A_363 = tpu.vector_load %arg5[%get3A_361, %get3A_362] {strides = array<i32>} : memref<256x128xf32, #tpu.memory_space<vmem>>, vector<1x16xf32>,
      %get3A_364 = vector.shape_cast %get3A_363 : vector<1x16xf32> to vector<16xf32>
      %swap3A_365 = arith.constant 0 : i32
      %swap3A_366 = arith.index_cast %swap3A_365 : i32 to index
      %swap3A_367 = arith.index_cast %add3A_358 : i32 to index
      %swap3A_368 = arith.constant 16 : index
      %swap3A_369 = tpu.vector_load %arg6[%swap3A_366, %swap3A_367, %swap3A_368] {strides = array<i32>} : memref<2x256x128xf32, #tpu.memory_space<vmem>>, vector<1x1x16xf32>,
      %swap3A_370 = vector.shape_cast %swap3A_369 : vector<1x1x16xf32> to vector<16xf32>
      %swap3A_371 = vector.shape_cast %get3A_364 : vector<16xf32> to vector<1x1x16xf32>
      tpu.vector_store %arg6[%swap3A_366, %swap3A_367, %swap3A_368], %swap3A_371 {add = true, strides = array<i32>} : memref<2x256x128xf32, #tpu.memory_space<vmem>>, vector<1x1x16xf32>,
      %add3A_372 = arith.constant 0 : i32
      %add3A_373 = arith.addi %mul3A_343, %add3A_372 : i32
      %add3A_374 = arith.constant 0 : i32
      %add3A_375 = arith.addi %mul3A_343, %add3A_374 : i32
      %get3A_376 = arith.index_cast %add3A_375 : i32 to index
      %get3A_377 = arith.constant 32 : index
      %get3A_378 = tpu.vector_load %arg5[%get3A_376, %get3A_377] {strides = array<i32>} : memref<256x128xf32, #tpu.memory_space<vmem>>, vector<1x16xf32>,
      %get3A_379 = vector.shape_cast %get3A_378 : vector<1x16xf32> to vector<16xf32>
      %swap3A_380 = arith.constant 0 : i32
      %swap3A_381 = arith.index_cast %swap3A_380 : i32 to index
      %swap3A_382 = arith.index_cast %add3A_373 : i32 to index
      %swap3A_383 = arith.constant 32 : index
      %swap3A_384 = tpu.vector_load %arg6[%swap3A_381, %swap3A_382, %swap3A_383] {strides = array<i32>} : memref<2x256x128xf32, #tpu.memory_space<vmem>>, vector<1x1x16xf32>,
      %swap3A_385 = vector.shape_cast %swap3A_384 : vector<1x1x16xf32> to vector<16xf32>
      %swap3A_386 = vector.shape_cast %get3A_379 : vector<16xf32> to vector<1x1x16xf32>
      tpu.vector_store %arg6[%swap3A_381, %swap3A_382, %swap3A_383], %swap3A_386 {add = true, strides = array<i32>} : memref<2x256x128xf32, #tpu.memory_space<vmem>>, vector<1x1x16xf32>,
      %add3A_387 = arith.constant 0 : i32
      %add3A_388 = arith.addi %mul3A_343, %add3A_387 : i32
      %add3A_389 = arith.constant 0 : i32
      %add3A_390 = arith.addi %mul3A_343, %add3A_389 : i32
      %get3A_391 = arith.index_cast %add3A_390 : i32 to index
      %get3A_392 = arith.constant 48 : index
      %get3A_393 = tpu.vector_load %arg5[%get3A_391, %get3A_392] {strides = array<i32>} : memref<256x128xf32, #tpu.memory_space<vmem>>, vector<1x16xf32>,
      %get3A_394 = vector.shape_cast %get3A_393 : vector<1x16xf32> to vector<16xf32>
      %swap3A_395 = arith.constant 0 : i32
      %swap3A_396 = arith.index_cast %swap3A_395 : i32 to index
      %swap3A_397 = arith.index_cast %add3A_388 : i32 to index
      %swap3A_398 = arith.constant 48 : index
      %swap3A_399 = tpu.vector_load %arg6[%swap3A_396, %swap3A_397, %swap3A_398] {strides = array<i32>} : memref<2x256x128xf32, #tpu.memory_space<vmem>>, vector<1x1x16xf32>,
      %swap3A_400 = vector.shape_cast %swap3A_399 : vector<1x1x16xf32> to vector<16xf32>
      %swap3A_401 = vector.shape_cast %get3A_394 : vector<16xf32> to vector<1x1x16xf32>
      tpu.vector_store %arg6[%swap3A_396, %swap3A_397, %swap3A_398], %swap3A_401 {add = true, strides = array<i32>} : memref<2x256x128xf32, #tpu.memory_space<vmem>>, vector<1x1x16xf32>,
      %add3A_402 = arith.constant 0 : i32
      %add3A_403 = arith.addi %mul3A_343, %add3A_402 : i32
      %add3A_404 = arith.constant 0 : i32
      %add3A_405 = arith.addi %mul3A_343, %add3A_404 : i32
      %get3A_406 = arith.index_cast %add3A_405 : i32 to index
      %get3A_407 = arith.constant 64 : index
      %get3A_408 = tpu.vector_load %arg5[%get3A_406, %get3A_407] {strides = array<i32>} : memref<256x128xf32, #tpu.memory_space<vmem>>, vector<1x16xf32>,
      %get3A_409 = vector.shape_cast %get3A_408 : vector<1x16xf32> to vector<16xf32>
      %swap3A_410 = arith.constant 0 : i32
      %swap3A_411 = arith.index_cast %swap3A_410 : i32 to index
      %swap3A_412 = arith.index_cast %add3A_403 : i32 to index
      %swap3A_413 = arith.constant 64 : index
      %swap3A_414 = tpu.vector_load %arg6[%swap3A_411, %swap3A_412, %swap3A_413] {strides = array<i32>} : memref<2x256x128xf32, #tpu.memory_space<vmem>>, vector<1x1x16xf32>,
      %swap3A_415 = vector.shape_cast %swap3A_414 : vector<1x1x16xf32> to vector<16xf32>
      %swap3A_416 = vector.shape_cast %get3A_409 : vector<16xf32> to vector<1x1x16xf32>
      tpu.vector_store %arg6[%swap3A_411, %swap3A_412, %swap3A_413], %swap3A_416 {add = true, strides = array<i32>} : memref<2x256x128xf32, #tpu.memory_space<vmem>>, vector<1x1x16xf32>,
      %add3A_417 = arith.constant 0 : i32
      %add3A_418 = arith.addi %mul3A_343, %add3A_417 : i32
      %add3A_419 = arith.constant 0 : i32
      %add3A_420 = arith.addi %mul3A_343, %add3A_419 : i32
      %get3A_421 = arith.index_cast %add3A_420 : i32 to index
      %get3A_422 = arith.constant 80 : index
      %get3A_423 = tpu.vector_load %arg5[%get3A_421, %get3A_422] {strides = array<i32>} : memref<256x128xf32, #tpu.memory_space<vmem>>, vector<1x16xf32>,
      %get3A_424 = vector.shape_cast %get3A_423 : vector<1x16xf32> to vector<16xf32>
      %swap3A_425 = arith.constant 0 : i32
      %swap3A_426 = arith.index_cast %swap3A_425 : i32 to index
      %swap3A_427 = arith.index_cast %add3A_418 : i32 to index
      %swap3A_428 = arith.constant 80 : index
      %swap3A_429 = tpu.vector_load %arg6[%swap3A_426, %swap3A_427, %swap3A_428] {strides = array<i32>} : memref<2x256x128xf32, #tpu.memory_space<vmem>>, vector<1x1x16xf32>,
      %swap3A_430 = vector.shape_cast %swap3A_429 : vector<1x1x16xf32> to vector<16xf32>
      %swap3A_431 = vector.shape_cast %get3A_424 : vector<16xf32> to vector<1x1x16xf32>
      tpu.vector_store %arg6[%swap3A_426, %swap3A_427, %swap3A_428], %swap3A_431 {add = true, strides = array<i32>} : memref<2x256x128xf32, #tpu.memory_space<vmem>>, vector<1x1x16xf32>,
      %add3A_432 = arith.constant 0 : i32
      %add3A_433 = arith.addi %mul3A_343, %add3A_432 : i32
      %add3A_434 = arith.constant 0 : i32
      %add3A_435 = arith.addi %mul3A_343, %add3A_434 : i32
      %get3A_436 = arith.index_cast %add3A_435 : i32 to index
      %get3A_437 = arith.constant 96 : index
      %get3A_438 = tpu.vector_load %arg5[%get3A_436, %get3A_437] {strides = array<i32>} : memref<256x128xf32, #tpu.memory_space<vmem>>, vector<1x16xf32>,
      %get3A_439 = vector.shape_cast %get3A_438 : vector<1x16xf32> to vector<16xf32>
      %swap3A_440 = arith.constant 0 : i32
      %swap3A_441 = arith.index_cast %swap3A_440 : i32 to index
      %swap3A_442 = arith.index_cast %add3A_433 : i32 to index
      %swap3A_443 = arith.constant 96 : index
      %swap3A_444 = tpu.vector_load %arg6[%swap3A_441, %swap3A_442, %swap3A_443] {strides = array<i32>} : memref<2x256x128xf32, #tpu.memory_space<vmem>>, vector<1x1x16xf32>,
      %swap3A_445 = vector.shape_cast %swap3A_444 : vector<1x1x16xf32> to vector<16xf32>
      %swap3A_446 = vector.shape_cast %get3A_439 : vector<16xf32> to vector<1x1x16xf32>
      tpu.vector_store %arg6[%swap3A_441, %swap3A_442, %swap3A_443], %swap3A_446 {add = true, strides = array<i32>} : memref<2x256x128xf32, #tpu.memory_space<vmem>>, vector<1x1x16xf32>,
      %add3A_447 = arith.constant 0 : i32
      %add3A_448 = arith.addi %mul3A_343, %add3A_447 : i32
      %add3A_449 = arith.constant 0 : i32
      %add3A_450 = arith.addi %mul3A_343, %add3A_449 : i32
      %get3A_451 = arith.index_cast %add3A_450 : i32 to index
      %get3A_452 = arith.constant 112 : index
      %get3A_453 = tpu.vector_load %arg5[%get3A_451, %get3A_452] {strides = array<i32>} : memref<256x128xf32, #tpu.memory_space<vmem>>, vector<1x16xf32>,
      %get3A_454 = vector.shape_cast %get3A_453 : vector<1x16xf32> to vector<16xf32>
      %swap3A_455 = arith.constant 0 : i32
      %swap3A_456 = arith.index_cast %swap3A_455 : i32 to index
      %swap3A_457 = arith.index_cast %add3A_448 : i32 to index
      %swap3A_458 = arith.constant 112 : index
      %swap3A_459 = tpu.vector_load %arg6[%swap3A_456, %swap3A_457, %swap3A_458] {strides = array<i32>} : memref<2x256x128xf32, #tpu.memory_space<vmem>>, vector<1x1x16xf32>,
      %swap3A_460 = vector.shape_cast %swap3A_459 : vector<1x1x16xf32> to vector<16xf32>
      %swap3A_461 = vector.shape_cast %get3A_454 : vector<16xf32> to vector<1x1x16xf32>
      tpu.vector_store %arg6[%swap3A_456, %swap3A_457, %swap3A_458], %swap3A_461 {add = true, strides = array<i32>} : memref<2x256x128xf32, #tpu.memory_space<vmem>>, vector<1x1x16xf32>,
      %add3A_462 = arith.constant 1 : i32
      %add3A_463 = arith.addi %mul3A_343, %add3A_462 : i32
      %add3A_464 = arith.constant 1 : i32
      %add3A_465 = arith.addi %mul3A_343, %add3A_464 : i32
      %get3A_466 = arith.index_cast %add3A_465 : i32 to index
      %get3A_467 = arith.constant 0 : index
      %get3A_468 = tpu.vector_load %arg5[%get3A_466, %get3A_467] {strides = array<i32>} : memref<256x128xf32, #tpu.memory_space<vmem>>, vector<1x16xf32>,
      %get3A_469 = vector.shape_cast %get3A_468 : vector<1x16xf32> to vector<16xf32>
      %swap3A_470 = arith.constant 0 : i32
      %swap3A_471 = arith.index_cast %swap3A_470 : i32 to index
      %swap3A_472 = arith.index_cast %add3A_463 : i32 to index
      %swap3A_473 = arith.constant 0 : index
      %swap3A_474 = tpu.vector_load %arg6[%swap3A_471, %swap3A_472, %swap3A_473] {strides = array<i32>} : memref<2x256x128xf32, #tpu.memory_space<vmem>>, vector<1x1x16xf32>,
      %swap3A_475 = vector.shape_cast %swap3A_474 : vector<1x1x16xf32> to vector<16xf32>
      %swap3A_476 = vector.shape_cast %get3A_469 : vector<16xf32> to vector<1x1x16xf32>
      tpu.vector_store %arg6[%swap3A_471, %swap3A_472, %swap3A_473], %swap3A_476 {add = true, strides = array<i32>} : memref<2x256x128xf32, #tpu.memory_space<vmem>>, vector<1x1x16xf32>,
      %add3A_477 = arith.constant 1 : i32
      %add3A_478 = arith.addi %mul3A_343, %add3A_477 : i32
      %add3A_479 = arith.constant 1 : i32
      %add3A_480 = arith.addi %mul3A_343, %add3A_479 : i32
      %get3A_481 = arith.index_cast %add3A_480 : i32 to index
      %get3A_482 = arith.constant 16 : index
      %get3A_483 = tpu.vector_load %arg5[%get3A_481, %get3A_482] {strides = array<i32>} : memref<256x128xf32, #tpu.memory_space<vmem>>, vector<1x16xf32>,
      %get3A_484 = vector.shape_cast %get3A_483 : vector<1x16xf32> to vector<16xf32>
      %swap3A_485 = arith.constant 0 : i32
      %swap3A_486 = arith.index_cast %swap3A_485 : i32 to index
      %swap3A_487 = arith.index_cast %add3A_478 : i32 to index
      %swap3A_488 = arith.constant 16 : index
      %swap3A_489 = tpu.vector_load %arg6[%swap3A_486, %swap3A_487, %swap3A_488] {strides = array<i32>} : memref<2x256x128xf32, #tpu.memory_space<vmem>>, vector<1x1x16xf32>,
      %swap3A_490 = vector.shape_cast %swap3A_489 : vector<1x1x16xf32> to vector<16xf32>
      %swap3A_491 = vector.shape_cast %get3A_484 : vector<16xf32> to vector<1x1x16xf32>
      tpu.vector_store %arg6[%swap3A_486, %swap3A_487, %swap3A_488], %swap3A_491 {add = true, strides = array<i32>} : memref<2x256x128xf32, #tpu.memory_space<vmem>>, vector<1x1x16xf32>,
      %add3A_492 = arith.constant 1 : i32
      %add3A_493 = arith.addi %mul3A_343, %add3A_492 : i32
      %add3A_494 = arith.constant 1 : i32
      %add3A_495 = arith.addi %mul3A_343, %add3A_494 : i32
      %get3A_496 = arith.index_cast %add3A_495 : i32 to index
      %get3A_497 = arith.constant 32 : index
      %get3A_498 = tpu.vector_load %arg5[%get3A_496, %get3A_497] {strides = array<i32>} : memref<256x128xf32, #tpu.memory_space<vmem>>, vector<1x16xf32>,
      %get3A_499 = vector.shape_cast %get3A_498 : vector<1x16xf32> to vector<16xf32>
      %swap3A_500 = arith.constant 0 : i32
      %swap3A_501 = arith.index_cast %swap3A_500 : i32 to index
      %swap3A_502 = arith.index_cast %add3A_493 : i32 to index
      %swap3A_503 = arith.constant 32 : index
      %swap3A_504 = tpu.vector_load %arg6[%swap3A_501, %swap3A_502, %swap3A_503] {strides = array<i32>} : memref<2x256x128xf32, #tpu.memory_space<vmem>>, vector<1x1x16xf32>,
      %swap3A_505 = vector.shape_cast %swap3A_504 : vector<1x1x16xf32> to vector<16xf32>
      %swap3A_506 = vector.shape_cast %get3A_499 : vector<16xf32> to vector<1x1x16xf32>
      tpu.vector_store %arg6[%swap3A_501, %swap3A_502, %swap3A_503], %swap3A_506 {add = true, strides = array<i32>} : memref<2x256x128xf32, #tpu.memory_space<vmem>>, vector<1x1x16xf32>,
      %add3A_507 = arith.constant 1 : i32
      %add3A_508 = arith.addi %mul3A_343, %add3A_507 : i32
      %add3A_509 = arith.constant 1 : i32
      %add3A_510 = arith.addi %mul3A_343, %add3A_509 : i32
      %get3A_511 = arith.index_cast %add3A_510 : i32 to index
      %get3A_512 = arith.constant 48 : index
      %get3A_513 = tpu.vector_load %arg5[%get3A_511, %get3A_512] {strides = array<i32>} : memref<256x128xf32, #tpu.memory_space<vmem>>, vector<1x16xf32>,
      %get3A_514 = vector.shape_cast %get3A_513 : vector<1x16xf32> to vector<16xf32>
      %swap3A_515 = arith.constant 0 : i32
      %swap3A_516 = arith.index_cast %swap3A_515 : i32 to index
      %swap3A_517 = arith.index_cast %add3A_508 : i32 to index
      %swap3A_518 = arith.constant 48 : index
      %swap3A_519 = tpu.vector_load %arg6[%swap3A_516, %swap3A_517, %swap3A_518] {strides = array<i32>} : memref<2x256x128xf32, #tpu.memory_space<vmem>>, vector<1x1x16xf32>,
      %swap3A_520 = vector.shape_cast %swap3A_519 : vector<1x1x16xf32> to vector<16xf32>
      %swap3A_521 = vector.shape_cast %get3A_514 : vector<16xf32> to vector<1x1x16xf32>
      tpu.vector_store %arg6[%swap3A_516, %swap3A_517, %swap3A_518], %swap3A_521 {add = true, strides = array<i32>} : memref<2x256x128xf32, #tpu.memory_space<vmem>>, vector<1x1x16xf32>,
      %add3A_522 = arith.constant 1 : i32
      %add3A_523 = arith.addi %mul3A_343, %add3A_522 : i32
      %add3A_524 = arith.constant 1 : i32
      %add3A_525 = arith.addi %mul3A_343, %add3A_524 : i32
      %get3A_526 = arith.index_cast %add3A_525 : i32 to index
      %get3A_527 = arith.constant 64 : index
      %get3A_528 = tpu.vector_load %arg5[%get3A_526, %get3A_527] {strides = array<i32>} : memref<256x128xf32, #tpu.memory_space<vmem>>, vector<1x16xf32>,
      %get3A_529 = vector.shape_cast %get3A_528 : vector<1x16xf32> to vector<16xf32>
      %swap3A_530 = arith.constant 0 : i32
      %swap3A_531 = arith.index_cast %swap3A_530 : i32 to index
      %swap3A_532 = arith.index_cast %add3A_523 : i32 to index
      %swap3A_533 = arith.constant 64 : index
      %swap3A_534 = tpu.vector_load %arg6[%swap3A_531, %swap3A_532, %swap3A_533] {strides = array<i32>} : memref<2x256x128xf32, #tpu.memory_space<vmem>>, vector<1x1x16xf32>,
      %swap3A_535 = vector.shape_cast %swap3A_534 : vector<1x1x16xf32> to vector<16xf32>
      %swap3A_536 = vector.shape_cast %get3A_529 : vector<16xf32> to vector<1x1x16xf32>
      tpu.vector_store %arg6[%swap3A_531, %swap3A_532, %swap3A_533], %swap3A_536 {add = true, strides = array<i32>} : memref<2x256x128xf32, #tpu.memory_space<vmem>>, vector<1x1x16xf32>,
      %add3A_537 = arith.constant 1 : i32
      %add3A_538 = arith.addi %mul3A_343, %add3A_537 : i32
      %add3A_539 = arith.constant 1 : i32
      %add3A_540 = arith.addi %mul3A_343, %add3A_539 : i32
      %get3A_541 = arith.index_cast %add3A_540 : i32 to index
      %get3A_542 = arith.constant 80 : index
      %get3A_543 = tpu.vector_load %arg5[%get3A_541, %get3A_542] {strides = array<i32>} : memref<256x128xf32, #tpu.memory_space<vmem>>, vector<1x16xf32>,
      %get3A_544 = vector.shape_cast %get3A_543 : vector<1x16xf32> to vector<16xf32>
      %swap3A_545 = arith.constant 0 : i32
      %swap3A_546 = arith.index_cast %swap3A_545 : i32 to index
      %swap3A_547 = arith.index_cast %add3A_538 : i32 to index
      %swap3A_548 = arith.constant 80 : index
      %swap3A_549 = tpu.vector_load %arg6[%swap3A_546, %swap3A_547, %swap3A_548] {strides = array<i32>} : memref<2x256x128xf32, #tpu.memory_space<vmem>>, vector<1x1x16xf32>,
      %swap3A_550 = vector.shape_cast %swap3A_549 : vector<1x1x16xf32> to vector<16xf32>
      %swap3A_551 = vector.shape_cast %get3A_544 : vector<16xf32> to vector<1x1x16xf32>
      tpu.vector_store %arg6[%swap3A_546, %swap3A_547, %swap3A_548], %swap3A_551 {add = true, strides = array<i32>} : memref<2x256x128xf32, #tpu.memory_space<vmem>>, vector<1x1x16xf32>,
      %add3A_552 = arith.constant 1 : i32
      %add3A_553 = arith.addi %mul3A_343, %add3A_552 : i32
      %add3A_554 = arith.constant 1 : i32
      %add3A_555 = arith.addi %mul3A_343, %add3A_554 : i32
      %get3A_556 = arith.index_cast %add3A_555 : i32 to index
      %get3A_557 = arith.constant 96 : index
      %get3A_558 = tpu.vector_load %arg5[%get3A_556, %get3A_557] {strides = array<i32>} : memref<256x128xf32, #tpu.memory_space<vmem>>, vector<1x16xf32>,
      %get3A_559 = vector.shape_cast %get3A_558 : vector<1x16xf32> to vector<16xf32>
      %swap3A_560 = arith.constant 0 : i32
      %swap3A_561 = arith.index_cast %swap3A_560 : i32 to index
      %swap3A_562 = arith.index_cast %add3A_553 : i32 to index
      %swap3A_563 = arith.constant 96 : index
      %swap3A_564 = tpu.vector_load %arg6[%swap3A_561, %swap3A_562, %swap3A_563] {strides = array<i32>} : memref<2x256x128xf32, #tpu.memory_space<vmem>>, vector<1x1x16xf32>,
      %swap3A_565 = vector.shape_cast %swap3A_564 : vector<1x1x16xf32> to vector<16xf32>
      %swap3A_566 = vector.shape_cast %get3A_559 : vector<16xf32> to vector<1x1x16xf32>
      tpu.vector_store %arg6[%swap3A_561, %swap3A_562, %swap3A_563], %swap3A_566 {add = true, strides = array<i32>} : memref<2x256x128xf32, #tpu.memory_space<vmem>>, vector<1x1x16xf32>,
      %add3A_567 = arith.constant 1 : i32
      %add3A_568 = arith.addi %mul3A_343, %add3A_567 : i32
      %add3A_569 = arith.constant 1 : i32
      %add3A_570 = arith.addi %mul3A_343, %add3A_569 : i32
      %get3A_571 = arith.index_cast %add3A_570 : i32 to index
      %get3A_572 = arith.constant 112 : index
      %get3A_573 = tpu.vector_load %arg5[%get3A_571, %get3A_572] {strides = array<i32>} : memref<256x128xf32, #tpu.memory_space<vmem>>, vector<1x16xf32>,
      %get3A_574 = vector.shape_cast %get3A_573 : vector<1x16xf32> to vector<16xf32>
      %swap3A_575 = arith.constant 0 : i32
      %swap3A_576 = arith.index_cast %swap3A_575 : i32 to index
      %swap3A_577 = arith.index_cast %add3A_568 : i32 to index
      %swap3A_578 = arith.constant 112 : index
      %swap3A_579 = tpu.vector_load %arg6[%swap3A_576, %swap3A_577, %swap3A_578] {strides = array<i32>} : memref<2x256x128xf32, #tpu.memory_space<vmem>>, vector<1x1x16xf32>,
      %swap3A_580 = vector.shape_cast %swap3A_579 : vector<1x1x16xf32> to vector<16xf32>
      %swap3A_581 = vector.shape_cast %get3A_574 : vector<16xf32> to vector<1x1x16xf32>
      tpu.vector_store %arg6[%swap3A_576, %swap3A_577, %swap3A_578], %swap3A_581 {add = true, strides = array<i32>} : memref<2x256x128xf32, #tpu.memory_space<vmem>>, vector<1x1x16xf32>,
      %add3A_582 = arith.constant 2 : i32
      %add3A_583 = arith.addi %mul3A_343, %add3A_582 : i32
      %add3A_584 = arith.constant 2 : i32
      %add3A_585 = arith.addi %mul3A_343, %add3A_584 : i32
      %get3A_586 = arith.index_cast %add3A_585 : i32 to index
      %get3A_587 = arith.constant 0 : index
      %get3A_588 = tpu.vector_load %arg5[%get3A_586, %get3A_587] {strides = array<i32>} : memref<256x128xf32, #tpu.memory_space<vmem>>, vector<1x16xf32>,
      %get3A_589 = vector.shape_cast %get3A_588 : vector<1x16xf32> to vector<16xf32>
      %swap3A_590 = arith.constant 0 : i32
      %swap3A_591 = arith.index_cast %swap3A_590 : i32 to index
      %swap3A_592 = arith.index_cast %add3A_583 : i32 to index
      %swap3A_593 = arith.constant 0 : index
      %swap3A_594 = tpu.vector_load %arg6[%swap3A_591, %swap3A_592, %swap3A_593] {strides = array<i32>} : memref<2x256x128xf32, #tpu.memory_space<vmem>>, vector<1x1x16xf32>,
      %swap3A_595 = vector.shape_cast %swap3A_594 : vector<1x1x16xf32> to vector<16xf32>
      %swap3A_596 = vector.shape_cast %get3A_589 : vector<16xf32> to vector<1x1x16xf32>
      tpu.vector_store %arg6[%swap3A_591, %swap3A_592, %swap3A_593], %swap3A_596 {add = true, strides = array<i32>} : memref<2x256x128xf32, #tpu.memory_space<vmem>>, vector<1x1x16xf32>,
      %add3A_597 = arith.constant 2 : i32
      %add3A_598 = arith.addi %mul3A_343, %add3A_597 : i32
      %add3A_599 = arith.constant 2 : i32
      %add3A_600 = arith.addi %mul3A_343, %add3A_599 : i32
      %get3A_601 = arith.index_cast %add3A_600 : i32 to index
      %get3A_602 = arith.constant 16 : index
      %get3A_603 = tpu.vector_load %arg5[%get3A_601, %get3A_602] {strides = array<i32>} : memref<256x128xf32, #tpu.memory_space<vmem>>, vector<1x16xf32>,
      %get3A_604 = vector.shape_cast %get3A_603 : vector<1x16xf32> to vector<16xf32>
      %swap3A_605 = arith.constant 0 : i32
      %swap3A_606 = arith.index_cast %swap3A_605 : i32 to index
      %swap3A_607 = arith.index_cast %add3A_598 : i32 to index
      %swap3A_608 = arith.constant 16 : index
      %swap3A_609 = tpu.vector_load %arg6[%swap3A_606, %swap3A_607, %swap3A_608] {strides = array<i32>} : memref<2x256x128xf32, #tpu.memory_space<vmem>>, vector<1x1x16xf32>,
      %swap3A_610 = vector.shape_cast %swap3A_609 : vector<1x1x16xf32> to vector<16xf32>
      %swap3A_611 = vector.shape_cast %get3A_604 : vector<16xf32> to vector<1x1x16xf32>
      tpu.vector_store %arg6[%swap3A_606, %swap3A_607, %swap3A_608], %swap3A_611 {add = true, strides = array<i32>} : memref<2x256x128xf32, #tpu.memory_space<vmem>>, vector<1x1x16xf32>,
      %add3A_612 = arith.constant 2 : i32
      %add3A_613 = arith.addi %mul3A_343, %add3A_612 : i32
      %add3A_614 = arith.constant 2 : i32
      %add3A_615 = arith.addi %mul3A_343, %add3A_614 : i32
      %get3A_616 = arith.index_cast %add3A_615 : i32 to index
      %get3A_617 = arith.constant 32 : index
      %get3A_618 = tpu.vector_load %arg5[%get3A_616, %get3A_617] {strides = array<i32>} : memref<256x128xf32, #tpu.memory_space<vmem>>, vector<1x16xf32>,
      %get3A_619 = vector.shape_cast %get3A_618 : vector<1x16xf32> to vector<16xf32>
      %swap3A_620 = arith.constant 0 : i32
      %swap3A_621 = arith.index_cast %swap3A_620 : i32 to index
      %swap3A_622 = arith.index_cast %add3A_613 : i32 to index
      %swap3A_623 = arith.constant 32 : index
      %swap3A_624 = tpu.vector_load %arg6[%swap3A_621, %swap3A_622, %swap3A_623] {strides = array<i32>} : memref<2x256x128xf32, #tpu.memory_space<vmem>>, vector<1x1x16xf32>,
      %swap3A_625 = vector.shape_cast %swap3A_624 : vector<1x1x16xf32> to vector<16xf32>
      %swap3A_626 = vector.shape_cast %get3A_619 : vector<16xf32> to vector<1x1x16xf32>
      tpu.vector_store %arg6[%swap3A_621, %swap3A_622, %swap3A_623], %swap3A_626 {add = true, strides = array<i32>} : memref<2x256x128xf32, #tpu.memory_space<vmem>>, vector<1x1x16xf32>,
      %add3A_627 = arith.constant 2 : i32
      %add3A_628 = arith.addi %mul3A_343, %add3A_627 : i32
      %add3A_629 = arith.constant 2 : i32
      %add3A_630 = arith.addi %mul3A_343, %add3A_629 : i32
      %get3A_631 = arith.index_cast %add3A_630 : i32 to index
      %get3A_632 = arith.constant 48 : index
      %get3A_633 = tpu.vector_load %arg5[%get3A_631, %get3A_632] {strides = array<i32>} : memref<256x128xf32, #tpu.memory_space<vmem>>, vector<1x16xf32>,
      %get3A_634 = vector.shape_cast %get3A_633 : vector<1x16xf32> to vector<16xf32>
      %swap3A_635 = arith.constant 0 : i32
      %swap3A_636 = arith.index_cast %swap3A_635 : i32 to index
      %swap3A_637 = arith.index_cast %add3A_628 : i32 to index
      %swap3A_638 = arith.constant 48 : index
      %swap3A_639 = tpu.vector_load %arg6[%swap3A_636, %swap3A_637, %swap3A_638] {strides = array<i32>} : memref<2x256x128xf32, #tpu.memory_space<vmem>>, vector<1x1x16xf32>,
      %swap3A_640 = vector.shape_cast %swap3A_639 : vector<1x1x16xf32> to vector<16xf32>
      %swap3A_641 = vector.shape_cast %get3A_634 : vector<16xf32> to vector<1x1x16xf32>
      tpu.vector_store %arg6[%swap3A_636, %swap3A_637, %swap3A_638], %swap3A_641 {add = true, strides = array<i32>} : memref<2x256x128xf32, #tpu.memory_space<vmem>>, vector<1x1x16xf32>,
      %add3A_642 = arith.constant 2 : i32
      %add3A_643 = arith.addi %mul3A_343, %add3A_642 : i32
      %add3A_644 = arith.constant 2 : i32
      %add3A_645 = arith.addi %mul3A_343, %add3A_644 : i32
      %get3A_646 = arith.index_cast %add3A_645 : i32 to index
      %get3A_647 = arith.constant 64 : index
      %get3A_648 = tpu.vector_load %arg5[%get3A_646, %get3A_647] {strides = array<i32>} : memref<256x128xf32, #tpu.memory_space<vmem>>, vector<1x16xf32>,
      %get3A_649 = vector.shape_cast %get3A_648 : vector<1x16xf32> to vector<16xf32>
      %swap3A_650 = arith.constant 0 : i32
      %swap3A_651 = arith.index_cast %swap3A_650 : i32 to index
      %swap3A_652 = arith.index_cast %add3A_643 : i32 to index
      %swap3A_653 = arith.constant 64 : index
      %swap3A_654 = tpu.vector_load %arg6[%swap3A_651, %swap3A_652, %swap3A_653] {strides = array<i32>} : memref<2x256x128xf32, #tpu.memory_space<vmem>>, vector<1x1x16xf32>,
      %swap3A_655 = vector.shape_cast %swap3A_654 : vector<1x1x16xf32> to vector<16xf32>
      %swap3A_656 = vector.shape_cast %get3A_649 : vector<16xf32> to vector<1x1x16xf32>
      tpu.vector_store %arg6[%swap3A_651, %swap3A_652, %swap3A_653], %swap3A_656 {add = true, strides = array<i32>} : memref<2x256x128xf32, #tpu.memory_space<vmem>>, vector<1x1x16xf32>,
      %add3A_657 = arith.constant 2 : i32
      %add3A_658 = arith.addi %mul3A_343, %add3A_657 : i32
      %add3A_659 = arith.constant 2 : i32
      %add3A_660 = arith.addi %mul3A_343, %add3A_659 : i32
      %get3A_661 = arith.index_cast %add3A_660 : i32 to index
      %get3A_662 = arith.constant 80 : index
      %get3A_663 = tpu.vector_load %arg5[%get3A_661, %get3A_662] {strides = array<i32>} : memref<256x128xf32, #tpu.memory_space<vmem>>, vector<1x16xf32>,
      %get3A_664 = vector.shape_cast %get3A_663 : vector<1x16xf32> to vector<16xf32>
      %swap3A_665 = arith.constant 0 : i32
      %swap3A_666 = arith.index_cast %swap3A_665 : i32 to index
      %swap3A_667 = arith.index_cast %add3A_658 : i32 to index
      %swap3A_668 = arith.constant 80 : index
      %swap3A_669 = tpu.vector_load %arg6[%swap3A_666, %swap3A_667, %swap3A_668] {strides = array<i32>} : memref<2x256x128xf32, #tpu.memory_space<vmem>>, vector<1x1x16xf32>,
      %swap3A_670 = vector.shape_cast %swap3A_669 : vector<1x1x16xf32> to vector<16xf32>
      %swap3A_671 = vector.shape_cast %get3A_664 : vector<16xf32> to vector<1x1x16xf32>
      tpu.vector_store %arg6[%swap3A_666, %swap3A_667, %swap3A_668], %swap3A_671 {add = true, strides = array<i32>} : memref<2x256x128xf32, #tpu.memory_space<vmem>>, vector<1x1x16xf32>,
      %add3A_672 = arith.constant 2 : i32
      %add3A_673 = arith.addi %mul3A_343, %add3A_672 : i32
      %add3A_674 = arith.constant 2 : i32
      %add3A_675 = arith.addi %mul3A_343, %add3A_674 : i32
      %get3A_676 = arith.index_cast %add3A_675 : i32 to index
      %get3A_677 = arith.constant 96 : index
      %get3A_678 = tpu.vector_load %arg5[%get3A_676, %get3A_677] {strides = array<i32>} : memref<256x128xf32, #tpu.memory_space<vmem>>, vector<1x16xf32>,
      %get3A_679 = vector.shape_cast %get3A_678 : vector<1x16xf32> to vector<16xf32>
      %swap3A_680 = arith.constant 0 : i32
      %swap3A_681 = arith.index_cast %swap3A_680 : i32 to index
      %swap3A_682 = arith.index_cast %add3A_673 : i32 to index
      %swap3A_683 = arith.constant 96 : index
      %swap3A_684 = tpu.vector_load %arg6[%swap3A_681, %swap3A_682, %swap3A_683] {strides = array<i32>} : memref<2x256x128xf32, #tpu.memory_space<vmem>>, vector<1x1x16xf32>,
      %swap3A_685 = vector.shape_cast %swap3A_684 : vector<1x1x16xf32> to vector<16xf32>
      %swap3A_686 = vector.shape_cast %get3A_679 : vector<16xf32> to vector<1x1x16xf32>
      tpu.vector_store %arg6[%swap3A_681, %swap3A_682, %swap3A_683], %swap3A_686 {add = true, strides = array<i32>} : memref<2x256x128xf32, #tpu.memory_space<vmem>>, vector<1x1x16xf32>,
      %add3A_687 = arith.constant 2 : i32
      %add3A_688 = arith.addi %mul3A_343, %add3A_687 : i32
      %add3A_689 = arith.constant 2 : i32
      %add3A_690 = arith.addi %mul3A_343, %add3A_689 : i32
      %get3A_691 = arith.index_cast %add3A_690 : i32 to index
      %get3A_692 = arith.constant 112 : index
      %get3A_693 = tpu.vector_load %arg5[%get3A_691, %get3A_692] {strides = array<i32>} : memref<256x128xf32, #tpu.memory_space<vmem>>, vector<1x16xf32>,
      %get3A_694 = vector.shape_cast %get3A_693 : vector<1x16xf32> to vector<16xf32>
      %swap3A_695 = arith.constant 0 : i32
      %swap3A_696 = arith.index_cast %swap3A_695 : i32 to index
      %swap3A_697 = arith.index_cast %add3A_688 : i32 to index
      %swap3A_698 = arith.constant 112 : index
      %swap3A_699 = tpu.vector_load %arg6[%swap3A_696, %swap3A_697, %swap3A_698] {strides = array<i32>} : memref<2x256x128xf32, #tpu.memory_space<vmem>>, vector<1x1x16xf32>,
      %swap3A_700 = vector.shape_cast %swap3A_699 : vector<1x1x16xf32> to vector<16xf32>
      %swap3A_701 = vector.shape_cast %get3A_694 : vector<16xf32> to vector<1x1x16xf32>
      tpu.vector_store %arg6[%swap3A_696, %swap3A_697, %swap3A_698], %swap3A_701 {add = true, strides = array<i32>} : memref<2x256x128xf32, #tpu.memory_space<vmem>>, vector<1x1x16xf32>,
      %add3A_702 = arith.constant 3 : i32
      %add3A_703 = arith.addi %mul3A_343, %add3A_702 : i32
      %add3A_704 = arith.constant 3 : i32
      %add3A_705 = arith.addi %mul3A_343, %add3A_704 : i32
      %get3A_706 = arith.index_cast %add3A_705 : i32 to index
      %get3A_707 = arith.constant 0 : index
      %get3A_708 = tpu.vector_load %arg5[%get3A_706, %get3A_707] {strides = array<i32>} : memref<256x128xf32, #tpu.memory_space<vmem>>, vector<1x16xf32>,
      %get3A_709 = vector.shape_cast %get3A_708 : vector<1x16xf32> to vector<16xf32>
      %swap3A_710 = arith.constant 0 : i32
      %swap3A_711 = arith.index_cast %swap3A_710 : i32 to index
      %swap3A_712 = arith.index_cast %add3A_703 : i32 to index
      %swap3A_713 = arith.constant 0 : index
      %swap3A_714 = tpu.vector_load %arg6[%swap3A_711, %swap3A_712, %swap3A_713] {strides = array<i32>} : memref<2x256x128xf32, #tpu.memory_space<vmem>>, vector<1x1x16xf32>,
      %swap3A_715 = vector.shape_cast %swap3A_714 : vector<1x1x16xf32> to vector<16xf32>
      %swap3A_716 = vector.shape_cast %get3A_709 : vector<16xf32> to vector<1x1x16xf32>
      tpu.vector_store %arg6[%swap3A_711, %swap3A_712, %swap3A_713], %swap3A_716 {add = true, strides = array<i32>} : memref<2x256x128xf32, #tpu.memory_space<vmem>>, vector<1x1x16xf32>,
      %add3A_717 = arith.constant 3 : i32
      %add3A_718 = arith.addi %mul3A_343, %add3A_717 : i32
      %add3A_719 = arith.constant 3 : i32
      %add3A_720 = arith.addi %mul3A_343, %add3A_719 : i32
      %get3A_721 = arith.index_cast %add3A_720 : i32 to index
      %get3A_722 = arith.constant 16 : index
      %get3A_723 = tpu.vector_load %arg5[%get3A_721, %get3A_722] {strides = array<i32>} : memref<256x128xf32, #tpu.memory_space<vmem>>, vector<1x16xf32>,
      %get3A_724 = vector.shape_cast %get3A_723 : vector<1x16xf32> to vector<16xf32>
      %swap3A_725 = arith.constant 0 : i32
      %swap3A_726 = arith.index_cast %swap3A_725 : i32 to index
      %swap3A_727 = arith.index_cast %add3A_718 : i32 to index
      %swap3A_728 = arith.constant 16 : index
      %swap3A_729 = tpu.vector_load %arg6[%swap3A_726, %swap3A_727, %swap3A_728] {strides = array<i32>} : memref<2x256x128xf32, #tpu.memory_space<vmem>>, vector<1x1x16xf32>,
      %swap3A_730 = vector.shape_cast %swap3A_729 : vector<1x1x16xf32> to vector<16xf32>
      %swap3A_731 = vector.shape_cast %get3A_724 : vector<16xf32> to vector<1x1x16xf32>
      tpu.vector_store %arg6[%swap3A_726, %swap3A_727, %swap3A_728], %swap3A_731 {add = true, strides = array<i32>} : memref<2x256x128xf32, #tpu.memory_space<vmem>>, vector<1x1x16xf32>,
      %add3A_732 = arith.constant 3 : i32
      %add3A_733 = arith.addi %mul3A_343, %add3A_732 : i32
      %add3A_734 = arith.constant 3 : i32
      %add3A_735 = arith.addi %mul3A_343, %add3A_734 : i32
      %get3A_736 = arith.index_cast %add3A_735 : i32 to index
      %get3A_737 = arith.constant 32 : index
      %get3A_738 = tpu.vector_load %arg5[%get3A_736, %get3A_737] {strides = array<i32>} : memref<256x128xf32, #tpu.memory_space<vmem>>, vector<1x16xf32>,
      %get3A_739 = vector.shape_cast %get3A_738 : vector<1x16xf32> to vector<16xf32>
      %swap3A_740 = arith.constant 0 : i32
      %swap3A_741 = arith.index_cast %swap3A_740 : i32 to index
      %swap3A_742 = arith.index_cast %add3A_733 : i32 to index
      %swap3A_743 = arith.constant 32 : index
      %swap3A_744 = tpu.vector_load %arg6[%swap3A_741, %swap3A_742, %swap3A_743] {strides = array<i32>} : memref<2x256x128xf32, #tpu.memory_space<vmem>>, vector<1x1x16xf32>,
      %swap3A_745 = vector.shape_cast %swap3A_744 : vector<1x1x16xf32> to vector<16xf32>
      %swap3A_746 = vector.shape_cast %get3A_739 : vector<16xf32> to vector<1x1x16xf32>
      tpu.vector_store %arg6[%swap3A_741, %swap3A_742, %swap3A_743], %swap3A_746 {add = true, strides = array<i32>} : memref<2x256x128xf32, #tpu.memory_space<vmem>>, vector<1x1x16xf32>,
      %add3A_747 = arith.constant 3 : i32
      %add3A_748 = arith.addi %mul3A_343, %add3A_747 : i32
      %add3A_749 = arith.constant 3 : i32
      %add3A_750 = arith.addi %mul3A_343, %add3A_749 : i32
      %get3A_751 = arith.index_cast %add3A_750 : i32 to index
      %get3A_752 = arith.constant 48 : index
      %get3A_753 = tpu.vector_load %arg5[%get3A_751, %get3A_752] {strides = array<i32>} : memref<256x128xf32, #tpu.memory_space<vmem>>, vector<1x16xf32>,
      %get3A_754 = vector.shape_cast %get3A_753 : vector<1x16xf32> to vector<16xf32>
      %swap3A_755 = arith.constant 0 : i32
      %swap3A_756 = arith.index_cast %swap3A_755 : i32 to index
      %swap3A_757 = arith.index_cast %add3A_748 : i32 to index
      %swap3A_758 = arith.constant 48 : index
      %swap3A_759 = tpu.vector_load %arg6[%swap3A_756, %swap3A_757, %swap3A_758] {strides = array<i32>} : memref<2x256x128xf32, #tpu.memory_space<vmem>>, vector<1x1x16xf32>,
      %swap3A_760 = vector.shape_cast %swap3A_759 : vector<1x1x16xf32> to vector<16xf32>
      %swap3A_761 = vector.shape_cast %get3A_754 : vector<16xf32> to vector<1x1x16xf32>
      tpu.vector_store %arg6[%swap3A_756, %swap3A_757, %swap3A_758], %swap3A_761 {add = true, strides = array<i32>} : memref<2x256x128xf32, #tpu.memory_space<vmem>>, vector<1x1x16xf32>,
      %add3A_762 = arith.constant 3 : i32
      %add3A_763 = arith.addi %mul3A_343, %add3A_762 : i32
      %add3A_764 = arith.constant 3 : i32
      %add3A_765 = arith.addi %mul3A_343, %add3A_764 : i32
      %get3A_766 = arith.index_cast %add3A_765 : i32 to index
      %get3A_767 = arith.constant 64 : index
      %get3A_768 = tpu.vector_load %arg5[%get3A_766, %get3A_767] {strides = array<i32>} : memref<256x128xf32, #tpu.memory_space<vmem>>, vector<1x16xf32>,
      %get3A_769 = vector.shape_cast %get3A_768 : vector<1x16xf32> to vector<16xf32>
      %swap3A_770 = arith.constant 0 : i32
      %swap3A_771 = arith.index_cast %swap3A_770 : i32 to index
      %swap3A_772 = arith.index_cast %add3A_763 : i32 to index
      %swap3A_773 = arith.constant 64 : index
      %swap3A_774 = tpu.vector_load %arg6[%swap3A_771, %swap3A_772, %swap3A_773] {strides = array<i32>} : memref<2x256x128xf32, #tpu.memory_space<vmem>>, vector<1x1x16xf32>,
      %swap3A_775 = vector.shape_cast %swap3A_774 : vector<1x1x16xf32> to vector<16xf32>
      %swap3A_776 = vector.shape_cast %get3A_769 : vector<16xf32> to vector<1x1x16xf32>
      tpu.vector_store %arg6[%swap3A_771, %swap3A_772, %swap3A_773], %swap3A_776 {add = true, strides = array<i32>} : memref<2x256x128xf32, #tpu.memory_space<vmem>>, vector<1x1x16xf32>,
      %add3A_777 = arith.constant 3 : i32
      %add3A_778 = arith.addi %mul3A_343, %add3A_777 : i32
      %add3A_779 = arith.constant 3 : i32
      %add3A_780 = arith.addi %mul3A_343, %add3A_779 : i32
      %get3A_781 = arith.index_cast %add3A_780 : i32 to index
      %get3A_782 = arith.constant 80 : index
      %get3A_783 = tpu.vector_load %arg5[%get3A_781, %get3A_782] {strides = array<i32>} : memref<256x128xf32, #tpu.memory_space<vmem>>, vector<1x16xf32>,
      %get3A_784 = vector.shape_cast %get3A_783 : vector<1x16xf32> to vector<16xf32>
      %swap3A_785 = arith.constant 0 : i32
      %swap3A_786 = arith.index_cast %swap3A_785 : i32 to index
      %swap3A_787 = arith.index_cast %add3A_778 : i32 to index
      %swap3A_788 = arith.constant 80 : index
      %swap3A_789 = tpu.vector_load %arg6[%swap3A_786, %swap3A_787, %swap3A_788] {strides = array<i32>} : memref<2x256x128xf32, #tpu.memory_space<vmem>>, vector<1x1x16xf32>,
      %swap3A_790 = vector.shape_cast %swap3A_789 : vector<1x1x16xf32> to vector<16xf32>
      %swap3A_791 = vector.shape_cast %get3A_784 : vector<16xf32> to vector<1x1x16xf32>
      tpu.vector_store %arg6[%swap3A_786, %swap3A_787, %swap3A_788], %swap3A_791 {add = true, strides = array<i32>} : memref<2x256x128xf32, #tpu.memory_space<vmem>>, vector<1x1x16xf32>,
      %add3A_792 = arith.constant 3 : i32
      %add3A_793 = arith.addi %mul3A_343, %add3A_792 : i32
      %add3A_794 = arith.constant 3 : i32
      %add3A_795 = arith.addi %mul3A_343, %add3A_794 : i32
      %get3A_796 = arith.index_cast %add3A_795 : i32 to index
      %get3A_797 = arith.constant 96 : index
      %get3A_798 = tpu.vector_load %arg5[%get3A_796, %get3A_797] {strides = array<i32>} : memref<256x128xf32, #tpu.memory_space<vmem>>, vector<1x16xf32>,
      %get3A_799 = vector.shape_cast %get3A_798 : vector<1x16xf32> to vector<16xf32>
      %swap3A_800 = arith.constant 0 : i32
      %swap3A_801 = arith.index_cast %swap3A_800 : i32 to index
      %swap3A_802 = arith.index_cast %add3A_793 : i32 to index
      %swap3A_803 = arith.constant 96 : index
      %swap3A_804 = tpu.vector_load %arg6[%swap3A_801, %swap3A_802, %swap3A_803] {strides = array<i32>} : memref<2x256x128xf32, #tpu.memory_space<vmem>>, vector<1x1x16xf32>,
      %swap3A_805 = vector.shape_cast %swap3A_804 : vector<1x1x16xf32> to vector<16xf32>
      %swap3A_806 = vector.shape_cast %get3A_799 : vector<16xf32> to vector<1x1x16xf32>
      tpu.vector_store %arg6[%swap3A_801, %swap3A_802, %swap3A_803], %swap3A_806 {add = true, strides = array<i32>} : memref<2x256x128xf32, #tpu.memory_space<vmem>>, vector<1x1x16xf32>,
      %add3A_807 = arith.constant 3 : i32
      %add3A_808 = arith.addi %mul3A_343, %add3A_807 : i32
      %add3A_809 = arith.constant 3 : i32
      %add3A_810 = arith.addi %mul3A_343, %add3A_809 : i32
      %get3A_811 = arith.index_cast %add3A_810 : i32 to index
      %get3A_812 = arith.constant 112 : index
      %get3A_813 = tpu.vector_load %arg5[%get3A_811, %get3A_812] {strides = array<i32>} : memref<256x128xf32, #tpu.memory_space<vmem>>, vector<1x16xf32>,
      %get3A_814 = vector.shape_cast %get3A_813 : vector<1x16xf32> to vector<16xf32>
      %swap3A_815 = arith.constant 0 : i32
      %swap3A_816 = arith.index_cast %swap3A_815 : i32 to index
      %swap3A_817 = arith.index_cast %add3A_808 : i32 to index
      %swap3A_818 = arith.constant 112 : index
      %swap3A_819 = tpu.vector_load %arg6[%swap3A_816, %swap3A_817, %swap3A_818] {strides = array<i32>} : memref<2x256x128xf32, #tpu.memory_space<vmem>>, vector<1x1x16xf32>,
      %swap3A_820 = vector.shape_cast %swap3A_819 : vector<1x1x16xf32> to vector<16xf32>
      %swap3A_821 = vector.shape_cast %get3A_814 : vector<16xf32> to vector<1x1x16xf32>
      tpu.vector_store %arg6[%swap3A_816, %swap3A_817, %swap3A_818], %swap3A_821 {add = true, strides = array<i32>} : memref<2x256x128xf32, #tpu.memory_space<vmem>>, vector<1x1x16xf32>,
      %add3A_822 = arith.constant 4 : i32
      %add3A_823 = arith.addi %mul3A_343, %add3A_822 : i32
      %add3A_824 = arith.constant 4 : i32
      %add3A_825 = arith.addi %mul3A_343, %add3A_824 : i32
      %get3A_826 = arith.index_cast %add3A_825 : i32 to index
      %get3A_827 = arith.constant 0 : index
      %get3A_828 = tpu.vector_load %arg5[%get3A_826, %get3A_827] {strides = array<i32>} : memref<256x128xf32, #tpu.memory_space<vmem>>, vector<1x16xf32>,
      %get3A_829 = vector.shape_cast %get3A_828 : vector<1x16xf32> to vector<16xf32>
      %swap3A_830 = arith.constant 0 : i32
      %swap3A_831 = arith.index_cast %swap3A_830 : i32 to index
      %swap3A_832 = arith.index_cast %add3A_823 : i32 to index
      %swap3A_833 = arith.constant 0 : index
      %swap3A_834 = tpu.vector_load %arg6[%swap3A_831, %swap3A_832, %swap3A_833] {strides = array<i32>} : memref<2x256x128xf32, #tpu.memory_space<vmem>>, vector<1x1x16xf32>,
      %swap3A_835 = vector.shape_cast %swap3A_834 : vector<1x1x16xf32> to vector<16xf32>
      %swap3A_836 = vector.shape_cast %get3A_829 : vector<16xf32> to vector<1x1x16xf32>
      tpu.vector_store %arg6[%swap3A_831, %swap3A_832, %swap3A_833], %swap3A_836 {add = true, strides = array<i32>} : memref<2x256x128xf32, #tpu.memory_space<vmem>>, vector<1x1x16xf32>,
      %add3A_837 = arith.constant 4 : i32
      %add3A_838 = arith.addi %mul3A_343, %add3A_837 : i32
      %add3A_839 = arith.constant 4 : i32
      %add3A_840 = arith.addi %mul3A_343, %add3A_839 : i32
      %get3A_841 = arith.index_cast %add3A_840 : i32 to index
      %get3A_842 = arith.constant 16 : index
      %get3A_843 = tpu.vector_load %arg5[%get3A_841, %get3A_842] {strides = array<i32>} : memref<256x128xf32, #tpu.memory_space<vmem>>, vector<1x16xf32>,
      %get3A_844 = vector.shape_cast %get3A_843 : vector<1x16xf32> to vector<16xf32>
      %swap3A_845 = arith.constant 0 : i32
      %swap3A_846 = arith.index_cast %swap3A_845 : i32 to index
      %swap3A_847 = arith.index_cast %add3A_838 : i32 to index
      %swap3A_848 = arith.constant 16 : index
      %swap3A_849 = tpu.vector_load %arg6[%swap3A_846, %swap3A_847, %swap3A_848] {strides = array<i32>} : memref<2x256x128xf32, #tpu.memory_space<vmem>>, vector<1x1x16xf32>,
      %swap3A_850 = vector.shape_cast %swap3A_849 : vector<1x1x16xf32> to vector<16xf32>
      %swap3A_851 = vector.shape_cast %get3A_844 : vector<16xf32> to vector<1x1x16xf32>
      tpu.vector_store %arg6[%swap3A_846, %swap3A_847, %swap3A_848], %swap3A_851 {add = true, strides = array<i32>} : memref<2x256x128xf32, #tpu.memory_space<vmem>>, vector<1x1x16xf32>,
      %add3A_852 = arith.constant 4 : i32
      %add3A_853 = arith.addi %mul3A_343, %add3A_852 : i32
      %add3A_854 = arith.constant 4 : i32
      %add3A_855 = arith.addi %mul3A_343, %add3A_854 : i32
      %get3A_856 = arith.index_cast %add3A_855 : i32 to index
      %get3A_857 = arith.constant 32 : index
      %get3A_858 = tpu.vector_load %arg5[%get3A_856, %get3A_857] {strides = array<i32>} : memref<256x128xf32, #tpu.memory_space<vmem>>, vector<1x16xf32>,
      %get3A_859 = vector.shape_cast %get3A_858 : vector<1x16xf32> to vector<16xf32>
      %swap3A_860 = arith.constant 0 : i32
      %swap3A_861 = arith.index_cast %swap3A_860 : i32 to index
      %swap3A_862 = arith.index_cast %add3A_853 : i32 to index
      %swap3A_863 = arith.constant 32 : index
      %swap3A_864 = tpu.vector_load %arg6[%swap3A_861, %swap3A_862, %swap3A_863] {strides = array<i32>} : memref<2x256x128xf32, #tpu.memory_space<vmem>>, vector<1x1x16xf32>,
      %swap3A_865 = vector.shape_cast %swap3A_864 : vector<1x1x16xf32> to vector<16xf32>
      %swap3A_866 = vector.shape_cast %get3A_859 : vector<16xf32> to vector<1x1x16xf32>
      tpu.vector_store %arg6[%swap3A_861, %swap3A_862, %swap3A_863], %swap3A_866 {add = true, strides = array<i32>} : memref<2x256x128xf32, #tpu.memory_space<vmem>>, vector<1x1x16xf32>,
      %add3A_867 = arith.constant 4 : i32
      %add3A_868 = arith.addi %mul3A_343, %add3A_867 : i32
      %add3A_869 = arith.constant 4 : i32
      %add3A_870 = arith.addi %mul3A_343, %add3A_869 : i32
      %get3A_871 = arith.index_cast %add3A_870 : i32 to index
      %get3A_872 = arith.constant 48 : index
      %get3A_873 = tpu.vector_load %arg5[%get3A_871, %get3A_872] {strides = array<i32>} : memref<256x128xf32, #tpu.memory_space<vmem>>, vector<1x16xf32>,
      %get3A_874 = vector.shape_cast %get3A_873 : vector<1x16xf32> to vector<16xf32>
      %swap3A_875 = arith.constant 0 : i32
      %swap3A_876 = arith.index_cast %swap3A_875 : i32 to index
      %swap3A_877 = arith.index_cast %add3A_868 : i32 to index
      %swap3A_878 = arith.constant 48 : index
      %swap3A_879 = tpu.vector_load %arg6[%swap3A_876, %swap3A_877, %swap3A_878] {strides = array<i32>} : memref<2x256x128xf32, #tpu.memory_space<vmem>>, vector<1x1x16xf32>,
      %swap3A_880 = vector.shape_cast %swap3A_879 : vector<1x1x16xf32> to vector<16xf32>
      %swap3A_881 = vector.shape_cast %get3A_874 : vector<16xf32> to vector<1x1x16xf32>
      tpu.vector_store %arg6[%swap3A_876, %swap3A_877, %swap3A_878], %swap3A_881 {add = true, strides = array<i32>} : memref<2x256x128xf32, #tpu.memory_space<vmem>>, vector<1x1x16xf32>,
      %add3A_882 = arith.constant 4 : i32
      %add3A_883 = arith.addi %mul3A_343, %add3A_882 : i32
      %add3A_884 = arith.constant 4 : i32
      %add3A_885 = arith.addi %mul3A_343, %add3A_884 : i32
      %get3A_886 = arith.index_cast %add3A_885 : i32 to index
      %get3A_887 = arith.constant 64 : index
      %get3A_888 = tpu.vector_load %arg5[%get3A_886, %get3A_887] {strides = array<i32>} : memref<256x128xf32, #tpu.memory_space<vmem>>, vector<1x16xf32>,
      %get3A_889 = vector.shape_cast %get3A_888 : vector<1x16xf32> to vector<16xf32>
      %swap3A_890 = arith.constant 0 : i32
      %swap3A_891 = arith.index_cast %swap3A_890 : i32 to index
      %swap3A_892 = arith.index_cast %add3A_883 : i32 to index
      %swap3A_893 = arith.constant 64 : index
      %swap3A_894 = tpu.vector_load %arg6[%swap3A_891, %swap3A_892, %swap3A_893] {strides = array<i32>} : memref<2x256x128xf32, #tpu.memory_space<vmem>>, vector<1x1x16xf32>,
      %swap3A_895 = vector.shape_cast %swap3A_894 : vector<1x1x16xf32> to vector<16xf32>
      %swap3A_896 = vector.shape_cast %get3A_889 : vector<16xf32> to vector<1x1x16xf32>
      tpu.vector_store %arg6[%swap3A_891, %swap3A_892, %swap3A_893], %swap3A_896 {add = true, strides = array<i32>} : memref<2x256x128xf32, #tpu.memory_space<vmem>>, vector<1x1x16xf32>,
      %add3A_897 = arith.constant 4 : i32
      %add3A_898 = arith.addi %mul3A_343, %add3A_897 : i32
      %add3A_899 = arith.constant 4 : i32
      %add3A_900 = arith.addi %mul3A_343, %add3A_899 : i32
      %get3A_901 = arith.index_cast %add3A_900 : i32 to index
      %get3A_902 = arith.constant 80 : index
      %get3A_903 = tpu.vector_load %arg5[%get3A_901, %get3A_902] {strides = array<i32>} : memref<256x128xf32, #tpu.memory_space<vmem>>, vector<1x16xf32>,
      %get3A_904 = vector.shape_cast %get3A_903 : vector<1x16xf32> to vector<16xf32>
      %swap3A_905 = arith.constant 0 : i32
      %swap3A_906 = arith.index_cast %swap3A_905 : i32 to index
      %swap3A_907 = arith.index_cast %add3A_898 : i32 to index
      %swap3A_908 = arith.constant 80 : index
      %swap3A_909 = tpu.vector_load %arg6[%swap3A_906, %swap3A_907, %swap3A_908] {strides = array<i32>} : memref<2x256x128xf32, #tpu.memory_space<vmem>>, vector<1x1x16xf32>,
      %swap3A_910 = vector.shape_cast %swap3A_909 : vector<1x1x16xf32> to vector<16xf32>
      %swap3A_911 = vector.shape_cast %get3A_904 : vector<16xf32> to vector<1x1x16xf32>
      tpu.vector_store %arg6[%swap3A_906, %swap3A_907, %swap3A_908], %swap3A_911 {add = true, strides = array<i32>} : memref<2x256x128xf32, #tpu.memory_space<vmem>>, vector<1x1x16xf32>,
      %add3A_912 = arith.constant 4 : i32
      %add3A_913 = arith.addi %mul3A_343, %add3A_912 : i32
      %add3A_914 = arith.constant 4 : i32
      %add3A_915 = arith.addi %mul3A_343, %add3A_914 : i32
      %get3A_916 = arith.index_cast %add3A_915 : i32 to index
      %get3A_917 = arith.constant 96 : index
      %get3A_918 = tpu.vector_load %arg5[%get3A_916, %get3A_917] {strides = array<i32>} : memref<256x128xf32, #tpu.memory_space<vmem>>, vector<1x16xf32>,
      %get3A_919 = vector.shape_cast %get3A_918 : vector<1x16xf32> to vector<16xf32>
      %swap3A_920 = arith.constant 0 : i32
      %swap3A_921 = arith.index_cast %swap3A_920 : i32 to index
      %swap3A_922 = arith.index_cast %add3A_913 : i32 to index
      %swap3A_923 = arith.constant 96 : index
      %swap3A_924 = tpu.vector_load %arg6[%swap3A_921, %swap3A_922, %swap3A_923] {strides = array<i32>} : memref<2x256x128xf32, #tpu.memory_space<vmem>>, vector<1x1x16xf32>,
      %swap3A_925 = vector.shape_cast %swap3A_924 : vector<1x1x16xf32> to vector<16xf32>
      %swap3A_926 = vector.shape_cast %get3A_919 : vector<16xf32> to vector<1x1x16xf32>
      tpu.vector_store %arg6[%swap3A_921, %swap3A_922, %swap3A_923], %swap3A_926 {add = true, strides = array<i32>} : memref<2x256x128xf32, #tpu.memory_space<vmem>>, vector<1x1x16xf32>,
      %add3A_927 = arith.constant 4 : i32
      %add3A_928 = arith.addi %mul3A_343, %add3A_927 : i32
      %add3A_929 = arith.constant 4 : i32
      %add3A_930 = arith.addi %mul3A_343, %add3A_929 : i32
      %get3A_931 = arith.index_cast %add3A_930 : i32 to index
      %get3A_932 = arith.constant 112 : index
      %get3A_933 = tpu.vector_load %arg5[%get3A_931, %get3A_932] {strides = array<i32>} : memref<256x128xf32, #tpu.memory_space<vmem>>, vector<1x16xf32>,
      %get3A_934 = vector.shape_cast %get3A_933 : vector<1x16xf32> to vector<16xf32>
      %swap3A_935 = arith.constant 0 : i32
      %swap3A_936 = arith.index_cast %swap3A_935 : i32 to index
      %swap3A_937 = arith.index_cast %add3A_928 : i32 to index
      %swap3A_938 = arith.constant 112 : index
      %swap3A_939 = tpu.vector_load %arg6[%swap3A_936, %swap3A_937, %swap3A_938] {strides = array<i32>} : memref<2x256x128xf32, #tpu.memory_space<vmem>>, vector<1x1x16xf32>,
      %swap3A_940 = vector.shape_cast %swap3A_939 : vector<1x1x16xf32> to vector<16xf32>
      %swap3A_941 = vector.shape_cast %get3A_934 : vector<16xf32> to vector<1x1x16xf32>
      tpu.vector_store %arg6[%swap3A_936, %swap3A_937, %swap3A_938], %swap3A_941 {add = true, strides = array<i32>} : memref<2x256x128xf32, #tpu.memory_space<vmem>>, vector<1x1x16xf32>,
      %add3A_942 = arith.constant 5 : i32
      %add3A_943 = arith.addi %mul3A_343, %add3A_942 : i32
      %add3A_944 = arith.constant 5 : i32
      %add3A_945 = arith.addi %mul3A_343, %add3A_944 : i32
      %get3A_946 = arith.index_cast %add3A_945 : i32 to index
      %get3A_947 = arith.constant 0 : index
      %get3A_948 = tpu.vector_load %arg5[%get3A_946, %get3A_947] {strides = array<i32>} : memref<256x128xf32, #tpu.memory_space<vmem>>, vector<1x16xf32>,
      %get3A_949 = vector.shape_cast %get3A_948 : vector<1x16xf32> to vector<16xf32>
      %swap3A_950 = arith.constant 0 : i32
      %swap3A_951 = arith.index_cast %swap3A_950 : i32 to index
      %swap3A_952 = arith.index_cast %add3A_943 : i32 to index
      %swap3A_953 = arith.constant 0 : index
      %swap3A_954 = tpu.vector_load %arg6[%swap3A_951, %swap3A_952, %swap3A_953] {strides = array<i32>} : memref<2x256x128xf32, #tpu.memory_space<vmem>>, vector<1x1x16xf32>,
      %swap3A_955 = vector.shape_cast %swap3A_954 : vector<1x1x16xf32> to vector<16xf32>
      %swap3A_956 = vector.shape_cast %get3A_949 : vector<16xf32> to vector<1x1x16xf32>
      tpu.vector_store %arg6[%swap3A_951, %swap3A_952, %swap3A_953], %swap3A_956 {add = true, strides = array<i32>} : memref<2x256x128xf32, #tpu.memory_space<vmem>>, vector<1x1x16xf32>,
      %add3A_957 = arith.constant 5 : i32
      %add3A_958 = arith.addi %mul3A_343, %add3A_957 : i32
      %add3A_959 = arith.constant 5 : i32
      %add3A_960 = arith.addi %mul3A_343, %add3A_959 : i32
      %get3A_961 = arith.index_cast %add3A_960 : i32 to index
      %get3A_962 = arith.constant 16 : index
      %get3A_963 = tpu.vector_load %arg5[%get3A_961, %get3A_962] {strides = array<i32>} : memref<256x128xf32, #tpu.memory_space<vmem>>, vector<1x16xf32>,
      %get3A_964 = vector.shape_cast %get3A_963 : vector<1x16xf32> to vector<16xf32>
      %swap3A_965 = arith.constant 0 : i32
      %swap3A_966 = arith.index_cast %swap3A_965 : i32 to index
      %swap3A_967 = arith.index_cast %add3A_958 : i32 to index
      %swap3A_968 = arith.constant 16 : index
      %swap3A_969 = tpu.vector_load %arg6[%swap3A_966, %swap3A_967, %swap3A_968] {strides = array<i32>} : memref<2x256x128xf32, #tpu.memory_space<vmem>>, vector<1x1x16xf32>,
      %swap3A_970 = vector.shape_cast %swap3A_969 : vector<1x1x16xf32> to vector<16xf32>
      %swap3A_971 = vector.shape_cast %get3A_964 : vector<16xf32> to vector<1x1x16xf32>
      tpu.vector_store %arg6[%swap3A_966, %swap3A_967, %swap3A_968], %swap3A_971 {add = true, strides = array<i32>} : memref<2x256x128xf32, #tpu.memory_space<vmem>>, vector<1x1x16xf32>,
      %add3A_972 = arith.constant 5 : i32
      %add3A_973 = arith.addi %mul3A_343, %add3A_972 : i32
      %add3A_974 = arith.constant 5 : i32
      %add3A_975 = arith.addi %mul3A_343, %add3A_974 : i32
      %get3A_976 = arith.index_cast %add3A_975 : i32 to index
      %get3A_977 = arith.constant 32 : index
      %get3A_978 = tpu.vector_load %arg5[%get3A_976, %get3A_977] {strides = array<i32>} : memref<256x128xf32, #tpu.memory_space<vmem>>, vector<1x16xf32>,
      %get3A_979 = vector.shape_cast %get3A_978 : vector<1x16xf32> to vector<16xf32>
      %swap3A_980 = arith.constant 0 : i32
      %swap3A_981 = arith.index_cast %swap3A_980 : i32 to index
      %swap3A_982 = arith.index_cast %add3A_973 : i32 to index
      %swap3A_983 = arith.constant 32 : index
      %swap3A_984 = tpu.vector_load %arg6[%swap3A_981, %swap3A_982, %swap3A_983] {strides = array<i32>} : memref<2x256x128xf32, #tpu.memory_space<vmem>>, vector<1x1x16xf32>,
      %swap3A_985 = vector.shape_cast %swap3A_984 : vector<1x1x16xf32> to vector<16xf32>
      %swap3A_986 = vector.shape_cast %get3A_979 : vector<16xf32> to vector<1x1x16xf32>
      tpu.vector_store %arg6[%swap3A_981, %swap3A_982, %swap3A_983], %swap3A_986 {add = true, strides = array<i32>} : memref<2x256x128xf32, #tpu.memory_space<vmem>>, vector<1x1x16xf32>,
      %add3A_987 = arith.constant 5 : i32
      %add3A_988 = arith.addi %mul3A_343, %add3A_987 : i32
      %add3A_989 = arith.constant 5 : i32
      %add3A_990 = arith.addi %mul3A_343, %add3A_989 : i32
      %get3A_991 = arith.index_cast %add3A_990 : i32 to index
      %get3A_992 = arith.constant 48 : index
      %get3A_993 = tpu.vector_load %arg5[%get3A_991, %get3A_992] {strides = array<i32>} : memref<256x128xf32, #tpu.memory_space<vmem>>, vector<1x16xf32>,
      %get3A_994 = vector.shape_cast %get3A_993 : vector<1x16xf32> to vector<16xf32>
      %swap3A_995 = arith.constant 0 : i32
      %swap3A_996 = arith.index_cast %swap3A_995 : i32 to index
      %swap3A_997 = arith.index_cast %add3A_988 : i32 to index
      %swap3A_998 = arith.constant 48 : index
      %swap3A_999 = tpu.vector_load %arg6[%swap3A_996, %swap3A_997, %swap3A_998] {strides = array<i32>} : memref<2x256x128xf32, #tpu.memory_space<vmem>>, vector<1x1x16xf32>,
      %swap3A_1000 = vector.shape_cast %swap3A_999 : vector<1x1x16xf32> to vector<16xf32>
      %swap3A_1001 = vector.shape_cast %get3A_994 : vector<16xf32> to vector<1x1x16xf32>
      tpu.vector_store %arg6[%swap3A_996, %swap3A_997, %swap3A_998], %swap3A_1001 {add = true, strides = array<i32>} : memref<2x256x128xf32, #tpu.memory_space<vmem>>, vector<1x1x16xf32>,
      %add3A_1002 = arith.constant 5 : i32
      %add3A_1003 = arith.addi %mul3A_343, %add3A_1002 : i32
      %add3A_1004 = arith.constant 5 : i32
      %add3A_1005 = arith.addi %mul3A_343, %add3A_1004 : i32
      %get3A_1006 = arith.index_cast %add3A_1005 : i32 to index
      %get3A_1007 = arith.constant 64 : index
      %get3A_1008 = tpu.vector_load %arg5[%get3A_1006, %get3A_1007] {strides = array<i32>} : memref<256x128xf32, #tpu.memory_space<vmem>>, vector<1x16xf32>,
      %get3A_1009 = vector.shape_cast %get3A_1008 : vector<1x16xf32> to vector<16xf32>
      %swap3A_1010 = arith.constant 0 : i32
      %swap3A_1011 = arith.index_cast %swap3A_1010 : i32 to index
      %swap3A_1012 = arith.index_cast %add3A_1003 : i32 to index
      %swap3A_1013 = arith.constant 64 : index
      %swap3A_1014 = tpu.vector_load %arg6[%swap3A_1011, %swap3A_1012, %swap3A_1013] {strides = array<i32>} : memref<2x256x128xf32, #tpu.memory_space<vmem>>, vector<1x1x16xf32>,
      %swap3A_1015 = vector.shape_cast %swap3A_1014 : vector<1x1x16xf32> to vector<16xf32>
      %swap3A_1016 = vector.shape_cast %get3A_1009 : vector<16xf32> to vector<1x1x16xf32>
      tpu.vector_store %arg6[%swap3A_1011, %swap3A_1012, %swap3A_1013], %swap3A_1016 {add = true, strides = array<i32>} : memref<2x256x128xf32, #tpu.memory_space<vmem>>, vector<1x1x16xf32>,
      %add3A_1017 = arith.constant 5 : i32
      %add3A_1018 = arith.addi %mul3A_343, %add3A_1017 : i32
      %add3A_1019 = arith.constant 5 : i32
      %add3A_1020 = arith.addi %mul3A_343, %add3A_1019 : i32
      %get3A_1021 = arith.index_cast %add3A_1020 : i32 to index
      %get3A_1022 = arith.constant 80 : index
      %get3A_1023 = tpu.vector_load %arg5[%get3A_1021, %get3A_1022] {strides = array<i32>} : memref<256x128xf32, #tpu.memory_space<vmem>>, vector<1x16xf32>,
      %get3A_1024 = vector.shape_cast %get3A_1023 : vector<1x16xf32> to vector<16xf32>
      %swap3A_1025 = arith.constant 0 : i32
      %swap3A_1026 = arith.index_cast %swap3A_1025 : i32 to index
      %swap3A_1027 = arith.index_cast %add3A_1018 : i32 to index
      %swap3A_1028 = arith.constant 80 : index
      %swap3A_1029 = tpu.vector_load %arg6[%swap3A_1026, %swap3A_1027, %swap3A_1028] {strides = array<i32>} : memref<2x256x128xf32, #tpu.memory_space<vmem>>, vector<1x1x16xf32>,
      %swap3A_1030 = vector.shape_cast %swap3A_1029 : vector<1x1x16xf32> to vector<16xf32>
      %swap3A_1031 = vector.shape_cast %get3A_1024 : vector<16xf32> to vector<1x1x16xf32>
      tpu.vector_store %arg6[%swap3A_1026, %swap3A_1027, %swap3A_1028], %swap3A_1031 {add = true, strides = array<i32>} : memref<2x256x128xf32, #tpu.memory_space<vmem>>, vector<1x1x16xf32>,
      %add3A_1032 = arith.constant 5 : i32
      %add3A_1033 = arith.addi %mul3A_343, %add3A_1032 : i32
      %add3A_1034 = arith.constant 5 : i32
      %add3A_1035 = arith.addi %mul3A_343, %add3A_1034 : i32
      %get3A_1036 = arith.index_cast %add3A_1035 : i32 to index
      %get3A_1037 = arith.constant 96 : index
      %get3A_1038 = tpu.vector_load %arg5[%get3A_1036, %get3A_1037] {strides = array<i32>} : memref<256x128xf32, #tpu.memory_space<vmem>>, vector<1x16xf32>,
      %get3A_1039 = vector.shape_cast %get3A_1038 : vector<1x16xf32> to vector<16xf32>
      %swap3A_1040 = arith.constant 0 : i32
      %swap3A_1041 = arith.index_cast %swap3A_1040 : i32 to index
      %swap3A_1042 = arith.index_cast %add3A_1033 : i32 to index
      %swap3A_1043 = arith.constant 96 : index
      %swap3A_1044 = tpu.vector_load %arg6[%swap3A_1041, %swap3A_1042, %swap3A_1043] {strides = array<i32>} : memref<2x256x128xf32, #tpu.memory_space<vmem>>, vector<1x1x16xf32>,
      %swap3A_1045 = vector.shape_cast %swap3A_1044 : vector<1x1x16xf32> to vector<16xf32>
      %swap3A_1046 = vector.shape_cast %get3A_1039 : vector<16xf32> to vector<1x1x16xf32>
      tpu.vector_store %arg6[%swap3A_1041, %swap3A_1042, %swap3A_1043], %swap3A_1046 {add = true, strides = array<i32>} : memref<2x256x128xf32, #tpu.memory_space<vmem>>, vector<1x1x16xf32>,
      %add3A_1047 = arith.constant 5 : i32
      %add3A_1048 = arith.addi %mul3A_343, %add3A_1047 : i32
      %add3A_1049 = arith.constant 5 : i32
      %add3A_1050 = arith.addi %mul3A_343, %add3A_1049 : i32
      %get3A_1051 = arith.index_cast %add3A_1050 : i32 to index
      %get3A_1052 = arith.constant 112 : index
      %get3A_1053 = tpu.vector_load %arg5[%get3A_1051, %get3A_1052] {strides = array<i32>} : memref<256x128xf32, #tpu.memory_space<vmem>>, vector<1x16xf32>,
      %get3A_1054 = vector.shape_cast %get3A_1053 : vector<1x16xf32> to vector<16xf32>
      %swap3A_1055 = arith.constant 0 : i32
      %swap3A_1056 = arith.index_cast %swap3A_1055 : i32 to index
      %swap3A_1057 = arith.index_cast %add3A_1048 : i32 to index
      %swap3A_1058 = arith.constant 112 : index
      %swap3A_1059 = tpu.vector_load %arg6[%swap3A_1056, %swap3A_1057, %swap3A_1058] {strides = array<i32>} : memref<2x256x128xf32, #tpu.memory_space<vmem>>, vector<1x1x16xf32>,
      %swap3A_1060 = vector.shape_cast %swap3A_1059 : vector<1x1x16xf32> to vector<16xf32>
      %swap3A_1061 = vector.shape_cast %get3A_1054 : vector<16xf32> to vector<1x1x16xf32>
      tpu.vector_store %arg6[%swap3A_1056, %swap3A_1057, %swap3A_1058], %swap3A_1061 {add = true, strides = array<i32>} : memref<2x256x128xf32, #tpu.memory_space<vmem>>, vector<1x1x16xf32>,
      %add3A_1062 = arith.constant 6 : i32
      %add3A_1063 = arith.addi %mul3A_343, %add3A_1062 : i32
      %add3A_1064 = arith.constant 6 : i32
      %add3A_1065 = arith.addi %mul3A_343, %add3A_1064 : i32
      %get3A_1066 = arith.index_cast %add3A_1065 : i32 to index
      %get3A_1067 = arith.constant 0 : index
      %get3A_1068 = tpu.vector_load %arg5[%get3A_1066, %get3A_1067] {strides = array<i32>} : memref<256x128xf32, #tpu.memory_space<vmem>>, vector<1x16xf32>,
      %get3A_1069 = vector.shape_cast %get3A_1068 : vector<1x16xf32> to vector<16xf32>
      %swap3A_1070 = arith.constant 0 : i32
      %swap3A_1071 = arith.index_cast %swap3A_1070 : i32 to index
      %swap3A_1072 = arith.index_cast %add3A_1063 : i32 to index
      %swap3A_1073 = arith.constant 0 : index
      %swap3A_1074 = tpu.vector_load %arg6[%swap3A_1071, %swap3A_1072, %swap3A_1073] {strides = array<i32>} : memref<2x256x128xf32, #tpu.memory_space<vmem>>, vector<1x1x16xf32>,
      %swap3A_1075 = vector.shape_cast %swap3A_1074 : vector<1x1x16xf32> to vector<16xf32>
      %swap3A_1076 = vector.shape_cast %get3A_1069 : vector<16xf32> to vector<1x1x16xf32>
      tpu.vector_store %arg6[%swap3A_1071, %swap3A_1072, %swap3A_1073], %swap3A_1076 {add = true, strides = array<i32>} : memref<2x256x128xf32, #tpu.memory_space<vmem>>, vector<1x1x16xf32>,
      %add3A_1077 = arith.constant 6 : i32
      %add3A_1078 = arith.addi %mul3A_343, %add3A_1077 : i32
      %add3A_1079 = arith.constant 6 : i32
      %add3A_1080 = arith.addi %mul3A_343, %add3A_1079 : i32
      %get3A_1081 = arith.index_cast %add3A_1080 : i32 to index
      %get3A_1082 = arith.constant 16 : index
      %get3A_1083 = tpu.vector_load %arg5[%get3A_1081, %get3A_1082] {strides = array<i32>} : memref<256x128xf32, #tpu.memory_space<vmem>>, vector<1x16xf32>,
      %get3A_1084 = vector.shape_cast %get3A_1083 : vector<1x16xf32> to vector<16xf32>
      %swap3A_1085 = arith.constant 0 : i32
      %swap3A_1086 = arith.index_cast %swap3A_1085 : i32 to index
      %swap3A_1087 = arith.index_cast %add3A_1078 : i32 to index
      %swap3A_1088 = arith.constant 16 : index
      %swap3A_1089 = tpu.vector_load %arg6[%swap3A_1086, %swap3A_1087, %swap3A_1088] {strides = array<i32>} : memref<2x256x128xf32, #tpu.memory_space<vmem>>, vector<1x1x16xf32>,
      %swap3A_1090 = vector.shape_cast %swap3A_1089 : vector<1x1x16xf32> to vector<16xf32>
      %swap3A_1091 = vector.shape_cast %get3A_1084 : vector<16xf32> to vector<1x1x16xf32>
      tpu.vector_store %arg6[%swap3A_1086, %swap3A_1087, %swap3A_1088], %swap3A_1091 {add = true, strides = array<i32>} : memref<2x256x128xf32, #tpu.memory_space<vmem>>, vector<1x1x16xf32>,
      %add3A_1092 = arith.constant 6 : i32
      %add3A_1093 = arith.addi %mul3A_343, %add3A_1092 : i32
      %add3A_1094 = arith.constant 6 : i32
      %add3A_1095 = arith.addi %mul3A_343, %add3A_1094 : i32
      %get3A_1096 = arith.index_cast %add3A_1095 : i32 to index
      %get3A_1097 = arith.constant 32 : index
      %get3A_1098 = tpu.vector_load %arg5[%get3A_1096, %get3A_1097] {strides = array<i32>} : memref<256x128xf32, #tpu.memory_space<vmem>>, vector<1x16xf32>,
      %get3A_1099 = vector.shape_cast %get3A_1098 : vector<1x16xf32> to vector<16xf32>
      %swap3A_1100 = arith.constant 0 : i32
      %swap3A_1101 = arith.index_cast %swap3A_1100 : i32 to index
      %swap3A_1102 = arith.index_cast %add3A_1093 : i32 to index
      %swap3A_1103 = arith.constant 32 : index
      %swap3A_1104 = tpu.vector_load %arg6[%swap3A_1101, %swap3A_1102, %swap3A_1103] {strides = array<i32>} : memref<2x256x128xf32, #tpu.memory_space<vmem>>, vector<1x1x16xf32>,
      %swap3A_1105 = vector.shape_cast %swap3A_1104 : vector<1x1x16xf32> to vector<16xf32>
      %swap3A_1106 = vector.shape_cast %get3A_1099 : vector<16xf32> to vector<1x1x16xf32>
      tpu.vector_store %arg6[%swap3A_1101, %swap3A_1102, %swap3A_1103], %swap3A_1106 {add = true, strides = array<i32>} : memref<2x256x128xf32, #tpu.memory_space<vmem>>, vector<1x1x16xf32>,
      %add3A_1107 = arith.constant 6 : i32
      %add3A_1108 = arith.addi %mul3A_343, %add3A_1107 : i32
      %add3A_1109 = arith.constant 6 : i32
      %add3A_1110 = arith.addi %mul3A_343, %add3A_1109 : i32
      %get3A_1111 = arith.index_cast %add3A_1110 : i32 to index
      %get3A_1112 = arith.constant 48 : index
      %get3A_1113 = tpu.vector_load %arg5[%get3A_1111, %get3A_1112] {strides = array<i32>} : memref<256x128xf32, #tpu.memory_space<vmem>>, vector<1x16xf32>,
      %get3A_1114 = vector.shape_cast %get3A_1113 : vector<1x16xf32> to vector<16xf32>
      %swap3A_1115 = arith.constant 0 : i32
      %swap3A_1116 = arith.index_cast %swap3A_1115 : i32 to index
      %swap3A_1117 = arith.index_cast %add3A_1108 : i32 to index
      %swap3A_1118 = arith.constant 48 : index
      %swap3A_1119 = tpu.vector_load %arg6[%swap3A_1116, %swap3A_1117, %swap3A_1118] {strides = array<i32>} : memref<2x256x128xf32, #tpu.memory_space<vmem>>, vector<1x1x16xf32>,
      %swap3A_1120 = vector.shape_cast %swap3A_1119 : vector<1x1x16xf32> to vector<16xf32>
      %swap3A_1121 = vector.shape_cast %get3A_1114 : vector<16xf32> to vector<1x1x16xf32>
      tpu.vector_store %arg6[%swap3A_1116, %swap3A_1117, %swap3A_1118], %swap3A_1121 {add = true, strides = array<i32>} : memref<2x256x128xf32, #tpu.memory_space<vmem>>, vector<1x1x16xf32>,
      %add3A_1122 = arith.constant 6 : i32
      %add3A_1123 = arith.addi %mul3A_343, %add3A_1122 : i32
      %add3A_1124 = arith.constant 6 : i32
      %add3A_1125 = arith.addi %mul3A_343, %add3A_1124 : i32
      %get3A_1126 = arith.index_cast %add3A_1125 : i32 to index
      %get3A_1127 = arith.constant 64 : index
      %get3A_1128 = tpu.vector_load %arg5[%get3A_1126, %get3A_1127] {strides = array<i32>} : memref<256x128xf32, #tpu.memory_space<vmem>>, vector<1x16xf32>,
      %get3A_1129 = vector.shape_cast %get3A_1128 : vector<1x16xf32> to vector<16xf32>
      %swap3A_1130 = arith.constant 0 : i32
      %swap3A_1131 = arith.index_cast %swap3A_1130 : i32 to index
      %swap3A_1132 = arith.index_cast %add3A_1123 : i32 to index
      %swap3A_1133 = arith.constant 64 : index
      %swap3A_1134 = tpu.vector_load %arg6[%swap3A_1131, %swap3A_1132, %swap3A_1133] {strides = array<i32>} : memref<2x256x128xf32, #tpu.memory_space<vmem>>, vector<1x1x16xf32>,
      %swap3A_1135 = vector.shape_cast %swap3A_1134 : vector<1x1x16xf32> to vector<16xf32>
      %swap3A_1136 = vector.shape_cast %get3A_1129 : vector<16xf32> to vector<1x1x16xf32>
      tpu.vector_store %arg6[%swap3A_1131, %swap3A_1132, %swap3A_1133], %swap3A_1136 {add = true, strides = array<i32>} : memref<2x256x128xf32, #tpu.memory_space<vmem>>, vector<1x1x16xf32>,
      %add3A_1137 = arith.constant 6 : i32
      %add3A_1138 = arith.addi %mul3A_343, %add3A_1137 : i32
      %add3A_1139 = arith.constant 6 : i32
      %add3A_1140 = arith.addi %mul3A_343, %add3A_1139 : i32
      %get3A_1141 = arith.index_cast %add3A_1140 : i32 to index
      %get3A_1142 = arith.constant 80 : index
      %get3A_1143 = tpu.vector_load %arg5[%get3A_1141, %get3A_1142] {strides = array<i32>} : memref<256x128xf32, #tpu.memory_space<vmem>>, vector<1x16xf32>,
      %get3A_1144 = vector.shape_cast %get3A_1143 : vector<1x16xf32> to vector<16xf32>
      %swap3A_1145 = arith.constant 0 : i32
      %swap3A_1146 = arith.index_cast %swap3A_1145 : i32 to index
      %swap3A_1147 = arith.index_cast %add3A_1138 : i32 to index
      %swap3A_1148 = arith.constant 80 : index
      %swap3A_1149 = tpu.vector_load %arg6[%swap3A_1146, %swap3A_1147, %swap3A_1148] {strides = array<i32>} : memref<2x256x128xf32, #tpu.memory_space<vmem>>, vector<1x1x16xf32>,
      %swap3A_1150 = vector.shape_cast %swap3A_1149 : vector<1x1x16xf32> to vector<16xf32>
      %swap3A_1151 = vector.shape_cast %get3A_1144 : vector<16xf32> to vector<1x1x16xf32>
      tpu.vector_store %arg6[%swap3A_1146, %swap3A_1147, %swap3A_1148], %swap3A_1151 {add = true, strides = array<i32>} : memref<2x256x128xf32, #tpu.memory_space<vmem>>, vector<1x1x16xf32>,
      %add3A_1152 = arith.constant 6 : i32
      %add3A_1153 = arith.addi %mul3A_343, %add3A_1152 : i32
      %add3A_1154 = arith.constant 6 : i32
      %add3A_1155 = arith.addi %mul3A_343, %add3A_1154 : i32
      %get3A_1156 = arith.index_cast %add3A_1155 : i32 to index
      %get3A_1157 = arith.constant 96 : index
      %get3A_1158 = tpu.vector_load %arg5[%get3A_1156, %get3A_1157] {strides = array<i32>} : memref<256x128xf32, #tpu.memory_space<vmem>>, vector<1x16xf32>,
      %get3A_1159 = vector.shape_cast %get3A_1158 : vector<1x16xf32> to vector<16xf32>
      %swap3A_1160 = arith.constant 0 : i32
      %swap3A_1161 = arith.index_cast %swap3A_1160 : i32 to index
      %swap3A_1162 = arith.index_cast %add3A_1153 : i32 to index
      %swap3A_1163 = arith.constant 96 : index
      %swap3A_1164 = tpu.vector_load %arg6[%swap3A_1161, %swap3A_1162, %swap3A_1163] {strides = array<i32>} : memref<2x256x128xf32, #tpu.memory_space<vmem>>, vector<1x1x16xf32>,
      %swap3A_1165 = vector.shape_cast %swap3A_1164 : vector<1x1x16xf32> to vector<16xf32>
      %swap3A_1166 = vector.shape_cast %get3A_1159 : vector<16xf32> to vector<1x1x16xf32>
      tpu.vector_store %arg6[%swap3A_1161, %swap3A_1162, %swap3A_1163], %swap3A_1166 {add = true, strides = array<i32>} : memref<2x256x128xf32, #tpu.memory_space<vmem>>, vector<1x1x16xf32>,
      %add3A_1167 = arith.constant 6 : i32
      %add3A_1168 = arith.addi %mul3A_343, %add3A_1167 : i32
      %add3A_1169 = arith.constant 6 : i32
      %add3A_1170 = arith.addi %mul3A_343, %add3A_1169 : i32
      %get3A_1171 = arith.index_cast %add3A_1170 : i32 to index
      %get3A_1172 = arith.constant 112 : index
      %get3A_1173 = tpu.vector_load %arg5[%get3A_1171, %get3A_1172] {strides = array<i32>} : memref<256x128xf32, #tpu.memory_space<vmem>>, vector<1x16xf32>,
      %get3A_1174 = vector.shape_cast %get3A_1173 : vector<1x16xf32> to vector<16xf32>
      %swap3A_1175 = arith.constant 0 : i32
      %swap3A_1176 = arith.index_cast %swap3A_1175 : i32 to index
      %swap3A_1177 = arith.index_cast %add3A_1168 : i32 to index
      %swap3A_1178 = arith.constant 112 : index
      %swap3A_1179 = tpu.vector_load %arg6[%swap3A_1176, %swap3A_1177, %swap3A_1178] {strides = array<i32>} : memref<2x256x128xf32, #tpu.memory_space<vmem>>, vector<1x1x16xf32>,
      %swap3A_1180 = vector.shape_cast %swap3A_1179 : vector<1x1x16xf32> to vector<16xf32>
      %swap3A_1181 = vector.shape_cast %get3A_1174 : vector<16xf32> to vector<1x1x16xf32>
      tpu.vector_store %arg6[%swap3A_1176, %swap3A_1177, %swap3A_1178], %swap3A_1181 {add = true, strides = array<i32>} : memref<2x256x128xf32, #tpu.memory_space<vmem>>, vector<1x1x16xf32>,
      %add3A_1182 = arith.constant 7 : i32
      %add3A_1183 = arith.addi %mul3A_343, %add3A_1182 : i32
      %add3A_1184 = arith.constant 7 : i32
      %add3A_1185 = arith.addi %mul3A_343, %add3A_1184 : i32
      %get3A_1186 = arith.index_cast %add3A_1185 : i32 to index
      %get3A_1187 = arith.constant 0 : index
      %get3A_1188 = tpu.vector_load %arg5[%get3A_1186, %get3A_1187] {strides = array<i32>} : memref<256x128xf32, #tpu.memory_space<vmem>>, vector<1x16xf32>,
      %get3A_1189 = vector.shape_cast %get3A_1188 : vector<1x16xf32> to vector<16xf32>
      %swap3A_1190 = arith.constant 0 : i32
      %swap3A_1191 = arith.index_cast %swap3A_1190 : i32 to index
      %swap3A_1192 = arith.index_cast %add3A_1183 : i32 to index
      %swap3A_1193 = arith.constant 0 : index
      %swap3A_1194 = tpu.vector_load %arg6[%swap3A_1191, %swap3A_1192, %swap3A_1193] {strides = array<i32>} : memref<2x256x128xf32, #tpu.memory_space<vmem>>, vector<1x1x16xf32>,
      %swap3A_1195 = vector.shape_cast %swap3A_1194 : vector<1x1x16xf32> to vector<16xf32>
      %swap3A_1196 = vector.shape_cast %get3A_1189 : vector<16xf32> to vector<1x1x16xf32>
      tpu.vector_store %arg6[%swap3A_1191, %swap3A_1192, %swap3A_1193], %swap3A_1196 {add = true, strides = array<i32>} : memref<2x256x128xf32, #tpu.memory_space<vmem>>, vector<1x1x16xf32>,
      %add3A_1197 = arith.constant 7 : i32
      %add3A_1198 = arith.addi %mul3A_343, %add3A_1197 : i32
      %add3A_1199 = arith.constant 7 : i32
      %add3A_1200 = arith.addi %mul3A_343, %add3A_1199 : i32
      %get3A_1201 = arith.index_cast %add3A_1200 : i32 to index
      %get3A_1202 = arith.constant 16 : index
      %get3A_1203 = tpu.vector_load %arg5[%get3A_1201, %get3A_1202] {strides = array<i32>} : memref<256x128xf32, #tpu.memory_space<vmem>>, vector<1x16xf32>,
      %get3A_1204 = vector.shape_cast %get3A_1203 : vector<1x16xf32> to vector<16xf32>
      %swap3A_1205 = arith.constant 0 : i32
      %swap3A_1206 = arith.index_cast %swap3A_1205 : i32 to index
      %swap3A_1207 = arith.index_cast %add3A_1198 : i32 to index
      %swap3A_1208 = arith.constant 16 : index
      %swap3A_1209 = tpu.vector_load %arg6[%swap3A_1206, %swap3A_1207, %swap3A_1208] {strides = array<i32>} : memref<2x256x128xf32, #tpu.memory_space<vmem>>, vector<1x1x16xf32>,
      %swap3A_1210 = vector.shape_cast %swap3A_1209 : vector<1x1x16xf32> to vector<16xf32>
      %swap3A_1211 = vector.shape_cast %get3A_1204 : vector<16xf32> to vector<1x1x16xf32>
      tpu.vector_store %arg6[%swap3A_1206, %swap3A_1207, %swap3A_1208], %swap3A_1211 {add = true, strides = array<i32>} : memref<2x256x128xf32, #tpu.memory_space<vmem>>, vector<1x1x16xf32>,
      %add3A_1212 = arith.constant 7 : i32
      %add3A_1213 = arith.addi %mul3A_343, %add3A_1212 : i32
      %add3A_1214 = arith.constant 7 : i32
      %add3A_1215 = arith.addi %mul3A_343, %add3A_1214 : i32
      %get3A_1216 = arith.index_cast %add3A_1215 : i32 to index
      %get3A_1217 = arith.constant 32 : index
      %get3A_1218 = tpu.vector_load %arg5[%get3A_1216, %get3A_1217] {strides = array<i32>} : memref<256x128xf32, #tpu.memory_space<vmem>>, vector<1x16xf32>,
      %get3A_1219 = vector.shape_cast %get3A_1218 : vector<1x16xf32> to vector<16xf32>
      %swap3A_1220 = arith.constant 0 : i32
      %swap3A_1221 = arith.index_cast %swap3A_1220 : i32 to index
      %swap3A_1222 = arith.index_cast %add3A_1213 : i32 to index
      %swap3A_1223 = arith.constant 32 : index
      %swap3A_1224 = tpu.vector_load %arg6[%swap3A_1221, %swap3A_1222, %swap3A_1223] {strides = array<i32>} : memref<2x256x128xf32, #tpu.memory_space<vmem>>, vector<1x1x16xf32>,
      %swap3A_1225 = vector.shape_cast %swap3A_1224 : vector<1x1x16xf32> to vector<16xf32>
      %swap3A_1226 = vector.shape_cast %get3A_1219 : vector<16xf32> to vector<1x1x16xf32>
      tpu.vector_store %arg6[%swap3A_1221, %swap3A_1222, %swap3A_1223], %swap3A_1226 {add = true, strides = array<i32>} : memref<2x256x128xf32, #tpu.memory_space<vmem>>, vector<1x1x16xf32>,
      %add3A_1227 = arith.constant 7 : i32
      %add3A_1228 = arith.addi %mul3A_343, %add3A_1227 : i32
      %add3A_1229 = arith.constant 7 : i32
      %add3A_1230 = arith.addi %mul3A_343, %add3A_1229 : i32
      %get3A_1231 = arith.index_cast %add3A_1230 : i32 to index
      %get3A_1232 = arith.constant 48 : index
      %get3A_1233 = tpu.vector_load %arg5[%get3A_1231, %get3A_1232] {strides = array<i32>} : memref<256x128xf32, #tpu.memory_space<vmem>>, vector<1x16xf32>,
      %get3A_1234 = vector.shape_cast %get3A_1233 : vector<1x16xf32> to vector<16xf32>
      %swap3A_1235 = arith.constant 0 : i32
      %swap3A_1236 = arith.index_cast %swap3A_1235 : i32 to index
      %swap3A_1237 = arith.index_cast %add3A_1228 : i32 to index
      %swap3A_1238 = arith.constant 48 : index
      %swap3A_1239 = tpu.vector_load %arg6[%swap3A_1236, %swap3A_1237, %swap3A_1238] {strides = array<i32>} : memref<2x256x128xf32, #tpu.memory_space<vmem>>, vector<1x1x16xf32>,
      %swap3A_1240 = vector.shape_cast %swap3A_1239 : vector<1x1x16xf32> to vector<16xf32>
      %swap3A_1241 = vector.shape_cast %get3A_1234 : vector<16xf32> to vector<1x1x16xf32>
      tpu.vector_store %arg6[%swap3A_1236, %swap3A_1237, %swap3A_1238], %swap3A_1241 {add = true, strides = array<i32>} : memref<2x256x128xf32, #tpu.memory_space<vmem>>, vector<1x1x16xf32>,
      %add3A_1242 = arith.constant 7 : i32
      %add3A_1243 = arith.addi %mul3A_343, %add3A_1242 : i32
      %add3A_1244 = arith.constant 7 : i32
      %add3A_1245 = arith.addi %mul3A_343, %add3A_1244 : i32
      %get3A_1246 = arith.index_cast %add3A_1245 : i32 to index
      %get3A_1247 = arith.constant 64 : index
      %get3A_1248 = tpu.vector_load %arg5[%get3A_1246, %get3A_1247] {strides = array<i32>} : memref<256x128xf32, #tpu.memory_space<vmem>>, vector<1x16xf32>,
      %get3A_1249 = vector.shape_cast %get3A_1248 : vector<1x16xf32> to vector<16xf32>
      %swap3A_1250 = arith.constant 0 : i32
      %swap3A_1251 = arith.index_cast %swap3A_1250 : i32 to index
      %swap3A_1252 = arith.index_cast %add3A_1243 : i32 to index
      %swap3A_1253 = arith.constant 64 : index
      %swap3A_1254 = tpu.vector_load %arg6[%swap3A_1251, %swap3A_1252, %swap3A_1253] {strides = array<i32>} : memref<2x256x128xf32, #tpu.memory_space<vmem>>, vector<1x1x16xf32>,
      %swap3A_1255 = vector.shape_cast %swap3A_1254 : vector<1x1x16xf32> to vector<16xf32>
      %swap3A_1256 = vector.shape_cast %get3A_1249 : vector<16xf32> to vector<1x1x16xf32>
      tpu.vector_store %arg6[%swap3A_1251, %swap3A_1252, %swap3A_1253], %swap3A_1256 {add = true, strides = array<i32>} : memref<2x256x128xf32, #tpu.memory_space<vmem>>, vector<1x1x16xf32>,
      %add3A_1257 = arith.constant 7 : i32
      %add3A_1258 = arith.addi %mul3A_343, %add3A_1257 : i32
      %add3A_1259 = arith.constant 7 : i32
      %add3A_1260 = arith.addi %mul3A_343, %add3A_1259 : i32
      %get3A_1261 = arith.index_cast %add3A_1260 : i32 to index
      %get3A_1262 = arith.constant 80 : index
      %get3A_1263 = tpu.vector_load %arg5[%get3A_1261, %get3A_1262] {strides = array<i32>} : memref<256x128xf32, #tpu.memory_space<vmem>>, vector<1x16xf32>,
      %get3A_1264 = vector.shape_cast %get3A_1263 : vector<1x16xf32> to vector<16xf32>
      %swap3A_1265 = arith.constant 0 : i32
      %swap3A_1266 = arith.index_cast %swap3A_1265 : i32 to index
      %swap3A_1267 = arith.index_cast %add3A_1258 : i32 to index
      %swap3A_1268 = arith.constant 80 : index
      %swap3A_1269 = tpu.vector_load %arg6[%swap3A_1266, %swap3A_1267, %swap3A_1268] {strides = array<i32>} : memref<2x256x128xf32, #tpu.memory_space<vmem>>, vector<1x1x16xf32>,
      %swap3A_1270 = vector.shape_cast %swap3A_1269 : vector<1x1x16xf32> to vector<16xf32>
      %swap3A_1271 = vector.shape_cast %get3A_1264 : vector<16xf32> to vector<1x1x16xf32>
      tpu.vector_store %arg6[%swap3A_1266, %swap3A_1267, %swap3A_1268], %swap3A_1271 {add = true, strides = array<i32>} : memref<2x256x128xf32, #tpu.memory_space<vmem>>, vector<1x1x16xf32>,
      %add3A_1272 = arith.constant 7 : i32
      %add3A_1273 = arith.addi %mul3A_343, %add3A_1272 : i32
      %add3A_1274 = arith.constant 7 : i32
      %add3A_1275 = arith.addi %mul3A_343, %add3A_1274 : i32
      %get3A_1276 = arith.index_cast %add3A_1275 : i32 to index
      %get3A_1277 = arith.constant 96 : index
      %get3A_1278 = tpu.vector_load %arg5[%get3A_1276, %get3A_1277] {strides = array<i32>} : memref<256x128xf32, #tpu.memory_space<vmem>>, vector<1x16xf32>,
      %get3A_1279 = vector.shape_cast %get3A_1278 : vector<1x16xf32> to vector<16xf32>
      %swap3A_1280 = arith.constant 0 : i32
      %swap3A_1281 = arith.index_cast %swap3A_1280 : i32 to index
      %swap3A_1282 = arith.index_cast %add3A_1273 : i32 to index
      %swap3A_1283 = arith.constant 96 : index
      %swap3A_1284 = tpu.vector_load %arg6[%swap3A_1281, %swap3A_1282, %swap3A_1283] {strides = array<i32>} : memref<2x256x128xf32, #tpu.memory_space<vmem>>, vector<1x1x16xf32>,
      %swap3A_1285 = vector.shape_cast %swap3A_1284 : vector<1x1x16xf32> to vector<16xf32>
      %swap3A_1286 = vector.shape_cast %get3A_1279 : vector<16xf32> to vector<1x1x16xf32>
      tpu.vector_store %arg6[%swap3A_1281, %swap3A_1282, %swap3A_1283], %swap3A_1286 {add = true, strides = array<i32>} : memref<2x256x128xf32, #tpu.memory_space<vmem>>, vector<1x1x16xf32>,
      %add3A_1287 = arith.constant 7 : i32
      %add3A_1288 = arith.addi %mul3A_343, %add3A_1287 : i32
      %add3A_1289 = arith.constant 7 : i32
      %add3A_1290 = arith.addi %mul3A_343, %add3A_1289 : i32
      %get3A_1291 = arith.index_cast %add3A_1290 : i32 to index
      %get3A_1292 = arith.constant 112 : index
      %get3A_1293 = tpu.vector_load %arg5[%get3A_1291, %get3A_1292] {strides = array<i32>} : memref<256x128xf32, #tpu.memory_space<vmem>>, vector<1x16xf32>,
      %get3A_1294 = vector.shape_cast %get3A_1293 : vector<1x16xf32> to vector<16xf32>
      %swap3A_1295 = arith.constant 0 : i32
      %swap3A_1296 = arith.index_cast %swap3A_1295 : i32 to index
      %swap3A_1297 = arith.index_cast %add3A_1288 : i32 to index
      %swap3A_1298 = arith.constant 112 : index
      %swap3A_1299 = tpu.vector_load %arg6[%swap3A_1296, %swap3A_1297, %swap3A_1298] {strides = array<i32>} : memref<2x256x128xf32, #tpu.memory_space<vmem>>, vector<1x1x16xf32>,
      %swap3A_1300 = vector.shape_cast %swap3A_1299 : vector<1x1x16xf32> to vector<16xf32>
      %swap3A_1301 = vector.shape_cast %get3A_1294 : vector<16xf32> to vector<1x1x16xf32>
      tpu.vector_store %arg6[%swap3A_1296, %swap3A_1297, %swap3A_1298], %swap3A_1301 {add = true, strides = array<i32>} : memref<2x256x128xf32, #tpu.memory_space<vmem>>, vector<1x1x16xf32>,
      %scan3A_1302 = arith.constant 0 : i32
      scf.yield %scan3A_1302 : i32
    }
    %scan3A_237 = arith.constant 32 : i32
    %dma_start3A_238 = arith.constant 0 : i32
    %dma_start3A_239 = arith.constant 2 : i32
    %dma_start3A_240 = arith.constant 0 : i32
    %dma_start3A_241 = arith.constant 0 : i32
    %dma_start3A_242 = arith.constant 0 : i32
    %dma_start3A_243 = tpu.memref_slice %arg6[%dma_start3A_238, %dma_start3A_241, %dma_start3A_242] : memref<2x256x128xf32, #tpu.memory_space<vmem>> -> memref<1x256x128xf32, #tpu.memory_space<vmem>>
    %dma_start3A_244 = tpu.memref_squeeze %dma_start3A_243 : memref<1x256x128xf32, #tpu.memory_space<vmem>> -> memref<256x128xf32, #tpu.memory_space<vmem>>
    %dma_start3A_245 = arith.constant 0 : i32
    %dma_start3A_246 = tpu.memref_slice %arg4[%dma_start3A_239, %mul3A_2, %dma_start3A_245] : memref<4x8192x128xf32, #tpu.memory_space<hbm>> -> memref<1x256x128xf32, #tpu.memory_space<hbm>>
    %dma_start3A_247 = tpu.memref_squeeze %dma_start3A_246 : memref<1x256x128xf32, #tpu.memory_space<hbm>> -> memref<256x128xf32, #tpu.memory_space<hbm>>
    %dma_start3A_248 = tpu.memref_slice %arg9[%dma_start3A_240] : memref<2x!tpu.dma_semaphore, #tpu.memory_space<semaphore_mem>> -> memref<1x!tpu.dma_semaphore, #tpu.memory_space<semaphore_mem>>
    %dma_start3A_249 = tpu.memref_squeeze %dma_start3A_248 : memref<1x!tpu.dma_semaphore, #tpu.memory_space<semaphore_mem>> -> memref<!tpu.dma_semaphore, #tpu.memory_space<semaphore_mem>>
    %dma_start3A_250 = arith.constant 0 : i32
    %dma_start3A_251 = tpu.memref_slice %arg4[%dma_start3A_239, %mul3A_2, %dma_start3A_250] : memref<4x8192x128xf32, #tpu.memory_space<hbm>> -> memref<1x256x128xf32, #tpu.memory_space<hbm>>
    %dma_start3A_252 = tpu.memref_squeeze %dma_start3A_251 : memref<1x256x128xf32, #tpu.memory_space<hbm>> -> memref<256x128xf32, #tpu.memory_space<hbm>>
    %dma_start3A_253 = arith.constant 0 : i32
    %dma_start3A_254 = arith.constant 0 : i32
    %dma_start3A_255 = tpu.memref_slice %arg6[%dma_start3A_238, %dma_start3A_253, %dma_start3A_254] : memref<2x256x128xf32, #tpu.memory_space<vmem>> -> memref<1x256x128xf32, #tpu.memory_space<vmem>>
    %dma_start3A_256 = tpu.memref_squeeze %dma_start3A_255 : memref<1x256x128xf32, #tpu.memory_space<vmem>> -> memref<256x128xf32, #tpu.memory_space<vmem>>
    tpu.enqueue_dma source(%dma_start3A_256 : memref<256x128xf32, #tpu.memory_space<vmem>>) target(%dma_start3A_252 : memref<256x128xf32, #tpu.memory_space<hbm>>) target_semaphore(%dma_start3A_249 : memref<!tpu.dma_semaphore, #tpu.memory_space<semaphore_mem>>)
    %dma_wait3A_257 = arith.constant 3 : i32
    %dma_wait3A_258 = arith.constant 1 : i32
    %dma_wait3A_259 = arith.constant 1 : i32
    %dma_wait3A_260 = arith.constant 0 : i32
    %dma_wait3A_261 = arith.constant 0 : i32
    %dma_wait3A_262 = tpu.memref_slice %arg6[%dma_wait3A_258, %dma_wait3A_260, %dma_wait3A_261] : memref<2x256x128xf32, #tpu.memory_space<vmem>> -> memref<1x256x128xf32, #tpu.memory_space<vmem>>
    %dma_wait3A_263 = tpu.memref_squeeze %dma_wait3A_262 : memref<1x256x128xf32, #tpu.memory_space<vmem>> -> memref<256x128xf32, #tpu.memory_space<vmem>>
    %dma_wait3A_264 = arith.constant 0 : i32
    %dma_wait3A_265 = tpu.memref_slice %arg2[%dma_wait3A_257, %mul3A_2, %dma_wait3A_264] : memref<4x8192x128xf32, #tpu.memory_space<hbm>> -> memref<1x256x128xf32, #tpu.memory_space<hbm>>
    %dma_wait3A_266 = tpu.memref_squeeze %dma_wait3A_265 : memref<1x256x128xf32, #tpu.memory_space<hbm>> -> memref<256x128xf32, #tpu.memory_space<hbm>>
    %dma_wait3A_267 = tpu.memref_slice %arg8[%dma_wait3A_259] : memref<2x!tpu.dma_semaphore, #tpu.memory_space<semaphore_mem>> -> memref<1x!tpu.dma_semaphore, #tpu.memory_space<semaphore_mem>>
    %dma_wait3A_268 = tpu.memref_squeeze %dma_wait3A_267 : memref<1x!tpu.dma_semaphore, #tpu.memory_space<semaphore_mem>> -> memref<!tpu.dma_semaphore, #tpu.memory_space<semaphore_mem>>
    %dma_wait3A_269 = arith.constant 0 : i32
    %dma_wait3A_270 = arith.constant 0 : i32
    %dma_wait3A_271 = tpu.memref_slice %arg6[%dma_wait3A_258, %dma_wait3A_269, %dma_wait3A_270] : memref<2x256x128xf32, #tpu.memory_space<vmem>> -> memref<1x256x128xf32, #tpu.memory_space<vmem>>
    %dma_wait3A_272 = tpu.memref_squeeze %dma_wait3A_271 : memref<1x256x128xf32, #tpu.memory_space<vmem>> -> memref<256x128xf32, #tpu.memory_space<vmem>>
    %dma_wait3A_273 = arith.constant 0 : i32
    %dma_wait3A_274 = tpu.memref_slice %arg2[%dma_wait3A_257, %mul3A_2, %dma_wait3A_273] : memref<4x8192x128xf32, #tpu.memory_space<hbm>> -> memref<1x256x128xf32, #tpu.memory_space<hbm>>
    %dma_wait3A_275 = tpu.memref_squeeze %dma_wait3A_274 : memref<1x256x128xf32, #tpu.memory_space<hbm>> -> memref<256x128xf32, #tpu.memory_space<hbm>>
    tpu.wait_dma2 semaphore(%dma_wait3A_268 : memref<!tpu.dma_semaphore, #tpu.memory_space<semaphore_mem>>) src(%dma_wait3A_275 : memref<256x128xf32, #tpu.memory_space<hbm>>) dst(%dma_wait3A_272 : memref<256x128xf32, #tpu.memory_space<vmem>>)
    %scan3A_276 = arith.constant 0 : i32
    %scan3A_277 = arith.constant 0 : i32
    %scan3A_278 = arith.constant 32 : i32
    %scan3A_279 = arith.addi %scan3A_277, %scan3A_278 : i32
    %scan3A_280 = arith.constant 1 : i32
    %scan3A_281 = scf.for %scan3A_340 = %scan3A_277 to %scan3A_279 step %scan3A_280 iter_args(%scan3A_341 = %scan3A_276) -> (i32)  : i32 {
      %mul3A_342 = arith.constant 8 : i32
      %mul3A_343 = arith.muli %scan3A_340, %mul3A_342 : i32
      %add3A_344 = arith.constant 0 : i32
      %add3A_345 = arith.addi %mul3A_343, %add3A_344 : i32
      %add3A_346 = arith.constant 0 : i32
      %add3A_347 = arith.addi %mul3A_343, %add3A_346 : i32
      %get3A = arith.index_cast %add3A_347 : i32 to index
      %get3A_348 = arith.constant 0 : index
      %get3A_349 = tpu.vector_load %arg5[%get3A, %get3A_348] {strides = array<i32>} : memref<256x128xf32, #tpu.memory_space<vmem>>, vector<1x16xf32>,
      %get3A_350 = vector.shape_cast %get3A_349 : vector<1x16xf32> to vector<16xf32>
      %swap3A = arith.constant 1 : i32
      %swap3A_351 = arith.index_cast %swap3A : i32 to index
      %swap3A_352 = arith.index_cast %add3A_345 : i32 to index
      %swap3A_353 = arith.constant 0 : index
      %swap3A_354 = tpu.vector_load %arg6[%swap3A_351, %swap3A_352, %swap3A_353] {strides = array<i32>} : memref<2x256x128xf32, #tpu.memory_space<vmem>>, vector<1x1x16xf32>,
      %swap3A_355 = vector.shape_cast %swap3A_354 : vector<1x1x16xf32> to vector<16xf32>
      %swap3A_356 = vector.shape_cast %get3A_350 : vector<16xf32> to vector<1x1x16xf32>
      tpu.vector_store %arg6[%swap3A_351, %swap3A_352, %swap3A_353], %swap3A_356 {add = true, strides = array<i32>} : memref<2x256x128xf32, #tpu.memory_space<vmem>>, vector<1x1x16xf32>,
      %add3A_357 = arith.constant 0 : i32
      %add3A_358 = arith.addi %mul3A_343, %add3A_357 : i32
      %add3A_359 = arith.constant 0 : i32
      %add3A_360 = arith.addi %mul3A_343, %add3A_359 : i32
      %get3A_361 = arith.index_cast %add3A_360 : i32 to index
      %get3A_362 = arith.constant 16 : index
      %get3A_363 = tpu.vector_load %arg5[%get3A_361, %get3A_362] {strides = array<i32>} : memref<256x128xf32, #tpu.memory_space<vmem>>, vector<1x16xf32>,
      %get3A_364 = vector.shape_cast %get3A_363 : vector<1x16xf32> to vector<16xf32>
      %swap3A_365 = arith.constant 1 : i32
      %swap3A_366 = arith.index_cast %swap3A_365 : i32 to index
      %swap3A_367 = arith.index_cast %add3A_358 : i32 to index
      %swap3A_368 = arith.constant 16 : index
      %swap3A_369 = tpu.vector_load %arg6[%swap3A_366, %swap3A_367, %swap3A_368] {strides = array<i32>} : memref<2x256x128xf32, #tpu.memory_space<vmem>>, vector<1x1x16xf32>,
      %swap3A_370 = vector.shape_cast %swap3A_369 : vector<1x1x16xf32> to vector<16xf32>
      %swap3A_371 = vector.shape_cast %get3A_364 : vector<16xf32> to vector<1x1x16xf32>
      tpu.vector_store %arg6[%swap3A_366, %swap3A_367, %swap3A_368], %swap3A_371 {add = true, strides = array<i32>} : memref<2x256x128xf32, #tpu.memory_space<vmem>>, vector<1x1x16xf32>,
      %add3A_372 = arith.constant 0 : i32
      %add3A_373 = arith.addi %mul3A_343, %add3A_372 : i32
      %add3A_374 = arith.constant 0 : i32
      %add3A_375 = arith.addi %mul3A_343, %add3A_374 : i32
      %get3A_376 = arith.index_cast %add3A_375 : i32 to index
      %get3A_377 = arith.constant 32 : index
      %get3A_378 = tpu.vector_load %arg5[%get3A_376, %get3A_377] {strides = array<i32>} : memref<256x128xf32, #tpu.memory_space<vmem>>, vector<1x16xf32>,
      %get3A_379 = vector.shape_cast %get3A_378 : vector<1x16xf32> to vector<16xf32>
      %swap3A_380 = arith.constant 1 : i32
      %swap3A_381 = arith.index_cast %swap3A_380 : i32 to index
      %swap3A_382 = arith.index_cast %add3A_373 : i32 to index
      %swap3A_383 = arith.constant 32 : index
      %swap3A_384 = tpu.vector_load %arg6[%swap3A_381, %swap3A_382, %swap3A_383] {strides = array<i32>} : memref<2x256x128xf32, #tpu.memory_space<vmem>>, vector<1x1x16xf32>,
      %swap3A_385 = vector.shape_cast %swap3A_384 : vector<1x1x16xf32> to vector<16xf32>
      %swap3A_386 = vector.shape_cast %get3A_379 : vector<16xf32> to vector<1x1x16xf32>
      tpu.vector_store %arg6[%swap3A_381, %swap3A_382, %swap3A_383], %swap3A_386 {add = true, strides = array<i32>} : memref<2x256x128xf32, #tpu.memory_space<vmem>>, vector<1x1x16xf32>,
      %add3A_387 = arith.constant 0 : i32
      %add3A_388 = arith.addi %mul3A_343, %add3A_387 : i32
      %add3A_389 = arith.constant 0 : i32
      %add3A_390 = arith.addi %mul3A_343, %add3A_389 : i32
      %get3A_391 = arith.index_cast %add3A_390 : i32 to index
      %get3A_392 = arith.constant 48 : index
      %get3A_393 = tpu.vector_load %arg5[%get3A_391, %get3A_392] {strides = array<i32>} : memref<256x128xf32, #tpu.memory_space<vmem>>, vector<1x16xf32>,
      %get3A_394 = vector.shape_cast %get3A_393 : vector<1x16xf32> to vector<16xf32>
      %swap3A_395 = arith.constant 1 : i32
      %swap3A_396 = arith.index_cast %swap3A_395 : i32 to index
      %swap3A_397 = arith.index_cast %add3A_388 : i32 to index
      %swap3A_398 = arith.constant 48 : index
      %swap3A_399 = tpu.vector_load %arg6[%swap3A_396, %swap3A_397, %swap3A_398] {strides = array<i32>} : memref<2x256x128xf32, #tpu.memory_space<vmem>>, vector<1x1x16xf32>,
      %swap3A_400 = vector.shape_cast %swap3A_399 : vector<1x1x16xf32> to vector<16xf32>
      %swap3A_401 = vector.shape_cast %get3A_394 : vector<16xf32> to vector<1x1x16xf32>
      tpu.vector_store %arg6[%swap3A_396, %swap3A_397, %swap3A_398], %swap3A_401 {add = true, strides = array<i32>} : memref<2x256x128xf32, #tpu.memory_space<vmem>>, vector<1x1x16xf32>,
      %add3A_402 = arith.constant 0 : i32
      %add3A_403 = arith.addi %mul3A_343, %add3A_402 : i32
      %add3A_404 = arith.constant 0 : i32
      %add3A_405 = arith.addi %mul3A_343, %add3A_404 : i32
      %get3A_406 = arith.index_cast %add3A_405 : i32 to index
      %get3A_407 = arith.constant 64 : index
      %get3A_408 = tpu.vector_load %arg5[%get3A_406, %get3A_407] {strides = array<i32>} : memref<256x128xf32, #tpu.memory_space<vmem>>, vector<1x16xf32>,
      %get3A_409 = vector.shape_cast %get3A_408 : vector<1x16xf32> to vector<16xf32>
      %swap3A_410 = arith.constant 1 : i32
      %swap3A_411 = arith.index_cast %swap3A_410 : i32 to index
      %swap3A_412 = arith.index_cast %add3A_403 : i32 to index
      %swap3A_413 = arith.constant 64 : index
      %swap3A_414 = tpu.vector_load %arg6[%swap3A_411, %swap3A_412, %swap3A_413] {strides = array<i32>} : memref<2x256x128xf32, #tpu.memory_space<vmem>>, vector<1x1x16xf32>,
      %swap3A_415 = vector.shape_cast %swap3A_414 : vector<1x1x16xf32> to vector<16xf32>
      %swap3A_416 = vector.shape_cast %get3A_409 : vector<16xf32> to vector<1x1x16xf32>
      tpu.vector_store %arg6[%swap3A_411, %swap3A_412, %swap3A_413], %swap3A_416 {add = true, strides = array<i32>} : memref<2x256x128xf32, #tpu.memory_space<vmem>>, vector<1x1x16xf32>,
      %add3A_417 = arith.constant 0 : i32
      %add3A_418 = arith.addi %mul3A_343, %add3A_417 : i32
      %add3A_419 = arith.constant 0 : i32
      %add3A_420 = arith.addi %mul3A_343, %add3A_419 : i32
      %get3A_421 = arith.index_cast %add3A_420 : i32 to index
      %get3A_422 = arith.constant 80 : index
      %get3A_423 = tpu.vector_load %arg5[%get3A_421, %get3A_422] {strides = array<i32>} : memref<256x128xf32, #tpu.memory_space<vmem>>, vector<1x16xf32>,
      %get3A_424 = vector.shape_cast %get3A_423 : vector<1x16xf32> to vector<16xf32>
      %swap3A_425 = arith.constant 1 : i32
      %swap3A_426 = arith.index_cast %swap3A_425 : i32 to index
      %swap3A_427 = arith.index_cast %add3A_418 : i32 to index
      %swap3A_428 = arith.constant 80 : index
      %swap3A_429 = tpu.vector_load %arg6[%swap3A_426, %swap3A_427, %swap3A_428] {strides = array<i32>} : memref<2x256x128xf32, #tpu.memory_space<vmem>>, vector<1x1x16xf32>,
      %swap3A_430 = vector.shape_cast %swap3A_429 : vector<1x1x16xf32> to vector<16xf32>
      %swap3A_431 = vector.shape_cast %get3A_424 : vector<16xf32> to vector<1x1x16xf32>
      tpu.vector_store %arg6[%swap3A_426, %swap3A_427, %swap3A_428], %swap3A_431 {add = true, strides = array<i32>} : memref<2x256x128xf32, #tpu.memory_space<vmem>>, vector<1x1x16xf32>,
      %add3A_432 = arith.constant 0 : i32
      %add3A_433 = arith.addi %mul3A_343, %add3A_432 : i32
      %add3A_434 = arith.constant 0 : i32
      %add3A_435 = arith.addi %mul3A_343, %add3A_434 : i32
      %get3A_436 = arith.index_cast %add3A_435 : i32 to index
      %get3A_437 = arith.constant 96 : index
      %get3A_438 = tpu.vector_load %arg5[%get3A_436, %get3A_437] {strides = array<i32>} : memref<256x128xf32, #tpu.memory_space<vmem>>, vector<1x16xf32>,
      %get3A_439 = vector.shape_cast %get3A_438 : vector<1x16xf32> to vector<16xf32>
      %swap3A_440 = arith.constant 1 : i32
      %swap3A_441 = arith.index_cast %swap3A_440 : i32 to index
      %swap3A_442 = arith.index_cast %add3A_433 : i32 to index
      %swap3A_443 = arith.constant 96 : index
      %swap3A_444 = tpu.vector_load %arg6[%swap3A_441, %swap3A_442, %swap3A_443] {strides = array<i32>} : memref<2x256x128xf32, #tpu.memory_space<vmem>>, vector<1x1x16xf32>,
      %swap3A_445 = vector.shape_cast %swap3A_444 : vector<1x1x16xf32> to vector<16xf32>
      %swap3A_446 = vector.shape_cast %get3A_439 : vector<16xf32> to vector<1x1x16xf32>
      tpu.vector_store %arg6[%swap3A_441, %swap3A_442, %swap3A_443], %swap3A_446 {add = true, strides = array<i32>} : memref<2x256x128xf32, #tpu.memory_space<vmem>>, vector<1x1x16xf32>,
      %add3A_447 = arith.constant 0 : i32
      %add3A_448 = arith.addi %mul3A_343, %add3A_447 : i32
      %add3A_449 = arith.constant 0 : i32
      %add3A_450 = arith.addi %mul3A_343, %add3A_449 : i32
      %get3A_451 = arith.index_cast %add3A_450 : i32 to index
      %get3A_452 = arith.constant 112 : index
      %get3A_453 = tpu.vector_load %arg5[%get3A_451, %get3A_452] {strides = array<i32>} : memref<256x128xf32, #tpu.memory_space<vmem>>, vector<1x16xf32>,
      %get3A_454 = vector.shape_cast %get3A_453 : vector<1x16xf32> to vector<16xf32>
      %swap3A_455 = arith.constant 1 : i32
      %swap3A_456 = arith.index_cast %swap3A_455 : i32 to index
      %swap3A_457 = arith.index_cast %add3A_448 : i32 to index
      %swap3A_458 = arith.constant 112 : index
      %swap3A_459 = tpu.vector_load %arg6[%swap3A_456, %swap3A_457, %swap3A_458] {strides = array<i32>} : memref<2x256x128xf32, #tpu.memory_space<vmem>>, vector<1x1x16xf32>,
      %swap3A_460 = vector.shape_cast %swap3A_459 : vector<1x1x16xf32> to vector<16xf32>
      %swap3A_461 = vector.shape_cast %get3A_454 : vector<16xf32> to vector<1x1x16xf32>
      tpu.vector_store %arg6[%swap3A_456, %swap3A_457, %swap3A_458], %swap3A_461 {add = true, strides = array<i32>} : memref<2x256x128xf32, #tpu.memory_space<vmem>>, vector<1x1x16xf32>,
      %add3A_462 = arith.constant 1 : i32
      %add3A_463 = arith.addi %mul3A_343, %add3A_462 : i32
      %add3A_464 = arith.constant 1 : i32
      %add3A_465 = arith.addi %mul3A_343, %add3A_464 : i32
      %get3A_466 = arith.index_cast %add3A_465 : i32 to index
      %get3A_467 = arith.constant 0 : index
      %get3A_468 = tpu.vector_load %arg5[%get3A_466, %get3A_467] {strides = array<i32>} : memref<256x128xf32, #tpu.memory_space<vmem>>, vector<1x16xf32>,
      %get3A_469 = vector.shape_cast %get3A_468 : vector<1x16xf32> to vector<16xf32>
      %swap3A_470 = arith.constant 1 : i32
      %swap3A_471 = arith.index_cast %swap3A_470 : i32 to index
      %swap3A_472 = arith.index_cast %add3A_463 : i32 to index
      %swap3A_473 = arith.constant 0 : index
      %swap3A_474 = tpu.vector_load %arg6[%swap3A_471, %swap3A_472, %swap3A_473] {strides = array<i32>} : memref<2x256x128xf32, #tpu.memory_space<vmem>>, vector<1x1x16xf32>,
      %swap3A_475 = vector.shape_cast %swap3A_474 : vector<1x1x16xf32> to vector<16xf32>
      %swap3A_476 = vector.shape_cast %get3A_469 : vector<16xf32> to vector<1x1x16xf32>
      tpu.vector_store %arg6[%swap3A_471, %swap3A_472, %swap3A_473], %swap3A_476 {add = true, strides = array<i32>} : memref<2x256x128xf32, #tpu.memory_space<vmem>>, vector<1x1x16xf32>,
      %add3A_477 = arith.constant 1 : i32
      %add3A_478 = arith.addi %mul3A_343, %add3A_477 : i32
      %add3A_479 = arith.constant 1 : i32
      %add3A_480 = arith.addi %mul3A_343, %add3A_479 : i32
      %get3A_481 = arith.index_cast %add3A_480 : i32 to index
      %get3A_482 = arith.constant 16 : index
      %get3A_483 = tpu.vector_load %arg5[%get3A_481, %get3A_482] {strides = array<i32>} : memref<256x128xf32, #tpu.memory_space<vmem>>, vector<1x16xf32>,
      %get3A_484 = vector.shape_cast %get3A_483 : vector<1x16xf32> to vector<16xf32>
      %swap3A_485 = arith.constant 1 : i32
      %swap3A_486 = arith.index_cast %swap3A_485 : i32 to index
      %swap3A_487 = arith.index_cast %add3A_478 : i32 to index
      %swap3A_488 = arith.constant 16 : index
      %swap3A_489 = tpu.vector_load %arg6[%swap3A_486, %swap3A_487, %swap3A_488] {strides = array<i32>} : memref<2x256x128xf32, #tpu.memory_space<vmem>>, vector<1x1x16xf32>,
      %swap3A_490 = vector.shape_cast %swap3A_489 : vector<1x1x16xf32> to vector<16xf32>
      %swap3A_491 = vector.shape_cast %get3A_484 : vector<16xf32> to vector<1x1x16xf32>
      tpu.vector_store %arg6[%swap3A_486, %swap3A_487, %swap3A_488], %swap3A_491 {add = true, strides = array<i32>} : memref<2x256x128xf32, #tpu.memory_space<vmem>>, vector<1x1x16xf32>,
      %add3A_492 = arith.constant 1 : i32
      %add3A_493 = arith.addi %mul3A_343, %add3A_492 : i32
      %add3A_494 = arith.constant 1 : i32
      %add3A_495 = arith.addi %mul3A_343, %add3A_494 : i32
      %get3A_496 = arith.index_cast %add3A_495 : i32 to index
      %get3A_497 = arith.constant 32 : index
      %get3A_498 = tpu.vector_load %arg5[%get3A_496, %get3A_497] {strides = array<i32>} : memref<256x128xf32, #tpu.memory_space<vmem>>, vector<1x16xf32>,
      %get3A_499 = vector.shape_cast %get3A_498 : vector<1x16xf32> to vector<16xf32>
      %swap3A_500 = arith.constant 1 : i32
      %swap3A_501 = arith.index_cast %swap3A_500 : i32 to index
      %swap3A_502 = arith.index_cast %add3A_493 : i32 to index
      %swap3A_503 = arith.constant 32 : index
      %swap3A_504 = tpu.vector_load %arg6[%swap3A_501, %swap3A_502, %swap3A_503] {strides = array<i32>} : memref<2x256x128xf32, #tpu.memory_space<vmem>>, vector<1x1x16xf32>,
      %swap3A_505 = vector.shape_cast %swap3A_504 : vector<1x1x16xf32> to vector<16xf32>
      %swap3A_506 = vector.shape_cast %get3A_499 : vector<16xf32> to vector<1x1x16xf32>
      tpu.vector_store %arg6[%swap3A_501, %swap3A_502, %swap3A_503], %swap3A_506 {add = true, strides = array<i32>} : memref<2x256x128xf32, #tpu.memory_space<vmem>>, vector<1x1x16xf32>,
      %add3A_507 = arith.constant 1 : i32
      %add3A_508 = arith.addi %mul3A_343, %add3A_507 : i32
      %add3A_509 = arith.constant 1 : i32
      %add3A_510 = arith.addi %mul3A_343, %add3A_509 : i32
      %get3A_511 = arith.index_cast %add3A_510 : i32 to index
      %get3A_512 = arith.constant 48 : index
      %get3A_513 = tpu.vector_load %arg5[%get3A_511, %get3A_512] {strides = array<i32>} : memref<256x128xf32, #tpu.memory_space<vmem>>, vector<1x16xf32>,
      %get3A_514 = vector.shape_cast %get3A_513 : vector<1x16xf32> to vector<16xf32>
      %swap3A_515 = arith.constant 1 : i32
      %swap3A_516 = arith.index_cast %swap3A_515 : i32 to index
      %swap3A_517 = arith.index_cast %add3A_508 : i32 to index
      %swap3A_518 = arith.constant 48 : index
      %swap3A_519 = tpu.vector_load %arg6[%swap3A_516, %swap3A_517, %swap3A_518] {strides = array<i32>} : memref<2x256x128xf32, #tpu.memory_space<vmem>>, vector<1x1x16xf32>,
      %swap3A_520 = vector.shape_cast %swap3A_519 : vector<1x1x16xf32> to vector<16xf32>
      %swap3A_521 = vector.shape_cast %get3A_514 : vector<16xf32> to vector<1x1x16xf32>
      tpu.vector_store %arg6[%swap3A_516, %swap3A_517, %swap3A_518], %swap3A_521 {add = true, strides = array<i32>} : memref<2x256x128xf32, #tpu.memory_space<vmem>>, vector<1x1x16xf32>,
      %add3A_522 = arith.constant 1 : i32
      %add3A_523 = arith.addi %mul3A_343, %add3A_522 : i32
      %add3A_524 = arith.constant 1 : i32
      %add3A_525 = arith.addi %mul3A_343, %add3A_524 : i32
      %get3A_526 = arith.index_cast %add3A_525 : i32 to index
      %get3A_527 = arith.constant 64 : index
      %get3A_528 = tpu.vector_load %arg5[%get3A_526, %get3A_527] {strides = array<i32>} : memref<256x128xf32, #tpu.memory_space<vmem>>, vector<1x16xf32>,
      %get3A_529 = vector.shape_cast %get3A_528 : vector<1x16xf32> to vector<16xf32>
      %swap3A_530 = arith.constant 1 : i32
      %swap3A_531 = arith.index_cast %swap3A_530 : i32 to index
      %swap3A_532 = arith.index_cast %add3A_523 : i32 to index
      %swap3A_533 = arith.constant 64 : index
      %swap3A_534 = tpu.vector_load %arg6[%swap3A_531, %swap3A_532, %swap3A_533] {strides = array<i32>} : memref<2x256x128xf32, #tpu.memory_space<vmem>>, vector<1x1x16xf32>,
      %swap3A_535 = vector.shape_cast %swap3A_534 : vector<1x1x16xf32> to vector<16xf32>
      %swap3A_536 = vector.shape_cast %get3A_529 : vector<16xf32> to vector<1x1x16xf32>
      tpu.vector_store %arg6[%swap3A_531, %swap3A_532, %swap3A_533], %swap3A_536 {add = true, strides = array<i32>} : memref<2x256x128xf32, #tpu.memory_space<vmem>>, vector<1x1x16xf32>,
      %add3A_537 = arith.constant 1 : i32
      %add3A_538 = arith.addi %mul3A_343, %add3A_537 : i32
      %add3A_539 = arith.constant 1 : i32
      %add3A_540 = arith.addi %mul3A_343, %add3A_539 : i32
      %get3A_541 = arith.index_cast %add3A_540 : i32 to index
      %get3A_542 = arith.constant 80 : index
      %get3A_543 = tpu.vector_load %arg5[%get3A_541, %get3A_542] {strides = array<i32>} : memref<256x128xf32, #tpu.memory_space<vmem>>, vector<1x16xf32>,
      %get3A_544 = vector.shape_cast %get3A_543 : vector<1x16xf32> to vector<16xf32>
      %swap3A_545 = arith.constant 1 : i32
      %swap3A_546 = arith.index_cast %swap3A_545 : i32 to index
      %swap3A_547 = arith.index_cast %add3A_538 : i32 to index
      %swap3A_548 = arith.constant 80 : index
      %swap3A_549 = tpu.vector_load %arg6[%swap3A_546, %swap3A_547, %swap3A_548] {strides = array<i32>} : memref<2x256x128xf32, #tpu.memory_space<vmem>>, vector<1x1x16xf32>,
      %swap3A_550 = vector.shape_cast %swap3A_549 : vector<1x1x16xf32> to vector<16xf32>
      %swap3A_551 = vector.shape_cast %get3A_544 : vector<16xf32> to vector<1x1x16xf32>
      tpu.vector_store %arg6[%swap3A_546, %swap3A_547, %swap3A_548], %swap3A_551 {add = true, strides = array<i32>} : memref<2x256x128xf32, #tpu.memory_space<vmem>>, vector<1x1x16xf32>,
      %add3A_552 = arith.constant 1 : i32
      %add3A_553 = arith.addi %mul3A_343, %add3A_552 : i32
      %add3A_554 = arith.constant 1 : i32
      %add3A_555 = arith.addi %mul3A_343, %add3A_554 : i32
      %get3A_556 = arith.index_cast %add3A_555 : i32 to index
      %get3A_557 = arith.constant 96 : index
      %get3A_558 = tpu.vector_load %arg5[%get3A_556, %get3A_557] {strides = array<i32>} : memref<256x128xf32, #tpu.memory_space<vmem>>, vector<1x16xf32>,
      %get3A_559 = vector.shape_cast %get3A_558 : vector<1x16xf32> to vector<16xf32>
      %swap3A_560 = arith.constant 1 : i32
      %swap3A_561 = arith.index_cast %swap3A_560 : i32 to index
      %swap3A_562 = arith.index_cast %add3A_553 : i32 to index
      %swap3A_563 = arith.constant 96 : index
      %swap3A_564 = tpu.vector_load %arg6[%swap3A_561, %swap3A_562, %swap3A_563] {strides = array<i32>} : memref<2x256x128xf32, #tpu.memory_space<vmem>>, vector<1x1x16xf32>,
      %swap3A_565 = vector.shape_cast %swap3A_564 : vector<1x1x16xf32> to vector<16xf32>
      %swap3A_566 = vector.shape_cast %get3A_559 : vector<16xf32> to vector<1x1x16xf32>
      tpu.vector_store %arg6[%swap3A_561, %swap3A_562, %swap3A_563], %swap3A_566 {add = true, strides = array<i32>} : memref<2x256x128xf32, #tpu.memory_space<vmem>>, vector<1x1x16xf32>,
      %add3A_567 = arith.constant 1 : i32
      %add3A_568 = arith.addi %mul3A_343, %add3A_567 : i32
      %add3A_569 = arith.constant 1 : i32
      %add3A_570 = arith.addi %mul3A_343, %add3A_569 : i32
      %get3A_571 = arith.index_cast %add3A_570 : i32 to index
      %get3A_572 = arith.constant 112 : index
      %get3A_573 = tpu.vector_load %arg5[%get3A_571, %get3A_572] {strides = array<i32>} : memref<256x128xf32, #tpu.memory_space<vmem>>, vector<1x16xf32>,
      %get3A_574 = vector.shape_cast %get3A_573 : vector<1x16xf32> to vector<16xf32>
      %swap3A_575 = arith.constant 1 : i32
      %swap3A_576 = arith.index_cast %swap3A_575 : i32 to index
      %swap3A_577 = arith.index_cast %add3A_568 : i32 to index
      %swap3A_578 = arith.constant 112 : index
      %swap3A_579 = tpu.vector_load %arg6[%swap3A_576, %swap3A_577, %swap3A_578] {strides = array<i32>} : memref<2x256x128xf32, #tpu.memory_space<vmem>>, vector<1x1x16xf32>,
      %swap3A_580 = vector.shape_cast %swap3A_579 : vector<1x1x16xf32> to vector<16xf32>
      %swap3A_581 = vector.shape_cast %get3A_574 : vector<16xf32> to vector<1x1x16xf32>
      tpu.vector_store %arg6[%swap3A_576, %swap3A_577, %swap3A_578], %swap3A_581 {add = true, strides = array<i32>} : memref<2x256x128xf32, #tpu.memory_space<vmem>>, vector<1x1x16xf32>,
      %add3A_582 = arith.constant 2 : i32
      %add3A_583 = arith.addi %mul3A_343, %add3A_582 : i32
      %add3A_584 = arith.constant 2 : i32
      %add3A_585 = arith.addi %mul3A_343, %add3A_584 : i32
      %get3A_586 = arith.index_cast %add3A_585 : i32 to index
      %get3A_587 = arith.constant 0 : index
      %get3A_588 = tpu.vector_load %arg5[%get3A_586, %get3A_587] {strides = array<i32>} : memref<256x128xf32, #tpu.memory_space<vmem>>, vector<1x16xf32>,
      %get3A_589 = vector.shape_cast %get3A_588 : vector<1x16xf32> to vector<16xf32>
      %swap3A_590 = arith.constant 1 : i32
      %swap3A_591 = arith.index_cast %swap3A_590 : i32 to index
      %swap3A_592 = arith.index_cast %add3A_583 : i32 to index
      %swap3A_593 = arith.constant 0 : index
      %swap3A_594 = tpu.vector_load %arg6[%swap3A_591, %swap3A_592, %swap3A_593] {strides = array<i32>} : memref<2x256x128xf32, #tpu.memory_space<vmem>>, vector<1x1x16xf32>,
      %swap3A_595 = vector.shape_cast %swap3A_594 : vector<1x1x16xf32> to vector<16xf32>
      %swap3A_596 = vector.shape_cast %get3A_589 : vector<16xf32> to vector<1x1x16xf32>
      tpu.vector_store %arg6[%swap3A_591, %swap3A_592, %swap3A_593], %swap3A_596 {add = true, strides = array<i32>} : memref<2x256x128xf32, #tpu.memory_space<vmem>>, vector<1x1x16xf32>,
      %add3A_597 = arith.constant 2 : i32
      %add3A_598 = arith.addi %mul3A_343, %add3A_597 : i32
      %add3A_599 = arith.constant 2 : i32
      %add3A_600 = arith.addi %mul3A_343, %add3A_599 : i32
      %get3A_601 = arith.index_cast %add3A_600 : i32 to index
      %get3A_602 = arith.constant 16 : index
      %get3A_603 = tpu.vector_load %arg5[%get3A_601, %get3A_602] {strides = array<i32>} : memref<256x128xf32, #tpu.memory_space<vmem>>, vector<1x16xf32>,
      %get3A_604 = vector.shape_cast %get3A_603 : vector<1x16xf32> to vector<16xf32>
      %swap3A_605 = arith.constant 1 : i32
      %swap3A_606 = arith.index_cast %swap3A_605 : i32 to index
      %swap3A_607 = arith.index_cast %add3A_598 : i32 to index
      %swap3A_608 = arith.constant 16 : index
      %swap3A_609 = tpu.vector_load %arg6[%swap3A_606, %swap3A_607, %swap3A_608] {strides = array<i32>} : memref<2x256x128xf32, #tpu.memory_space<vmem>>, vector<1x1x16xf32>,
      %swap3A_610 = vector.shape_cast %swap3A_609 : vector<1x1x16xf32> to vector<16xf32>
      %swap3A_611 = vector.shape_cast %get3A_604 : vector<16xf32> to vector<1x1x16xf32>
      tpu.vector_store %arg6[%swap3A_606, %swap3A_607, %swap3A_608], %swap3A_611 {add = true, strides = array<i32>} : memref<2x256x128xf32, #tpu.memory_space<vmem>>, vector<1x1x16xf32>,
      %add3A_612 = arith.constant 2 : i32
      %add3A_613 = arith.addi %mul3A_343, %add3A_612 : i32
      %add3A_614 = arith.constant 2 : i32
      %add3A_615 = arith.addi %mul3A_343, %add3A_614 : i32
      %get3A_616 = arith.index_cast %add3A_615 : i32 to index
      %get3A_617 = arith.constant 32 : index
      %get3A_618 = tpu.vector_load %arg5[%get3A_616, %get3A_617] {strides = array<i32>} : memref<256x128xf32, #tpu.memory_space<vmem>>, vector<1x16xf32>,
      %get3A_619 = vector.shape_cast %get3A_618 : vector<1x16xf32> to vector<16xf32>
      %swap3A_620 = arith.constant 1 : i32
      %swap3A_621 = arith.index_cast %swap3A_620 : i32 to index
      %swap3A_622 = arith.index_cast %add3A_613 : i32 to index
      %swap3A_623 = arith.constant 32 : index
      %swap3A_624 = tpu.vector_load %arg6[%swap3A_621, %swap3A_622, %swap3A_623] {strides = array<i32>} : memref<2x256x128xf32, #tpu.memory_space<vmem>>, vector<1x1x16xf32>,
      %swap3A_625 = vector.shape_cast %swap3A_624 : vector<1x1x16xf32> to vector<16xf32>
      %swap3A_626 = vector.shape_cast %get3A_619 : vector<16xf32> to vector<1x1x16xf32>
      tpu.vector_store %arg6[%swap3A_621, %swap3A_622, %swap3A_623], %swap3A_626 {add = true, strides = array<i32>} : memref<2x256x128xf32, #tpu.memory_space<vmem>>, vector<1x1x16xf32>,
      %add3A_627 = arith.constant 2 : i32
      %add3A_628 = arith.addi %mul3A_343, %add3A_627 : i32
      %add3A_629 = arith.constant 2 : i32
      %add3A_630 = arith.addi %mul3A_343, %add3A_629 : i32
      %get3A_631 = arith.index_cast %add3A_630 : i32 to index
      %get3A_632 = arith.constant 48 : index
      %get3A_633 = tpu.vector_load %arg5[%get3A_631, %get3A_632] {strides = array<i32>} : memref<256x128xf32, #tpu.memory_space<vmem>>, vector<1x16xf32>,
      %get3A_634 = vector.shape_cast %get3A_633 : vector<1x16xf32> to vector<16xf32>
      %swap3A_635 = arith.constant 1 : i32
      %swap3A_636 = arith.index_cast %swap3A_635 : i32 to index
      %swap3A_637 = arith.index_cast %add3A_628 : i32 to index
      %swap3A_638 = arith.constant 48 : index
      %swap3A_639 = tpu.vector_load %arg6[%swap3A_636, %swap3A_637, %swap3A_638] {strides = array<i32>} : memref<2x256x128xf32, #tpu.memory_space<vmem>>, vector<1x1x16xf32>,
      %swap3A_640 = vector.shape_cast %swap3A_639 : vector<1x1x16xf32> to vector<16xf32>
      %swap3A_641 = vector.shape_cast %get3A_634 : vector<16xf32> to vector<1x1x16xf32>
      tpu.vector_store %arg6[%swap3A_636, %swap3A_637, %swap3A_638], %swap3A_641 {add = true, strides = array<i32>} : memref<2x256x128xf32, #tpu.memory_space<vmem>>, vector<1x1x16xf32>,
      %add3A_642 = arith.constant 2 : i32
      %add3A_643 = arith.addi %mul3A_343, %add3A_642 : i32
      %add3A_644 = arith.constant 2 : i32
      %add3A_645 = arith.addi %mul3A_343, %add3A_644 : i32
      %get3A_646 = arith.index_cast %add3A_645 : i32 to index
      %get3A_647 = arith.constant 64 : index
      %get3A_648 = tpu.vector_load %arg5[%get3A_646, %get3A_647] {strides = array<i32>} : memref<256x128xf32, #tpu.memory_space<vmem>>, vector<1x16xf32>,
      %get3A_649 = vector.shape_cast %get3A_648 : vector<1x16xf32> to vector<16xf32>
      %swap3A_650 = arith.constant 1 : i32
      %swap3A_651 = arith.index_cast %swap3A_650 : i32 to index
      %swap3A_652 = arith.index_cast %add3A_643 : i32 to index
      %swap3A_653 = arith.constant 64 : index
      %swap3A_654 = tpu.vector_load %arg6[%swap3A_651, %swap3A_652, %swap3A_653] {strides = array<i32>} : memref<2x256x128xf32, #tpu.memory_space<vmem>>, vector<1x1x16xf32>,
      %swap3A_655 = vector.shape_cast %swap3A_654 : vector<1x1x16xf32> to vector<16xf32>
      %swap3A_656 = vector.shape_cast %get3A_649 : vector<16xf32> to vector<1x1x16xf32>
      tpu.vector_store %arg6[%swap3A_651, %swap3A_652, %swap3A_653], %swap3A_656 {add = true, strides = array<i32>} : memref<2x256x128xf32, #tpu.memory_space<vmem>>, vector<1x1x16xf32>,
      %add3A_657 = arith.constant 2 : i32
      %add3A_658 = arith.addi %mul3A_343, %add3A_657 : i32
      %add3A_659 = arith.constant 2 : i32
      %add3A_660 = arith.addi %mul3A_343, %add3A_659 : i32
      %get3A_661 = arith.index_cast %add3A_660 : i32 to index
      %get3A_662 = arith.constant 80 : index
      %get3A_663 = tpu.vector_load %arg5[%get3A_661, %get3A_662] {strides = array<i32>} : memref<256x128xf32, #tpu.memory_space<vmem>>, vector<1x16xf32>,
      %get3A_664 = vector.shape_cast %get3A_663 : vector<1x16xf32> to vector<16xf32>
      %swap3A_665 = arith.constant 1 : i32
      %swap3A_666 = arith.index_cast %swap3A_665 : i32 to index
      %swap3A_667 = arith.index_cast %add3A_658 : i32 to index
      %swap3A_668 = arith.constant 80 : index
      %swap3A_669 = tpu.vector_load %arg6[%swap3A_666, %swap3A_667, %swap3A_668] {strides = array<i32>} : memref<2x256x128xf32, #tpu.memory_space<vmem>>, vector<1x1x16xf32>,
      %swap3A_670 = vector.shape_cast %swap3A_669 : vector<1x1x16xf32> to vector<16xf32>
      %swap3A_671 = vector.shape_cast %get3A_664 : vector<16xf32> to vector<1x1x16xf32>
      tpu.vector_store %arg6[%swap3A_666, %swap3A_667, %swap3A_668], %swap3A_671 {add = true, strides = array<i32>} : memref<2x256x128xf32, #tpu.memory_space<vmem>>, vector<1x1x16xf32>,
      %add3A_672 = arith.constant 2 : i32
      %add3A_673 = arith.addi %mul3A_343, %add3A_672 : i32
      %add3A_674 = arith.constant 2 : i32
      %add3A_675 = arith.addi %mul3A_343, %add3A_674 : i32
      %get3A_676 = arith.index_cast %add3A_675 : i32 to index
      %get3A_677 = arith.constant 96 : index
      %get3A_678 = tpu.vector_load %arg5[%get3A_676, %get3A_677] {strides = array<i32>} : memref<256x128xf32, #tpu.memory_space<vmem>>, vector<1x16xf32>,
      %get3A_679 = vector.shape_cast %get3A_678 : vector<1x16xf32> to vector<16xf32>
      %swap3A_680 = arith.constant 1 : i32
      %swap3A_681 = arith.index_cast %swap3A_680 : i32 to index
      %swap3A_682 = arith.index_cast %add3A_673 : i32 to index
      %swap3A_683 = arith.constant 96 : index
      %swap3A_684 = tpu.vector_load %arg6[%swap3A_681, %swap3A_682, %swap3A_683] {strides = array<i32>} : memref<2x256x128xf32, #tpu.memory_space<vmem>>, vector<1x1x16xf32>,
      %swap3A_685 = vector.shape_cast %swap3A_684 : vector<1x1x16xf32> to vector<16xf32>
      %swap3A_686 = vector.shape_cast %get3A_679 : vector<16xf32> to vector<1x1x16xf32>
      tpu.vector_store %arg6[%swap3A_681, %swap3A_682, %swap3A_683], %swap3A_686 {add = true, strides = array<i32>} : memref<2x256x128xf32, #tpu.memory_space<vmem>>, vector<1x1x16xf32>,
      %add3A_687 = arith.constant 2 : i32
      %add3A_688 = arith.addi %mul3A_343, %add3A_687 : i32
      %add3A_689 = arith.constant 2 : i32
      %add3A_690 = arith.addi %mul3A_343, %add3A_689 : i32
      %get3A_691 = arith.index_cast %add3A_690 : i32 to index
      %get3A_692 = arith.constant 112 : index
      %get3A_693 = tpu.vector_load %arg5[%get3A_691, %get3A_692] {strides = array<i32>} : memref<256x128xf32, #tpu.memory_space<vmem>>, vector<1x16xf32>,
      %get3A_694 = vector.shape_cast %get3A_693 : vector<1x16xf32> to vector<16xf32>
      %swap3A_695 = arith.constant 1 : i32
      %swap3A_696 = arith.index_cast %swap3A_695 : i32 to index
      %swap3A_697 = arith.index_cast %add3A_688 : i32 to index
      %swap3A_698 = arith.constant 112 : index
      %swap3A_699 = tpu.vector_load %arg6[%swap3A_696, %swap3A_697, %swap3A_698] {strides = array<i32>} : memref<2x256x128xf32, #tpu.memory_space<vmem>>, vector<1x1x16xf32>,
      %swap3A_700 = vector.shape_cast %swap3A_699 : vector<1x1x16xf32> to vector<16xf32>
      %swap3A_701 = vector.shape_cast %get3A_694 : vector<16xf32> to vector<1x1x16xf32>
      tpu.vector_store %arg6[%swap3A_696, %swap3A_697, %swap3A_698], %swap3A_701 {add = true, strides = array<i32>} : memref<2x256x128xf32, #tpu.memory_space<vmem>>, vector<1x1x16xf32>,
      %add3A_702 = arith.constant 3 : i32
      %add3A_703 = arith.addi %mul3A_343, %add3A_702 : i32
      %add3A_704 = arith.constant 3 : i32
      %add3A_705 = arith.addi %mul3A_343, %add3A_704 : i32
      %get3A_706 = arith.index_cast %add3A_705 : i32 to index
      %get3A_707 = arith.constant 0 : index
      %get3A_708 = tpu.vector_load %arg5[%get3A_706, %get3A_707] {strides = array<i32>} : memref<256x128xf32, #tpu.memory_space<vmem>>, vector<1x16xf32>,
      %get3A_709 = vector.shape_cast %get3A_708 : vector<1x16xf32> to vector<16xf32>
      %swap3A_710 = arith.constant 1 : i32
      %swap3A_711 = arith.index_cast %swap3A_710 : i32 to index
      %swap3A_712 = arith.index_cast %add3A_703 : i32 to index
      %swap3A_713 = arith.constant 0 : index
      %swap3A_714 = tpu.vector_load %arg6[%swap3A_711, %swap3A_712, %swap3A_713] {strides = array<i32>} : memref<2x256x128xf32, #tpu.memory_space<vmem>>, vector<1x1x16xf32>,
      %swap3A_715 = vector.shape_cast %swap3A_714 : vector<1x1x16xf32> to vector<16xf32>
      %swap3A_716 = vector.shape_cast %get3A_709 : vector<16xf32> to vector<1x1x16xf32>
      tpu.vector_store %arg6[%swap3A_711, %swap3A_712, %swap3A_713], %swap3A_716 {add = true, strides = array<i32>} : memref<2x256x128xf32, #tpu.memory_space<vmem>>, vector<1x1x16xf32>,
      %add3A_717 = arith.constant 3 : i32
      %add3A_718 = arith.addi %mul3A_343, %add3A_717 : i32
      %add3A_719 = arith.constant 3 : i32
      %add3A_720 = arith.addi %mul3A_343, %add3A_719 : i32
      %get3A_721 = arith.index_cast %add3A_720 : i32 to index
      %get3A_722 = arith.constant 16 : index
      %get3A_723 = tpu.vector_load %arg5[%get3A_721, %get3A_722] {strides = array<i32>} : memref<256x128xf32, #tpu.memory_space<vmem>>, vector<1x16xf32>,
      %get3A_724 = vector.shape_cast %get3A_723 : vector<1x16xf32> to vector<16xf32>
      %swap3A_725 = arith.constant 1 : i32
      %swap3A_726 = arith.index_cast %swap3A_725 : i32 to index
      %swap3A_727 = arith.index_cast %add3A_718 : i32 to index
      %swap3A_728 = arith.constant 16 : index
      %swap3A_729 = tpu.vector_load %arg6[%swap3A_726, %swap3A_727, %swap3A_728] {strides = array<i32>} : memref<2x256x128xf32, #tpu.memory_space<vmem>>, vector<1x1x16xf32>,
      %swap3A_730 = vector.shape_cast %swap3A_729 : vector<1x1x16xf32> to vector<16xf32>
      %swap3A_731 = vector.shape_cast %get3A_724 : vector<16xf32> to vector<1x1x16xf32>
      tpu.vector_store %arg6[%swap3A_726, %swap3A_727, %swap3A_728], %swap3A_731 {add = true, strides = array<i32>} : memref<2x256x128xf32, #tpu.memory_space<vmem>>, vector<1x1x16xf32>,
      %add3A_732 = arith.constant 3 : i32
      %add3A_733 = arith.addi %mul3A_343, %add3A_732 : i32
      %add3A_734 = arith.constant 3 : i32
      %add3A_735 = arith.addi %mul3A_343, %add3A_734 : i32
      %get3A_736 = arith.index_cast %add3A_735 : i32 to index
      %get3A_737 = arith.constant 32 : index
      %get3A_738 = tpu.vector_load %arg5[%get3A_736, %get3A_737] {strides = array<i32>} : memref<256x128xf32, #tpu.memory_space<vmem>>, vector<1x16xf32>,
      %get3A_739 = vector.shape_cast %get3A_738 : vector<1x16xf32> to vector<16xf32>
      %swap3A_740 = arith.constant 1 : i32
      %swap3A_741 = arith.index_cast %swap3A_740 : i32 to index
      %swap3A_742 = arith.index_cast %add3A_733 : i32 to index
      %swap3A_743 = arith.constant 32 : index
      %swap3A_744 = tpu.vector_load %arg6[%swap3A_741, %swap3A_742, %swap3A_743] {strides = array<i32>} : memref<2x256x128xf32, #tpu.memory_space<vmem>>, vector<1x1x16xf32>,
      %swap3A_745 = vector.shape_cast %swap3A_744 : vector<1x1x16xf32> to vector<16xf32>
      %swap3A_746 = vector.shape_cast %get3A_739 : vector<16xf32> to vector<1x1x16xf32>
      tpu.vector_store %arg6[%swap3A_741, %swap3A_742, %swap3A_743], %swap3A_746 {add = true, strides = array<i32>} : memref<2x256x128xf32, #tpu.memory_space<vmem>>, vector<1x1x16xf32>,
      %add3A_747 = arith.constant 3 : i32
      %add3A_748 = arith.addi %mul3A_343, %add3A_747 : i32
      %add3A_749 = arith.constant 3 : i32
      %add3A_750 = arith.addi %mul3A_343, %add3A_749 : i32
      %get3A_751 = arith.index_cast %add3A_750 : i32 to index
      %get3A_752 = arith.constant 48 : index
      %get3A_753 = tpu.vector_load %arg5[%get3A_751, %get3A_752] {strides = array<i32>} : memref<256x128xf32, #tpu.memory_space<vmem>>, vector<1x16xf32>,
      %get3A_754 = vector.shape_cast %get3A_753 : vector<1x16xf32> to vector<16xf32>
      %swap3A_755 = arith.constant 1 : i32
      %swap3A_756 = arith.index_cast %swap3A_755 : i32 to index
      %swap3A_757 = arith.index_cast %add3A_748 : i32 to index
      %swap3A_758 = arith.constant 48 : index
      %swap3A_759 = tpu.vector_load %arg6[%swap3A_756, %swap3A_757, %swap3A_758] {strides = array<i32>} : memref<2x256x128xf32, #tpu.memory_space<vmem>>, vector<1x1x16xf32>,
      %swap3A_760 = vector.shape_cast %swap3A_759 : vector<1x1x16xf32> to vector<16xf32>
      %swap3A_761 = vector.shape_cast %get3A_754 : vector<16xf32> to vector<1x1x16xf32>
      tpu.vector_store %arg6[%swap3A_756, %swap3A_757, %swap3A_758], %swap3A_761 {add = true, strides = array<i32>} : memref<2x256x128xf32, #tpu.memory_space<vmem>>, vector<1x1x16xf32>,
      %add3A_762 = arith.constant 3 : i32
      %add3A_763 = arith.addi %mul3A_343, %add3A_762 : i32
      %add3A_764 = arith.constant 3 : i32
      %add3A_765 = arith.addi %mul3A_343, %add3A_764 : i32
      %get3A_766 = arith.index_cast %add3A_765 : i32 to index
      %get3A_767 = arith.constant 64 : index
      %get3A_768 = tpu.vector_load %arg5[%get3A_766, %get3A_767] {strides = array<i32>} : memref<256x128xf32, #tpu.memory_space<vmem>>, vector<1x16xf32>,
      %get3A_769 = vector.shape_cast %get3A_768 : vector<1x16xf32> to vector<16xf32>
      %swap3A_770 = arith.constant 1 : i32
      %swap3A_771 = arith.index_cast %swap3A_770 : i32 to index
      %swap3A_772 = arith.index_cast %add3A_763 : i32 to index
      %swap3A_773 = arith.constant 64 : index
      %swap3A_774 = tpu.vector_load %arg6[%swap3A_771, %swap3A_772, %swap3A_773] {strides = array<i32>} : memref<2x256x128xf32, #tpu.memory_space<vmem>>, vector<1x1x16xf32>,
      %swap3A_775 = vector.shape_cast %swap3A_774 : vector<1x1x16xf32> to vector<16xf32>
      %swap3A_776 = vector.shape_cast %get3A_769 : vector<16xf32> to vector<1x1x16xf32>
      tpu.vector_store %arg6[%swap3A_771, %swap3A_772, %swap3A_773], %swap3A_776 {add = true, strides = array<i32>} : memref<2x256x128xf32, #tpu.memory_space<vmem>>, vector<1x1x16xf32>,
      %add3A_777 = arith.constant 3 : i32
      %add3A_778 = arith.addi %mul3A_343, %add3A_777 : i32
      %add3A_779 = arith.constant 3 : i32
      %add3A_780 = arith.addi %mul3A_343, %add3A_779 : i32
      %get3A_781 = arith.index_cast %add3A_780 : i32 to index
      %get3A_782 = arith.constant 80 : index
      %get3A_783 = tpu.vector_load %arg5[%get3A_781, %get3A_782] {strides = array<i32>} : memref<256x128xf32, #tpu.memory_space<vmem>>, vector<1x16xf32>,
      %get3A_784 = vector.shape_cast %get3A_783 : vector<1x16xf32> to vector<16xf32>
      %swap3A_785 = arith.constant 1 : i32
      %swap3A_786 = arith.index_cast %swap3A_785 : i32 to index
      %swap3A_787 = arith.index_cast %add3A_778 : i32 to index
      %swap3A_788 = arith.constant 80 : index
      %swap3A_789 = tpu.vector_load %arg6[%swap3A_786, %swap3A_787, %swap3A_788] {strides = array<i32>} : memref<2x256x128xf32, #tpu.memory_space<vmem>>, vector<1x1x16xf32>,
      %swap3A_790 = vector.shape_cast %swap3A_789 : vector<1x1x16xf32> to vector<16xf32>
      %swap3A_791 = vector.shape_cast %get3A_784 : vector<16xf32> to vector<1x1x16xf32>
      tpu.vector_store %arg6[%swap3A_786, %swap3A_787, %swap3A_788], %swap3A_791 {add = true, strides = array<i32>} : memref<2x256x128xf32, #tpu.memory_space<vmem>>, vector<1x1x16xf32>,
      %add3A_792 = arith.constant 3 : i32
      %add3A_793 = arith.addi %mul3A_343, %add3A_792 : i32
      %add3A_794 = arith.constant 3 : i32
      %add3A_795 = arith.addi %mul3A_343, %add3A_794 : i32
      %get3A_796 = arith.index_cast %add3A_795 : i32 to index
      %get3A_797 = arith.constant 96 : index
      %get3A_798 = tpu.vector_load %arg5[%get3A_796, %get3A_797] {strides = array<i32>} : memref<256x128xf32, #tpu.memory_space<vmem>>, vector<1x16xf32>,
      %get3A_799 = vector.shape_cast %get3A_798 : vector<1x16xf32> to vector<16xf32>
      %swap3A_800 = arith.constant 1 : i32
      %swap3A_801 = arith.index_cast %swap3A_800 : i32 to index
      %swap3A_802 = arith.index_cast %add3A_793 : i32 to index
      %swap3A_803 = arith.constant 96 : index
      %swap3A_804 = tpu.vector_load %arg6[%swap3A_801, %swap3A_802, %swap3A_803] {strides = array<i32>} : memref<2x256x128xf32, #tpu.memory_space<vmem>>, vector<1x1x16xf32>,
      %swap3A_805 = vector.shape_cast %swap3A_804 : vector<1x1x16xf32> to vector<16xf32>
      %swap3A_806 = vector.shape_cast %get3A_799 : vector<16xf32> to vector<1x1x16xf32>
      tpu.vector_store %arg6[%swap3A_801, %swap3A_802, %swap3A_803], %swap3A_806 {add = true, strides = array<i32>} : memref<2x256x128xf32, #tpu.memory_space<vmem>>, vector<1x1x16xf32>,
      %add3A_807 = arith.constant 3 : i32
      %add3A_808 = arith.addi %mul3A_343, %add3A_807 : i32
      %add3A_809 = arith.constant 3 : i32
      %add3A_810 = arith.addi %mul3A_343, %add3A_809 : i32
      %get3A_811 = arith.index_cast %add3A_810 : i32 to index
      %get3A_812 = arith.constant 112 : index
      %get3A_813 = tpu.vector_load %arg5[%get3A_811, %get3A_812] {strides = array<i32>} : memref<256x128xf32, #tpu.memory_space<vmem>>, vector<1x16xf32>,
      %get3A_814 = vector.shape_cast %get3A_813 : vector<1x16xf32> to vector<16xf32>
      %swap3A_815 = arith.constant 1 : i32
      %swap3A_816 = arith.index_cast %swap3A_815 : i32 to index
      %swap3A_817 = arith.index_cast %add3A_808 : i32 to index
      %swap3A_818 = arith.constant 112 : index
      %swap3A_819 = tpu.vector_load %arg6[%swap3A_816, %swap3A_817, %swap3A_818] {strides = array<i32>} : memref<2x256x128xf32, #tpu.memory_space<vmem>>, vector<1x1x16xf32>,
      %swap3A_820 = vector.shape_cast %swap3A_819 : vector<1x1x16xf32> to vector<16xf32>
      %swap3A_821 = vector.shape_cast %get3A_814 : vector<16xf32> to vector<1x1x16xf32>
      tpu.vector_store %arg6[%swap3A_816, %swap3A_817, %swap3A_818], %swap3A_821 {add = true, strides = array<i32>} : memref<2x256x128xf32, #tpu.memory_space<vmem>>, vector<1x1x16xf32>,
      %add3A_822 = arith.constant 4 : i32
      %add3A_823 = arith.addi %mul3A_343, %add3A_822 : i32
      %add3A_824 = arith.constant 4 : i32
      %add3A_825 = arith.addi %mul3A_343, %add3A_824 : i32
      %get3A_826 = arith.index_cast %add3A_825 : i32 to index
      %get3A_827 = arith.constant 0 : index
      %get3A_828 = tpu.vector_load %arg5[%get3A_826, %get3A_827] {strides = array<i32>} : memref<256x128xf32, #tpu.memory_space<vmem>>, vector<1x16xf32>,
      %get3A_829 = vector.shape_cast %get3A_828 : vector<1x16xf32> to vector<16xf32>
      %swap3A_830 = arith.constant 1 : i32
      %swap3A_831 = arith.index_cast %swap3A_830 : i32 to index
      %swap3A_832 = arith.index_cast %add3A_823 : i32 to index
      %swap3A_833 = arith.constant 0 : index
      %swap3A_834 = tpu.vector_load %arg6[%swap3A_831, %swap3A_832, %swap3A_833] {strides = array<i32>} : memref<2x256x128xf32, #tpu.memory_space<vmem>>, vector<1x1x16xf32>,
      %swap3A_835 = vector.shape_cast %swap3A_834 : vector<1x1x16xf32> to vector<16xf32>
      %swap3A_836 = vector.shape_cast %get3A_829 : vector<16xf32> to vector<1x1x16xf32>
      tpu.vector_store %arg6[%swap3A_831, %swap3A_832, %swap3A_833], %swap3A_836 {add = true, strides = array<i32>} : memref<2x256x128xf32, #tpu.memory_space<vmem>>, vector<1x1x16xf32>,
      %add3A_837 = arith.constant 4 : i32
      %add3A_838 = arith.addi %mul3A_343, %add3A_837 : i32
      %add3A_839 = arith.constant 4 : i32
      %add3A_840 = arith.addi %mul3A_343, %add3A_839 : i32
      %get3A_841 = arith.index_cast %add3A_840 : i32 to index
      %get3A_842 = arith.constant 16 : index
      %get3A_843 = tpu.vector_load %arg5[%get3A_841, %get3A_842] {strides = array<i32>} : memref<256x128xf32, #tpu.memory_space<vmem>>, vector<1x16xf32>,
      %get3A_844 = vector.shape_cast %get3A_843 : vector<1x16xf32> to vector<16xf32>
      %swap3A_845 = arith.constant 1 : i32
      %swap3A_846 = arith.index_cast %swap3A_845 : i32 to index
      %swap3A_847 = arith.index_cast %add3A_838 : i32 to index
      %swap3A_848 = arith.constant 16 : index
      %swap3A_849 = tpu.vector_load %arg6[%swap3A_846, %swap3A_847, %swap3A_848] {strides = array<i32>} : memref<2x256x128xf32, #tpu.memory_space<vmem>>, vector<1x1x16xf32>,
      %swap3A_850 = vector.shape_cast %swap3A_849 : vector<1x1x16xf32> to vector<16xf32>
      %swap3A_851 = vector.shape_cast %get3A_844 : vector<16xf32> to vector<1x1x16xf32>
      tpu.vector_store %arg6[%swap3A_846, %swap3A_847, %swap3A_848], %swap3A_851 {add = true, strides = array<i32>} : memref<2x256x128xf32, #tpu.memory_space<vmem>>, vector<1x1x16xf32>,
      %add3A_852 = arith.constant 4 : i32
      %add3A_853 = arith.addi %mul3A_343, %add3A_852 : i32
      %add3A_854 = arith.constant 4 : i32
      %add3A_855 = arith.addi %mul3A_343, %add3A_854 : i32
      %get3A_856 = arith.index_cast %add3A_855 : i32 to index
      %get3A_857 = arith.constant 32 : index
      %get3A_858 = tpu.vector_load %arg5[%get3A_856, %get3A_857] {strides = array<i32>} : memref<256x128xf32, #tpu.memory_space<vmem>>, vector<1x16xf32>,
      %get3A_859 = vector.shape_cast %get3A_858 : vector<1x16xf32> to vector<16xf32>
      %swap3A_860 = arith.constant 1 : i32
      %swap3A_861 = arith.index_cast %swap3A_860 : i32 to index
      %swap3A_862 = arith.index_cast %add3A_853 : i32 to index
      %swap3A_863 = arith.constant 32 : index
      %swap3A_864 = tpu.vector_load %arg6[%swap3A_861, %swap3A_862, %swap3A_863] {strides = array<i32>} : memref<2x256x128xf32, #tpu.memory_space<vmem>>, vector<1x1x16xf32>,
      %swap3A_865 = vector.shape_cast %swap3A_864 : vector<1x1x16xf32> to vector<16xf32>
      %swap3A_866 = vector.shape_cast %get3A_859 : vector<16xf32> to vector<1x1x16xf32>
      tpu.vector_store %arg6[%swap3A_861, %swap3A_862, %swap3A_863], %swap3A_866 {add = true, strides = array<i32>} : memref<2x256x128xf32, #tpu.memory_space<vmem>>, vector<1x1x16xf32>,
      %add3A_867 = arith.constant 4 : i32
      %add3A_868 = arith.addi %mul3A_343, %add3A_867 : i32
      %add3A_869 = arith.constant 4 : i32
      %add3A_870 = arith.addi %mul3A_343, %add3A_869 : i32
      %get3A_871 = arith.index_cast %add3A_870 : i32 to index
      %get3A_872 = arith.constant 48 : index
      %get3A_873 = tpu.vector_load %arg5[%get3A_871, %get3A_872] {strides = array<i32>} : memref<256x128xf32, #tpu.memory_space<vmem>>, vector<1x16xf32>,
      %get3A_874 = vector.shape_cast %get3A_873 : vector<1x16xf32> to vector<16xf32>
      %swap3A_875 = arith.constant 1 : i32
      %swap3A_876 = arith.index_cast %swap3A_875 : i32 to index
      %swap3A_877 = arith.index_cast %add3A_868 : i32 to index
      %swap3A_878 = arith.constant 48 : index
      %swap3A_879 = tpu.vector_load %arg6[%swap3A_876, %swap3A_877, %swap3A_878] {strides = array<i32>} : memref<2x256x128xf32, #tpu.memory_space<vmem>>, vector<1x1x16xf32>,
      %swap3A_880 = vector.shape_cast %swap3A_879 : vector<1x1x16xf32> to vector<16xf32>
      %swap3A_881 = vector.shape_cast %get3A_874 : vector<16xf32> to vector<1x1x16xf32>
      tpu.vector_store %arg6[%swap3A_876, %swap3A_877, %swap3A_878], %swap3A_881 {add = true, strides = array<i32>} : memref<2x256x128xf32, #tpu.memory_space<vmem>>, vector<1x1x16xf32>,
      %add3A_882 = arith.constant 4 : i32
      %add3A_883 = arith.addi %mul3A_343, %add3A_882 : i32
      %add3A_884 = arith.constant 4 : i32
      %add3A_885 = arith.addi %mul3A_343, %add3A_884 : i32
      %get3A_886 = arith.index_cast %add3A_885 : i32 to index
      %get3A_887 = arith.constant 64 : index
      %get3A_888 = tpu.vector_load %arg5[%get3A_886, %get3A_887] {strides = array<i32>} : memref<256x128xf32, #tpu.memory_space<vmem>>, vector<1x16xf32>,
      %get3A_889 = vector.shape_cast %get3A_888 : vector<1x16xf32> to vector<16xf32>
      %swap3A_890 = arith.constant 1 : i32
      %swap3A_891 = arith.index_cast %swap3A_890 : i32 to index
      %swap3A_892 = arith.index_cast %add3A_883 : i32 to index
      %swap3A_893 = arith.constant 64 : index
      %swap3A_894 = tpu.vector_load %arg6[%swap3A_891, %swap3A_892, %swap3A_893] {strides = array<i32>} : memref<2x256x128xf32, #tpu.memory_space<vmem>>, vector<1x1x16xf32>,
      %swap3A_895 = vector.shape_cast %swap3A_894 : vector<1x1x16xf32> to vector<16xf32>
      %swap3A_896 = vector.shape_cast %get3A_889 : vector<16xf32> to vector<1x1x16xf32>
      tpu.vector_store %arg6[%swap3A_891, %swap3A_892, %swap3A_893], %swap3A_896 {add = true, strides = array<i32>} : memref<2x256x128xf32, #tpu.memory_space<vmem>>, vector<1x1x16xf32>,
      %add3A_897 = arith.constant 4 : i32
      %add3A_898 = arith.addi %mul3A_343, %add3A_897 : i32
      %add3A_899 = arith.constant 4 : i32
      %add3A_900 = arith.addi %mul3A_343, %add3A_899 : i32
      %get3A_901 = arith.index_cast %add3A_900 : i32 to index
      %get3A_902 = arith.constant 80 : index
      %get3A_903 = tpu.vector_load %arg5[%get3A_901, %get3A_902] {strides = array<i32>} : memref<256x128xf32, #tpu.memory_space<vmem>>, vector<1x16xf32>,
      %get3A_904 = vector.shape_cast %get3A_903 : vector<1x16xf32> to vector<16xf32>
      %swap3A_905 = arith.constant 1 : i32
      %swap3A_906 = arith.index_cast %swap3A_905 : i32 to index
      %swap3A_907 = arith.index_cast %add3A_898 : i32 to index
      %swap3A_908 = arith.constant 80 : index
      %swap3A_909 = tpu.vector_load %arg6[%swap3A_906, %swap3A_907, %swap3A_908] {strides = array<i32>} : memref<2x256x128xf32, #tpu.memory_space<vmem>>, vector<1x1x16xf32>,
      %swap3A_910 = vector.shape_cast %swap3A_909 : vector<1x1x16xf32> to vector<16xf32>
      %swap3A_911 = vector.shape_cast %get3A_904 : vector<16xf32> to vector<1x1x16xf32>
      tpu.vector_store %arg6[%swap3A_906, %swap3A_907, %swap3A_908], %swap3A_911 {add = true, strides = array<i32>} : memref<2x256x128xf32, #tpu.memory_space<vmem>>, vector<1x1x16xf32>,
      %add3A_912 = arith.constant 4 : i32
      %add3A_913 = arith.addi %mul3A_343, %add3A_912 : i32
      %add3A_914 = arith.constant 4 : i32
      %add3A_915 = arith.addi %mul3A_343, %add3A_914 : i32
      %get3A_916 = arith.index_cast %add3A_915 : i32 to index
      %get3A_917 = arith.constant 96 : index
      %get3A_918 = tpu.vector_load %arg5[%get3A_916, %get3A_917] {strides = array<i32>} : memref<256x128xf32, #tpu.memory_space<vmem>>, vector<1x16xf32>,
      %get3A_919 = vector.shape_cast %get3A_918 : vector<1x16xf32> to vector<16xf32>
      %swap3A_920 = arith.constant 1 : i32
      %swap3A_921 = arith.index_cast %swap3A_920 : i32 to index
      %swap3A_922 = arith.index_cast %add3A_913 : i32 to index
      %swap3A_923 = arith.constant 96 : index
      %swap3A_924 = tpu.vector_load %arg6[%swap3A_921, %swap3A_922, %swap3A_923] {strides = array<i32>} : memref<2x256x128xf32, #tpu.memory_space<vmem>>, vector<1x1x16xf32>,
      %swap3A_925 = vector.shape_cast %swap3A_924 : vector<1x1x16xf32> to vector<16xf32>
      %swap3A_926 = vector.shape_cast %get3A_919 : vector<16xf32> to vector<1x1x16xf32>
      tpu.vector_store %arg6[%swap3A_921, %swap3A_922, %swap3A_923], %swap3A_926 {add = true, strides = array<i32>} : memref<2x256x128xf32, #tpu.memory_space<vmem>>, vector<1x1x16xf32>,
      %add3A_927 = arith.constant 4 : i32
      %add3A_928 = arith.addi %mul3A_343, %add3A_927 : i32
      %add3A_929 = arith.constant 4 : i32
      %add3A_930 = arith.addi %mul3A_343, %add3A_929 : i32
      %get3A_931 = arith.index_cast %add3A_930 : i32 to index
      %get3A_932 = arith.constant 112 : index
      %get3A_933 = tpu.vector_load %arg5[%get3A_931, %get3A_932] {strides = array<i32>} : memref<256x128xf32, #tpu.memory_space<vmem>>, vector<1x16xf32>,
      %get3A_934 = vector.shape_cast %get3A_933 : vector<1x16xf32> to vector<16xf32>
      %swap3A_935 = arith.constant 1 : i32
      %swap3A_936 = arith.index_cast %swap3A_935 : i32 to index
      %swap3A_937 = arith.index_cast %add3A_928 : i32 to index
      %swap3A_938 = arith.constant 112 : index
      %swap3A_939 = tpu.vector_load %arg6[%swap3A_936, %swap3A_937, %swap3A_938] {strides = array<i32>} : memref<2x256x128xf32, #tpu.memory_space<vmem>>, vector<1x1x16xf32>,
      %swap3A_940 = vector.shape_cast %swap3A_939 : vector<1x1x16xf32> to vector<16xf32>
      %swap3A_941 = vector.shape_cast %get3A_934 : vector<16xf32> to vector<1x1x16xf32>
      tpu.vector_store %arg6[%swap3A_936, %swap3A_937, %swap3A_938], %swap3A_941 {add = true, strides = array<i32>} : memref<2x256x128xf32, #tpu.memory_space<vmem>>, vector<1x1x16xf32>,
      %add3A_942 = arith.constant 5 : i32
      %add3A_943 = arith.addi %mul3A_343, %add3A_942 : i32
      %add3A_944 = arith.constant 5 : i32
      %add3A_945 = arith.addi %mul3A_343, %add3A_944 : i32
      %get3A_946 = arith.index_cast %add3A_945 : i32 to index
      %get3A_947 = arith.constant 0 : index
      %get3A_948 = tpu.vector_load %arg5[%get3A_946, %get3A_947] {strides = array<i32>} : memref<256x128xf32, #tpu.memory_space<vmem>>, vector<1x16xf32>,
      %get3A_949 = vector.shape_cast %get3A_948 : vector<1x16xf32> to vector<16xf32>
      %swap3A_950 = arith.constant 1 : i32
      %swap3A_951 = arith.index_cast %swap3A_950 : i32 to index
      %swap3A_952 = arith.index_cast %add3A_943 : i32 to index
      %swap3A_953 = arith.constant 0 : index
      %swap3A_954 = tpu.vector_load %arg6[%swap3A_951, %swap3A_952, %swap3A_953] {strides = array<i32>} : memref<2x256x128xf32, #tpu.memory_space<vmem>>, vector<1x1x16xf32>,
      %swap3A_955 = vector.shape_cast %swap3A_954 : vector<1x1x16xf32> to vector<16xf32>
      %swap3A_956 = vector.shape_cast %get3A_949 : vector<16xf32> to vector<1x1x16xf32>
      tpu.vector_store %arg6[%swap3A_951, %swap3A_952, %swap3A_953], %swap3A_956 {add = true, strides = array<i32>} : memref<2x256x128xf32, #tpu.memory_space<vmem>>, vector<1x1x16xf32>,
      %add3A_957 = arith.constant 5 : i32
      %add3A_958 = arith.addi %mul3A_343, %add3A_957 : i32
      %add3A_959 = arith.constant 5 : i32
      %add3A_960 = arith.addi %mul3A_343, %add3A_959 : i32
      %get3A_961 = arith.index_cast %add3A_960 : i32 to index
      %get3A_962 = arith.constant 16 : index
      %get3A_963 = tpu.vector_load %arg5[%get3A_961, %get3A_962] {strides = array<i32>} : memref<256x128xf32, #tpu.memory_space<vmem>>, vector<1x16xf32>,
      %get3A_964 = vector.shape_cast %get3A_963 : vector<1x16xf32> to vector<16xf32>
      %swap3A_965 = arith.constant 1 : i32
      %swap3A_966 = arith.index_cast %swap3A_965 : i32 to index
      %swap3A_967 = arith.index_cast %add3A_958 : i32 to index
      %swap3A_968 = arith.constant 16 : index
      %swap3A_969 = tpu.vector_load %arg6[%swap3A_966, %swap3A_967, %swap3A_968] {strides = array<i32>} : memref<2x256x128xf32, #tpu.memory_space<vmem>>, vector<1x1x16xf32>,
      %swap3A_970 = vector.shape_cast %swap3A_969 : vector<1x1x16xf32> to vector<16xf32>
      %swap3A_971 = vector.shape_cast %get3A_964 : vector<16xf32> to vector<1x1x16xf32>
      tpu.vector_store %arg6[%swap3A_966, %swap3A_967, %swap3A_968], %swap3A_971 {add = true, strides = array<i32>} : memref<2x256x128xf32, #tpu.memory_space<vmem>>, vector<1x1x16xf32>,
      %add3A_972 = arith.constant 5 : i32
      %add3A_973 = arith.addi %mul3A_343, %add3A_972 : i32
      %add3A_974 = arith.constant 5 : i32
      %add3A_975 = arith.addi %mul3A_343, %add3A_974 : i32
      %get3A_976 = arith.index_cast %add3A_975 : i32 to index
      %get3A_977 = arith.constant 32 : index
      %get3A_978 = tpu.vector_load %arg5[%get3A_976, %get3A_977] {strides = array<i32>} : memref<256x128xf32, #tpu.memory_space<vmem>>, vector<1x16xf32>,
      %get3A_979 = vector.shape_cast %get3A_978 : vector<1x16xf32> to vector<16xf32>
      %swap3A_980 = arith.constant 1 : i32
      %swap3A_981 = arith.index_cast %swap3A_980 : i32 to index
      %swap3A_982 = arith.index_cast %add3A_973 : i32 to index
      %swap3A_983 = arith.constant 32 : index
      %swap3A_984 = tpu.vector_load %arg6[%swap3A_981, %swap3A_982, %swap3A_983] {strides = array<i32>} : memref<2x256x128xf32, #tpu.memory_space<vmem>>, vector<1x1x16xf32>,
      %swap3A_985 = vector.shape_cast %swap3A_984 : vector<1x1x16xf32> to vector<16xf32>
      %swap3A_986 = vector.shape_cast %get3A_979 : vector<16xf32> to vector<1x1x16xf32>
      tpu.vector_store %arg6[%swap3A_981, %swap3A_982, %swap3A_983], %swap3A_986 {add = true, strides = array<i32>} : memref<2x256x128xf32, #tpu.memory_space<vmem>>, vector<1x1x16xf32>,
      %add3A_987 = arith.constant 5 : i32
      %add3A_988 = arith.addi %mul3A_343, %add3A_987 : i32
      %add3A_989 = arith.constant 5 : i32
      %add3A_990 = arith.addi %mul3A_343, %add3A_989 : i32
      %get3A_991 = arith.index_cast %add3A_990 : i32 to index
      %get3A_992 = arith.constant 48 : index
      %get3A_993 = tpu.vector_load %arg5[%get3A_991, %get3A_992] {strides = array<i32>} : memref<256x128xf32, #tpu.memory_space<vmem>>, vector<1x16xf32>,
      %get3A_994 = vector.shape_cast %get3A_993 : vector<1x16xf32> to vector<16xf32>
      %swap3A_995 = arith.constant 1 : i32
      %swap3A_996 = arith.index_cast %swap3A_995 : i32 to index
      %swap3A_997 = arith.index_cast %add3A_988 : i32 to index
      %swap3A_998 = arith.constant 48 : index
      %swap3A_999 = tpu.vector_load %arg6[%swap3A_996, %swap3A_997, %swap3A_998] {strides = array<i32>} : memref<2x256x128xf32, #tpu.memory_space<vmem>>, vector<1x1x16xf32>,
      %swap3A_1000 = vector.shape_cast %swap3A_999 : vector<1x1x16xf32> to vector<16xf32>
      %swap3A_1001 = vector.shape_cast %get3A_994 : vector<16xf32> to vector<1x1x16xf32>
      tpu.vector_store %arg6[%swap3A_996, %swap3A_997, %swap3A_998], %swap3A_1001 {add = true, strides = array<i32>} : memref<2x256x128xf32, #tpu.memory_space<vmem>>, vector<1x1x16xf32>,
      %add3A_1002 = arith.constant 5 : i32
      %add3A_1003 = arith.addi %mul3A_343, %add3A_1002 : i32
      %add3A_1004 = arith.constant 5 : i32
      %add3A_1005 = arith.addi %mul3A_343, %add3A_1004 : i32
      %get3A_1006 = arith.index_cast %add3A_1005 : i32 to index
      %get3A_1007 = arith.constant 64 : index
      %get3A_1008 = tpu.vector_load %arg5[%get3A_1006, %get3A_1007] {strides = array<i32>} : memref<256x128xf32, #tpu.memory_space<vmem>>, vector<1x16xf32>,
      %get3A_1009 = vector.shape_cast %get3A_1008 : vector<1x16xf32> to vector<16xf32>
      %swap3A_1010 = arith.constant 1 : i32
      %swap3A_1011 = arith.index_cast %swap3A_1010 : i32 to index
      %swap3A_1012 = arith.index_cast %add3A_1003 : i32 to index
      %swap3A_1013 = arith.constant 64 : index
      %swap3A_1014 = tpu.vector_load %arg6[%swap3A_1011, %swap3A_1012, %swap3A_1013] {strides = array<i32>} : memref<2x256x128xf32, #tpu.memory_space<vmem>>, vector<1x1x16xf32>,
      %swap3A_1015 = vector.shape_cast %swap3A_1014 : vector<1x1x16xf32> to vector<16xf32>
      %swap3A_1016 = vector.shape_cast %get3A_1009 : vector<16xf32> to vector<1x1x16xf32>
      tpu.vector_store %arg6[%swap3A_1011, %swap3A_1012, %swap3A_1013], %swap3A_1016 {add = true, strides = array<i32>} : memref<2x256x128xf32, #tpu.memory_space<vmem>>, vector<1x1x16xf32>,
      %add3A_1017 = arith.constant 5 : i32
      %add3A_1018 = arith.addi %mul3A_343, %add3A_1017 : i32
      %add3A_1019 = arith.constant 5 : i32
      %add3A_1020 = arith.addi %mul3A_343, %add3A_1019 : i32
      %get3A_1021 = arith.index_cast %add3A_1020 : i32 to index
      %get3A_1022 = arith.constant 80 : index
      %get3A_1023 = tpu.vector_load %arg5[%get3A_1021, %get3A_1022] {strides = array<i32>} : memref<256x128xf32, #tpu.memory_space<vmem>>, vector<1x16xf32>,
      %get3A_1024 = vector.shape_cast %get3A_1023 : vector<1x16xf32> to vector<16xf32>
      %swap3A_1025 = arith.constant 1 : i32
      %swap3A_1026 = arith.index_cast %swap3A_1025 : i32 to index
      %swap3A_1027 = arith.index_cast %add3A_1018 : i32 to index
      %swap3A_1028 = arith.constant 80 : index
      %swap3A_1029 = tpu.vector_load %arg6[%swap3A_1026, %swap3A_1027, %swap3A_1028] {strides = array<i32>} : memref<2x256x128xf32, #tpu.memory_space<vmem>>, vector<1x1x16xf32>,
      %swap3A_1030 = vector.shape_cast %swap3A_1029 : vector<1x1x16xf32> to vector<16xf32>
      %swap3A_1031 = vector.shape_cast %get3A_1024 : vector<16xf32> to vector<1x1x16xf32>
      tpu.vector_store %arg6[%swap3A_1026, %swap3A_1027, %swap3A_1028], %swap3A_1031 {add = true, strides = array<i32>} : memref<2x256x128xf32, #tpu.memory_space<vmem>>, vector<1x1x16xf32>,
      %add3A_1032 = arith.constant 5 : i32
      %add3A_1033 = arith.addi %mul3A_343, %add3A_1032 : i32
      %add3A_1034 = arith.constant 5 : i32
      %add3A_1035 = arith.addi %mul3A_343, %add3A_1034 : i32
      %get3A_1036 = arith.index_cast %add3A_1035 : i32 to index
      %get3A_1037 = arith.constant 96 : index
      %get3A_1038 = tpu.vector_load %arg5[%get3A_1036, %get3A_1037] {strides = array<i32>} : memref<256x128xf32, #tpu.memory_space<vmem>>, vector<1x16xf32>,
      %get3A_1039 = vector.shape_cast %get3A_1038 : vector<1x16xf32> to vector<16xf32>
      %swap3A_1040 = arith.constant 1 : i32
      %swap3A_1041 = arith.index_cast %swap3A_1040 : i32 to index
      %swap3A_1042 = arith.index_cast %add3A_1033 : i32 to index
      %swap3A_1043 = arith.constant 96 : index
      %swap3A_1044 = tpu.vector_load %arg6[%swap3A_1041, %swap3A_1042, %swap3A_1043] {strides = array<i32>} : memref<2x256x128xf32, #tpu.memory_space<vmem>>, vector<1x1x16xf32>,
      %swap3A_1045 = vector.shape_cast %swap3A_1044 : vector<1x1x16xf32> to vector<16xf32>
      %swap3A_1046 = vector.shape_cast %get3A_1039 : vector<16xf32> to vector<1x1x16xf32>
      tpu.vector_store %arg6[%swap3A_1041, %swap3A_1042, %swap3A_1043], %swap3A_1046 {add = true, strides = array<i32>} : memref<2x256x128xf32, #tpu.memory_space<vmem>>, vector<1x1x16xf32>,
      %add3A_1047 = arith.constant 5 : i32
      %add3A_1048 = arith.addi %mul3A_343, %add3A_1047 : i32
      %add3A_1049 = arith.constant 5 : i32
      %add3A_1050 = arith.addi %mul3A_343, %add3A_1049 : i32
      %get3A_1051 = arith.index_cast %add3A_1050 : i32 to index
      %get3A_1052 = arith.constant 112 : index
      %get3A_1053 = tpu.vector_load %arg5[%get3A_1051, %get3A_1052] {strides = array<i32>} : memref<256x128xf32, #tpu.memory_space<vmem>>, vector<1x16xf32>,
      %get3A_1054 = vector.shape_cast %get3A_1053 : vector<1x16xf32> to vector<16xf32>
      %swap3A_1055 = arith.constant 1 : i32
      %swap3A_1056 = arith.index_cast %swap3A_1055 : i32 to index
      %swap3A_1057 = arith.index_cast %add3A_1048 : i32 to index
      %swap3A_1058 = arith.constant 112 : index
      %swap3A_1059 = tpu.vector_load %arg6[%swap3A_1056, %swap3A_1057, %swap3A_1058] {strides = array<i32>} : memref<2x256x128xf32, #tpu.memory_space<vmem>>, vector<1x1x16xf32>,
      %swap3A_1060 = vector.shape_cast %swap3A_1059 : vector<1x1x16xf32> to vector<16xf32>
      %swap3A_1061 = vector.shape_cast %get3A_1054 : vector<16xf32> to vector<1x1x16xf32>
      tpu.vector_store %arg6[%swap3A_1056, %swap3A_1057, %swap3A_1058], %swap3A_1061 {add = true, strides = array<i32>} : memref<2x256x128xf32, #tpu.memory_space<vmem>>, vector<1x1x16xf32>,
      %add3A_1062 = arith.constant 6 : i32
      %add3A_1063 = arith.addi %mul3A_343, %add3A_1062 : i32
      %add3A_1064 = arith.constant 6 : i32
      %add3A_1065 = arith.addi %mul3A_343, %add3A_1064 : i32
      %get3A_1066 = arith.index_cast %add3A_1065 : i32 to index
      %get3A_1067 = arith.constant 0 : index
      %get3A_1068 = tpu.vector_load %arg5[%get3A_1066, %get3A_1067] {strides = array<i32>} : memref<256x128xf32, #tpu.memory_space<vmem>>, vector<1x16xf32>,
      %get3A_1069 = vector.shape_cast %get3A_1068 : vector<1x16xf32> to vector<16xf32>
      %swap3A_1070 = arith.constant 1 : i32
      %swap3A_1071 = arith.index_cast %swap3A_1070 : i32 to index
      %swap3A_1072 = arith.index_cast %add3A_1063 : i32 to index
      %swap3A_1073 = arith.constant 0 : index
      %swap3A_1074 = tpu.vector_load %arg6[%swap3A_1071, %swap3A_1072, %swap3A_1073] {strides = array<i32>} : memref<2x256x128xf32, #tpu.memory_space<vmem>>, vector<1x1x16xf32>,
      %swap3A_1075 = vector.shape_cast %swap3A_1074 : vector<1x1x16xf32> to vector<16xf32>
      %swap3A_1076 = vector.shape_cast %get3A_1069 : vector<16xf32> to vector<1x1x16xf32>
      tpu.vector_store %arg6[%swap3A_1071, %swap3A_1072, %swap3A_1073], %swap3A_1076 {add = true, strides = array<i32>} : memref<2x256x128xf32, #tpu.memory_space<vmem>>, vector<1x1x16xf32>,
      %add3A_1077 = arith.constant 6 : i32
      %add3A_1078 = arith.addi %mul3A_343, %add3A_1077 : i32
      %add3A_1079 = arith.constant 6 : i32
      %add3A_1080 = arith.addi %mul3A_343, %add3A_1079 : i32
      %get3A_1081 = arith.index_cast %add3A_1080 : i32 to index
      %get3A_1082 = arith.constant 16 : index
      %get3A_1083 = tpu.vector_load %arg5[%get3A_1081, %get3A_1082] {strides = array<i32>} : memref<256x128xf32, #tpu.memory_space<vmem>>, vector<1x16xf32>,
      %get3A_1084 = vector.shape_cast %get3A_1083 : vector<1x16xf32> to vector<16xf32>
      %swap3A_1085 = arith.constant 1 : i32
      %swap3A_1086 = arith.index_cast %swap3A_1085 : i32 to index
      %swap3A_1087 = arith.index_cast %add3A_1078 : i32 to index
      %swap3A_1088 = arith.constant 16 : index
      %swap3A_1089 = tpu.vector_load %arg6[%swap3A_1086, %swap3A_1087, %swap3A_1088] {strides = array<i32>} : memref<2x256x128xf32, #tpu.memory_space<vmem>>, vector<1x1x16xf32>,
      %swap3A_1090 = vector.shape_cast %swap3A_1089 : vector<1x1x16xf32> to vector<16xf32>
      %swap3A_1091 = vector.shape_cast %get3A_1084 : vector<16xf32> to vector<1x1x16xf32>
      tpu.vector_store %arg6[%swap3A_1086, %swap3A_1087, %swap3A_1088], %swap3A_1091 {add = true, strides = array<i32>} : memref<2x256x128xf32, #tpu.memory_space<vmem>>, vector<1x1x16xf32>,
      %add3A_1092 = arith.constant 6 : i32
      %add3A_1093 = arith.addi %mul3A_343, %add3A_1092 : i32
      %add3A_1094 = arith.constant 6 : i32
      %add3A_1095 = arith.addi %mul3A_343, %add3A_1094 : i32
      %get3A_1096 = arith.index_cast %add3A_1095 : i32 to index
      %get3A_1097 = arith.constant 32 : index
      %get3A_1098 = tpu.vector_load %arg5[%get3A_1096, %get3A_1097] {strides = array<i32>} : memref<256x128xf32, #tpu.memory_space<vmem>>, vector<1x16xf32>,
      %get3A_1099 = vector.shape_cast %get3A_1098 : vector<1x16xf32> to vector<16xf32>
      %swap3A_1100 = arith.constant 1 : i32
      %swap3A_1101 = arith.index_cast %swap3A_1100 : i32 to index
      %swap3A_1102 = arith.index_cast %add3A_1093 : i32 to index
      %swap3A_1103 = arith.constant 32 : index
      %swap3A_1104 = tpu.vector_load %arg6[%swap3A_1101, %swap3A_1102, %swap3A_1103] {strides = array<i32>} : memref<2x256x128xf32, #tpu.memory_space<vmem>>, vector<1x1x16xf32>,
      %swap3A_1105 = vector.shape_cast %swap3A_1104 : vector<1x1x16xf32> to vector<16xf32>
      %swap3A_1106 = vector.shape_cast %get3A_1099 : vector<16xf32> to vector<1x1x16xf32>
      tpu.vector_store %arg6[%swap3A_1101, %swap3A_1102, %swap3A_1103], %swap3A_1106 {add = true, strides = array<i32>} : memref<2x256x128xf32, #tpu.memory_space<vmem>>, vector<1x1x16xf32>,
      %add3A_1107 = arith.constant 6 : i32
      %add3A_1108 = arith.addi %mul3A_343, %add3A_1107 : i32
      %add3A_1109 = arith.constant 6 : i32
      %add3A_1110 = arith.addi %mul3A_343, %add3A_1109 : i32
      %get3A_1111 = arith.index_cast %add3A_1110 : i32 to index
      %get3A_1112 = arith.constant 48 : index
      %get3A_1113 = tpu.vector_load %arg5[%get3A_1111, %get3A_1112] {strides = array<i32>} : memref<256x128xf32, #tpu.memory_space<vmem>>, vector<1x16xf32>,
      %get3A_1114 = vector.shape_cast %get3A_1113 : vector<1x16xf32> to vector<16xf32>
      %swap3A_1115 = arith.constant 1 : i32
      %swap3A_1116 = arith.index_cast %swap3A_1115 : i32 to index
      %swap3A_1117 = arith.index_cast %add3A_1108 : i32 to index
      %swap3A_1118 = arith.constant 48 : index
      %swap3A_1119 = tpu.vector_load %arg6[%swap3A_1116, %swap3A_1117, %swap3A_1118] {strides = array<i32>} : memref<2x256x128xf32, #tpu.memory_space<vmem>>, vector<1x1x16xf32>,
      %swap3A_1120 = vector.shape_cast %swap3A_1119 : vector<1x1x16xf32> to vector<16xf32>
      %swap3A_1121 = vector.shape_cast %get3A_1114 : vector<16xf32> to vector<1x1x16xf32>
      tpu.vector_store %arg6[%swap3A_1116, %swap3A_1117, %swap3A_1118], %swap3A_1121 {add = true, strides = array<i32>} : memref<2x256x128xf32, #tpu.memory_space<vmem>>, vector<1x1x16xf32>,
      %add3A_1122 = arith.constant 6 : i32
      %add3A_1123 = arith.addi %mul3A_343, %add3A_1122 : i32
      %add3A_1124 = arith.constant 6 : i32
      %add3A_1125 = arith.addi %mul3A_343, %add3A_1124 : i32
      %get3A_1126 = arith.index_cast %add3A_1125 : i32 to index
      %get3A_1127 = arith.constant 64 : index
      %get3A_1128 = tpu.vector_load %arg5[%get3A_1126, %get3A_1127] {strides = array<i32>} : memref<256x128xf32, #tpu.memory_space<vmem>>, vector<1x16xf32>,
      %get3A_1129 = vector.shape_cast %get3A_1128 : vector<1x16xf32> to vector<16xf32>
      %swap3A_1130 = arith.constant 1 : i32
      %swap3A_1131 = arith.index_cast %swap3A_1130 : i32 to index
      %swap3A_1132 = arith.index_cast %add3A_1123 : i32 to index
      %swap3A_1133 = arith.constant 64 : index
      %swap3A_1134 = tpu.vector_load %arg6[%swap3A_1131, %swap3A_1132, %swap3A_1133] {strides = array<i32>} : memref<2x256x128xf32, #tpu.memory_space<vmem>>, vector<1x1x16xf32>,
      %swap3A_1135 = vector.shape_cast %swap3A_1134 : vector<1x1x16xf32> to vector<16xf32>
      %swap3A_1136 = vector.shape_cast %get3A_1129 : vector<16xf32> to vector<1x1x16xf32>
      tpu.vector_store %arg6[%swap3A_1131, %swap3A_1132, %swap3A_1133], %swap3A_1136 {add = true, strides = array<i32>} : memref<2x256x128xf32, #tpu.memory_space<vmem>>, vector<1x1x16xf32>,
      %add3A_1137 = arith.constant 6 : i32
      %add3A_1138 = arith.addi %mul3A_343, %add3A_1137 : i32
      %add3A_1139 = arith.constant 6 : i32
      %add3A_1140 = arith.addi %mul3A_343, %add3A_1139 : i32
      %get3A_1141 = arith.index_cast %add3A_1140 : i32 to index
      %get3A_1142 = arith.constant 80 : index
      %get3A_1143 = tpu.vector_load %arg5[%get3A_1141, %get3A_1142] {strides = array<i32>} : memref<256x128xf32, #tpu.memory_space<vmem>>, vector<1x16xf32>,
      %get3A_1144 = vector.shape_cast %get3A_1143 : vector<1x16xf32> to vector<16xf32>
      %swap3A_1145 = arith.constant 1 : i32
      %swap3A_1146 = arith.index_cast %swap3A_1145 : i32 to index
      %swap3A_1147 = arith.index_cast %add3A_1138 : i32 to index
      %swap3A_1148 = arith.constant 80 : index
      %swap3A_1149 = tpu.vector_load %arg6[%swap3A_1146, %swap3A_1147, %swap3A_1148] {strides = array<i32>} : memref<2x256x128xf32, #tpu.memory_space<vmem>>, vector<1x1x16xf32>,
      %swap3A_1150 = vector.shape_cast %swap3A_1149 : vector<1x1x16xf32> to vector<16xf32>
      %swap3A_1151 = vector.shape_cast %get3A_1144 : vector<16xf32> to vector<1x1x16xf32>
      tpu.vector_store %arg6[%swap3A_1146, %swap3A_1147, %swap3A_1148], %swap3A_1151 {add = true, strides = array<i32>} : memref<2x256x128xf32, #tpu.memory_space<vmem>>, vector<1x1x16xf32>,
      %add3A_1152 = arith.constant 6 : i32
      %add3A_1153 = arith.addi %mul3A_343, %add3A_1152 : i32
      %add3A_1154 = arith.constant 6 : i32
      %add3A_1155 = arith.addi %mul3A_343, %add3A_1154 : i32
      %get3A_1156 = arith.index_cast %add3A_1155 : i32 to index
      %get3A_1157 = arith.constant 96 : index
      %get3A_1158 = tpu.vector_load %arg5[%get3A_1156, %get3A_1157] {strides = array<i32>} : memref<256x128xf32, #tpu.memory_space<vmem>>, vector<1x16xf32>,
      %get3A_1159 = vector.shape_cast %get3A_1158 : vector<1x16xf32> to vector<16xf32>
      %swap3A_1160 = arith.constant 1 : i32
      %swap3A_1161 = arith.index_cast %swap3A_1160 : i32 to index
      %swap3A_1162 = arith.index_cast %add3A_1153 : i32 to index
      %swap3A_1163 = arith.constant 96 : index
      %swap3A_1164 = tpu.vector_load %arg6[%swap3A_1161, %swap3A_1162, %swap3A_1163] {strides = array<i32>} : memref<2x256x128xf32, #tpu.memory_space<vmem>>, vector<1x1x16xf32>,
      %swap3A_1165 = vector.shape_cast %swap3A_1164 : vector<1x1x16xf32> to vector<16xf32>
      %swap3A_1166 = vector.shape_cast %get3A_1159 : vector<16xf32> to vector<1x1x16xf32>
      tpu.vector_store %arg6[%swap3A_1161, %swap3A_1162, %swap3A_1163], %swap3A_1166 {add = true, strides = array<i32>} : memref<2x256x128xf32, #tpu.memory_space<vmem>>, vector<1x1x16xf32>,
      %add3A_1167 = arith.constant 6 : i32
      %add3A_1168 = arith.addi %mul3A_343, %add3A_1167 : i32
      %add3A_1169 = arith.constant 6 : i32
      %add3A_1170 = arith.addi %mul3A_343, %add3A_1169 : i32
      %get3A_1171 = arith.index_cast %add3A_1170 : i32 to index
      %get3A_1172 = arith.constant 112 : index
      %get3A_1173 = tpu.vector_load %arg5[%get3A_1171, %get3A_1172] {strides = array<i32>} : memref<256x128xf32, #tpu.memory_space<vmem>>, vector<1x16xf32>,
      %get3A_1174 = vector.shape_cast %get3A_1173 : vector<1x16xf32> to vector<16xf32>
      %swap3A_1175 = arith.constant 1 : i32
      %swap3A_1176 = arith.index_cast %swap3A_1175 : i32 to index
      %swap3A_1177 = arith.index_cast %add3A_1168 : i32 to index
      %swap3A_1178 = arith.constant 112 : index
      %swap3A_1179 = tpu.vector_load %arg6[%swap3A_1176, %swap3A_1177, %swap3A_1178] {strides = array<i32>} : memref<2x256x128xf32, #tpu.memory_space<vmem>>, vector<1x1x16xf32>,
      %swap3A_1180 = vector.shape_cast %swap3A_1179 : vector<1x1x16xf32> to vector<16xf32>
      %swap3A_1181 = vector.shape_cast %get3A_1174 : vector<16xf32> to vector<1x1x16xf32>
      tpu.vector_store %arg6[%swap3A_1176, %swap3A_1177, %swap3A_1178], %swap3A_1181 {add = true, strides = array<i32>} : memref<2x256x128xf32, #tpu.memory_space<vmem>>, vector<1x1x16xf32>,
      %add3A_1182 = arith.constant 7 : i32
      %add3A_1183 = arith.addi %mul3A_343, %add3A_1182 : i32
      %add3A_1184 = arith.constant 7 : i32
      %add3A_1185 = arith.addi %mul3A_343, %add3A_1184 : i32
      %get3A_1186 = arith.index_cast %add3A_1185 : i32 to index
      %get3A_1187 = arith.constant 0 : index
      %get3A_1188 = tpu.vector_load %arg5[%get3A_1186, %get3A_1187] {strides = array<i32>} : memref<256x128xf32, #tpu.memory_space<vmem>>, vector<1x16xf32>,
      %get3A_1189 = vector.shape_cast %get3A_1188 : vector<1x16xf32> to vector<16xf32>
      %swap3A_1190 = arith.constant 1 : i32
      %swap3A_1191 = arith.index_cast %swap3A_1190 : i32 to index
      %swap3A_1192 = arith.index_cast %add3A_1183 : i32 to index
      %swap3A_1193 = arith.constant 0 : index
      %swap3A_1194 = tpu.vector_load %arg6[%swap3A_1191, %swap3A_1192, %swap3A_1193] {strides = array<i32>} : memref<2x256x128xf32, #tpu.memory_space<vmem>>, vector<1x1x16xf32>,
      %swap3A_1195 = vector.shape_cast %swap3A_1194 : vector<1x1x16xf32> to vector<16xf32>
      %swap3A_1196 = vector.shape_cast %get3A_1189 : vector<16xf32> to vector<1x1x16xf32>
      tpu.vector_store %arg6[%swap3A_1191, %swap3A_1192, %swap3A_1193], %swap3A_1196 {add = true, strides = array<i32>} : memref<2x256x128xf32, #tpu.memory_space<vmem>>, vector<1x1x16xf32>,
      %add3A_1197 = arith.constant 7 : i32
      %add3A_1198 = arith.addi %mul3A_343, %add3A_1197 : i32
      %add3A_1199 = arith.constant 7 : i32
      %add3A_1200 = arith.addi %mul3A_343, %add3A_1199 : i32
      %get3A_1201 = arith.index_cast %add3A_1200 : i32 to index
      %get3A_1202 = arith.constant 16 : index
      %get3A_1203 = tpu.vector_load %arg5[%get3A_1201, %get3A_1202] {strides = array<i32>} : memref<256x128xf32, #tpu.memory_space<vmem>>, vector<1x16xf32>,
      %get3A_1204 = vector.shape_cast %get3A_1203 : vector<1x16xf32> to vector<16xf32>
      %swap3A_1205 = arith.constant 1 : i32
      %swap3A_1206 = arith.index_cast %swap3A_1205 : i32 to index
      %swap3A_1207 = arith.index_cast %add3A_1198 : i32 to index
      %swap3A_1208 = arith.constant 16 : index
      %swap3A_1209 = tpu.vector_load %arg6[%swap3A_1206, %swap3A_1207, %swap3A_1208] {strides = array<i32>} : memref<2x256x128xf32, #tpu.memory_space<vmem>>, vector<1x1x16xf32>,
      %swap3A_1210 = vector.shape_cast %swap3A_1209 : vector<1x1x16xf32> to vector<16xf32>
      %swap3A_1211 = vector.shape_cast %get3A_1204 : vector<16xf32> to vector<1x1x16xf32>
      tpu.vector_store %arg6[%swap3A_1206, %swap3A_1207, %swap3A_1208], %swap3A_1211 {add = true, strides = array<i32>} : memref<2x256x128xf32, #tpu.memory_space<vmem>>, vector<1x1x16xf32>,
      %add3A_1212 = arith.constant 7 : i32
      %add3A_1213 = arith.addi %mul3A_343, %add3A_1212 : i32
      %add3A_1214 = arith.constant 7 : i32
      %add3A_1215 = arith.addi %mul3A_343, %add3A_1214 : i32
      %get3A_1216 = arith.index_cast %add3A_1215 : i32 to index
      %get3A_1217 = arith.constant 32 : index
      %get3A_1218 = tpu.vector_load %arg5[%get3A_1216, %get3A_1217] {strides = array<i32>} : memref<256x128xf32, #tpu.memory_space<vmem>>, vector<1x16xf32>,
      %get3A_1219 = vector.shape_cast %get3A_1218 : vector<1x16xf32> to vector<16xf32>
      %swap3A_1220 = arith.constant 1 : i32
      %swap3A_1221 = arith.index_cast %swap3A_1220 : i32 to index
      %swap3A_1222 = arith.index_cast %add3A_1213 : i32 to index
      %swap3A_1223 = arith.constant 32 : index
      %swap3A_1224 = tpu.vector_load %arg6[%swap3A_1221, %swap3A_1222, %swap3A_1223] {strides = array<i32>} : memref<2x256x128xf32, #tpu.memory_space<vmem>>, vector<1x1x16xf32>,
      %swap3A_1225 = vector.shape_cast %swap3A_1224 : vector<1x1x16xf32> to vector<16xf32>
      %swap3A_1226 = vector.shape_cast %get3A_1219 : vector<16xf32> to vector<1x1x16xf32>
      tpu.vector_store %arg6[%swap3A_1221, %swap3A_1222, %swap3A_1223], %swap3A_1226 {add = true, strides = array<i32>} : memref<2x256x128xf32, #tpu.memory_space<vmem>>, vector<1x1x16xf32>,
      %add3A_1227 = arith.constant 7 : i32
      %add3A_1228 = arith.addi %mul3A_343, %add3A_1227 : i32
      %add3A_1229 = arith.constant 7 : i32
      %add3A_1230 = arith.addi %mul3A_343, %add3A_1229 : i32
      %get3A_1231 = arith.index_cast %add3A_1230 : i32 to index
      %get3A_1232 = arith.constant 48 : index
      %get3A_1233 = tpu.vector_load %arg5[%get3A_1231, %get3A_1232] {strides = array<i32>} : memref<256x128xf32, #tpu.memory_space<vmem>>, vector<1x16xf32>,
      %get3A_1234 = vector.shape_cast %get3A_1233 : vector<1x16xf32> to vector<16xf32>
      %swap3A_1235 = arith.constant 1 : i32
      %swap3A_1236 = arith.index_cast %swap3A_1235 : i32 to index
      %swap3A_1237 = arith.index_cast %add3A_1228 : i32 to index
      %swap3A_1238 = arith.constant 48 : index
      %swap3A_1239 = tpu.vector_load %arg6[%swap3A_1236, %swap3A_1237, %swap3A_1238] {strides = array<i32>} : memref<2x256x128xf32, #tpu.memory_space<vmem>>, vector<1x1x16xf32>,
      %swap3A_1240 = vector.shape_cast %swap3A_1239 : vector<1x1x16xf32> to vector<16xf32>
      %swap3A_1241 = vector.shape_cast %get3A_1234 : vector<16xf32> to vector<1x1x16xf32>
      tpu.vector_store %arg6[%swap3A_1236, %swap3A_1237, %swap3A_1238], %swap3A_1241 {add = true, strides = array<i32>} : memref<2x256x128xf32, #tpu.memory_space<vmem>>, vector<1x1x16xf32>,
      %add3A_1242 = arith.constant 7 : i32
      %add3A_1243 = arith.addi %mul3A_343, %add3A_1242 : i32
      %add3A_1244 = arith.constant 7 : i32
      %add3A_1245 = arith.addi %mul3A_343, %add3A_1244 : i32
      %get3A_1246 = arith.index_cast %add3A_1245 : i32 to index
      %get3A_1247 = arith.constant 64 : index
      %get3A_1248 = tpu.vector_load %arg5[%get3A_1246, %get3A_1247] {strides = array<i32>} : memref<256x128xf32, #tpu.memory_space<vmem>>, vector<1x16xf32>,
      %get3A_1249 = vector.shape_cast %get3A_1248 : vector<1x16xf32> to vector<16xf32>
      %swap3A_1250 = arith.constant 1 : i32
      %swap3A_1251 = arith.index_cast %swap3A_1250 : i32 to index
      %swap3A_1252 = arith.index_cast %add3A_1243 : i32 to index
      %swap3A_1253 = arith.constant 64 : index
      %swap3A_1254 = tpu.vector_load %arg6[%swap3A_1251, %swap3A_1252, %swap3A_1253] {strides = array<i32>} : memref<2x256x128xf32, #tpu.memory_space<vmem>>, vector<1x1x16xf32>,
      %swap3A_1255 = vector.shape_cast %swap3A_1254 : vector<1x1x16xf32> to vector<16xf32>
      %swap3A_1256 = vector.shape_cast %get3A_1249 : vector<16xf32> to vector<1x1x16xf32>
      tpu.vector_store %arg6[%swap3A_1251, %swap3A_1252, %swap3A_1253], %swap3A_1256 {add = true, strides = array<i32>} : memref<2x256x128xf32, #tpu.memory_space<vmem>>, vector<1x1x16xf32>,
      %add3A_1257 = arith.constant 7 : i32
      %add3A_1258 = arith.addi %mul3A_343, %add3A_1257 : i32
      %add3A_1259 = arith.constant 7 : i32
      %add3A_1260 = arith.addi %mul3A_343, %add3A_1259 : i32
      %get3A_1261 = arith.index_cast %add3A_1260 : i32 to index
      %get3A_1262 = arith.constant 80 : index
      %get3A_1263 = tpu.vector_load %arg5[%get3A_1261, %get3A_1262] {strides = array<i32>} : memref<256x128xf32, #tpu.memory_space<vmem>>, vector<1x16xf32>,
      %get3A_1264 = vector.shape_cast %get3A_1263 : vector<1x16xf32> to vector<16xf32>
      %swap3A_1265 = arith.constant 1 : i32
      %swap3A_1266 = arith.index_cast %swap3A_1265 : i32 to index
      %swap3A_1267 = arith.index_cast %add3A_1258 : i32 to index
      %swap3A_1268 = arith.constant 80 : index
      %swap3A_1269 = tpu.vector_load %arg6[%swap3A_1266, %swap3A_1267, %swap3A_1268] {strides = array<i32>} : memref<2x256x128xf32, #tpu.memory_space<vmem>>, vector<1x1x16xf32>,
      %swap3A_1270 = vector.shape_cast %swap3A_1269 : vector<1x1x16xf32> to vector<16xf32>
      %swap3A_1271 = vector.shape_cast %get3A_1264 : vector<16xf32> to vector<1x1x16xf32>
      tpu.vector_store %arg6[%swap3A_1266, %swap3A_1267, %swap3A_1268], %swap3A_1271 {add = true, strides = array<i32>} : memref<2x256x128xf32, #tpu.memory_space<vmem>>, vector<1x1x16xf32>,
      %add3A_1272 = arith.constant 7 : i32
      %add3A_1273 = arith.addi %mul3A_343, %add3A_1272 : i32
      %add3A_1274 = arith.constant 7 : i32
      %add3A_1275 = arith.addi %mul3A_343, %add3A_1274 : i32
      %get3A_1276 = arith.index_cast %add3A_1275 : i32 to index
      %get3A_1277 = arith.constant 96 : index
      %get3A_1278 = tpu.vector_load %arg5[%get3A_1276, %get3A_1277] {strides = array<i32>} : memref<256x128xf32, #tpu.memory_space<vmem>>, vector<1x16xf32>,
      %get3A_1279 = vector.shape_cast %get3A_1278 : vector<1x16xf32> to vector<16xf32>
      %swap3A_1280 = arith.constant 1 : i32
      %swap3A_1281 = arith.index_cast %swap3A_1280 : i32 to index
      %swap3A_1282 = arith.index_cast %add3A_1273 : i32 to index
      %swap3A_1283 = arith.constant 96 : index
      %swap3A_1284 = tpu.vector_load %arg6[%swap3A_1281, %swap3A_1282, %swap3A_1283] {strides = array<i32>} : memref<2x256x128xf32, #tpu.memory_space<vmem>>, vector<1x1x16xf32>,
      %swap3A_1285 = vector.shape_cast %swap3A_1284 : vector<1x1x16xf32> to vector<16xf32>
      %swap3A_1286 = vector.shape_cast %get3A_1279 : vector<16xf32> to vector<1x1x16xf32>
      tpu.vector_store %arg6[%swap3A_1281, %swap3A_1282, %swap3A_1283], %swap3A_1286 {add = true, strides = array<i32>} : memref<2x256x128xf32, #tpu.memory_space<vmem>>, vector<1x1x16xf32>,
      %add3A_1287 = arith.constant 7 : i32
      %add3A_1288 = arith.addi %mul3A_343, %add3A_1287 : i32
      %add3A_1289 = arith.constant 7 : i32
      %add3A_1290 = arith.addi %mul3A_343, %add3A_1289 : i32
      %get3A_1291 = arith.index_cast %add3A_1290 : i32 to index
      %get3A_1292 = arith.constant 112 : index
      %get3A_1293 = tpu.vector_load %arg5[%get3A_1291, %get3A_1292] {strides = array<i32>} : memref<256x128xf32, #tpu.memory_space<vmem>>, vector<1x16xf32>,
      %get3A_1294 = vector.shape_cast %get3A_1293 : vector<1x16xf32> to vector<16xf32>
      %swap3A_1295 = arith.constant 1 : i32
      %swap3A_1296 = arith.index_cast %swap3A_1295 : i32 to index
      %swap3A_1297 = arith.index_cast %add3A_1288 : i32 to index
      %swap3A_1298 = arith.constant 112 : index
      %swap3A_1299 = tpu.vector_load %arg6[%swap3A_1296, %swap3A_1297, %swap3A_1298] {strides = array<i32>} : memref<2x256x128xf32, #tpu.memory_space<vmem>>, vector<1x1x16xf32>,
      %swap3A_1300 = vector.shape_cast %swap3A_1299 : vector<1x1x16xf32> to vector<16xf32>
      %swap3A_1301 = vector.shape_cast %get3A_1294 : vector<16xf32> to vector<1x1x16xf32>
      tpu.vector_store %arg6[%swap3A_1296, %swap3A_1297, %swap3A_1298], %swap3A_1301 {add = true, strides = array<i32>} : memref<2x256x128xf32, #tpu.memory_space<vmem>>, vector<1x1x16xf32>,
      %scan3A_1302 = arith.constant 0 : i32
      scf.yield %scan3A_1302 : i32
    }
    %scan3A_282 = arith.constant 32 : i32
    %dma_start3A_283 = arith.constant 1 : i32
    %dma_start3A_284 = arith.constant 3 : i32
    %dma_start3A_285 = arith.constant 1 : i32
    %dma_start3A_286 = arith.constant 0 : i32
    %dma_start3A_287 = arith.constant 0 : i32
    %dma_start3A_288 = tpu.memref_slice %arg6[%dma_start3A_283, %dma_start3A_286, %dma_start3A_287] : memref<2x256x128xf32, #tpu.memory_space<vmem>> -> memref<1x256x128xf32, #tpu.memory_space<vmem>>
    %dma_start3A_289 = tpu.memref_squeeze %dma_start3A_288 : memref<1x256x128xf32, #tpu.memory_space<vmem>> -> memref<256x128xf32, #tpu.memory_space<vmem>>
    %dma_start3A_290 = arith.constant 0 : i32
    %dma_start3A_291 = tpu.memref_slice %arg4[%dma_start3A_284, %mul3A_2, %dma_start3A_290] : memref<4x8192x128xf32, #tpu.memory_space<hbm>> -> memref<1x256x128xf32, #tpu.memory_space<hbm>>
    %dma_start3A_292 = tpu.memref_squeeze %dma_start3A_291 : memref<1x256x128xf32, #tpu.memory_space<hbm>> -> memref<256x128xf32, #tpu.memory_space<hbm>>
    %dma_start3A_293 = tpu.memref_slice %arg9[%dma_start3A_285] : memref<2x!tpu.dma_semaphore, #tpu.memory_space<semaphore_mem>> -> memref<1x!tpu.dma_semaphore, #tpu.memory_space<semaphore_mem>>
    %dma_start3A_294 = tpu.memref_squeeze %dma_start3A_293 : memref<1x!tpu.dma_semaphore, #tpu.memory_space<semaphore_mem>> -> memref<!tpu.dma_semaphore, #tpu.memory_space<semaphore_mem>>
    %dma_start3A_295 = arith.constant 0 : i32
    %dma_start3A_296 = tpu.memref_slice %arg4[%dma_start3A_284, %mul3A_2, %dma_start3A_295] : memref<4x8192x128xf32, #tpu.memory_space<hbm>> -> memref<1x256x128xf32, #tpu.memory_space<hbm>>
    %dma_start3A_297 = tpu.memref_squeeze %dma_start3A_296 : memref<1x256x128xf32, #tpu.memory_space<hbm>> -> memref<256x128xf32, #tpu.memory_space<hbm>>
    %dma_start3A_298 = arith.constant 0 : i32
    %dma_start3A_299 = arith.constant 0 : i32
    %dma_start3A_300 = tpu.memref_slice %arg6[%dma_start3A_283, %dma_start3A_298, %dma_start3A_299] : memref<2x256x128xf32, #tpu.memory_space<vmem>> -> memref<1x256x128xf32, #tpu.memory_space<vmem>>
    %dma_start3A_301 = tpu.memref_squeeze %dma_start3A_300 : memref<1x256x128xf32, #tpu.memory_space<vmem>> -> memref<256x128xf32, #tpu.memory_space<vmem>>
    tpu.enqueue_dma source(%dma_start3A_301 : memref<256x128xf32, #tpu.memory_space<vmem>>) target(%dma_start3A_297 : memref<256x128xf32, #tpu.memory_space<hbm>>) target_semaphore(%dma_start3A_294 : memref<!tpu.dma_semaphore, #tpu.memory_space<semaphore_mem>>)
    %dma_wait3A_302 = arith.constant 0 : i32
    %dma_wait3A_303 = arith.constant 2 : i32
    %dma_wait3A_304 = arith.constant 0 : i32
    %dma_wait3A_305 = arith.constant 0 : i32
    %dma_wait3A_306 = arith.constant 0 : i32
    %dma_wait3A_307 = tpu.memref_slice %arg6[%dma_wait3A_302, %dma_wait3A_305, %dma_wait3A_306] : memref<2x256x128xf32, #tpu.memory_space<vmem>> -> memref<1x256x128xf32, #tpu.memory_space<vmem>>
    %dma_wait3A_308 = tpu.memref_squeeze %dma_wait3A_307 : memref<1x256x128xf32, #tpu.memory_space<vmem>> -> memref<256x128xf32, #tpu.memory_space<vmem>>
    %dma_wait3A_309 = arith.constant 0 : i32
    %dma_wait3A_310 = tpu.memref_slice %arg4[%dma_wait3A_303, %mul3A_2, %dma_wait3A_309] : memref<4x8192x128xf32, #tpu.memory_space<hbm>> -> memref<1x256x128xf32, #tpu.memory_space<hbm>>
    %dma_wait3A_311 = tpu.memref_squeeze %dma_wait3A_310 : memref<1x256x128xf32, #tpu.memory_space<hbm>> -> memref<256x128xf32, #tpu.memory_space<hbm>>
    %dma_wait3A_312 = tpu.memref_slice %arg9[%dma_wait3A_304] : memref<2x!tpu.dma_semaphore, #tpu.memory_space<semaphore_mem>> -> memref<1x!tpu.dma_semaphore, #tpu.memory_space<semaphore_mem>>
    %dma_wait3A_313 = tpu.memref_squeeze %dma_wait3A_312 : memref<1x!tpu.dma_semaphore, #tpu.memory_space<semaphore_mem>> -> memref<!tpu.dma_semaphore, #tpu.memory_space<semaphore_mem>>
    %dma_wait3A_314 = arith.constant 0 : i32
    %dma_wait3A_315 = tpu.memref_slice %arg4[%dma_wait3A_303, %mul3A_2, %dma_wait3A_314] : memref<4x8192x128xf32, #tpu.memory_space<hbm>> -> memref<1x256x128xf32, #tpu.memory_space<hbm>>
    %dma_wait3A_316 = tpu.memref_squeeze %dma_wait3A_315 : memref<1x256x128xf32, #tpu.memory_space<hbm>> -> memref<256x128xf32, #tpu.memory_space<hbm>>
    %dma_wait3A_317 = arith.constant 0 : i32
    %dma_wait3A_318 = arith.constant 0 : i32
    %dma_wait3A_319 = tpu.memref_slice %arg6[%dma_wait3A_302, %dma_wait3A_317, %dma_wait3A_318] : memref<2x256x128xf32, #tpu.memory_space<vmem>> -> memref<1x256x128xf32, #tpu.memory_space<vmem>>
    %dma_wait3A_320 = tpu.memref_squeeze %dma_wait3A_319 : memref<1x256x128xf32, #tpu.memory_space<vmem>> -> memref<256x128xf32, #tpu.memory_space<vmem>>
    tpu.wait_dma2 semaphore(%dma_wait3A_313 : memref<!tpu.dma_semaphore, #tpu.memory_space<semaphore_mem>>) src(%dma_wait3A_320 : memref<256x128xf32, #tpu.memory_space<vmem>>) dst(%dma_wait3A_316 : memref<256x128xf32, #tpu.memory_space<hbm>>)
    %dma_wait3A_321 = arith.constant 1 : i32
    %dma_wait3A_322 = arith.constant 3 : i32
    %dma_wait3A_323 = arith.constant 1 : i32
    %dma_wait3A_324 = arith.constant 0 : i32
    %dma_wait3A_325 = arith.constant 0 : i32
    %dma_wait3A_326 = tpu.memref_slice %arg6[%dma_wait3A_321, %dma_wait3A_324, %dma_wait3A_325] : memref<2x256x128xf32, #tpu.memory_space<vmem>> -> memref<1x256x128xf32, #tpu.memory_space<vmem>>
    %dma_wait3A_327 = tpu.memref_squeeze %dma_wait3A_326 : memref<1x256x128xf32, #tpu.memory_space<vmem>> -> memref<256x128xf32, #tpu.memory_space<vmem>>
    %dma_wait3A_328 = arith.constant 0 : i32
    %dma_wait3A_329 = tpu.memref_slice %arg4[%dma_wait3A_322, %mul3A_2, %dma_wait3A_328] : memref<4x8192x128xf32, #tpu.memory_space<hbm>> -> memref<1x256x128xf32, #tpu.memory_space<hbm>>
    %dma_wait3A_330 = tpu.memref_squeeze %dma_wait3A_329 : memref<1x256x128xf32, #tpu.memory_space<hbm>> -> memref<256x128xf32, #tpu.memory_space<hbm>>
    %dma_wait3A_331 = tpu.memref_slice %arg9[%dma_wait3A_323] : memref<2x!tpu.dma_semaphore, #tpu.memory_space<semaphore_mem>> -> memref<1x!tpu.dma_semaphore, #tpu.memory_space<semaphore_mem>>
    %dma_wait3A_332 = tpu.memref_squeeze %dma_wait3A_331 : memref<1x!tpu.dma_semaphore, #tpu.memory_space<semaphore_mem>> -> memref<!tpu.dma_semaphore, #tpu.memory_space<semaphore_mem>>
    %dma_wait3A_333 = arith.constant 0 : i32
    %dma_wait3A_334 = tpu.memref_slice %arg4[%dma_wait3A_322, %mul3A_2, %dma_wait3A_333] : memref<4x8192x128xf32, #tpu.memory_space<hbm>> -> memref<1x256x128xf32, #tpu.memory_space<hbm>>
    %dma_wait3A_335 = tpu.memref_squeeze %dma_wait3A_334 : memref<1x256x128xf32, #tpu.memory_space<hbm>> -> memref<256x128xf32, #tpu.memory_space<hbm>>
    %dma_wait3A_336 = arith.constant 0 : i32
    %dma_wait3A_337 = arith.constant 0 : i32
    %dma_wait3A_338 = tpu.memref_slice %arg6[%dma_wait3A_321, %dma_wait3A_336, %dma_wait3A_337] : memref<2x256x128xf32, #tpu.memory_space<vmem>> -> memref<1x256x128xf32, #tpu.memory_space<vmem>>
    %dma_wait3A_339 = tpu.memref_squeeze %dma_wait3A_338 : memref<1x256x128xf32, #tpu.memory_space<vmem>> -> memref<256x128xf32, #tpu.memory_space<vmem>>
    tpu.wait_dma2 semaphore(%dma_wait3A_332 : memref<!tpu.dma_semaphore, #tpu.memory_space<semaphore_mem>>) src(%dma_wait3A_339 : memref<256x128xf32, #tpu.memory_space<vmem>>) dst(%dma_wait3A_335 : memref<256x128xf32, #tpu.memory_space<hbm>>)
    return
  }
}

</mosaic_0001>

<sc_bundles>
// kernel: kernel.3.cloned.1.call-start
scs
__scs_entry_jumppad:
0x0: {  	(pc) =	sbr.rel $0x88, $3  }
0x1: {  	(tag) =	ssettag $0x0;
	lr =	simm.s32 $0x1  }
0x2: {  	[smem:$0x3F9F] =	sst lr;
	_ =	strace $0xD0000000  }
0x3: {  	_ = 	snop  }
0x4: {  	_ = 	snop  }
0x5: {  	_ = 	snop  }
0x6: {  	_ = 	snop  }
0x7: {  	_ = 	snop  }
__scs_overlays_trampoline_lowered:
0x8: {  	[smem:$0x3FAE] =	sst s0  }
0x9: {  	[smem:$0x3FAF] =	sst s1  }
0xa: {  	[smem:$0x3FB0] =	sst s2  }
0xb: {  	[smem:$0x3FB1] =	sst s3  }
0xc: {  	[smem:$0x3FB2] =	sst s4  }
0xd: {  	[smem:$0x3FB3] =	sst s5  }
0xe: {  	[smem:$0x3FB4] =	sst s6  }
0xf: {  	[smem:$0x3FB5] =	sst s7  }
0x10: {  	[smem:$0x3FB6] =	sst s8  }
0x11: {  	[smem:$0x3FB7] =	sst s9;
	s0 =	simm.s32 @!p0 $0x0  }
0x12: {  	s1 =	sld [smem:$0x3F9D];
	s0 =	simm.s32 @p0 $0x1  }
0x13: {  	[smem:$0x3FB8] =	sst s0;
	s0 =	simm.s32 @!p1 $0x0  }
0x14: {  	s2 =	sld [smem:$0x3F9C];
	s0 =	simm.s32 @p1 $0x1  }
0x15: {  	[smem:$0x3FB9] =	sst s0;
	s0 =	simm.s32 @!p2 $0x0  }
0x16: {  	s3 =	sld [smem:$0x3FDB];
	s0 =	simm.s32 @p2 $0x1  }
0x17: {  	s4 =	simm.s32 $0x1BF5;
	[smem:$0x3FBB] =	sst s0  }
0x18: {  	s0 =	sld [smem:$0x3F9E];
	_ =	swait.ge [sflag:s4], $0x0  }
0x19: {  	s7 =	sld [smem:$0x3F9F]  }
0x1a: {  	s8 =	sadd.s32 $0xFFFFE003, lr  }
0x1b: {  	s9 =	sadd.s32 $0xFFFFFEF7, lr;
	s5 =	simm.s32 $0xFFFFFFFF;
	p2 =	slt.u32 s8, $0xFFFFF086  }
0x1c: {  	p1 =	slt.u32 s9, $0xF7A;
	s5 =	simm.s32 @!p2 $0x0  }
0x1d: {  	s5 =	simm.s32 @p1 $0x1;
	p0 =	seq.s32 s7, s2  }
0x1e: {  	s7 =	smul.u32 @!p0 $0xF7A, s2;
	p2 =	seq.s32 @!p0 s5, $0x0  }
0x1f: {  	s9 =	smul.u32 $0xF7A, s1;
	s8 =	simm.s32 @!p0 $0x1BF5;
	p2 =	por !p2, p0  }
0x20: {  	[sflag:s8] =	ssyncset.s32 @!p0 $0xFFFFF086;
	s6 =	sadd.s32 @!p0 s3, s7;
	s7 =	simm.s32 @!p0 $0x108  }
0x21: {  	s3 =	sadd.s32 s3, s9;
	s6 =	sadd.s32 @!p0 $0x88, s6;
	s7 =	simm.s32 @p2 $0x1082  }
0x22: {  	[simem:s7], [sflag:s8] =	dma.local @!p0 [hbm:s6], $0xF7A  }
0x23: {  	s9 =	sor.u32 $0xD0000000, s2;
	s6 =	simm.s32 $0x108;
	_ =	swait.ge @!p0 [sflag:s8], $0x0  }
0x24: {  	s3 =	sadd.s32 $0x88, s3;
	s6 =	simm.s32 @!p1 $0x1082;
	[sflag:s4] =	ssyncset.s32 $0xFFFFF086  }
0x25: {  	[simem:s6], [sflag:s4] =	dma.local [hbm:s3], $0xF7A  }
0x26: {  	[smem:$0x3F9F] =	sst s1;
	(tag) =	ssettag s2;
	_ =	strace s9  }
0x27: {  	s1 =	sld [smem:$0x3FAF]  }
0x28: {  	s2 =	sld [smem:$0x3FB0]  }
0x29: {  	s4 =	sld [smem:$0x3FB2]  }
0x2a: {  	p0 =	seq.s32 s5, $0x0;
	s5 =	sld [smem:$0x3FB3]  }
0x2b: {  	s6 =	sld [smem:$0x3FB4]  }
0x2c: {  	s7 =	sld [smem:$0x3FB5]  }
0x2d: {  	s3 =	simm.s32 $0x108;
	s8 =	sld [smem:$0x3FB6]  }
0x2e: {  	s3 =	simm.s32 @!p0 $0x1082;
	s9 =	sld [smem:$0x3FB7]  }
0x2f: {  	lr =	sadd.s32 s0, s3;
	s0 =	sld [smem:$0x3FAE]  }
0x30: {  	s3 =	sld [smem:$0x3FB1]  }
0x31: {  	[smem:$0x3FBA] =	sst s10  }
0x32: {  	s10 =	sld [smem:$0x3FB8];
	_ =	sdelay $0x3  }
0x33: {  	p0 =	seq.s32 s10, $0x1;
	s10 =	sld [smem:$0x3FBA];
	_ =	sdelay $0x3  }
0x34: {  	[smem:$0x3FBA] =	sst s10  }
0x35: {  	s10 =	sld [smem:$0x3FB9];
	_ =	sdelay $0x3  }
0x36: {  	p1 =	seq.s32 s10, $0x1;
	s10 =	sld [smem:$0x3FBA];
	_ =	sdelay $0x3  }
0x37: {  	[smem:$0x3FBA] =	sst s10  }
0x38: {  	s10 =	sld [smem:$0x3FBB]  }
0x39: {  	_ = 	snop;
	(pc) =	sbr.ind lr, $3  }
0x3a: {  	_ = 	snop  }
0x3b: {  	_ = 	snop  }
0x3c: {  	p2 =	seq.s32 s10, $0x1;
	s10 =	sld [smem:$0x3FBA]  }
0x3d: {  	_ =	shalt  }
0x3e: {  	_ =	shalt  }
0x3f: {  	_ =	shalt  }
0x40: {  	_ =	shalt  }
0x41: {  	_ =	shalt  }
0x42: {  	_ =	shalt  }
0x43: {  	_ =	shalt  }
0x44: {  	_ =	shalt  }
0x45: {  	_ =	shalt  }
0x46: {  	_ =	shalt  }
0x47: {  	_ =	shalt  }
0x48: {  	_ =	shalt  }
0x49: {  	_ =	shalt  }
0x4a: {  	_ =	shalt  }
0x4b: {  	_ =	shalt  }
0x4c: {  	_ =	shalt  }
0x4d: {  	_ =	shalt  }
0x4e: {  	_ =	shalt  }
0x4f: {  	_ =	shalt  }
0x50: {  	_ =	shalt  }
0x51: {  	_ =	shalt  }
0x52: {  	_ =	shalt  }
0x53: {  	_ =	shalt  }
0x54: {  	_ =	shalt  }
0x55: {  	_ =	shalt  }
0x56: {  	_ =	shalt  }
0x57: {  	_ =	shalt  }
0x58: {  	_ =	shalt  }
0x59: {  	_ =	shalt  }
0x5a: {  	_ =	shalt  }
0x5b: {  	_ =	shalt  }
0x5c: {  	_ =	shalt  }
0x5d: {  	_ =	shalt  }
0x5e: {  	_ =	shalt  }
0x5f: {  	_ =	shalt  }
0x60: {  	_ =	shalt  }
0x61: {  	_ =	shalt  }
0x62: {  	_ =	shalt  }
0x63: {  	_ =	shalt  }
0x64: {  	_ =	shalt  }
0x65: {  	_ =	shalt  }
0x66: {  	_ =	shalt  }
0x67: {  	_ =	shalt  }
0x68: {  	_ =	shalt  }
0x69: {  	_ =	shalt  }
0x6a: {  	_ =	shalt  }
0x6b: {  	_ =	shalt  }
0x6c: {  	_ =	shalt  }
0x6d: {  	_ =	shalt  }
0x6e: {  	_ =	shalt  }
0x6f: {  	_ =	shalt  }
0x70: {  	_ =	shalt  }
0x71: {  	_ =	shalt  }
0x72: {  	_ =	shalt  }
0x73: {  	_ =	shalt  }
0x74: {  	_ =	shalt  }
0x75: {  	_ =	shalt  }
0x76: {  	_ =	shalt  }
0x77: {  	_ =	shalt  }
0x78: {  	_ =	shalt  }
0x79: {  	_ =	shalt  }
0x7a: {  	_ =	shalt  }
0x7b: {  	_ =	shalt  }
0x7c: {  	_ =	shalt  }
0x7d: {  	_ =	shalt  }
0x7e: {  	_ =	shalt  }
0x7f: {  	_ =	shalt  }
0x80: {  	_ =	shalt  }
0x81: {  	_ =	shalt  }
0x82: {  	_ =	shalt  }
0x83: {  	_ =	shalt  }
0x84: {  	_ =	shalt  }
0x85: {  	_ =	shalt  }
0x86: {  	_ =	shalt  }
0x87: {  	_ =	shalt  }
.Lfunc_end0:
.L_simem_size_0:
called_computation_lowered:
.L_overlay_start_0:
0x88: {  	s2 =	sld [smem:$0x3FD9]  }
0x89: {  	s3 =	sld [smem:$0x3FFE];
	_ =	sdelay $0x1  }
0x8a: {  	s1 =	srdreg.scid  }
0x8b: {  	s0 =	sand.u32 $0x1, s1  }
0x8c: {  	s18 =	sshll.u32 s0, $0xA;
	s2 =	sadd.s32 s3, s2  }
0x8d: {  	s2 =	sadd.s32 s2, s18  }
0x8e: {  	[smem:$0x3FC6] =	sst s2  }
0x8f: {  	_ = 	snop  }
0x90: {  	s2 =	sld [smem:$0x3FC9]  }
0x91: {  	s19 =	sld [smem:$0x3FC8]  }
0x92: {  	s4 =	sld [smem:$0x3FD0];
	(tm) =	ssettm $0x1  }
0x93: {  	s5 =	sld [smem:$0x3FFB];
	_ =	sdelay $0x3  }
0x94: {  	_ =	strace s5  }
0x95: {  	s5 =	sld [smem:$0x3FFC];
	_ =	sdelay $0x3  }
0x96: {  	_ =	strace s5  }
0x97: {  	s5 =	sld [smem:$0x3FFD];
	_ =	sdelay $0x3  }
0x98: {  	_ =	strace s5  }
0x99: {  	_ =	strace $0x8FFFFFFF  }
0x9a: {  	s20 =	sld [smem:$0x3FDB];
	_ =	sdelay $0x1  }
0x9b: {  	s6 =	simm.s32 $_scs_section_size  }
0x9c: {  	s7 =	simm.s32 $_size__tile_overlayer_lowered;
	s8 =	simm.s32 $_tile_overlayer_lowered  }
0x9d: {  	s23 =	simm.s32 $0x1BFF;
	s22 =	sshll.u32 s8, $0x1;
	s5 =	sadd.s32 s6, s20  }
0x9e: {  	s9 =	simm.s32 $0x0;
	s21 =	sshll.u32 s7, $0x1;
	s7 =	sadd.s32 s22, s5  }
0x9f: {  	[timem:s9], [sflag:s23] =	dma.local [hbm:s7], s21  }
0xa0: {  	_ =	swait.ge [sflag:s23], s21  }
0xa1: {  	s6 =	ssub.s32 $0x0, s21;
	[sflag:s23] =	ssyncset.done $0x0  }
0xa2: {  	[sflag:s23] =	ssyncadd.s32 s6;
	_ =	sdelay $0x1  }
0xa3: {  	s24 =	simm.s32 $0x1B8B  }
0xa4: {  	_ =	swait.ge [sflag:s24], $0x1  }
0xa5: {  	[sflag:s24] =	ssyncset.done $0x0  }
0xa6: {  	s25 =	simm.s32 $0x1B8E;
	[sflag:s24] =	ssyncadd.s32 $0xFFFFFFFF  }
0xa7: {  	s26 =	simm.s32 $execute0_lowered;
	[smem:$0x3FD2] =	sst s25  }
0xa8: {  	s6 =	sshll.u32 s26, $0x1;
	_ =	strace $0x80000046;
	[dreg:$0x1] =	wrdreg $0xFFFFFFFF  }
0xa9: {  	s28 =	simm.s32 $_size_execute0_lowered;
	s5 =	sadd.s32 s5, s6;
	[dreg:$0x0] =	wrdreg $0x0  }
0xaa: {  	s6 =	sshll.u32 s28, $0x1;
	[dreg:$0x2] =	wrdreg s5  }
0xab: {  	[dreg:$0x3] =	wrdreg s6  }
0xac: {  	[dreg:$0x4] =	wrdreg $0xC0  }
0xad: {  	_ =	task [dreg:s9], $0x5FFFF  }
0xae: {  	[dreg:$0x1] =	wrdreg $0xFFFFFFFF  }
0xaf: {  	[dreg:$0x0] =	wrdreg $0x60  }
0xb0: {  	[dreg:$0x2] =	wrdreg s2  }
0xb1: {  	[dreg:$0x3] =	wrdreg s19  }
0xb2: {  	[dreg:$0x4] =	wrdreg s4  }
0xb3: {  	[dreg:$0x5] =	wrdreg $0x9  }
0xb4: {  	_ =	task.clear_ibuf [dreg:s9], $0x6FFFF;
	_ =	strace $0x90000046  }
0xb5: {  	s29 =	simm.s32 $0x9;
	_ =	strace $0x80000048  }
0xb6: {  	_ =	swait.ge [sflag:s29], $0x1  }
0xb7: {  	[sflag:s29] =	ssyncadd.s32 $0xFFFFFFFF  }
0xb8: {  	_ =	strace $0x90000048  }
0xb9: {  	_ =	sfence  }
0xba: {  	s30 =	sld [smem:$0x0];
	_ =	sdelay $0x2  }
0xbb: {  	s31 =	sshll.u32 s1, $0xD;
	s1 =	sshrl.u32 s1, $0x2  }
0xbc: {  	s3 =	sand.u32 $0x4000, s31;
	s1 =	sadd.s32 s1, s30  }
0xbd: {  	s0 =	sor.u32 s3, s0;
	s1 =	sshll.u32 s1, $0x11  }
0xbe: {  	s0 =	sor.u32 s1, s0  }
0xbf: {  	s0 =	sadd.s32 $0x8F2B, s0  }
0xc0: {  	[sflag:s0] =	ssyncadd.remote.s32 $0x1  }
0xc1: {  	_ =	sfence.sel $0xFFFF  }
0xc2: {  	[dreg:$0x0] =	wrdreg $0xFFFFFFFF;
	(pc) =	sbr.abs _section_cstart, $3  }
0xc3: {  	[dreg:$0x1] =	wrdreg $0xFFFFFFFF  }
0xc4: {  	_ =	task.clear_ibuf [dreg:s9], $0x2FFFF;
	_ =	strace $0x9FFFFFFF  }
0xc5: {  	(tm) =	ssettm $0x7FFFFFFF  }
tec
execute0_lowered:
.L_overlay_start_1:
0x0: {  	(tag) =	ssettag $0x1  }
0x1: {  	s9 =	rddreg [dreg:$0x0]  }
0x2: {  	s3 =	rddreg [dreg:$0x1]  }
0x3: {  	s11 =	rddreg [dreg:$0x2];
	s1 =	srdreg.scid  }
0x4: {  	s0 =	rddreg [dreg:$0x3];
	s2 =	simm.s32 $0x0;
	s15 =	simm.s32 $0x10000  }
0x5: {  	s16 =	simm.s32 $0x2;
	s17 =	simm.s32 $0x4;
	s18 =	simm.s32 $0x3  }
0x6: {  	s19 =	simm.s32 $0x5;
	s20 =	simm.s32 $0x0;
	s4 =	sand.u32 $0x1, s1  }
0x7: {  	[smem:$0x7FF] =	sst s2;
	s1 =	stileid.u32;
	s5 =	ssub.s32 $0x2, s4  }
0x8: {  	s7 =	sshll.u32 s1, $0xD;
	s4 =	sshll.u32 s4, $0xC;
	s6 =	sshrl.u32 s5, $0x1  }
0x9: {  	_ =	strace $0x80000047;
	s10 =	sor.u32 s4, s7;
	s12 =	ssub.s32 s5, s6  }
0xa: {  	s3 =	sadd.s32 s3, s10;
	s4 =	sadd.s32 s9, s10;
	s8 =	sor.u32 $0x20000, s10  }
0xb: {  	s6 =	sadd.s32 s11, s10;
	s13 =	sor.u32 $0x40000, s10;
	s14 =	sor.u32 $0x60000, s10  }
0xc: {  	s5 =	sadd.s32 s9, s8;
	s7 =	sadd.s32 s9, s13;
	s8 =	sadd.s32 s11, s8  }
0xd: {  	s9 =	sadd.s32 s9, s14;
	s10 =	sadd.s32 s11, s13;
	s11 =	sadd.s32 s11, s14  }
0xe: {  	s12 =	smax.u32 s12, $0x1;
	s13 =	simm.s32 $0x8000;
	s14 =	simm.s32 $0x1  }
.LBB2_1:
0xf: {  	[tilespmem:s2], [sflag:$0x1] =	stream.linear.gather [hbm4b:s3+s2], $0x8000, $0x38;
	[tilespmem:$0x18000] =	vst v63  }
0x10: {  	_ = 	snop  }
0x11: {  	[tilespmem:s13], [sflag:$0x2] =	stream.linear.gather [hbm4b:s4+s2], $0x8000, $0x38;
	[tilespmem:$0x18000] =	vst v63  }
0x12: {  	_ =	swait.ge [sflag:s14], $0x8000  }
0x13: {  	[sflag:s14] =	ssyncset.done $0x0  }
0x14: {  	[sflag:s14] =	ssyncadd.s32 $0xFFFF8000  }
0x15: {  	[tilespmem:s15], [sflag:$0x3] =	stream.linear.gather [hbm4b:s5+s2], $0x8000, $0x38;
	[tilespmem:$0x18000] =	vst v63  }
0x16: {  	_ =	swait.ge [sflag:s16], $0x8000  }
0x17: {  	[sflag:s16] =	ssyncset.done $0x0  }
0x18: {  	s21 =	simm.s32 $0x0;
	s22 =	simm.s32 $0x1000;
	[sflag:s16] =	ssyncadd.s32 $0xFFFF8000  }
.LBB2_2:
0x19: {  	p0 =	sne.s32 s22, $0x1F000;
	v0 =	vld [tilespmem:s21+$0x3F0]  }
0x1a: {  	v1 =	vld [tilespmem:s21+$0x0]  }
0x1b: {  	v2 =	vld [tilespmem:s21+$0x10]  }
0x1c: {  	v3 =	vld [tilespmem:s21+$0x20]  }
0x1d: {  	v4 =	vld [tilespmem:s21+$0x30]  }
0x1e: {  	[tilespmem:s21+$0x83F0] =	vst.add.f32.msk $0xffff, v0  }
0x1f: {  	v0 =	vld [tilespmem:s21+$0x40]  }
0x20: {  	v5 =	vld [tilespmem:s21+$0x50]  }
0x21: {  	v6 =	vld [tilespmem:s21+$0x60]  }
0x22: {  	v7 =	vld [tilespmem:s21+$0x70]  }
0x23: {  	v8 =	vld [tilespmem:s21+$0x80]  }
0x24: {  	v9 =	vld [tilespmem:s21+$0x90]  }
0x25: {  	v10 =	vld [tilespmem:s21+$0xA0]  }
0x26: {  	v11 =	vld [tilespmem:s21+$0xB0]  }
0x27: {  	v12 =	vld [tilespmem:s21+$0xC0]  }
0x28: {  	v13 =	vld [tilespmem:s21+$0xD0]  }
0x29: {  	v14 =	vld [tilespmem:s21+$0xE0]  }
0x2a: {  	v15 =	vld [tilespmem:s21+$0xF0]  }
0x2b: {  	v16 =	vld [tilespmem:s21+$0x100]  }
0x2c: {  	v17 =	vld [tilespmem:s21+$0x110]  }
0x2d: {  	v18 =	vld [tilespmem:s21+$0x120]  }
0x2e: {  	v19 =	vld [tilespmem:s21+$0x130]  }
0x2f: {  	v20 =	vld [tilespmem:s21+$0x140]  }
0x30: {  	v21 =	vld [tilespmem:s21+$0x150]  }
0x31: {  	v22 =	vld [tilespmem:s21+$0x160]  }
0x32: {  	v23 =	vld [tilespmem:s21+$0x170]  }
0x33: {  	v24 =	vld [tilespmem:s21+$0x180]  }
0x34: {  	v25 =	vld [tilespmem:s21+$0x190]  }
0x35: {  	v26 =	vld [tilespmem:s21+$0x1A0]  }
0x36: {  	v27 =	vld [tilespmem:s21+$0x1B0]  }
0x37: {  	v28 =	vld [tilespmem:s21+$0x1C0]  }
0x38: {  	v29 =	vld [tilespmem:s21+$0x1D0]  }
0x39: {  	v30 =	vld [tilespmem:s21+$0x1E0]  }
0x3a: {  	v31 =	vld [tilespmem:s21+$0x1F0]  }
0x3b: {  	v32 =	vld [tilespmem:s21+$0x200]  }
0x3c: {  	v33 =	vld [tilespmem:s21+$0x210]  }
0x3d: {  	v34 =	vld [tilespmem:s21+$0x220]  }
0x3e: {  	v35 =	vld [tilespmem:s21+$0x230]  }
0x3f: {  	v36 =	vld [tilespmem:s21+$0x240]  }
0x40: {  	v37 =	vld [tilespmem:s21+$0x250]  }
0x41: {  	v38 =	vld [tilespmem:s21+$0x260]  }
0x42: {  	v39 =	vld [tilespmem:s21+$0x270]  }
0x43: {  	v40 =	vld [tilespmem:s21+$0x280]  }
0x44: {  	v41 =	vld [tilespmem:s21+$0x290]  }
0x45: {  	v42 =	vld [tilespmem:s21+$0x2A0]  }
0x46: {  	v43 =	vld [tilespmem:s21+$0x2B0]  }
0x47: {  	v44 =	vld [tilespmem:s21+$0x2C0]  }
0x48: {  	v45 =	vld [tilespmem:s21+$0x2D0]  }
0x49: {  	v46 =	vld [tilespmem:s21+$0x2E0]  }
0x4a: {  	v47 =	vld [tilespmem:s21+$0x2F0]  }
0x4b: {  	v48 =	vld [tilespmem:s21+$0x300]  }
0x4c: {  	v49 =	vld [tilespmem:s21+$0x310]  }
0x4d: {  	v50 =	vld [tilespmem:s21+$0x320]  }
0x4e: {  	v51 =	vld [tilespmem:s21+$0x330]  }
0x4f: {  	v52 =	vld [tilespmem:s21+$0x340]  }
0x50: {  	v53 =	vld [tilespmem:s21+$0x350]  }
0x51: {  	v54 =	vld [tilespmem:s21+$0x360]  }
0x52: {  	v55 =	vld [tilespmem:s21+$0x370]  }
0x53: {  	v56 =	vld [tilespmem:s21+$0x380]  }
0x54: {  	v57 =	vld [tilespmem:s21+$0x390]  }
0x55: {  	v58 =	vld [tilespmem:s21+$0x3A0]  }
0x56: {  	v59 =	vld [tilespmem:s21+$0x3B0]  }
0x57: {  	v60 =	vld [tilespmem:s21+$0x3C0]  }
0x58: {  	v61 =	vld [tilespmem:s21+$0x3D0]  }
0x59: {  	v62 =	vld [tilespmem:s21+$0x3E0]  }
0x5a: {  	[tilespmem:s21+$0x8000] =	vst.add.f32.msk $0xffff, v1  }
0x5b: {  	[tilespmem:s21+$0x8010] =	vst.add.f32.msk $0xffff, v2  }
0x5c: {  	[tilespmem:s21+$0x8020] =	vst.add.f32.msk $0xffff, v3  }
0x5d: {  	[tilespmem:s21+$0x8030] =	vst.add.f32.msk $0xffff, v4  }
0x5e: {  	[tilespmem:s21+$0x8040] =	vst.add.f32.msk $0xffff, v0  }
0x5f: {  	[tilespmem:s21+$0x8050] =	vst.add.f32.msk $0xffff, v5  }
0x60: {  	[tilespmem:s21+$0x8060] =	vst.add.f32.msk $0xffff, v6  }
0x61: {  	[tilespmem:s21+$0x8070] =	vst.add.f32.msk $0xffff, v7  }
0x62: {  	[tilespmem:s21+$0x8080] =	vst.add.f32.msk $0xffff, v8  }
0x63: {  	[tilespmem:s21+$0x8090] =	vst.add.f32.msk $0xffff, v9  }
0x64: {  	[tilespmem:s21+$0x80A0] =	vst.add.f32.msk $0xffff, v10  }
0x65: {  	[tilespmem:s21+$0x80B0] =	vst.add.f32.msk $0xffff, v11  }
0x66: {  	[tilespmem:s21+$0x80C0] =	vst.add.f32.msk $0xffff, v12  }
0x67: {  	[tilespmem:s21+$0x80D0] =	vst.add.f32.msk $0xffff, v13  }
0x68: {  	[tilespmem:s21+$0x80E0] =	vst.add.f32.msk $0xffff, v14  }
0x69: {  	[tilespmem:s21+$0x80F0] =	vst.add.f32.msk $0xffff, v15  }
0x6a: {  	[tilespmem:s21+$0x8100] =	vst.add.f32.msk $0xffff, v16  }
0x6b: {  	[tilespmem:s21+$0x8110] =	vst.add.f32.msk $0xffff, v17  }
0x6c: {  	[tilespmem:s21+$0x8120] =	vst.add.f32.msk $0xffff, v18  }
0x6d: {  	[tilespmem:s21+$0x8130] =	vst.add.f32.msk $0xffff, v19  }
0x6e: {  	[tilespmem:s21+$0x8140] =	vst.add.f32.msk $0xffff, v20  }
0x6f: {  	[tilespmem:s21+$0x8150] =	vst.add.f32.msk $0xffff, v21  }
0x70: {  	[tilespmem:s21+$0x8160] =	vst.add.f32.msk $0xffff, v22  }
0x71: {  	[tilespmem:s21+$0x8170] =	vst.add.f32.msk $0xffff, v23  }
0x72: {  	[tilespmem:s21+$0x8180] =	vst.add.f32.msk $0xffff, v24  }
0x73: {  	[tilespmem:s21+$0x8190] =	vst.add.f32.msk $0xffff, v25  }
0x74: {  	[tilespmem:s21+$0x81A0] =	vst.add.f32.msk $0xffff, v26  }
0x75: {  	[tilespmem:s21+$0x81B0] =	vst.add.f32.msk $0xffff, v27  }
0x76: {  	[tilespmem:s21+$0x81C0] =	vst.add.f32.msk $0xffff, v28  }
0x77: {  	[tilespmem:s21+$0x81D0] =	vst.add.f32.msk $0xffff, v29  }
0x78: {  	[tilespmem:s21+$0x81E0] =	vst.add.f32.msk $0xffff, v30  }
0x79: {  	[tilespmem:s21+$0x81F0] =	vst.add.f32.msk $0xffff, v31  }
0x7a: {  	[tilespmem:s21+$0x8200] =	vst.add.f32.msk $0xffff, v32  }
0x7b: {  	[tilespmem:s21+$0x8210] =	vst.add.f32.msk $0xffff, v33  }
0x7c: {  	[tilespmem:s21+$0x8220] =	vst.add.f32.msk $0xffff, v34  }
0x7d: {  	[tilespmem:s21+$0x8230] =	vst.add.f32.msk $0xffff, v35  }
0x7e: {  	[tilespmem:s21+$0x8240] =	vst.add.f32.msk $0xffff, v36  }
0x7f: {  	[tilespmem:s21+$0x8250] =	vst.add.f32.msk $0xffff, v37  }
0x80: {  	[tilespmem:s21+$0x8260] =	vst.add.f32.msk $0xffff, v38  }
0x81: {  	[tilespmem:s21+$0x8270] =	vst.add.f32.msk $0xffff, v39  }
0x82: {  	[tilespmem:s21+$0x8280] =	vst.add.f32.msk $0xffff, v40  }
0x83: {  	[tilespmem:s21+$0x8290] =	vst.add.f32.msk $0xffff, v41  }
0x84: {  	[tilespmem:s21+$0x82A0] =	vst.add.f32.msk $0xffff, v42  }
0x85: {  	[tilespmem:s21+$0x82B0] =	vst.add.f32.msk $0xffff, v43  }
0x86: {  	[tilespmem:s21+$0x82C0] =	vst.add.f32.msk $0xffff, v44  }
0x87: {  	[tilespmem:s21+$0x82D0] =	vst.add.f32.msk $0xffff, v45  }
0x88: {  	[tilespmem:s21+$0x82E0] =	vst.add.f32.msk $0xffff, v46  }
0x89: {  	[tilespmem:s21+$0x82F0] =	vst.add.f32.msk $0xffff, v47  }
0x8a: {  	[tilespmem:s21+$0x8300] =	vst.add.f32.msk $0xffff, v48  }
0x8b: {  	[tilespmem:s21+$0x8310] =	vst.add.f32.msk $0xffff, v49  }
0x8c: {  	[tilespmem:s21+$0x8320] =	vst.add.f32.msk $0xffff, v50  }
0x8d: {  	[tilespmem:s21+$0x8330] =	vst.add.f32.msk $0xffff, v51  }
0x8e: {  	[tilespmem:s21+$0x8340] =	vst.add.f32.msk $0xffff, v52  }
0x8f: {  	[tilespmem:s21+$0x8350] =	vst.add.f32.msk $0xffff, v53  }
0x90: {  	[tilespmem:s21+$0x8360] =	vst.add.f32.msk $0xffff, v54  }
0x91: {  	[tilespmem:s21+$0x8370] =	vst.add.f32.msk $0xffff, v55  }
0x92: {  	[tilespmem:s21+$0x8380] =	vst.add.f32.msk $0xffff, v56  }
0x93: {  	[tilespmem:s21+$0x8390] =	vst.add.f32.msk $0xffff, v57  }
.Ltmp0:
0x94: {  	[tilespmem:s21+$0x83A0] =	vst.add.f32.msk $0xffff, v58;
	(pc) =	sbr.rel @p0 .LBB2_2-.Ltmp0, $4  }
0x95: {  	[tilespmem:s21+$0x83B0] =	vst.add.f32.msk $0xffff, v59  }
0x96: {  	[tilespmem:s21+$0x83C0] =	vst.add.f32.msk $0xffff, v60  }
0x97: {  	[tilespmem:s21+$0x83D0] =	vst.add.f32.msk $0xffff, v61  }
0x98: {  	[tilespmem:s21+$0x83E0] =	vst.add.f32.msk $0xffff, v62;
	s21 =	sshra.s32 s22, $0x2;
	s22 =	sadd.s32 $0x1000, s22  }
0x99: {  	v0 =	vld [tilespmem:s21+$0x3F0]  }
0x9a: {  	v1 =	vld [tilespmem:s21+$0x0]  }
0x9b: {  	v2 =	vld [tilespmem:s21+$0x10]  }
0x9c: {  	v3 =	vld [tilespmem:s21+$0x20]  }
0x9d: {  	v4 =	vld [tilespmem:s21+$0x30]  }
0x9e: {  	v5 =	vld [tilespmem:s21+$0x50]  }
0x9f: {  	v6 =	vld [tilespmem:s21+$0x60]  }
0xa0: {  	v7 =	vld [tilespmem:s21+$0x70]  }
0xa1: {  	v8 =	vld [tilespmem:s21+$0x80]  }
0xa2: {  	v9 =	vld [tilespmem:s21+$0x90]  }
0xa3: {  	v10 =	vld [tilespmem:s21+$0xA0]  }
0xa4: {  	v11 =	vld [tilespmem:s21+$0xB0]  }
0xa5: {  	v12 =	vld [tilespmem:s21+$0xC0]  }
0xa6: {  	v13 =	vld [tilespmem:s21+$0xD0]  }
0xa7: {  	v14 =	vld [tilespmem:s21+$0xE0]  }
0xa8: {  	v15 =	vld [tilespmem:s21+$0xF0]  }
0xa9: {  	v16 =	vld [tilespmem:s21+$0x100]  }
0xaa: {  	v17 =	vld [tilespmem:s21+$0x110]  }
0xab: {  	v18 =	vld [tilespmem:s21+$0x120]  }
0xac: {  	v19 =	vld [tilespmem:s21+$0x130]  }
0xad: {  	v20 =	vld [tilespmem:s21+$0x140]  }
0xae: {  	v21 =	vld [tilespmem:s21+$0x150]  }
0xaf: {  	v22 =	vld [tilespmem:s21+$0x160]  }
0xb0: {  	v23 =	vld [tilespmem:s21+$0x170]  }
0xb1: {  	v24 =	vld [tilespmem:s21+$0x180]  }
0xb2: {  	v25 =	vld [tilespmem:s21+$0x190]  }
0xb3: {  	v26 =	vld [tilespmem:s21+$0x1A0]  }
0xb4: {  	v27 =	vld [tilespmem:s21+$0x1B0]  }
0xb5: {  	v28 =	vld [tilespmem:s21+$0x1C0]  }
0xb6: {  	v29 =	vld [tilespmem:s21+$0x1D0]  }
0xb7: {  	v30 =	vld [tilespmem:s21+$0x1E0]  }
0xb8: {  	v31 =	vld [tilespmem:s21+$0x1F0]  }
0xb9: {  	v32 =	vld [tilespmem:s21+$0x200]  }
0xba: {  	v33 =	vld [tilespmem:s21+$0x210]  }
0xbb: {  	v34 =	vld [tilespmem:s21+$0x220]  }
0xbc: {  	v35 =	vld [tilespmem:s21+$0x230]  }
0xbd: {  	v36 =	vld [tilespmem:s21+$0x240]  }
0xbe: {  	v37 =	vld [tilespmem:s21+$0x250]  }
0xbf: {  	v38 =	vld [tilespmem:s21+$0x260]  }
0xc0: {  	v39 =	vld [tilespmem:s21+$0x270]  }
0xc1: {  	v40 =	vld [tilespmem:s21+$0x280]  }
0xc2: {  	v41 =	vld [tilespmem:s21+$0x290]  }
0xc3: {  	v42 =	vld [tilespmem:s21+$0x2A0]  }
0xc4: {  	v43 =	vld [tilespmem:s21+$0x2B0]  }
0xc5: {  	v44 =	vld [tilespmem:s21+$0x2C0]  }
0xc6: {  	v45 =	vld [tilespmem:s21+$0x2D0]  }
0xc7: {  	v46 =	vld [tilespmem:s21+$0x2E0]  }
0xc8: {  	v47 =	vld [tilespmem:s21+$0x2F0]  }
0xc9: {  	v48 =	vld [tilespmem:s21+$0x300]  }
0xca: {  	v49 =	vld [tilespmem:s21+$0x310]  }
0xcb: {  	v50 =	vld [tilespmem:s21+$0x320]  }
0xcc: {  	v51 =	vld [tilespmem:s21+$0x330]  }
0xcd: {  	v52 =	vld [tilespmem:s21+$0x340]  }
0xce: {  	v53 =	vld [tilespmem:s21+$0x350]  }
0xcf: {  	v54 =	vld [tilespmem:s21+$0x360]  }
0xd0: {  	v55 =	vld [tilespmem:s21+$0x370]  }
0xd1: {  	v56 =	vld [tilespmem:s21+$0x380]  }
0xd2: {  	v57 =	vld [tilespmem:s21+$0x390]  }
0xd3: {  	v58 =	vld [tilespmem:s21+$0x3A0]  }
0xd4: {  	v59 =	vld [tilespmem:s21+$0x3B0]  }
0xd5: {  	v60 =	vld [tilespmem:s21+$0x3C0]  }
0xd6: {  	v61 =	vld [tilespmem:s21+$0x3D0]  }
0xd7: {  	v62 =	vld [tilespmem:s21+$0x3E0]  }
0xd8: {  	[tilespmem:s21+$0x83F0] =	vst.add.f32.msk $0xffff, v0  }
0xd9: {  	v0 =	vld [tilespmem:s21+$0x40]  }
0xda: {  	[tilespmem:s21+$0x8000] =	vst.add.f32.msk $0xffff, v1  }
0xdb: {  	[tilespmem:s21+$0x8010] =	vst.add.f32.msk $0xffff, v2  }
0xdc: {  	[tilespmem:s21+$0x8020] =	vst.add.f32.msk $0xffff, v3  }
0xdd: {  	[tilespmem:s21+$0x8030] =	vst.add.f32.msk $0xffff, v4  }
0xde: {  	[tilespmem:s21+$0x8050] =	vst.add.f32.msk $0xffff, v5  }
0xdf: {  	[tilespmem:s21+$0x8060] =	vst.add.f32.msk $0xffff, v6  }
0xe0: {  	[tilespmem:s21+$0x8070] =	vst.add.f32.msk $0xffff, v7  }
0xe1: {  	[tilespmem:s21+$0x8080] =	vst.add.f32.msk $0xffff, v8  }
0xe2: {  	[tilespmem:s21+$0x8090] =	vst.add.f32.msk $0xffff, v9  }
0xe3: {  	[tilespmem:s21+$0x80A0] =	vst.add.f32.msk $0xffff, v10  }
0xe4: {  	[tilespmem:s21+$0x80B0] =	vst.add.f32.msk $0xffff, v11  }
0xe5: {  	[tilespmem:s21+$0x80C0] =	vst.add.f32.msk $0xffff, v12  }
0xe6: {  	[tilespmem:s21+$0x80D0] =	vst.add.f32.msk $0xffff, v13  }
0xe7: {  	[tilespmem:s21+$0x80E0] =	vst.add.f32.msk $0xffff, v14  }
0xe8: {  	[tilespmem:s21+$0x80F0] =	vst.add.f32.msk $0xffff, v15  }
0xe9: {  	[tilespmem:s21+$0x8100] =	vst.add.f32.msk $0xffff, v16  }
0xea: {  	[tilespmem:s21+$0x8110] =	vst.add.f32.msk $0xffff, v17  }
0xeb: {  	[tilespmem:s21+$0x8120] =	vst.add.f32.msk $0xffff, v18  }
0xec: {  	[tilespmem:s21+$0x8130] =	vst.add.f32.msk $0xffff, v19  }
0xed: {  	[tilespmem:s21+$0x8140] =	vst.add.f32.msk $0xffff, v20  }
0xee: {  	[tilespmem:s21+$0x8150] =	vst.add.f32.msk $0xffff, v21  }
0xef: {  	[tilespmem:s21+$0x8160] =	vst.add.f32.msk $0xffff, v22  }
0xf0: {  	[tilespmem:s21+$0x8170] =	vst.add.f32.msk $0xffff, v23  }
0xf1: {  	[tilespmem:s21+$0x8180] =	vst.add.f32.msk $0xffff, v24  }
0xf2: {  	[tilespmem:s21+$0x8190] =	vst.add.f32.msk $0xffff, v25  }
0xf3: {  	[tilespmem:s21+$0x81A0] =	vst.add.f32.msk $0xffff, v26  }
0xf4: {  	[tilespmem:s21+$0x81B0] =	vst.add.f32.msk $0xffff, v27  }
0xf5: {  	[tilespmem:s21+$0x81C0] =	vst.add.f32.msk $0xffff, v28  }
0xf6: {  	[tilespmem:s21+$0x81D0] =	vst.add.f32.msk $0xffff, v29  }
0xf7: {  	[tilespmem:s21+$0x81E0] =	vst.add.f32.msk $0xffff, v30  }
0xf8: {  	[tilespmem:s21+$0x81F0] =	vst.add.f32.msk $0xffff, v31  }
0xf9: {  	[tilespmem:s21+$0x8200] =	vst.add.f32.msk $0xffff, v32  }
0xfa: {  	[tilespmem:s21+$0x8210] =	vst.add.f32.msk $0xffff, v33  }
0xfb: {  	[tilespmem:s21+$0x8220] =	vst.add.f32.msk $0xffff, v34  }
0xfc: {  	[tilespmem:s21+$0x8230] =	vst.add.f32.msk $0xffff, v35  }
0xfd: {  	[tilespmem:s21+$0x8240] =	vst.add.f32.msk $0xffff, v36  }
0xfe: {  	[tilespmem:s21+$0x8250] =	vst.add.f32.msk $0xffff, v37  }
0xff: {  	[tilespmem:s21+$0x8260] =	vst.add.f32.msk $0xffff, v38  }
0x100: {  	[tilespmem:s21+$0x8270] =	vst.add.f32.msk $0xffff, v39  }
0x101: {  	[tilespmem:s21+$0x8280] =	vst.add.f32.msk $0xffff, v40  }
0x102: {  	[tilespmem:s21+$0x8290] =	vst.add.f32.msk $0xffff, v41  }
0x103: {  	[tilespmem:s21+$0x82A0] =	vst.add.f32.msk $0xffff, v42  }
0x104: {  	[tilespmem:s21+$0x82B0] =	vst.add.f32.msk $0xffff, v43  }
0x105: {  	[tilespmem:s21+$0x82C0] =	vst.add.f32.msk $0xffff, v44  }
0x106: {  	[tilespmem:s21+$0x82D0] =	vst.add.f32.msk $0xffff, v45  }
0x107: {  	[tilespmem:s21+$0x82E0] =	vst.add.f32.msk $0xffff, v46  }
0x108: {  	[tilespmem:s21+$0x82F0] =	vst.add.f32.msk $0xffff, v47  }
0x109: {  	[tilespmem:s21+$0x8300] =	vst.add.f32.msk $0xffff, v48  }
0x10a: {  	[tilespmem:s21+$0x8310] =	vst.add.f32.msk $0xffff, v49  }
0x10b: {  	[tilespmem:s21+$0x8320] =	vst.add.f32.msk $0xffff, v50  }
0x10c: {  	[tilespmem:s21+$0x8330] =	vst.add.f32.msk $0xffff, v51  }
0x10d: {  	[tilespmem:s21+$0x8340] =	vst.add.f32.msk $0xffff, v52  }
0x10e: {  	[tilespmem:s21+$0x8350] =	vst.add.f32.msk $0xffff, v53  }
0x10f: {  	[tilespmem:s21+$0x8360] =	vst.add.f32.msk $0xffff, v54  }
0x110: {  	[tilespmem:s21+$0x8370] =	vst.add.f32.msk $0xffff, v55  }
0x111: {  	[tilespmem:s21+$0x8380] =	vst.add.f32.msk $0xffff, v56  }
0x112: {  	[tilespmem:s21+$0x8390] =	vst.add.f32.msk $0xffff, v57  }
0x113: {  	[tilespmem:s21+$0x83A0] =	vst.add.f32.msk $0xffff, v58  }
0x114: {  	[tilespmem:s21+$0x83B0] =	vst.add.f32.msk $0xffff, v59  }
0x115: {  	[tilespmem:s21+$0x83C0] =	vst.add.f32.msk $0xffff, v60  }
0x116: {  	[tilespmem:s21+$0x83D0] =	vst.add.f32.msk $0xffff, v61  }
0x117: {  	[tilespmem:s21+$0x83E0] =	vst.add.f32.msk $0xffff, v62  }
0x118: {  	s31 =	simm.s32 $0x0;
	[tilespmem:s21+$0x8040] =	vst.add.f32.msk $0xffff, v0  }
0x119: {  	[hbm4b:s6+s31] =	stream.linear.scatter [tilespmem:s13], [sflag:$0x4], $0x8000, $0x38;
	[tilespmem:$0x18000] =	vst v63  }
0x11a: {  	_ =	swait.ge [sflag:s17], $0x8000  }
0x11b: {  	[sflag:s17] =	ssyncset.done $0x0  }
0x11c: {  	[sflag:s17] =	ssyncadd.s32 $0xFFFF8000  }
0x11d: {  	[tilespmem:s13], [sflag:$0x2] =	stream.linear.gather [hbm4b:s7+s31], $0x8000, $0x38;
	[tilespmem:$0x18000] =	vst v63  }
0x11e: {  	_ =	swait.ge [sflag:s18], $0x8000  }
0x11f: {  	[sflag:s18] =	ssyncset.done $0x0  }
0x120: {  	s22 =	simm.s32 $0x1000;
	s21 =	simm.s32 $0x0;
	[sflag:s18] =	ssyncadd.s32 $0xFFFF8000  }
.LBB2_4:
0x121: {  	p0 =	sne.s32 s22, $0x1F000;
	v0 =	vld [tilespmem:s21+$0x3F0]  }
0x122: {  	v1 =	vld [tilespmem:s21+$0x0]  }
0x123: {  	v2 =	vld [tilespmem:s21+$0x10]  }
0x124: {  	v3 =	vld [tilespmem:s21+$0x20]  }
0x125: {  	v4 =	vld [tilespmem:s21+$0x30]  }
0x126: {  	[tilespmem:s21+$0x103F0] =	vst.add.f32.msk $0xffff, v0  }
0x127: {  	v0 =	vld [tilespmem:s21+$0x40]  }
0x128: {  	v5 =	vld [tilespmem:s21+$0x50]  }
0x129: {  	v6 =	vld [tilespmem:s21+$0x60]  }
0x12a: {  	v7 =	vld [tilespmem:s21+$0x70]  }
0x12b: {  	v8 =	vld [tilespmem:s21+$0x80]  }
0x12c: {  	v9 =	vld [tilespmem:s21+$0x90]  }
0x12d: {  	v10 =	vld [tilespmem:s21+$0xA0]  }
0x12e: {  	v11 =	vld [tilespmem:s21+$0xB0]  }
0x12f: {  	v12 =	vld [tilespmem:s21+$0xC0]  }
0x130: {  	v13 =	vld [tilespmem:s21+$0xD0]  }
0x131: {  	v14 =	vld [tilespmem:s21+$0xE0]  }
0x132: {  	v15 =	vld [tilespmem:s21+$0xF0]  }
0x133: {  	v16 =	vld [tilespmem:s21+$0x100]  }
0x134: {  	v17 =	vld [tilespmem:s21+$0x110]  }
0x135: {  	v18 =	vld [tilespmem:s21+$0x120]  }
0x136: {  	v19 =	vld [tilespmem:s21+$0x130]  }
0x137: {  	v20 =	vld [tilespmem:s21+$0x140]  }
0x138: {  	v21 =	vld [tilespmem:s21+$0x150]  }
0x139: {  	v22 =	vld [tilespmem:s21+$0x160]  }
0x13a: {  	v23 =	vld [tilespmem:s21+$0x170]  }
0x13b: {  	v24 =	vld [tilespmem:s21+$0x180]  }
0x13c: {  	v25 =	vld [tilespmem:s21+$0x190]  }
0x13d: {  	v26 =	vld [tilespmem:s21+$0x1A0]  }
0x13e: {  	v27 =	vld [tilespmem:s21+$0x1B0]  }
0x13f: {  	v28 =	vld [tilespmem:s21+$0x1C0]  }
0x140: {  	v29 =	vld [tilespmem:s21+$0x1D0]  }
0x141: {  	v30 =	vld [tilespmem:s21+$0x1E0]  }
0x142: {  	v31 =	vld [tilespmem:s21+$0x1F0]  }
0x143: {  	v32 =	vld [tilespmem:s21+$0x200]  }
0x144: {  	v33 =	vld [tilespmem:s21+$0x210]  }
0x145: {  	v34 =	vld [tilespmem:s21+$0x220]  }
0x146: {  	v35 =	vld [tilespmem:s21+$0x230]  }
0x147: {  	v36 =	vld [tilespmem:s21+$0x240]  }
0x148: {  	v37 =	vld [tilespmem:s21+$0x250]  }
0x149: {  	v38 =	vld [tilespmem:s21+$0x260]  }
0x14a: {  	v39 =	vld [tilespmem:s21+$0x270]  }
0x14b: {  	v40 =	vld [tilespmem:s21+$0x280]  }
0x14c: {  	v41 =	vld [tilespmem:s21+$0x290]  }
0x14d: {  	v42 =	vld [tilespmem:s21+$0x2A0]  }
0x14e: {  	v43 =	vld [tilespmem:s21+$0x2B0]  }
0x14f: {  	v44 =	vld [tilespmem:s21+$0x2C0]  }
0x150: {  	v45 =	vld [tilespmem:s21+$0x2D0]  }
0x151: {  	v46 =	vld [tilespmem:s21+$0x2E0]  }
0x152: {  	v47 =	vld [tilespmem:s21+$0x2F0]  }
0x153: {  	v48 =	vld [tilespmem:s21+$0x300]  }
0x154: {  	v49 =	vld [tilespmem:s21+$0x310]  }
0x155: {  	v50 =	vld [tilespmem:s21+$0x320]  }
0x156: {  	v51 =	vld [tilespmem:s21+$0x330]  }
0x157: {  	v52 =	vld [tilespmem:s21+$0x340]  }
0x158: {  	v53 =	vld [tilespmem:s21+$0x350]  }
0x159: {  	v54 =	vld [tilespmem:s21+$0x360]  }
0x15a: {  	v55 =	vld [tilespmem:s21+$0x370]  }
0x15b: {  	v56 =	vld [tilespmem:s21+$0x380]  }
0x15c: {  	v57 =	vld [tilespmem:s21+$0x390]  }
0x15d: {  	v58 =	vld [tilespmem:s21+$0x3A0]  }
0x15e: {  	v59 =	vld [tilespmem:s21+$0x3B0]  }
0x15f: {  	v60 =	vld [tilespmem:s21+$0x3C0]  }
0x160: {  	v61 =	vld [tilespmem:s21+$0x3D0]  }
0x161: {  	v62 =	vld [tilespmem:s21+$0x3E0]  }
0x162: {  	[tilespmem:s21+$0x10000] =	vst.add.f32.msk $0xffff, v1  }
0x163: {  	[tilespmem:s21+$0x10010] =	vst.add.f32.msk $0xffff, v2  }
0x164: {  	[tilespmem:s21+$0x10020] =	vst.add.f32.msk $0xffff, v3  }
0x165: {  	[tilespmem:s21+$0x10030] =	vst.add.f32.msk $0xffff, v4  }
0x166: {  	[tilespmem:s21+$0x10040] =	vst.add.f32.msk $0xffff, v0  }
0x167: {  	[tilespmem:s21+$0x10050] =	vst.add.f32.msk $0xffff, v5  }
0x168: {  	[tilespmem:s21+$0x10060] =	vst.add.f32.msk $0xffff, v6  }
0x169: {  	[tilespmem:s21+$0x10070] =	vst.add.f32.msk $0xffff, v7  }
0x16a: {  	[tilespmem:s21+$0x10080] =	vst.add.f32.msk $0xffff, v8  }
0x16b: {  	[tilespmem:s21+$0x10090] =	vst.add.f32.msk $0xffff, v9  }
0x16c: {  	[tilespmem:s21+$0x100A0] =	vst.add.f32.msk $0xffff, v10  }
0x16d: {  	[tilespmem:s21+$0x100B0] =	vst.add.f32.msk $0xffff, v11  }
0x16e: {  	[tilespmem:s21+$0x100C0] =	vst.add.f32.msk $0xffff, v12  }
0x16f: {  	[tilespmem:s21+$0x100D0] =	vst.add.f32.msk $0xffff, v13  }
0x170: {  	[tilespmem:s21+$0x100E0] =	vst.add.f32.msk $0xffff, v14  }
0x171: {  	[tilespmem:s21+$0x100F0] =	vst.add.f32.msk $0xffff, v15  }
0x172: {  	[tilespmem:s21+$0x10100] =	vst.add.f32.msk $0xffff, v16  }
0x173: {  	[tilespmem:s21+$0x10110] =	vst.add.f32.msk $0xffff, v17  }
0x174: {  	[tilespmem:s21+$0x10120] =	vst.add.f32.msk $0xffff, v18  }
0x175: {  	[tilespmem:s21+$0x10130] =	vst.add.f32.msk $0xffff, v19  }
0x176: {  	[tilespmem:s21+$0x10140] =	vst.add.f32.msk $0xffff, v20  }
0x177: {  	[tilespmem:s21+$0x10150] =	vst.add.f32.msk $0xffff, v21  }
0x178: {  	[tilespmem:s21+$0x10160] =	vst.add.f32.msk $0xffff, v22  }
0x179: {  	[tilespmem:s21+$0x10170] =	vst.add.f32.msk $0xffff, v23  }
0x17a: {  	[tilespmem:s21+$0x10180] =	vst.add.f32.msk $0xffff, v24  }
0x17b: {  	[tilespmem:s21+$0x10190] =	vst.add.f32.msk $0xffff, v25  }
0x17c: {  	[tilespmem:s21+$0x101A0] =	vst.add.f32.msk $0xffff, v26  }
0x17d: {  	[tilespmem:s21+$0x101B0] =	vst.add.f32.msk $0xffff, v27  }
0x17e: {  	[tilespmem:s21+$0x101C0] =	vst.add.f32.msk $0xffff, v28  }
0x17f: {  	[tilespmem:s21+$0x101D0] =	vst.add.f32.msk $0xffff, v29  }
0x180: {  	[tilespmem:s21+$0x101E0] =	vst.add.f32.msk $0xffff, v30  }
0x181: {  	[tilespmem:s21+$0x101F0] =	vst.add.f32.msk $0xffff, v31  }
0x182: {  	[tilespmem:s21+$0x10200] =	vst.add.f32.msk $0xffff, v32  }
0x183: {  	[tilespmem:s21+$0x10210] =	vst.add.f32.msk $0xffff, v33  }
0x184: {  	[tilespmem:s21+$0x10220] =	vst.add.f32.msk $0xffff, v34  }
0x185: {  	[tilespmem:s21+$0x10230] =	vst.add.f32.msk $0xffff, v35  }
0x186: {  	[tilespmem:s21+$0x10240] =	vst.add.f32.msk $0xffff, v36  }
0x187: {  	[tilespmem:s21+$0x10250] =	vst.add.f32.msk $0xffff, v37  }
0x188: {  	[tilespmem:s21+$0x10260] =	vst.add.f32.msk $0xffff, v38  }
0x189: {  	[tilespmem:s21+$0x10270] =	vst.add.f32.msk $0xffff, v39  }
0x18a: {  	[tilespmem:s21+$0x10280] =	vst.add.f32.msk $0xffff, v40  }
0x18b: {  	[tilespmem:s21+$0x10290] =	vst.add.f32.msk $0xffff, v41  }
0x18c: {  	[tilespmem:s21+$0x102A0] =	vst.add.f32.msk $0xffff, v42  }
0x18d: {  	[tilespmem:s21+$0x102B0] =	vst.add.f32.msk $0xffff, v43  }
0x18e: {  	[tilespmem:s21+$0x102C0] =	vst.add.f32.msk $0xffff, v44  }
0x18f: {  	[tilespmem:s21+$0x102D0] =	vst.add.f32.msk $0xffff, v45  }
0x190: {  	[tilespmem:s21+$0x102E0] =	vst.add.f32.msk $0xffff, v46  }
0x191: {  	[tilespmem:s21+$0x102F0] =	vst.add.f32.msk $0xffff, v47  }
0x192: {  	[tilespmem:s21+$0x10300] =	vst.add.f32.msk $0xffff, v48  }
0x193: {  	[tilespmem:s21+$0x10310] =	vst.add.f32.msk $0xffff, v49  }
0x194: {  	[tilespmem:s21+$0x10320] =	vst.add.f32.msk $0xffff, v50  }
0x195: {  	[tilespmem:s21+$0x10330] =	vst.add.f32.msk $0xffff, v51  }
0x196: {  	[tilespmem:s21+$0x10340] =	vst.add.f32.msk $0xffff, v52  }
0x197: {  	[tilespmem:s21+$0x10350] =	vst.add.f32.msk $0xffff, v53  }
0x198: {  	[tilespmem:s21+$0x10360] =	vst.add.f32.msk $0xffff, v54  }
0x199: {  	[tilespmem:s21+$0x10370] =	vst.add.f32.msk $0xffff, v55  }
0x19a: {  	[tilespmem:s21+$0x10380] =	vst.add.f32.msk $0xffff, v56  }
0x19b: {  	[tilespmem:s21+$0x10390] =	vst.add.f32.msk $0xffff, v57  }
.Ltmp1:
0x19c: {  	[tilespmem:s21+$0x103A0] =	vst.add.f32.msk $0xffff, v58;
	(pc) =	sbr.rel @p0 .LBB2_4-.Ltmp1, $4  }
0x19d: {  	[tilespmem:s21+$0x103B0] =	vst.add.f32.msk $0xffff, v59  }
0x19e: {  	[tilespmem:s21+$0x103C0] =	vst.add.f32.msk $0xffff, v60  }
0x19f: {  	[tilespmem:s21+$0x103D0] =	vst.add.f32.msk $0xffff, v61  }
0x1a0: {  	[tilespmem:s21+$0x103E0] =	vst.add.f32.msk $0xffff, v62;
	s21 =	sshra.s32 s22, $0x2;
	s22 =	sadd.s32 $0x1000, s22  }
0x1a1: {  	v0 =	vld [tilespmem:s21+$0x3F0]  }
0x1a2: {  	v1 =	vld [tilespmem:s21+$0x0]  }
0x1a3: {  	v2 =	vld [tilespmem:s21+$0x10]  }
0x1a4: {  	v3 =	vld [tilespmem:s21+$0x20]  }
0x1a5: {  	v4 =	vld [tilespmem:s21+$0x30]  }
0x1a6: {  	v5 =	vld [tilespmem:s21+$0x50]  }
0x1a7: {  	v6 =	vld [tilespmem:s21+$0x60]  }
0x1a8: {  	v7 =	vld [tilespmem:s21+$0x70]  }
0x1a9: {  	v8 =	vld [tilespmem:s21+$0x80]  }
0x1aa: {  	v9 =	vld [tilespmem:s21+$0x90]  }
0x1ab: {  	v10 =	vld [tilespmem:s21+$0xA0]  }
0x1ac: {  	v11 =	vld [tilespmem:s21+$0xB0]  }
0x1ad: {  	v12 =	vld [tilespmem:s21+$0xC0]  }
0x1ae: {  	v13 =	vld [tilespmem:s21+$0xD0]  }
0x1af: {  	v14 =	vld [tilespmem:s21+$0xE0]  }
0x1b0: {  	v15 =	vld [tilespmem:s21+$0xF0]  }
0x1b1: {  	v16 =	vld [tilespmem:s21+$0x100]  }
0x1b2: {  	v17 =	vld [tilespmem:s21+$0x110]  }
0x1b3: {  	v18 =	vld [tilespmem:s21+$0x120]  }
0x1b4: {  	v19 =	vld [tilespmem:s21+$0x130]  }
0x1b5: {  	v20 =	vld [tilespmem:s21+$0x140]  }
0x1b6: {  	v21 =	vld [tilespmem:s21+$0x150]  }
0x1b7: {  	v22 =	vld [tilespmem:s21+$0x160]  }
0x1b8: {  	v23 =	vld [tilespmem:s21+$0x170]  }
0x1b9: {  	v24 =	vld [tilespmem:s21+$0x180]  }
0x1ba: {  	v25 =	vld [tilespmem:s21+$0x190]  }
0x1bb: {  	v26 =	vld [tilespmem:s21+$0x1A0]  }
0x1bc: {  	v27 =	vld [tilespmem:s21+$0x1B0]  }
0x1bd: {  	v28 =	vld [tilespmem:s21+$0x1C0]  }
0x1be: {  	v29 =	vld [tilespmem:s21+$0x1D0]  }
0x1bf: {  	v30 =	vld [tilespmem:s21+$0x1E0]  }
0x1c0: {  	v31 =	vld [tilespmem:s21+$0x1F0]  }
0x1c1: {  	v32 =	vld [tilespmem:s21+$0x200]  }
0x1c2: {  	v33 =	vld [tilespmem:s21+$0x210]  }
0x1c3: {  	v34 =	vld [tilespmem:s21+$0x220]  }
0x1c4: {  	v35 =	vld [tilespmem:s21+$0x230]  }
0x1c5: {  	v36 =	vld [tilespmem:s21+$0x240]  }
0x1c6: {  	v37 =	vld [tilespmem:s21+$0x250]  }
0x1c7: {  	v38 =	vld [tilespmem:s21+$0x260]  }
0x1c8: {  	v39 =	vld [tilespmem:s21+$0x270]  }
0x1c9: {  	v40 =	vld [tilespmem:s21+$0x280]  }
0x1ca: {  	v41 =	vld [tilespmem:s21+$0x290]  }
0x1cb: {  	v42 =	vld [tilespmem:s21+$0x2A0]  }
0x1cc: {  	v43 =	vld [tilespmem:s21+$0x2B0]  }
0x1cd: {  	v44 =	vld [tilespmem:s21+$0x2C0]  }
0x1ce: {  	v45 =	vld [tilespmem:s21+$0x2D0]  }
0x1cf: {  	v46 =	vld [tilespmem:s21+$0x2E0]  }
0x1d0: {  	v47 =	vld [tilespmem:s21+$0x2F0]  }
0x1d1: {  	v48 =	vld [tilespmem:s21+$0x300]  }
0x1d2: {  	v49 =	vld [tilespmem:s21+$0x310]  }
0x1d3: {  	v50 =	vld [tilespmem:s21+$0x320]  }
0x1d4: {  	v51 =	vld [tilespmem:s21+$0x330]  }
0x1d5: {  	v52 =	vld [tilespmem:s21+$0x340]  }
0x1d6: {  	v53 =	vld [tilespmem:s21+$0x350]  }
0x1d7: {  	v54 =	vld [tilespmem:s21+$0x360]  }
0x1d8: {  	v55 =	vld [tilespmem:s21+$0x370]  }
0x1d9: {  	v56 =	vld [tilespmem:s21+$0x380]  }
0x1da: {  	v57 =	vld [tilespmem:s21+$0x390]  }
0x1db: {  	v58 =	vld [tilespmem:s21+$0x3A0]  }
0x1dc: {  	v59 =	vld [tilespmem:s21+$0x3B0]  }
0x1dd: {  	v60 =	vld [tilespmem:s21+$0x3C0]  }
0x1de: {  	v61 =	vld [tilespmem:s21+$0x3D0]  }
0x1df: {  	v62 =	vld [tilespmem:s21+$0x3E0]  }
0x1e0: {  	[tilespmem:s21+$0x103F0] =	vst.add.f32.msk $0xffff, v0  }
0x1e1: {  	v0 =	vld [tilespmem:s21+$0x40]  }
0x1e2: {  	[tilespmem:s21+$0x10000] =	vst.add.f32.msk $0xffff, v1  }
0x1e3: {  	[tilespmem:s21+$0x10010] =	vst.add.f32.msk $0xffff, v2  }
0x1e4: {  	[tilespmem:s21+$0x10020] =	vst.add.f32.msk $0xffff, v3  }
0x1e5: {  	[tilespmem:s21+$0x10030] =	vst.add.f32.msk $0xffff, v4  }
0x1e6: {  	[tilespmem:s21+$0x10050] =	vst.add.f32.msk $0xffff, v5  }
0x1e7: {  	[tilespmem:s21+$0x10060] =	vst.add.f32.msk $0xffff, v6  }
0x1e8: {  	[tilespmem:s21+$0x10070] =	vst.add.f32.msk $0xffff, v7  }
0x1e9: {  	[tilespmem:s21+$0x10080] =	vst.add.f32.msk $0xffff, v8  }
0x1ea: {  	[tilespmem:s21+$0x10090] =	vst.add.f32.msk $0xffff, v9  }
0x1eb: {  	[tilespmem:s21+$0x100A0] =	vst.add.f32.msk $0xffff, v10  }
0x1ec: {  	[tilespmem:s21+$0x100B0] =	vst.add.f32.msk $0xffff, v11  }
0x1ed: {  	[tilespmem:s21+$0x100C0] =	vst.add.f32.msk $0xffff, v12  }
0x1ee: {  	[tilespmem:s21+$0x100D0] =	vst.add.f32.msk $0xffff, v13  }
0x1ef: {  	[tilespmem:s21+$0x100E0] =	vst.add.f32.msk $0xffff, v14  }
0x1f0: {  	[tilespmem:s21+$0x100F0] =	vst.add.f32.msk $0xffff, v15  }
0x1f1: {  	[tilespmem:s21+$0x10100] =	vst.add.f32.msk $0xffff, v16  }
0x1f2: {  	[tilespmem:s21+$0x10110] =	vst.add.f32.msk $0xffff, v17  }
0x1f3: {  	[tilespmem:s21+$0x10120] =	vst.add.f32.msk $0xffff, v18  }
0x1f4: {  	[tilespmem:s21+$0x10130] =	vst.add.f32.msk $0xffff, v19  }
0x1f5: {  	[tilespmem:s21+$0x10140] =	vst.add.f32.msk $0xffff, v20  }
0x1f6: {  	[tilespmem:s21+$0x10150] =	vst.add.f32.msk $0xffff, v21  }
0x1f7: {  	[tilespmem:s21+$0x10160] =	vst.add.f32.msk $0xffff, v22  }
0x1f8: {  	[tilespmem:s21+$0x10170] =	vst.add.f32.msk $0xffff, v23  }
0x1f9: {  	[tilespmem:s21+$0x10180] =	vst.add.f32.msk $0xffff, v24  }
0x1fa: {  	[tilespmem:s21+$0x10190] =	vst.add.f32.msk $0xffff, v25  }
0x1fb: {  	[tilespmem:s21+$0x101A0] =	vst.add.f32.msk $0xffff, v26  }
0x1fc: {  	[tilespmem:s21+$0x101B0] =	vst.add.f32.msk $0xffff, v27  }
0x1fd: {  	[tilespmem:s21+$0x101C0] =	vst.add.f32.msk $0xffff, v28  }
0x1fe: {  	[tilespmem:s21+$0x101D0] =	vst.add.f32.msk $0xffff, v29  }
0x1ff: {  	[tilespmem:s21+$0x101E0] =	vst.add.f32.msk $0xffff, v30  }
0x200: {  	[tilespmem:s21+$0x101F0] =	vst.add.f32.msk $0xffff, v31  }
0x201: {  	[tilespmem:s21+$0x10200] =	vst.add.f32.msk $0xffff, v32  }
0x202: {  	[tilespmem:s21+$0x10210] =	vst.add.f32.msk $0xffff, v33  }
0x203: {  	[tilespmem:s21+$0x10220] =	vst.add.f32.msk $0xffff, v34  }
0x204: {  	[tilespmem:s21+$0x10230] =	vst.add.f32.msk $0xffff, v35  }
0x205: {  	[tilespmem:s21+$0x10240] =	vst.add.f32.msk $0xffff, v36  }
0x206: {  	[tilespmem:s21+$0x10250] =	vst.add.f32.msk $0xffff, v37  }
0x207: {  	[tilespmem:s21+$0x10260] =	vst.add.f32.msk $0xffff, v38  }
0x208: {  	[tilespmem:s21+$0x10270] =	vst.add.f32.msk $0xffff, v39  }
0x209: {  	[tilespmem:s21+$0x10280] =	vst.add.f32.msk $0xffff, v40  }
0x20a: {  	[tilespmem:s21+$0x10290] =	vst.add.f32.msk $0xffff, v41  }
0x20b: {  	[tilespmem:s21+$0x102A0] =	vst.add.f32.msk $0xffff, v42  }
0x20c: {  	[tilespmem:s21+$0x102B0] =	vst.add.f32.msk $0xffff, v43  }
0x20d: {  	[tilespmem:s21+$0x102C0] =	vst.add.f32.msk $0xffff, v44  }
0x20e: {  	[tilespmem:s21+$0x102D0] =	vst.add.f32.msk $0xffff, v45  }
0x20f: {  	[tilespmem:s21+$0x102E0] =	vst.add.f32.msk $0xffff, v46  }
0x210: {  	[tilespmem:s21+$0x102F0] =	vst.add.f32.msk $0xffff, v47  }
0x211: {  	[tilespmem:s21+$0x10300] =	vst.add.f32.msk $0xffff, v48  }
0x212: {  	[tilespmem:s21+$0x10310] =	vst.add.f32.msk $0xffff, v49  }
0x213: {  	[tilespmem:s21+$0x10320] =	vst.add.f32.msk $0xffff, v50  }
0x214: {  	[tilespmem:s21+$0x10330] =	vst.add.f32.msk $0xffff, v51  }
0x215: {  	[tilespmem:s21+$0x10340] =	vst.add.f32.msk $0xffff, v52  }
0x216: {  	[tilespmem:s21+$0x10350] =	vst.add.f32.msk $0xffff, v53  }
0x217: {  	[tilespmem:s21+$0x10360] =	vst.add.f32.msk $0xffff, v54  }
0x218: {  	[tilespmem:s21+$0x10370] =	vst.add.f32.msk $0xffff, v55  }
0x219: {  	[tilespmem:s21+$0x10380] =	vst.add.f32.msk $0xffff, v56  }
0x21a: {  	[tilespmem:s21+$0x10390] =	vst.add.f32.msk $0xffff, v57  }
0x21b: {  	[tilespmem:s21+$0x103A0] =	vst.add.f32.msk $0xffff, v58  }
0x21c: {  	[tilespmem:s21+$0x103B0] =	vst.add.f32.msk $0xffff, v59  }
0x21d: {  	[tilespmem:s21+$0x103C0] =	vst.add.f32.msk $0xffff, v60  }
0x21e: {  	[tilespmem:s21+$0x103D0] =	vst.add.f32.msk $0xffff, v61  }
0x21f: {  	[tilespmem:s21+$0x103E0] =	vst.add.f32.msk $0xffff, v62  }
0x220: {  	s31 =	simm.s32 $0x0;
	[tilespmem:s21+$0x10040] =	vst.add.f32.msk $0xffff, v0  }
0x221: {  	[hbm4b:s8+s31] =	stream.linear.scatter [tilespmem:s15], [sflag:$0x5], $0x8000, $0x38;
	[tilespmem:$0x18000] =	vst v63  }
0x222: {  	_ =	swait.ge [sflag:s19], $0x8000  }
0x223: {  	[sflag:s19] =	ssyncset.done $0x0  }
0x224: {  	[sflag:s19] =	ssyncadd.s32 $0xFFFF8000  }
0x225: {  	[tilespmem:s15], [sflag:$0x3] =	stream.linear.gather [hbm4b:s9+s31], $0x8000, $0x38;
	[tilespmem:$0x18000] =	vst v63  }
0x226: {  	_ =	swait.ge [sflag:s16], $0x8000  }
0x227: {  	[sflag:s16] =	ssyncset.done $0x0  }
0x228: {  	s22 =	simm.s32 $0x1000;
	s21 =	simm.s32 $0x0;
	[sflag:s16] =	ssyncadd.s32 $0xFFFF8000  }
.LBB2_6:
0x229: {  	p0 =	sne.s32 s22, $0x1F000;
	v0 =	vld [tilespmem:s21+$0x3F0]  }
0x22a: {  	v1 =	vld [tilespmem:s21+$0x0]  }
0x22b: {  	v2 =	vld [tilespmem:s21+$0x10]  }
0x22c: {  	v3 =	vld [tilespmem:s21+$0x20]  }
0x22d: {  	v4 =	vld [tilespmem:s21+$0x30]  }
0x22e: {  	[tilespmem:s21+$0x83F0] =	vst.add.f32.msk $0xffff, v0  }
0x22f: {  	v0 =	vld [tilespmem:s21+$0x40]  }
0x230: {  	v5 =	vld [tilespmem:s21+$0x50]  }
0x231: {  	v6 =	vld [tilespmem:s21+$0x60]  }
0x232: {  	v7 =	vld [tilespmem:s21+$0x70]  }
0x233: {  	v8 =	vld [tilespmem:s21+$0x80]  }
0x234: {  	v9 =	vld [tilespmem:s21+$0x90]  }
0x235: {  	v10 =	vld [tilespmem:s21+$0xA0]  }
0x236: {  	v11 =	vld [tilespmem:s21+$0xB0]  }
0x237: {  	v12 =	vld [tilespmem:s21+$0xC0]  }
0x238: {  	v13 =	vld [tilespmem:s21+$0xD0]  }
0x239: {  	v14 =	vld [tilespmem:s21+$0xE0]  }
0x23a: {  	v15 =	vld [tilespmem:s21+$0xF0]  }
0x23b: {  	v16 =	vld [tilespmem:s21+$0x100]  }
0x23c: {  	v17 =	vld [tilespmem:s21+$0x110]  }
0x23d: {  	v18 =	vld [tilespmem:s21+$0x120]  }
0x23e: {  	v19 =	vld [tilespmem:s21+$0x130]  }
0x23f: {  	v20 =	vld [tilespmem:s21+$0x140]  }
0x240: {  	v21 =	vld [tilespmem:s21+$0x150]  }
0x241: {  	v22 =	vld [tilespmem:s21+$0x160]  }
0x242: {  	v23 =	vld [tilespmem:s21+$0x170]  }
0x243: {  	v24 =	vld [tilespmem:s21+$0x180]  }
0x244: {  	v25 =	vld [tilespmem:s21+$0x190]  }
0x245: {  	v26 =	vld [tilespmem:s21+$0x1A0]  }
0x246: {  	v27 =	vld [tilespmem:s21+$0x1B0]  }
0x247: {  	v28 =	vld [tilespmem:s21+$0x1C0]  }
0x248: {  	v29 =	vld [tilespmem:s21+$0x1D0]  }
0x249: {  	v30 =	vld [tilespmem:s21+$0x1E0]  }
0x24a: {  	v31 =	vld [tilespmem:s21+$0x1F0]  }
0x24b: {  	v32 =	vld [tilespmem:s21+$0x200]  }
0x24c: {  	v33 =	vld [tilespmem:s21+$0x210]  }
0x24d: {  	v34 =	vld [tilespmem:s21+$0x220]  }
0x24e: {  	v35 =	vld [tilespmem:s21+$0x230]  }
0x24f: {  	v36 =	vld [tilespmem:s21+$0x240]  }
0x250: {  	v37 =	vld [tilespmem:s21+$0x250]  }
0x251: {  	v38 =	vld [tilespmem:s21+$0x260]  }
0x252: {  	v39 =	vld [tilespmem:s21+$0x270]  }
0x253: {  	v40 =	vld [tilespmem:s21+$0x280]  }
0x254: {  	v41 =	vld [tilespmem:s21+$0x290]  }
0x255: {  	v42 =	vld [tilespmem:s21+$0x2A0]  }
0x256: {  	v43 =	vld [tilespmem:s21+$0x2B0]  }
0x257: {  	v44 =	vld [tilespmem:s21+$0x2C0]  }
0x258: {  	v45 =	vld [tilespmem:s21+$0x2D0]  }
0x259: {  	v46 =	vld [tilespmem:s21+$0x2E0]  }
0x25a: {  	v47 =	vld [tilespmem:s21+$0x2F0]  }
0x25b: {  	v48 =	vld [tilespmem:s21+$0x300]  }
0x25c: {  	v49 =	vld [tilespmem:s21+$0x310]  }
0x25d: {  	v50 =	vld [tilespmem:s21+$0x320]  }
0x25e: {  	v51 =	vld [tilespmem:s21+$0x330]  }
0x25f: {  	v52 =	vld [tilespmem:s21+$0x340]  }
0x260: {  	v53 =	vld [tilespmem:s21+$0x350]  }
0x261: {  	v54 =	vld [tilespmem:s21+$0x360]  }
0x262: {  	v55 =	vld [tilespmem:s21+$0x370]  }
0x263: {  	v56 =	vld [tilespmem:s21+$0x380]  }
0x264: {  	v57 =	vld [tilespmem:s21+$0x390]  }
0x265: {  	v58 =	vld [tilespmem:s21+$0x3A0]  }
0x266: {  	v59 =	vld [tilespmem:s21+$0x3B0]  }
0x267: {  	v60 =	vld [tilespmem:s21+$0x3C0]  }
0x268: {  	v61 =	vld [tilespmem:s21+$0x3D0]  }
0x269: {  	v62 =	vld [tilespmem:s21+$0x3E0]  }
0x26a: {  	[tilespmem:s21+$0x8000] =	vst.add.f32.msk $0xffff, v1  }
0x26b: {  	[tilespmem:s21+$0x8010] =	vst.add.f32.msk $0xffff, v2  }
0x26c: {  	[tilespmem:s21+$0x8020] =	vst.add.f32.msk $0xffff, v3  }
0x26d: {  	[tilespmem:s21+$0x8030] =	vst.add.f32.msk $0xffff, v4  }
0x26e: {  	[tilespmem:s21+$0x8040] =	vst.add.f32.msk $0xffff, v0  }
0x26f: {  	[tilespmem:s21+$0x8050] =	vst.add.f32.msk $0xffff, v5  }
0x270: {  	[tilespmem:s21+$0x8060] =	vst.add.f32.msk $0xffff, v6  }
0x271: {  	[tilespmem:s21+$0x8070] =	vst.add.f32.msk $0xffff, v7  }
0x272: {  	[tilespmem:s21+$0x8080] =	vst.add.f32.msk $0xffff, v8  }
0x273: {  	[tilespmem:s21+$0x8090] =	vst.add.f32.msk $0xffff, v9  }
0x274: {  	[tilespmem:s21+$0x80A0] =	vst.add.f32.msk $0xffff, v10  }
0x275: {  	[tilespmem:s21+$0x80B0] =	vst.add.f32.msk $0xffff, v11  }
0x276: {  	[tilespmem:s21+$0x80C0] =	vst.add.f32.msk $0xffff, v12  }
0x277: {  	[tilespmem:s21+$0x80D0] =	vst.add.f32.msk $0xffff, v13  }
0x278: {  	[tilespmem:s21+$0x80E0] =	vst.add.f32.msk $0xffff, v14  }
0x279: {  	[tilespmem:s21+$0x80F0] =	vst.add.f32.msk $0xffff, v15  }
0x27a: {  	[tilespmem:s21+$0x8100] =	vst.add.f32.msk $0xffff, v16  }
0x27b: {  	[tilespmem:s21+$0x8110] =	vst.add.f32.msk $0xffff, v17  }
0x27c: {  	[tilespmem:s21+$0x8120] =	vst.add.f32.msk $0xffff, v18  }
0x27d: {  	[tilespmem:s21+$0x8130] =	vst.add.f32.msk $0xffff, v19  }
0x27e: {  	[tilespmem:s21+$0x8140] =	vst.add.f32.msk $0xffff, v20  }
0x27f: {  	[tilespmem:s21+$0x8150] =	vst.add.f32.msk $0xffff, v21  }
0x280: {  	[tilespmem:s21+$0x8160] =	vst.add.f32.msk $0xffff, v22  }
0x281: {  	[tilespmem:s21+$0x8170] =	vst.add.f32.msk $0xffff, v23  }
0x282: {  	[tilespmem:s21+$0x8180] =	vst.add.f32.msk $0xffff, v24  }
0x283: {  	[tilespmem:s21+$0x8190] =	vst.add.f32.msk $0xffff, v25  }
0x284: {  	[tilespmem:s21+$0x81A0] =	vst.add.f32.msk $0xffff, v26  }
0x285: {  	[tilespmem:s21+$0x81B0] =	vst.add.f32.msk $0xffff, v27  }
0x286: {  	[tilespmem:s21+$0x81C0] =	vst.add.f32.msk $0xffff, v28  }
0x287: {  	[tilespmem:s21+$0x81D0] =	vst.add.f32.msk $0xffff, v29  }
0x288: {  	[tilespmem:s21+$0x81E0] =	vst.add.f32.msk $0xffff, v30  }
0x289: {  	[tilespmem:s21+$0x81F0] =	vst.add.f32.msk $0xffff, v31  }
0x28a: {  	[tilespmem:s21+$0x8200] =	vst.add.f32.msk $0xffff, v32  }
0x28b: {  	[tilespmem:s21+$0x8210] =	vst.add.f32.msk $0xffff, v33  }
0x28c: {  	[tilespmem:s21+$0x8220] =	vst.add.f32.msk $0xffff, v34  }
0x28d: {  	[tilespmem:s21+$0x8230] =	vst.add.f32.msk $0xffff, v35  }
0x28e: {  	[tilespmem:s21+$0x8240] =	vst.add.f32.msk $0xffff, v36  }
0x28f: {  	[tilespmem:s21+$0x8250] =	vst.add.f32.msk $0xffff, v37  }
0x290: {  	[tilespmem:s21+$0x8260] =	vst.add.f32.msk $0xffff, v38  }
0x291: {  	[tilespmem:s21+$0x8270] =	vst.add.f32.msk $0xffff, v39  }
0x292: {  	[tilespmem:s21+$0x8280] =	vst.add.f32.msk $0xffff, v40  }
0x293: {  	[tilespmem:s21+$0x8290] =	vst.add.f32.msk $0xffff, v41  }
0x294: {  	[tilespmem:s21+$0x82A0] =	vst.add.f32.msk $0xffff, v42  }
0x295: {  	[tilespmem:s21+$0x82B0] =	vst.add.f32.msk $0xffff, v43  }
0x296: {  	[tilespmem:s21+$0x82C0] =	vst.add.f32.msk $0xffff, v44  }
0x297: {  	[tilespmem:s21+$0x82D0] =	vst.add.f32.msk $0xffff, v45  }
0x298: {  	[tilespmem:s21+$0x82E0] =	vst.add.f32.msk $0xffff, v46  }
0x299: {  	[tilespmem:s21+$0x82F0] =	vst.add.f32.msk $0xffff, v47  }
0x29a: {  	[tilespmem:s21+$0x8300] =	vst.add.f32.msk $0xffff, v48  }
0x29b: {  	[tilespmem:s21+$0x8310] =	vst.add.f32.msk $0xffff, v49  }
0x29c: {  	[tilespmem:s21+$0x8320] =	vst.add.f32.msk $0xffff, v50  }
0x29d: {  	[tilespmem:s21+$0x8330] =	vst.add.f32.msk $0xffff, v51  }
0x29e: {  	[tilespmem:s21+$0x8340] =	vst.add.f32.msk $0xffff, v52  }
0x29f: {  	[tilespmem:s21+$0x8350] =	vst.add.f32.msk $0xffff, v53  }
0x2a0: {  	[tilespmem:s21+$0x8360] =	vst.add.f32.msk $0xffff, v54  }
0x2a1: {  	[tilespmem:s21+$0x8370] =	vst.add.f32.msk $0xffff, v55  }
0x2a2: {  	[tilespmem:s21+$0x8380] =	vst.add.f32.msk $0xffff, v56  }
0x2a3: {  	[tilespmem:s21+$0x8390] =	vst.add.f32.msk $0xffff, v57  }
.Ltmp2:
0x2a4: {  	[tilespmem:s21+$0x83A0] =	vst.add.f32.msk $0xffff, v58;
	(pc) =	sbr.rel @p0 .LBB2_6-.Ltmp2, $4  }
0x2a5: {  	[tilespmem:s21+$0x83B0] =	vst.add.f32.msk $0xffff, v59  }
0x2a6: {  	[tilespmem:s21+$0x83C0] =	vst.add.f32.msk $0xffff, v60  }
0x2a7: {  	[tilespmem:s21+$0x83D0] =	vst.add.f32.msk $0xffff, v61  }
0x2a8: {  	[tilespmem:s21+$0x83E0] =	vst.add.f32.msk $0xffff, v62;
	s21 =	sshra.s32 s22, $0x2;
	s22 =	sadd.s32 $0x1000, s22  }
0x2a9: {  	v0 =	vld [tilespmem:s21+$0x3F0]  }
0x2aa: {  	v1 =	vld [tilespmem:s21+$0x0]  }
0x2ab: {  	v2 =	vld [tilespmem:s21+$0x10]  }
0x2ac: {  	v3 =	vld [tilespmem:s21+$0x20]  }
0x2ad: {  	v4 =	vld [tilespmem:s21+$0x30]  }
0x2ae: {  	v5 =	vld [tilespmem:s21+$0x50]  }
0x2af: {  	v6 =	vld [tilespmem:s21+$0x60]  }
0x2b0: {  	v7 =	vld [tilespmem:s21+$0x70]  }
0x2b1: {  	v8 =	vld [tilespmem:s21+$0x80]  }
0x2b2: {  	v9 =	vld [tilespmem:s21+$0x90]  }
0x2b3: {  	v10 =	vld [tilespmem:s21+$0xA0]  }
0x2b4: {  	v11 =	vld [tilespmem:s21+$0xB0]  }
0x2b5: {  	v12 =	vld [tilespmem:s21+$0xC0]  }
0x2b6: {  	v13 =	vld [tilespmem:s21+$0xD0]  }
0x2b7: {  	v14 =	vld [tilespmem:s21+$0xE0]  }
0x2b8: {  	v15 =	vld [tilespmem:s21+$0xF0]  }
0x2b9: {  	v16 =	vld [tilespmem:s21+$0x100]  }
0x2ba: {  	v17 =	vld [tilespmem:s21+$0x110]  }
0x2bb: {  	v18 =	vld [tilespmem:s21+$0x120]  }
0x2bc: {  	v19 =	vld [tilespmem:s21+$0x130]  }
0x2bd: {  	v20 =	vld [tilespmem:s21+$0x140]  }
0x2be: {  	v21 =	vld [tilespmem:s21+$0x150]  }
0x2bf: {  	v22 =	vld [tilespmem:s21+$0x160]  }
0x2c0: {  	v23 =	vld [tilespmem:s21+$0x170]  }
0x2c1: {  	v24 =	vld [tilespmem:s21+$0x180]  }
0x2c2: {  	v25 =	vld [tilespmem:s21+$0x190]  }
0x2c3: {  	v26 =	vld [tilespmem:s21+$0x1A0]  }
0x2c4: {  	v27 =	vld [tilespmem:s21+$0x1B0]  }
0x2c5: {  	v28 =	vld [tilespmem:s21+$0x1C0]  }
0x2c6: {  	v29 =	vld [tilespmem:s21+$0x1D0]  }
0x2c7: {  	v30 =	vld [tilespmem:s21+$0x1E0]  }
0x2c8: {  	v31 =	vld [tilespmem:s21+$0x1F0]  }
0x2c9: {  	v32 =	vld [tilespmem:s21+$0x200]  }
0x2ca: {  	v33 =	vld [tilespmem:s21+$0x210]  }
0x2cb: {  	v34 =	vld [tilespmem:s21+$0x220]  }
0x2cc: {  	v35 =	vld [tilespmem:s21+$0x230]  }
0x2cd: {  	v36 =	vld [tilespmem:s21+$0x240]  }
0x2ce: {  	v37 =	vld [tilespmem:s21+$0x250]  }
0x2cf: {  	v38 =	vld [tilespmem:s21+$0x260]  }
0x2d0: {  	v39 =	vld [tilespmem:s21+$0x270]  }
0x2d1: {  	v40 =	vld [tilespmem:s21+$0x280]  }
0x2d2: {  	v41 =	vld [tilespmem:s21+$0x290]  }
0x2d3: {  	v42 =	vld [tilespmem:s21+$0x2A0]  }
0x2d4: {  	v43 =	vld [tilespmem:s21+$0x2B0]  }
0x2d5: {  	v44 =	vld [tilespmem:s21+$0x2C0]  }
0x2d6: {  	v45 =	vld [tilespmem:s21+$0x2D0]  }
0x2d7: {  	v46 =	vld [tilespmem:s21+$0x2E0]  }
0x2d8: {  	v47 =	vld [tilespmem:s21+$0x2F0]  }
0x2d9: {  	v48 =	vld [tilespmem:s21+$0x300]  }
0x2da: {  	v49 =	vld [tilespmem:s21+$0x310]  }
0x2db: {  	v50 =	vld [tilespmem:s21+$0x320]  }
0x2dc: {  	v51 =	vld [tilespmem:s21+$0x330]  }
0x2dd: {  	v52 =	vld [tilespmem:s21+$0x340]  }
0x2de: {  	v53 =	vld [tilespmem:s21+$0x350]  }
0x2df: {  	v54 =	vld [tilespmem:s21+$0x360]  }
0x2e0: {  	v55 =	vld [tilespmem:s21+$0x370]  }
0x2e1: {  	v56 =	vld [tilespmem:s21+$0x380]  }
0x2e2: {  	v57 =	vld [tilespmem:s21+$0x390]  }
0x2e3: {  	v58 =	vld [tilespmem:s21+$0x3A0]  }
0x2e4: {  	v59 =	vld [tilespmem:s21+$0x3B0]  }
0x2e5: {  	v60 =	vld [tilespmem:s21+$0x3C0]  }
0x2e6: {  	v61 =	vld [tilespmem:s21+$0x3D0]  }
0x2e7: {  	v62 =	vld [tilespmem:s21+$0x3E0]  }
0x2e8: {  	[tilespmem:s21+$0x83F0] =	vst.add.f32.msk $0xffff, v0  }
0x2e9: {  	v0 =	vld [tilespmem:s21+$0x40]  }
0x2ea: {  	[tilespmem:s21+$0x8000] =	vst.add.f32.msk $0xffff, v1  }
0x2eb: {  	[tilespmem:s21+$0x8010] =	vst.add.f32.msk $0xffff, v2  }
0x2ec: {  	[tilespmem:s21+$0x8020] =	vst.add.f32.msk $0xffff, v3  }
0x2ed: {  	[tilespmem:s21+$0x8030] =	vst.add.f32.msk $0xffff, v4  }
0x2ee: {  	[tilespmem:s21+$0x8050] =	vst.add.f32.msk $0xffff, v5  }
0x2ef: {  	[tilespmem:s21+$0x8060] =	vst.add.f32.msk $0xffff, v6  }
0x2f0: {  	[tilespmem:s21+$0x8070] =	vst.add.f32.msk $0xffff, v7  }
0x2f1: {  	[tilespmem:s21+$0x8080] =	vst.add.f32.msk $0xffff, v8  }
0x2f2: {  	[tilespmem:s21+$0x8090] =	vst.add.f32.msk $0xffff, v9  }
0x2f3: {  	[tilespmem:s21+$0x80A0] =	vst.add.f32.msk $0xffff, v10  }
0x2f4: {  	[tilespmem:s21+$0x80B0] =	vst.add.f32.msk $0xffff, v11  }
0x2f5: {  	[tilespmem:s21+$0x80C0] =	vst.add.f32.msk $0xffff, v12  }
0x2f6: {  	[tilespmem:s21+$0x80D0] =	vst.add.f32.msk $0xffff, v13  }
0x2f7: {  	[tilespmem:s21+$0x80E0] =	vst.add.f32.msk $0xffff, v14  }
0x2f8: {  	[tilespmem:s21+$0x80F0] =	vst.add.f32.msk $0xffff, v15  }
0x2f9: {  	[tilespmem:s21+$0x8100] =	vst.add.f32.msk $0xffff, v16  }
0x2fa: {  	[tilespmem:s21+$0x8110] =	vst.add.f32.msk $0xffff, v17  }
0x2fb: {  	[tilespmem:s21+$0x8120] =	vst.add.f32.msk $0xffff, v18  }
0x2fc: {  	[tilespmem:s21+$0x8130] =	vst.add.f32.msk $0xffff, v19  }
0x2fd: {  	[tilespmem:s21+$0x8140] =	vst.add.f32.msk $0xffff, v20  }
0x2fe: {  	[tilespmem:s21+$0x8150] =	vst.add.f32.msk $0xffff, v21  }
0x2ff: {  	[tilespmem:s21+$0x8160] =	vst.add.f32.msk $0xffff, v22  }
0x300: {  	[tilespmem:s21+$0x8170] =	vst.add.f32.msk $0xffff, v23  }
0x301: {  	[tilespmem:s21+$0x8180] =	vst.add.f32.msk $0xffff, v24  }
0x302: {  	[tilespmem:s21+$0x8190] =	vst.add.f32.msk $0xffff, v25  }
0x303: {  	[tilespmem:s21+$0x81A0] =	vst.add.f32.msk $0xffff, v26  }
0x304: {  	[tilespmem:s21+$0x81B0] =	vst.add.f32.msk $0xffff, v27  }
0x305: {  	[tilespmem:s21+$0x81C0] =	vst.add.f32.msk $0xffff, v28  }
0x306: {  	[tilespmem:s21+$0x81D0] =	vst.add.f32.msk $0xffff, v29  }
0x307: {  	[tilespmem:s21+$0x81E0] =	vst.add.f32.msk $0xffff, v30  }
0x308: {  	[tilespmem:s21+$0x81F0] =	vst.add.f32.msk $0xffff, v31  }
0x309: {  	[tilespmem:s21+$0x8200] =	vst.add.f32.msk $0xffff, v32  }
0x30a: {  	[tilespmem:s21+$0x8210] =	vst.add.f32.msk $0xffff, v33  }
0x30b: {  	[tilespmem:s21+$0x8220] =	vst.add.f32.msk $0xffff, v34  }
0x30c: {  	[tilespmem:s21+$0x8230] =	vst.add.f32.msk $0xffff, v35  }
0x30d: {  	[tilespmem:s21+$0x8240] =	vst.add.f32.msk $0xffff, v36  }
0x30e: {  	[tilespmem:s21+$0x8250] =	vst.add.f32.msk $0xffff, v37  }
0x30f: {  	[tilespmem:s21+$0x8260] =	vst.add.f32.msk $0xffff, v38  }
0x310: {  	[tilespmem:s21+$0x8270] =	vst.add.f32.msk $0xffff, v39  }
0x311: {  	[tilespmem:s21+$0x8280] =	vst.add.f32.msk $0xffff, v40  }
0x312: {  	[tilespmem:s21+$0x8290] =	vst.add.f32.msk $0xffff, v41  }
0x313: {  	[tilespmem:s21+$0x82A0] =	vst.add.f32.msk $0xffff, v42  }
0x314: {  	[tilespmem:s21+$0x82B0] =	vst.add.f32.msk $0xffff, v43  }
0x315: {  	[tilespmem:s21+$0x82C0] =	vst.add.f32.msk $0xffff, v44  }
0x316: {  	[tilespmem:s21+$0x82D0] =	vst.add.f32.msk $0xffff, v45  }
0x317: {  	[tilespmem:s21+$0x82E0] =	vst.add.f32.msk $0xffff, v46  }
0x318: {  	[tilespmem:s21+$0x82F0] =	vst.add.f32.msk $0xffff, v47  }
0x319: {  	[tilespmem:s21+$0x8300] =	vst.add.f32.msk $0xffff, v48  }
0x31a: {  	[tilespmem:s21+$0x8310] =	vst.add.f32.msk $0xffff, v49  }
0x31b: {  	[tilespmem:s21+$0x8320] =	vst.add.f32.msk $0xffff, v50  }
0x31c: {  	[tilespmem:s21+$0x8330] =	vst.add.f32.msk $0xffff, v51  }
0x31d: {  	[tilespmem:s21+$0x8340] =	vst.add.f32.msk $0xffff, v52  }
0x31e: {  	[tilespmem:s21+$0x8350] =	vst.add.f32.msk $0xffff, v53  }
0x31f: {  	[tilespmem:s21+$0x8360] =	vst.add.f32.msk $0xffff, v54  }
0x320: {  	[tilespmem:s21+$0x8370] =	vst.add.f32.msk $0xffff, v55  }
0x321: {  	[tilespmem:s21+$0x8380] =	vst.add.f32.msk $0xffff, v56  }
0x322: {  	[tilespmem:s21+$0x8390] =	vst.add.f32.msk $0xffff, v57  }
0x323: {  	[tilespmem:s21+$0x83A0] =	vst.add.f32.msk $0xffff, v58  }
0x324: {  	[tilespmem:s21+$0x83B0] =	vst.add.f32.msk $0xffff, v59  }
0x325: {  	[tilespmem:s21+$0x83C0] =	vst.add.f32.msk $0xffff, v60  }
0x326: {  	[tilespmem:s21+$0x83D0] =	vst.add.f32.msk $0xffff, v61  }
0x327: {  	[tilespmem:s21+$0x83E0] =	vst.add.f32.msk $0xffff, v62  }
0x328: {  	s31 =	simm.s32 $0x0;
	[tilespmem:s21+$0x8040] =	vst.add.f32.msk $0xffff, v0  }
0x329: {  	[hbm4b:s10+s31] =	stream.linear.scatter [tilespmem:s13], [sflag:$0x4], $0x8000, $0x38;
	[tilespmem:$0x18000] =	vst v63  }
0x32a: {  	_ =	swait.ge [sflag:s18], $0x8000  }
0x32b: {  	[sflag:s18] =	ssyncset.done $0x0  }
0x32c: {  	s22 =	simm.s32 $0x1000;
	s21 =	simm.s32 $0x0;
	[sflag:s18] =	ssyncadd.s32 $0xFFFF8000  }
.LBB2_8:
0x32d: {  	p0 =	sne.s32 s22, $0x1F000;
	v0 =	vld [tilespmem:s21+$0x3F0]  }
0x32e: {  	v1 =	vld [tilespmem:s21+$0x0]  }
0x32f: {  	v2 =	vld [tilespmem:s21+$0x10]  }
0x330: {  	v3 =	vld [tilespmem:s21+$0x20]  }
0x331: {  	v4 =	vld [tilespmem:s21+$0x30]  }
0x332: {  	[tilespmem:s21+$0x103F0] =	vst.add.f32.msk $0xffff, v0  }
0x333: {  	v0 =	vld [tilespmem:s21+$0x40]  }
0x334: {  	v5 =	vld [tilespmem:s21+$0x50]  }
0x335: {  	v6 =	vld [tilespmem:s21+$0x60]  }
0x336: {  	v7 =	vld [tilespmem:s21+$0x70]  }
0x337: {  	v8 =	vld [tilespmem:s21+$0x80]  }
0x338: {  	v9 =	vld [tilespmem:s21+$0x90]  }
0x339: {  	v10 =	vld [tilespmem:s21+$0xA0]  }
0x33a: {  	v11 =	vld [tilespmem:s21+$0xB0]  }
0x33b: {  	v12 =	vld [tilespmem:s21+$0xC0]  }
0x33c: {  	v13 =	vld [tilespmem:s21+$0xD0]  }
0x33d: {  	v14 =	vld [tilespmem:s21+$0xE0]  }
0x33e: {  	v15 =	vld [tilespmem:s21+$0xF0]  }
0x33f: {  	v16 =	vld [tilespmem:s21+$0x100]  }
0x340: {  	v17 =	vld [tilespmem:s21+$0x110]  }
0x341: {  	v18 =	vld [tilespmem:s21+$0x120]  }
0x342: {  	v19 =	vld [tilespmem:s21+$0x130]  }
0x343: {  	v20 =	vld [tilespmem:s21+$0x140]  }
0x344: {  	v21 =	vld [tilespmem:s21+$0x150]  }
0x345: {  	v22 =	vld [tilespmem:s21+$0x160]  }
0x346: {  	v23 =	vld [tilespmem:s21+$0x170]  }
0x347: {  	v24 =	vld [tilespmem:s21+$0x180]  }
0x348: {  	v25 =	vld [tilespmem:s21+$0x190]  }
0x349: {  	v26 =	vld [tilespmem:s21+$0x1A0]  }
0x34a: {  	v27 =	vld [tilespmem:s21+$0x1B0]  }
0x34b: {  	v28 =	vld [tilespmem:s21+$0x1C0]  }
0x34c: {  	v29 =	vld [tilespmem:s21+$0x1D0]  }
0x34d: {  	v30 =	vld [tilespmem:s21+$0x1E0]  }
0x34e: {  	v31 =	vld [tilespmem:s21+$0x1F0]  }
0x34f: {  	v32 =	vld [tilespmem:s21+$0x200]  }
0x350: {  	v33 =	vld [tilespmem:s21+$0x210]  }
0x351: {  	v34 =	vld [tilespmem:s21+$0x220]  }
0x352: {  	v35 =	vld [tilespmem:s21+$0x230]  }
0x353: {  	v36 =	vld [tilespmem:s21+$0x240]  }
0x354: {  	v37 =	vld [tilespmem:s21+$0x250]  }
0x355: {  	v38 =	vld [tilespmem:s21+$0x260]  }
0x356: {  	v39 =	vld [tilespmem:s21+$0x270]  }
0x357: {  	v40 =	vld [tilespmem:s21+$0x280]  }
0x358: {  	v41 =	vld [tilespmem:s21+$0x290]  }
0x359: {  	v42 =	vld [tilespmem:s21+$0x2A0]  }
0x35a: {  	v43 =	vld [tilespmem:s21+$0x2B0]  }
0x35b: {  	v44 =	vld [tilespmem:s21+$0x2C0]  }
0x35c: {  	v45 =	vld [tilespmem:s21+$0x2D0]  }
0x35d: {  	v46 =	vld [tilespmem:s21+$0x2E0]  }
0x35e: {  	v47 =	vld [tilespmem:s21+$0x2F0]  }
0x35f: {  	v48 =	vld [tilespmem:s21+$0x300]  }
0x360: {  	v49 =	vld [tilespmem:s21+$0x310]  }
0x361: {  	v50 =	vld [tilespmem:s21+$0x320]  }
0x362: {  	v51 =	vld [tilespmem:s21+$0x330]  }
0x363: {  	v52 =	vld [tilespmem:s21+$0x340]  }
0x364: {  	v53 =	vld [tilespmem:s21+$0x350]  }
0x365: {  	v54 =	vld [tilespmem:s21+$0x360]  }
0x366: {  	v55 =	vld [tilespmem:s21+$0x370]  }
0x367: {  	v56 =	vld [tilespmem:s21+$0x380]  }
0x368: {  	v57 =	vld [tilespmem:s21+$0x390]  }
0x369: {  	v58 =	vld [tilespmem:s21+$0x3A0]  }
0x36a: {  	v59 =	vld [tilespmem:s21+$0x3B0]  }
0x36b: {  	v60 =	vld [tilespmem:s21+$0x3C0]  }
0x36c: {  	v61 =	vld [tilespmem:s21+$0x3D0]  }
0x36d: {  	v62 =	vld [tilespmem:s21+$0x3E0]  }
0x36e: {  	[tilespmem:s21+$0x10000] =	vst.add.f32.msk $0xffff, v1  }
0x36f: {  	[tilespmem:s21+$0x10010] =	vst.add.f32.msk $0xffff, v2  }
0x370: {  	[tilespmem:s21+$0x10020] =	vst.add.f32.msk $0xffff, v3  }
0x371: {  	[tilespmem:s21+$0x10030] =	vst.add.f32.msk $0xffff, v4  }
0x372: {  	[tilespmem:s21+$0x10040] =	vst.add.f32.msk $0xffff, v0  }
0x373: {  	[tilespmem:s21+$0x10050] =	vst.add.f32.msk $0xffff, v5  }
0x374: {  	[tilespmem:s21+$0x10060] =	vst.add.f32.msk $0xffff, v6  }
0x375: {  	[tilespmem:s21+$0x10070] =	vst.add.f32.msk $0xffff, v7  }
0x376: {  	[tilespmem:s21+$0x10080] =	vst.add.f32.msk $0xffff, v8  }
0x377: {  	[tilespmem:s21+$0x10090] =	vst.add.f32.msk $0xffff, v9  }
0x378: {  	[tilespmem:s21+$0x100A0] =	vst.add.f32.msk $0xffff, v10  }
0x379: {  	[tilespmem:s21+$0x100B0] =	vst.add.f32.msk $0xffff, v11  }
0x37a: {  	[tilespmem:s21+$0x100C0] =	vst.add.f32.msk $0xffff, v12  }
0x37b: {  	[tilespmem:s21+$0x100D0] =	vst.add.f32.msk $0xffff, v13  }
0x37c: {  	[tilespmem:s21+$0x100E0] =	vst.add.f32.msk $0xffff, v14  }
0x37d: {  	[tilespmem:s21+$0x100F0] =	vst.add.f32.msk $0xffff, v15  }
0x37e: {  	[tilespmem:s21+$0x10100] =	vst.add.f32.msk $0xffff, v16  }
0x37f: {  	[tilespmem:s21+$0x10110] =	vst.add.f32.msk $0xffff, v17  }
0x380: {  	[tilespmem:s21+$0x10120] =	vst.add.f32.msk $0xffff, v18  }
0x381: {  	[tilespmem:s21+$0x10130] =	vst.add.f32.msk $0xffff, v19  }
0x382: {  	[tilespmem:s21+$0x10140] =	vst.add.f32.msk $0xffff, v20  }
0x383: {  	[tilespmem:s21+$0x10150] =	vst.add.f32.msk $0xffff, v21  }
0x384: {  	[tilespmem:s21+$0x10160] =	vst.add.f32.msk $0xffff, v22  }
0x385: {  	[tilespmem:s21+$0x10170] =	vst.add.f32.msk $0xffff, v23  }
0x386: {  	[tilespmem:s21+$0x10180] =	vst.add.f32.msk $0xffff, v24  }
0x387: {  	[tilespmem:s21+$0x10190] =	vst.add.f32.msk $0xffff, v25  }
0x388: {  	[tilespmem:s21+$0x101A0] =	vst.add.f32.msk $0xffff, v26  }
0x389: {  	[tilespmem:s21+$0x101B0] =	vst.add.f32.msk $0xffff, v27  }
0x38a: {  	[tilespmem:s21+$0x101C0] =	vst.add.f32.msk $0xffff, v28  }
0x38b: {  	[tilespmem:s21+$0x101D0] =	vst.add.f32.msk $0xffff, v29  }
0x38c: {  	[tilespmem:s21+$0x101E0] =	vst.add.f32.msk $0xffff, v30  }
0x38d: {  	[tilespmem:s21+$0x101F0] =	vst.add.f32.msk $0xffff, v31  }
0x38e: {  	[tilespmem:s21+$0x10200] =	vst.add.f32.msk $0xffff, v32  }
0x38f: {  	[tilespmem:s21+$0x10210] =	vst.add.f32.msk $0xffff, v33  }
0x390: {  	[tilespmem:s21+$0x10220] =	vst.add.f32.msk $0xffff, v34  }
0x391: {  	[tilespmem:s21+$0x10230] =	vst.add.f32.msk $0xffff, v35  }
0x392: {  	[tilespmem:s21+$0x10240] =	vst.add.f32.msk $0xffff, v36  }
0x393: {  	[tilespmem:s21+$0x10250] =	vst.add.f32.msk $0xffff, v37  }
0x394: {  	[tilespmem:s21+$0x10260] =	vst.add.f32.msk $0xffff, v38  }
0x395: {  	[tilespmem:s21+$0x10270] =	vst.add.f32.msk $0xffff, v39  }
0x396: {  	[tilespmem:s21+$0x10280] =	vst.add.f32.msk $0xffff, v40  }
0x397: {  	[tilespmem:s21+$0x10290] =	vst.add.f32.msk $0xffff, v41  }
0x398: {  	[tilespmem:s21+$0x102A0] =	vst.add.f32.msk $0xffff, v42  }
0x399: {  	[tilespmem:s21+$0x102B0] =	vst.add.f32.msk $0xffff, v43  }
0x39a: {  	[tilespmem:s21+$0x102C0] =	vst.add.f32.msk $0xffff, v44  }
0x39b: {  	[tilespmem:s21+$0x102D0] =	vst.add.f32.msk $0xffff, v45  }
0x39c: {  	[tilespmem:s21+$0x102E0] =	vst.add.f32.msk $0xffff, v46  }
0x39d: {  	[tilespmem:s21+$0x102F0] =	vst.add.f32.msk $0xffff, v47  }
0x39e: {  	[tilespmem:s21+$0x10300] =	vst.add.f32.msk $0xffff, v48  }
0x39f: {  	[tilespmem:s21+$0x10310] =	vst.add.f32.msk $0xffff, v49  }
0x3a0: {  	[tilespmem:s21+$0x10320] =	vst.add.f32.msk $0xffff, v50  }
0x3a1: {  	[tilespmem:s21+$0x10330] =	vst.add.f32.msk $0xffff, v51  }
0x3a2: {  	[tilespmem:s21+$0x10340] =	vst.add.f32.msk $0xffff, v52  }
0x3a3: {  	[tilespmem:s21+$0x10350] =	vst.add.f32.msk $0xffff, v53  }
0x3a4: {  	[tilespmem:s21+$0x10360] =	vst.add.f32.msk $0xffff, v54  }
0x3a5: {  	[tilespmem:s21+$0x10370] =	vst.add.f32.msk $0xffff, v55  }
0x3a6: {  	[tilespmem:s21+$0x10380] =	vst.add.f32.msk $0xffff, v56  }
0x3a7: {  	[tilespmem:s21+$0x10390] =	vst.add.f32.msk $0xffff, v57  }
.Ltmp3:
0x3a8: {  	[tilespmem:s21+$0x103A0] =	vst.add.f32.msk $0xffff, v58;
	(pc) =	sbr.rel @p0 .LBB2_8-.Ltmp3, $4  }
0x3a9: {  	[tilespmem:s21+$0x103B0] =	vst.add.f32.msk $0xffff, v59  }
0x3aa: {  	[tilespmem:s21+$0x103C0] =	vst.add.f32.msk $0xffff, v60  }
0x3ab: {  	[tilespmem:s21+$0x103D0] =	vst.add.f32.msk $0xffff, v61  }
0x3ac: {  	[tilespmem:s21+$0x103E0] =	vst.add.f32.msk $0xffff, v62;
	s21 =	sshra.s32 s22, $0x2;
	s22 =	sadd.s32 $0x1000, s22  }
0x3ad: {  	v0 =	vld [tilespmem:s21+$0x3F0]  }
0x3ae: {  	v1 =	vld [tilespmem:s21+$0x0]  }
0x3af: {  	v2 =	vld [tilespmem:s21+$0x10]  }
0x3b0: {  	v3 =	vld [tilespmem:s21+$0x20]  }
0x3b1: {  	v4 =	vld [tilespmem:s21+$0x30]  }
0x3b2: {  	v5 =	vld [tilespmem:s21+$0x50]  }
0x3b3: {  	v6 =	vld [tilespmem:s21+$0x60]  }
0x3b4: {  	v7 =	vld [tilespmem:s21+$0x70]  }
0x3b5: {  	v8 =	vld [tilespmem:s21+$0x80]  }
0x3b6: {  	v9 =	vld [tilespmem:s21+$0x90]  }
0x3b7: {  	v10 =	vld [tilespmem:s21+$0xA0]  }
0x3b8: {  	v11 =	vld [tilespmem:s21+$0xB0]  }
0x3b9: {  	v12 =	vld [tilespmem:s21+$0xC0]  }
0x3ba: {  	v13 =	vld [tilespmem:s21+$0xD0]  }
0x3bb: {  	v14 =	vld [tilespmem:s21+$0xE0]  }
0x3bc: {  	v15 =	vld [tilespmem:s21+$0xF0]  }
0x3bd: {  	v16 =	vld [tilespmem:s21+$0x100]  }
0x3be: {  	v17 =	vld [tilespmem:s21+$0x110]  }
0x3bf: {  	v18 =	vld [tilespmem:s21+$0x120]  }
0x3c0: {  	v19 =	vld [tilespmem:s21+$0x130]  }
0x3c1: {  	v20 =	vld [tilespmem:s21+$0x140]  }
0x3c2: {  	v21 =	vld [tilespmem:s21+$0x150]  }
0x3c3: {  	v22 =	vld [tilespmem:s21+$0x160]  }
0x3c4: {  	v23 =	vld [tilespmem:s21+$0x170]  }
0x3c5: {  	v24 =	vld [tilespmem:s21+$0x180]  }
0x3c6: {  	v25 =	vld [tilespmem:s21+$0x190]  }
0x3c7: {  	v26 =	vld [tilespmem:s21+$0x1A0]  }
0x3c8: {  	v27 =	vld [tilespmem:s21+$0x1B0]  }
0x3c9: {  	v28 =	vld [tilespmem:s21+$0x1C0]  }
0x3ca: {  	v29 =	vld [tilespmem:s21+$0x1D0]  }
0x3cb: {  	v30 =	vld [tilespmem:s21+$0x1E0]  }
0x3cc: {  	v31 =	vld [tilespmem:s21+$0x1F0]  }
0x3cd: {  	v32 =	vld [tilespmem:s21+$0x200]  }
0x3ce: {  	v33 =	vld [tilespmem:s21+$0x210]  }
0x3cf: {  	v34 =	vld [tilespmem:s21+$0x220]  }
0x3d0: {  	v35 =	vld [tilespmem:s21+$0x230]  }
0x3d1: {  	v36 =	vld [tilespmem:s21+$0x240]  }
0x3d2: {  	v37 =	vld [tilespmem:s21+$0x250]  }
0x3d3: {  	v38 =	vld [tilespmem:s21+$0x260]  }
0x3d4: {  	v39 =	vld [tilespmem:s21+$0x270]  }
0x3d5: {  	v40 =	vld [tilespmem:s21+$0x280]  }
0x3d6: {  	v41 =	vld [tilespmem:s21+$0x290]  }
0x3d7: {  	v42 =	vld [tilespmem:s21+$0x2A0]  }
0x3d8: {  	v43 =	vld [tilespmem:s21+$0x2B0]  }
0x3d9: {  	v44 =	vld [tilespmem:s21+$0x2C0]  }
0x3da: {  	v45 =	vld [tilespmem:s21+$0x2D0]  }
0x3db: {  	v46 =	vld [tilespmem:s21+$0x2E0]  }
0x3dc: {  	v47 =	vld [tilespmem:s21+$0x2F0]  }
0x3dd: {  	v48 =	vld [tilespmem:s21+$0x300]  }
0x3de: {  	v49 =	vld [tilespmem:s21+$0x310]  }
0x3df: {  	v50 =	vld [tilespmem:s21+$0x320]  }
0x3e0: {  	v51 =	vld [tilespmem:s21+$0x330]  }
0x3e1: {  	v52 =	vld [tilespmem:s21+$0x340]  }
0x3e2: {  	v53 =	vld [tilespmem:s21+$0x350]  }
0x3e3: {  	v54 =	vld [tilespmem:s21+$0x360]  }
0x3e4: {  	v55 =	vld [tilespmem:s21+$0x370]  }
0x3e5: {  	v56 =	vld [tilespmem:s21+$0x380]  }
0x3e6: {  	v57 =	vld [tilespmem:s21+$0x390]  }
0x3e7: {  	v58 =	vld [tilespmem:s21+$0x3A0]  }
0x3e8: {  	v59 =	vld [tilespmem:s21+$0x3B0]  }
0x3e9: {  	v60 =	vld [tilespmem:s21+$0x3C0]  }
0x3ea: {  	v61 =	vld [tilespmem:s21+$0x3D0]  }
0x3eb: {  	v62 =	vld [tilespmem:s21+$0x3E0]  }
0x3ec: {  	[tilespmem:s21+$0x103F0] =	vst.add.f32.msk $0xffff, v0  }
0x3ed: {  	v0 =	vld [tilespmem:s21+$0x40]  }
0x3ee: {  	[tilespmem:s21+$0x10000] =	vst.add.f32.msk $0xffff, v1  }
0x3ef: {  	[tilespmem:s21+$0x10010] =	vst.add.f32.msk $0xffff, v2  }
0x3f0: {  	[tilespmem:s21+$0x10020] =	vst.add.f32.msk $0xffff, v3  }
0x3f1: {  	[tilespmem:s21+$0x10030] =	vst.add.f32.msk $0xffff, v4  }
0x3f2: {  	[tilespmem:s21+$0x10050] =	vst.add.f32.msk $0xffff, v5  }
0x3f3: {  	[tilespmem:s21+$0x10060] =	vst.add.f32.msk $0xffff, v6  }
0x3f4: {  	[tilespmem:s21+$0x10070] =	vst.add.f32.msk $0xffff, v7  }
0x3f5: {  	[tilespmem:s21+$0x10080] =	vst.add.f32.msk $0xffff, v8  }
0x3f6: {  	[tilespmem:s21+$0x10090] =	vst.add.f32.msk $0xffff, v9  }
0x3f7: {  	[tilespmem:s21+$0x100A0] =	vst.add.f32.msk $0xffff, v10  }
0x3f8: {  	[tilespmem:s21+$0x100B0] =	vst.add.f32.msk $0xffff, v11  }
0x3f9: {  	[tilespmem:s21+$0x100C0] =	vst.add.f32.msk $0xffff, v12  }
0x3fa: {  	[tilespmem:s21+$0x100D0] =	vst.add.f32.msk $0xffff, v13  }
0x3fb: {  	[tilespmem:s21+$0x100E0] =	vst.add.f32.msk $0xffff, v14  }
0x3fc: {  	[tilespmem:s21+$0x100F0] =	vst.add.f32.msk $0xffff, v15  }
0x3fd: {  	[tilespmem:s21+$0x10100] =	vst.add.f32.msk $0xffff, v16  }
0x3fe: {  	[tilespmem:s21+$0x10110] =	vst.add.f32.msk $0xffff, v17  }
0x3ff: {  	[tilespmem:s21+$0x10120] =	vst.add.f32.msk $0xffff, v18  }
0x400: {  	[tilespmem:s21+$0x10130] =	vst.add.f32.msk $0xffff, v19  }
0x401: {  	[tilespmem:s21+$0x10140] =	vst.add.f32.msk $0xffff, v20  }
0x402: {  	[tilespmem:s21+$0x10150] =	vst.add.f32.msk $0xffff, v21  }
0x403: {  	[tilespmem:s21+$0x10160] =	vst.add.f32.msk $0xffff, v22  }
0x404: {  	[tilespmem:s21+$0x10170] =	vst.add.f32.msk $0xffff, v23  }
0x405: {  	[tilespmem:s21+$0x10180] =	vst.add.f32.msk $0xffff, v24  }
0x406: {  	[tilespmem:s21+$0x10190] =	vst.add.f32.msk $0xffff, v25  }
0x407: {  	[tilespmem:s21+$0x101A0] =	vst.add.f32.msk $0xffff, v26  }
0x408: {  	[tilespmem:s21+$0x101B0] =	vst.add.f32.msk $0xffff, v27  }
0x409: {  	[tilespmem:s21+$0x101C0] =	vst.add.f32.msk $0xffff, v28  }
0x40a: {  	[tilespmem:s21+$0x101D0] =	vst.add.f32.msk $0xffff, v29  }
0x40b: {  	[tilespmem:s21+$0x101E0] =	vst.add.f32.msk $0xffff, v30  }
0x40c: {  	[tilespmem:s21+$0x101F0] =	vst.add.f32.msk $0xffff, v31  }
0x40d: {  	[tilespmem:s21+$0x10200] =	vst.add.f32.msk $0xffff, v32  }
0x40e: {  	[tilespmem:s21+$0x10210] =	vst.add.f32.msk $0xffff, v33  }
0x40f: {  	[tilespmem:s21+$0x10220] =	vst.add.f32.msk $0xffff, v34  }
0x410: {  	[tilespmem:s21+$0x10230] =	vst.add.f32.msk $0xffff, v35  }
0x411: {  	[tilespmem:s21+$0x10240] =	vst.add.f32.msk $0xffff, v36  }
0x412: {  	[tilespmem:s21+$0x10250] =	vst.add.f32.msk $0xffff, v37  }
0x413: {  	[tilespmem:s21+$0x10260] =	vst.add.f32.msk $0xffff, v38  }
0x414: {  	[tilespmem:s21+$0x10270] =	vst.add.f32.msk $0xffff, v39  }
0x415: {  	[tilespmem:s21+$0x10280] =	vst.add.f32.msk $0xffff, v40  }
0x416: {  	[tilespmem:s21+$0x10290] =	vst.add.f32.msk $0xffff, v41  }
0x417: {  	[tilespmem:s21+$0x102A0] =	vst.add.f32.msk $0xffff, v42  }
0x418: {  	[tilespmem:s21+$0x102B0] =	vst.add.f32.msk $0xffff, v43  }
0x419: {  	[tilespmem:s21+$0x102C0] =	vst.add.f32.msk $0xffff, v44  }
0x41a: {  	[tilespmem:s21+$0x102D0] =	vst.add.f32.msk $0xffff, v45  }
0x41b: {  	[tilespmem:s21+$0x102E0] =	vst.add.f32.msk $0xffff, v46  }
0x41c: {  	[tilespmem:s21+$0x102F0] =	vst.add.f32.msk $0xffff, v47  }
0x41d: {  	[tilespmem:s21+$0x10300] =	vst.add.f32.msk $0xffff, v48  }
0x41e: {  	[tilespmem:s21+$0x10310] =	vst.add.f32.msk $0xffff, v49  }
0x41f: {  	[tilespmem:s21+$0x10320] =	vst.add.f32.msk $0xffff, v50  }
0x420: {  	[tilespmem:s21+$0x10330] =	vst.add.f32.msk $0xffff, v51  }
0x421: {  	[tilespmem:s21+$0x10340] =	vst.add.f32.msk $0xffff, v52  }
0x422: {  	[tilespmem:s21+$0x10350] =	vst.add.f32.msk $0xffff, v53  }
0x423: {  	[tilespmem:s21+$0x10360] =	vst.add.f32.msk $0xffff, v54  }
0x424: {  	[tilespmem:s21+$0x10370] =	vst.add.f32.msk $0xffff, v55  }
0x425: {  	[tilespmem:s21+$0x10380] =	vst.add.f32.msk $0xffff, v56  }
0x426: {  	[tilespmem:s21+$0x10390] =	vst.add.f32.msk $0xffff, v57  }
0x427: {  	[tilespmem:s21+$0x103A0] =	vst.add.f32.msk $0xffff, v58  }
0x428: {  	[tilespmem:s21+$0x103B0] =	vst.add.f32.msk $0xffff, v59  }
0x429: {  	[tilespmem:s21+$0x103C0] =	vst.add.f32.msk $0xffff, v60  }
0x42a: {  	[tilespmem:s21+$0x103D0] =	vst.add.f32.msk $0xffff, v61  }
0x42b: {  	[tilespmem:s21+$0x103E0] =	vst.add.f32.msk $0xffff, v62  }
0x42c: {  	s20 =	sadd.s32 $0x1, s20;
	[tilespmem:s21+$0x10040] =	vst.add.f32.msk $0xffff, v0  }
0x42d: {  	[hbm4b:s11+s2] =	stream.linear.scatter [tilespmem:s15], [sflag:$0x5], $0x8000, $0x38;
	[tilespmem:$0x18000] =	vst v63  }
0x42e: {  	p0 =	sne.s32 s20, s12;
	_ =	swait.ge [sflag:s17], $0x8000  }
.Ltmp4:
0x42f: {  	[sflag:s17] =	ssyncset.done $0x0;
	(pc) =	sbr.rel @p0 .LBB2_1-.Ltmp4, $4  }
0x430: {  	[sflag:s17] =	ssyncadd.s32 $0xFFFF8000  }
0x431: {  	_ =	swait.ge [sflag:s19], $0x8000  }
0x432: {  	[sflag:s19] =	ssyncset.done $0x0  }
0x433: {  	[sflag:s19] =	ssyncadd.s32 $0xFFFF8000  }
0x434: {  	_ =	sfence.sel $0x180000  }
0x435: {  	[bflag:$0x0] =	sbarrier.arrive $0xFFFF  }
0x436: {  	p0 =	sne.s32 s1, $0x0;
	_ =	strace $0x90000047  }
0x437: {  	s0 =	sadd.s32 @!p0 $0x100000, s0;
	[bflag:$0x2] =	sbarrier.arrive $0xFFFF  }
0x438: {  	[sflag:s0] =	ssyncadd.tile.s32 @!p0 $0x1;
	_ =	shalt  }
.Lfunc_end2:
_tile_overlayer_lowered:
.L_overlay_start_2:
0x439: {  	(tag) =	ssettag $0x2  }
0x43a: {  	s0 =	rddreg [dreg:$0x0];
	s2 =	stileid.u32  }
0x43b: {  	s1 =	rddreg [dreg:$0x1];
	p0 =	sne.s32 s2, $0x0  }
0x43c: {  	s3 =	rddreg [dreg:$0x2];
	[bflag:$0x3] =	sbarrier.arrive $0xFFFF;
	s2 =	simm.s32 @!p0 $0x1C06  }
0x43d: {  	[timem:s3], [sflag:s2] =	dma.local @!p0 [hbm:s0], s1  }
0x43e: {  	s0 =	simm.s32 @!p0 $0x6  }
0x43f: {  	_ =	swait.ge @!p0 [sflag:s0], s1  }
0x440: {  	s1 =	ssub.s32 @!p0 $0x0, s1;
	[sflag:s0] =	ssyncset.done @!p0 $0x0  }
0x441: {  	[sflag:s0] =	ssyncadd.s32 @!p0 s1  }
0x442: {  	[bflag:$0x3] =	sbarrier.arrive $0xFFFF  }
0x443: {  	_ =	shalt  }

</sc_bundles>
